<compile_context>
chip_gen: v7x
topology: tpu7x:2x2x1
jax: 0.10.2.dev20260603
libtpu: 0.0.44.dev20260713+nightly
codegen_flags: <defaults>
</compile_context>

<pallas_src>
import functools

import jax
import jax.numpy as jnp
from jax import lax
from jax.experimental import pallas as pl
from jax.experimental.pallas import tpu as pltpu
from jax.experimental.pallas import tpu_sc as plsc

N = 10000
E = 320000
D = 128
NC = 2
NS = 16
NW = NC * NS
EB = 128
NB = 80
GB = 8
NG = NB // GB
E_PAD = NW * NB * EB
N_PAD = 10112
ROWS = N_PAD // NS
NBUF = 2
DW = 16

_MESH = plsc.VectorSubcoreMesh(core_axis_name="c", subcore_axis_name="s")


def _sc_degree(dst3, zeros16, ones16):

    @functools.partial(
        pl.kernel,
        out_type=jax.ShapeDtypeStruct((NC, N_PAD, DW), jnp.float32),
        mesh=_MESH,
        scratch_types=[
            pltpu.VMEM_SHARED((N_PAD, DW), jnp.float32),
            pltpu.VMEM((NB, EB), jnp.int32),
            pltpu.VMEM((EB, DW), jnp.float32),
        ],
    )
    def run(dst_hbm, zero_hbm, ones_hbm, out_hbm, acc, dst_v, ones_v):
        c = lax.axis_index("c")
        s = lax.axis_index("s")
        w = c * NS + s
        pltpu.sync_copy(zero_hbm.at[pl.ds(s * ROWS, ROWS)],
                        acc.at[pl.ds(s * ROWS, ROWS)])
        pltpu.sync_copy(dst_hbm.at[w], dst_v)
        pltpu.sync_copy(ones_hbm, ones_v)
        plsc.subcore_barrier()

        @pl.loop(0, NB)
        def _batches(j):
            pltpu.sync_copy(ones_v, acc.at[dst_v.at[j]], add=True)

        plsc.subcore_barrier()
        pltpu.sync_copy(acc.at[pl.ds(s * ROWS, ROWS)],
                        out_hbm.at[c, pl.ds(s * ROWS, ROWS)])

    return run(dst3, zeros16, ones16)


def _sc_propagate(p, src3, dst3, zeros):

    @functools.partial(
        pl.kernel,
        out_type=jax.ShapeDtypeStruct((NC, N_PAD, D), jnp.float32),
        mesh=_MESH,
        scratch_types=[
            pltpu.VMEM_SHARED((N_PAD, D), jnp.float32),
            pltpu.VMEM((NB, EB), jnp.int32),
            pltpu.VMEM((2, GB, EB), jnp.int32),
            pltpu.VMEM((NBUF, EB, D), jnp.float32),
            pltpu.SemaphoreType.DMA((NBUF,)),
            pltpu.SemaphoreType.DMA((NBUF,)),
            pltpu.SemaphoreType.DMA((2,)),
        ],
    )
    def run(p_hbm, src_hbm, dst_hbm, zero_hbm, out_hbm,
            acc, src_v, dstb, rows, gsem, ssem, dgsem):
        c = lax.axis_index("c")
        s = lax.axis_index("s")
        w = c * NS + s
        pltpu.sync_copy(zero_hbm.at[pl.ds(s * ROWS, ROWS)],
                        acc.at[pl.ds(s * ROWS, ROWS)])
        pltpu.sync_copy(src_hbm.at[w], src_v)
        plsc.subcore_barrier()

        for g in range(2):
            pltpu.async_copy(dst_hbm.at[w, pl.ds(g * GB, GB)], dstb.at[g],
                             dgsem.at[g])
        for b in range(NBUF):
            pltpu.async_copy(p_hbm.at[src_v.at[b]], rows.at[b], gsem.at[b])

        @pl.loop(0, NG)
        def _groups(g):
            gmod = lax.rem(g, 2)
            pltpu.make_async_copy(dst_hbm.at[w, pl.ds(g * GB, GB)],
                                  dstb.at[gmod], dgsem.at[gmod]).wait()
            for b8 in range(GB):
                j = g * GB + b8
                b = b8 % NBUF
                pltpu.make_async_copy(p_hbm.at[src_v.at[j]], rows.at[b],
                                      gsem.at[b]).wait()
                pltpu.async_copy(rows.at[b], acc.at[dstb.at[gmod, b8]],
                                 ssem.at[b], add=True)
                pltpu.make_async_copy(rows.at[b], acc.at[dstb.at[gmod, b8]],
                                      ssem.at[b]).wait()

                @pl.when(j + NBUF < NB)
                def _next():
                    pltpu.async_copy(p_hbm.at[src_v.at[j + NBUF]],
                                     rows.at[b], gsem.at[b])

            @pl.when(g + 2 < NG)
            def _next_group():
                pltpu.async_copy(dst_hbm.at[w, pl.ds((g + 2) * GB, GB)],
                                 dstb.at[gmod], dgsem.at[gmod])

        plsc.subcore_barrier()
        pltpu.sync_copy(acc.at[pl.ds(s * ROWS, ROWS)],
                        out_hbm.at[c, pl.ds(s * ROWS, ROWS)])

    return run(p, src3, dst3, zeros)


BN = 1000


def _dinv_block(d0_ref, d1_ref):
    cnt = d0_ref[:, 0:1] + d1_ref[:, 0:1]
    return lax.rsqrt(cnt + 1.0)


def _tc_first(x, W, d0, d1):

    def body(x_ref, w_ref, d0_ref, d1_ref, o_ref):
        dinv = _dinv_block(d0_ref, d1_ref)
        h = jnp.dot(x_ref[:, :], w_ref[:, :],
                    preferred_element_type=jnp.float32)
        o_ref[:, :] = h * dinv

    return pl.pallas_call(
        body,
        grid=(N // BN,),
        in_specs=[
            pl.BlockSpec((BN, D), lambda i: (i, 0)),
            pl.BlockSpec((D, D), lambda i: (0, 0)),
            pl.BlockSpec((BN, DW), lambda i: (i, 0)),
            pl.BlockSpec((BN, DW), lambda i: (i, 0)),
        ],
        out_specs=pl.BlockSpec((BN, D), lambda i: (i, 0)),
        out_shape=jax.ShapeDtypeStruct((N, D), jnp.float32),
    )(x, W, d0, d1)


def _tc_mid(part0, part1, pprev, d0, d1, bvec, W):

    def body(p0_ref, p1_ref, pp_ref, d0_ref, d1_ref, b_ref, w_ref, o_ref):
        dinv = _dinv_block(d0_ref, d1_ref)
        sacc = p0_ref[:, :] + p1_ref[:, :] + pp_ref[:, :]
        z = jnp.maximum(sacc * dinv + b_ref[:, :], 0.0)
        h = jnp.dot(z, w_ref[:, :], preferred_element_type=jnp.float32)
        o_ref[:, :] = h * dinv

    return pl.pallas_call(
        body,
        grid=(N // BN,),
        in_specs=[
            pl.BlockSpec((BN, D), lambda i: (i, 0)),
            pl.BlockSpec((BN, D), lambda i: (i, 0)),
            pl.BlockSpec((BN, D), lambda i: (i, 0)),
            pl.BlockSpec((BN, DW), lambda i: (i, 0)),
            pl.BlockSpec((BN, DW), lambda i: (i, 0)),
            pl.BlockSpec((1, D), lambda i: (0, 0)),
            pl.BlockSpec((D, D), lambda i: (0, 0)),
        ],
        out_specs=pl.BlockSpec((BN, D), lambda i: (i, 0)),
        out_shape=jax.ShapeDtypeStruct((N, D), jnp.float32),
    )(part0, part1, pprev, d0, d1, bvec, W)


def _tc_final(part0, part1, pprev, d0, d1, bvec):

    def body(p0_ref, p1_ref, pp_ref, d0_ref, d1_ref, b_ref, o_ref):
        dinv = _dinv_block(d0_ref, d1_ref)
        sacc = p0_ref[:, :] + p1_ref[:, :] + pp_ref[:, :]
        o_ref[:, :] = sacc * dinv + b_ref[:, :]

    return pl.pallas_call(
        body,
        grid=(N // BN,),
        in_specs=[
            pl.BlockSpec((BN, D), lambda i: (i, 0)),
            pl.BlockSpec((BN, D), lambda i: (i, 0)),
            pl.BlockSpec((BN, D), lambda i: (i, 0)),
            pl.BlockSpec((BN, DW), lambda i: (i, 0)),
            pl.BlockSpec((BN, DW), lambda i: (i, 0)),
            pl.BlockSpec((1, D), lambda i: (0, 0)),
        ],
        out_specs=pl.BlockSpec((BN, D), lambda i: (i, 0)),
        out_shape=jax.ShapeDtypeStruct((N, D), jnp.float32),
    )(part0, part1, pprev, d0, d1, bvec)


def kernel(x, edge_index, W1, b1, W2, b2, W3, b3):
    pad = E_PAD - E
    pad_iota = jnp.arange(pad, dtype=jnp.int32)
    src3 = jnp.concatenate(
        [edge_index[0], pad_iota % N]).reshape(NW, NB, EB)
    dst3 = jnp.concatenate(
        [edge_index[1], N + pad_iota % (N_PAD - N)]).reshape(NW, NB, EB)
    zeros = jnp.zeros((N_PAD, D), jnp.float32)
    zeros16 = jnp.zeros((N_PAD, DW), jnp.float32)
    ones16 = jnp.ones((EB, DW), jnp.float32)

    deg = _sc_degree(dst3, zeros16, ones16)
    d0, d1 = deg[0], deg[1]
    b1r, b2r, b3r = (b.reshape(1, D) for b in (b1, b2, b3))

    p1 = _tc_first(x, W1, d0, d1)
    parts = _sc_propagate(p1, src3, dst3, zeros)
    p2 = _tc_mid(parts[0], parts[1], p1, d0, d1, b1r, W2)
    parts = _sc_propagate(p2, src3, dst3, zeros)
    p3 = _tc_mid(parts[0], parts[1], p2, d0, d1, b2r, W3)
    parts = _sc_propagate(p3, src3, dst3, zeros)
    return _tc_final(parts[0], parts[1], p3, d0, d1, b3r)

# --- scband reference (transcript-rebuilt; emitter-appended) ---
"""Pipeline reference for scband-automation-gnn-1632087573166 (READ-ONLY COPY).

The authoritative reference and input builder live on the scoring server;
editing this copy changes nothing except your own understanding.
"""

import jax, jax.numpy as jnp
import numpy as np

N = 10000
E = 320000
D_IN = 128
D_HID = 128
D_OUT = 128


def setup_inputs(seed: int = 0) -> dict:
    key = jax.random.key(seed)
    ks = jax.random.split(key, 8)
    x = jax.random.normal(ks[0], (N, D_IN), dtype=jnp.float32)
    edge_index = jax.random.randint(ks[1], (2, E), 0, N, dtype=jnp.int32)
    W1 = jax.random.normal(ks[2], (D_IN, D_HID), dtype=jnp.float32) * (1.0 / np.sqrt(D_IN))
    b1 = jnp.zeros((D_HID,), dtype=jnp.float32)
    W2 = jax.random.normal(ks[3], (D_HID, D_HID), dtype=jnp.float32) * (1.0 / np.sqrt(D_HID))
    b2 = jnp.zeros((D_HID,), dtype=jnp.float32)
    W3 = jax.random.normal(ks[4], (D_HID, D_OUT), dtype=jnp.float32) * (1.0 / np.sqrt(D_HID))
    b3 = jnp.zeros((D_OUT,), dtype=jnp.float32)
    return {"x": x, "edge_index": edge_index, "W1": W1, "b1": b1, "W2": W2, "b2": b2, "W3": W3, "b3": b3}


def _gcn_conv(x, src, dst, norm, W, b):
    # GCNConv: D^-1/2 (A+I) D^-1/2 X W + b
    h = x @ W
    msg = h[src] * norm[:, None]
    out = jnp.zeros((x.shape[0], W.shape[1]), dtype=h.dtype).at[dst].add(msg)
    return out + b


def reference(x, edge_index, W1, b1, W2, b2, W3, b3):
    n = x.shape[0]
    loop = jnp.arange(n, dtype=edge_index.dtype)
    src = jnp.concatenate([edge_index[0], loop])
    dst = jnp.concatenate([edge_index[1], loop])
    deg = jnp.zeros((n,), dtype=x.dtype).at[dst].add(1.0)
    dinv = jnp.where(deg > 0, jax.lax.rsqrt(jnp.maximum(deg, 1e-12)), 0.0)
    norm = dinv[src] * dinv[dst]
    h = _gcn_conv(x, src, dst, norm, W1, b1)
    h = jax.nn.relu(h)
    h = _gcn_conv(h, src, dst, norm, W2, b2)
    h = jax.nn.relu(h)
    out = _gcn_conv(h, src, dst, norm, W3, b3)
    return out

if __name__ == "__main__":
    import jax
    _d = setup_inputs()
    print(jax.jit(kernel)(*tuple(_d.values())))

</pallas_src>

<mosaic_0001>
#map = affine_map<(d0, d1) -> (0, 0)>
#map1 = affine_map<(d0, d1) -> (0, 0, 0)>
module attributes {stable_mosaic.version = 14 : i64} {
  func.func @run(%arg0: i32, %arg1: i32, %arg2: memref<10000x128xf32, #tpu.memory_space<hbm>>, %arg3: memref<32x80x128xi32, #tpu.memory_space<hbm>>, %arg4: memref<32x80x128xi32, #tpu.memory_space<hbm>>, %arg5: memref<10112x128xf32, #tpu.memory_space<hbm>>, %arg6: memref<2x10112x128xf32, #tpu.memory_space<hbm>>, %arg7: memref<10112x128xf32, #tpu.memory_space<vmem_shared>>, %arg8: memref<80x128xi32, #tpu.memory_space<vmem>>, %arg9: memref<2x8x128xi32, #tpu.memory_space<vmem>>, %arg10: memref<2x128x128xf32, #tpu.memory_space<vmem>>, %arg11: memref<2x!tpu.dma_semaphore, #tpu.memory_space<semaphore_mem>>, %arg12: memref<2x!tpu.dma_semaphore, #tpu.memory_space<semaphore_mem>>, %arg13: memref<2x!tpu.dma_semaphore, #tpu.memory_space<semaphore_mem>>) attributes {dimension_semantics = [#tpu.dimension_semantics<core_parallel>, #tpu.dimension_semantics<subcore_parallel>], iteration_bounds = array<i64: 2, 16>, scalar_prefetch = 0 : i64, scratch_operands = 7 : i64, tpu.core_type = #tpu.core_type<sc_vector_subcore>, window_params = [{transform_indices = #map}, {transform_indices = #map1}, {transform_indices = #map1}, {transform_indices = #map}, {transform_indices = #map1}]} {
    %mul3A = arith.constant 16 : i32
    %mul3A_0 = arith.muli %arg0, %mul3A : i32
    %add3A = arith.addi %mul3A_0, %arg1 : i32
    %mul3A_1 = arith.constant 632 : i32
    %mul3A_2 = arith.muli %arg1, %mul3A_1 : i32
    %mul3A_3 = arith.constant 632 : i32
    %mul3A_4 = arith.muli %arg1, %mul3A_3 : i32
    "tpu.region"() ({
      %run_scoped3A = tpu.sem_alloc : memref<!tpu.dma_semaphore, #tpu.memory_space<semaphore_mem>>
      %dma_start3A_83 = arith.constant 0 : i32
      %dma_start3A_84 = tpu.memref_slice %arg7[%mul3A_4, %dma_start3A_83] : memref<10112x128xf32, #tpu.memory_space<vmem_shared>> -> memref<632x128xf32, #tpu.memory_space<vmem_shared>>
      %dma_start3A_85 = arith.constant 0 : i32
      %dma_start3A_86 = tpu.memref_slice %arg5[%mul3A_2, %dma_start3A_85] : memref<10112x128xf32, #tpu.memory_space<hbm>> -> memref<632x128xf32, #tpu.memory_space<hbm>>
      tpu.enqueue_dma source(%dma_start3A_86 : memref<632x128xf32, #tpu.memory_space<hbm>>) target(%dma_start3A_84 : memref<632x128xf32, #tpu.memory_space<vmem_shared>>) target_semaphore(%run_scoped3A : memref<!tpu.dma_semaphore, #tpu.memory_space<semaphore_mem>>)
      %dma_wait3A = arith.constant 0 : i32
      %dma_wait3A_87 = tpu.memref_slice %arg7[%mul3A_4, %dma_wait3A] : memref<10112x128xf32, #tpu.memory_space<vmem_shared>> -> memref<632x128xf32, #tpu.memory_space<vmem_shared>>
      %dma_wait3A_88 = arith.constant 0 : i32
      %dma_wait3A_89 = tpu.memref_slice %arg5[%mul3A_2, %dma_wait3A_88] : memref<10112x128xf32, #tpu.memory_space<hbm>> -> memref<632x128xf32, #tpu.memory_space<hbm>>
      tpu.wait_dma2 semaphore(%run_scoped3A : memref<!tpu.dma_semaphore, #tpu.memory_space<semaphore_mem>>) src(%dma_wait3A_89 : memref<632x128xf32, #tpu.memory_space<hbm>>) dst(%dma_wait3A_87 : memref<632x128xf32, #tpu.memory_space<vmem_shared>>)
      tpu.yield
    }) : () -> ()
    "tpu.region"() ({
      %run_scoped3A = tpu.sem_alloc : memref<!tpu.dma_semaphore, #tpu.memory_space<semaphore_mem>>
      %dma_start3A_83 = arith.constant 0 : i32
      %dma_start3A_84 = arith.constant 0 : i32
      %dma_start3A_85 = tpu.memref_slice %arg3[%add3A, %dma_start3A_83, %dma_start3A_84] : memref<32x80x128xi32, #tpu.memory_space<hbm>> -> memref<1x80x128xi32, #tpu.memory_space<hbm>>
      %dma_start3A_86 = tpu.memref_squeeze %dma_start3A_85 : memref<1x80x128xi32, #tpu.memory_space<hbm>> -> memref<80x128xi32, #tpu.memory_space<hbm>>
      %dma_start3A_87 = arith.constant 0 : i32
      %dma_start3A_88 = arith.constant 0 : i32
      %dma_start3A_89 = tpu.memref_slice %arg3[%add3A, %dma_start3A_87, %dma_start3A_88] : memref<32x80x128xi32, #tpu.memory_space<hbm>> -> memref<1x80x128xi32, #tpu.memory_space<hbm>>
      %dma_start3A_90 = tpu.memref_squeeze %dma_start3A_89 : memref<1x80x128xi32, #tpu.memory_space<hbm>> -> memref<80x128xi32, #tpu.memory_space<hbm>>
      tpu.enqueue_dma source(%dma_start3A_90 : memref<80x128xi32, #tpu.memory_space<hbm>>) target(%arg8 : memref<80x128xi32, #tpu.memory_space<vmem>>) target_semaphore(%run_scoped3A : memref<!tpu.dma_semaphore, #tpu.memory_space<semaphore_mem>>)
      %dma_wait3A = arith.constant 0 : i32
      %dma_wait3A_91 = arith.constant 0 : i32
      %dma_wait3A_92 = tpu.memref_slice %arg3[%add3A, %dma_wait3A, %dma_wait3A_91] : memref<32x80x128xi32, #tpu.memory_space<hbm>> -> memref<1x80x128xi32, #tpu.memory_space<hbm>>
      %dma_wait3A_93 = tpu.memref_squeeze %dma_wait3A_92 : memref<1x80x128xi32, #tpu.memory_space<hbm>> -> memref<80x128xi32, #tpu.memory_space<hbm>>
      %dma_wait3A_94 = arith.constant 0 : i32
      %dma_wait3A_95 = arith.constant 0 : i32
      %dma_wait3A_96 = tpu.memref_slice %arg3[%add3A, %dma_wait3A_94, %dma_wait3A_95] : memref<32x80x128xi32, #tpu.memory_space<hbm>> -> memref<1x80x128xi32, #tpu.memory_space<hbm>>
      %dma_wait3A_97 = tpu.memref_squeeze %dma_wait3A_96 : memref<1x80x128xi32, #tpu.memory_space<hbm>> -> memref<80x128xi32, #tpu.memory_space<hbm>>
      tpu.wait_dma2 semaphore(%run_scoped3A : memref<!tpu.dma_semaphore, #tpu.memory_space<semaphore_mem>>) src(%dma_wait3A_97 : memref<80x128xi32, #tpu.memory_space<hbm>>) dst(%arg8 : memref<80x128xi32, #tpu.memory_space<vmem>>)
      tpu.yield
    }) : () -> ()
    %barrier3A = arith.constant 0 : index
    tpu.barrier barrier_id(%barrier3A)
    %dma_start3A = arith.constant 0 : i32
    %dma_start3A_5 = arith.constant 0 : i32
    %dma_start3A_6 = arith.constant 0 : i32
    %dma_start3A_7 = arith.constant 0 : i32
    %dma_start3A_8 = tpu.memref_slice %arg9[%dma_start3A, %dma_start3A_6, %dma_start3A_7] : memref<2x8x128xi32, #tpu.memory_space<vmem>> -> memref<1x8x128xi32, #tpu.memory_space<vmem>>
    %dma_start3A_9 = tpu.memref_squeeze %dma_start3A_8 : memref<1x8x128xi32, #tpu.memory_space<vmem>> -> memref<8x128xi32, #tpu.memory_space<vmem>>
    %dma_start3A_10 = arith.constant 0 : i32
    %dma_start3A_11 = arith.constant 0 : i32
    %dma_start3A_12 = tpu.memref_slice %arg4[%add3A, %dma_start3A_10, %dma_start3A_11] : memref<32x80x128xi32, #tpu.memory_space<hbm>> -> memref<1x8x128xi32, #tpu.memory_space<hbm>>
    %dma_start3A_13 = tpu.memref_squeeze %dma_start3A_12 : memref<1x8x128xi32, #tpu.memory_space<hbm>> -> memref<8x128xi32, #tpu.memory_space<hbm>>
    %dma_start3A_14 = tpu.memref_slice %arg13[%dma_start3A_5] : memref<2x!tpu.dma_semaphore, #tpu.memory_space<semaphore_mem>> -> memref<1x!tpu.dma_semaphore, #tpu.memory_space<semaphore_mem>>
    %dma_start3A_15 = tpu.memref_squeeze %dma_start3A_14 : memref<1x!tpu.dma_semaphore, #tpu.memory_space<semaphore_mem>> -> memref<!tpu.dma_semaphore, #tpu.memory_space<semaphore_mem>>
    %dma_start3A_16 = arith.constant 0 : i32
    %dma_start3A_17 = arith.constant 0 : i32
    %dma_start3A_18 = tpu.memref_slice %arg9[%dma_start3A, %dma_start3A_16, %dma_start3A_17] : memref<2x8x128xi32, #tpu.memory_space<vmem>> -> memref<1x8x128xi32, #tpu.memory_space<vmem>>
    %dma_start3A_19 = tpu.memref_squeeze %dma_start3A_18 : memref<1x8x128xi32, #tpu.memory_space<vmem>> -> memref<8x128xi32, #tpu.memory_space<vmem>>
    %dma_start3A_20 = arith.constant 0 : i32
    %dma_start3A_21 = arith.constant 0 : i32
    %dma_start3A_22 = tpu.memref_slice %arg4[%add3A, %dma_start3A_20, %dma_start3A_21] : memref<32x80x128xi32, #tpu.memory_space<hbm>> -> memref<1x8x128xi32, #tpu.memory_space<hbm>>
    %dma_start3A_23 = tpu.memref_squeeze %dma_start3A_22 : memref<1x8x128xi32, #tpu.memory_space<hbm>> -> memref<8x128xi32, #tpu.memory_space<hbm>>
    tpu.enqueue_dma source(%dma_start3A_23 : memref<8x128xi32, #tpu.memory_space<hbm>>) target(%dma_start3A_19 : memref<8x128xi32, #tpu.memory_space<vmem>>) target_semaphore(%dma_start3A_15 : memref<!tpu.dma_semaphore, #tpu.memory_space<semaphore_mem>>)
    %dma_start3A_24 = arith.constant 1 : i32
    %dma_start3A_25 = arith.constant 1 : i32
    %dma_start3A_26 = arith.constant 0 : i32
    %dma_start3A_27 = arith.constant 0 : i32
    %dma_start3A_28 = tpu.memref_slice %arg9[%dma_start3A_24, %dma_start3A_26, %dma_start3A_27] : memref<2x8x128xi32, #tpu.memory_space<vmem>> -> memref<1x8x128xi32, #tpu.memory_space<vmem>>
    %dma_start3A_29 = tpu.memref_squeeze %dma_start3A_28 : memref<1x8x128xi32, #tpu.memory_space<vmem>> -> memref<8x128xi32, #tpu.memory_space<vmem>>
    %dma_start3A_30 = arith.constant 8 : i32
    %dma_start3A_31 = arith.constant 0 : i32
    %dma_start3A_32 = tpu.memref_slice %arg4[%add3A, %dma_start3A_30, %dma_start3A_31] : memref<32x80x128xi32, #tpu.memory_space<hbm>> -> memref<1x8x128xi32, #tpu.memory_space<hbm>>
    %dma_start3A_33 = tpu.memref_squeeze %dma_start3A_32 : memref<1x8x128xi32, #tpu.memory_space<hbm>> -> memref<8x128xi32, #tpu.memory_space<hbm>>
    %dma_start3A_34 = tpu.memref_slice %arg13[%dma_start3A_25] : memref<2x!tpu.dma_semaphore, #tpu.memory_space<semaphore_mem>> -> memref<1x!tpu.dma_semaphore, #tpu.memory_space<semaphore_mem>>
    %dma_start3A_35 = tpu.memref_squeeze %dma_start3A_34 : memref<1x!tpu.dma_semaphore, #tpu.memory_space<semaphore_mem>> -> memref<!tpu.dma_semaphore, #tpu.memory_space<semaphore_mem>>
    %dma_start3A_36 = arith.constant 0 : i32
    %dma_start3A_37 = arith.constant 0 : i32
    %dma_start3A_38 = tpu.memref_slice %arg9[%dma_start3A_24, %dma_start3A_36, %dma_start3A_37] : memref<2x8x128xi32, #tpu.memory_space<vmem>> -> memref<1x8x128xi32, #tpu.memory_space<vmem>>
    %dma_start3A_39 = tpu.memref_squeeze %dma_start3A_38 : memref<1x8x128xi32, #tpu.memory_space<vmem>> -> memref<8x128xi32, #tpu.memory_space<vmem>>
    %dma_start3A_40 = arith.constant 8 : i32
    %dma_start3A_41 = arith.constant 0 : i32
    %dma_start3A_42 = tpu.memref_slice %arg4[%add3A, %dma_start3A_40, %dma_start3A_41] : memref<32x80x128xi32, #tpu.memory_space<hbm>> -> memref<1x8x128xi32, #tpu.memory_space<hbm>>
    %dma_start3A_43 = tpu.memref_squeeze %dma_start3A_42 : memref<1x8x128xi32, #tpu.memory_space<hbm>> -> memref<8x128xi32, #tpu.memory_space<hbm>>
    tpu.enqueue_dma source(%dma_start3A_43 : memref<8x128xi32, #tpu.memory_space<hbm>>) target(%dma_start3A_39 : memref<8x128xi32, #tpu.memory_space<vmem>>) target_semaphore(%dma_start3A_35 : memref<!tpu.dma_semaphore, #tpu.memory_space<semaphore_mem>>)
    %dma_start3A_44 = arith.constant 0 : i32
    %dma_start3A_45 = arith.constant 0 : i32
    %dma_start3A_46 = arith.constant 0 : i32
    %dma_start3A_47 = arith.constant 0 : i32
    %dma_start3A_48 = arith.constant 0 : i32
    %dma_start3A_49 = tpu.memref_slice %arg10[%dma_start3A_45, %dma_start3A_47, %dma_start3A_48] : memref<2x128x128xf32, #tpu.memory_space<vmem>> -> memref<1x128x128xf32, #tpu.memory_space<vmem>>
    %dma_start3A_50 = tpu.memref_squeeze %dma_start3A_49 : memref<1x128x128xf32, #tpu.memory_space<vmem>> -> memref<128x128xf32, #tpu.memory_space<vmem>>
    %dma_start3A_51 = arith.constant 0 : i32
    %dma_start3A_52 = tpu.memref_slice %arg8[%dma_start3A_44, %dma_start3A_51] : memref<80x128xi32, #tpu.memory_space<vmem>> -> memref<1x128xi32, #tpu.memory_space<vmem>>
    %dma_start3A_53 = tpu.memref_squeeze %dma_start3A_52 : memref<1x128xi32, #tpu.memory_space<vmem>> -> memref<128xi32, #tpu.memory_space<vmem>>
    %dma_start3A_54 = arith.constant 0 : i32
    %dma_start3A_55 = arith.constant 0 : i32
    %dma_start3A_56 = tpu.memref_slice %arg2[%dma_start3A_54, %dma_start3A_55] : memref<10000x128xf32, #tpu.memory_space<hbm>> -> memref<10000x128xf32, #tpu.memory_space<hbm>>
    %dma_start3A_57 = tpu.memref_slice %arg11[%dma_start3A_46] : memref<2x!tpu.dma_semaphore, #tpu.memory_space<semaphore_mem>> -> memref<1x!tpu.dma_semaphore, #tpu.memory_space<semaphore_mem>>
    %dma_start3A_58 = tpu.memref_squeeze %dma_start3A_57 : memref<1x!tpu.dma_semaphore, #tpu.memory_space<semaphore_mem>> -> memref<!tpu.dma_semaphore, #tpu.memory_space<semaphore_mem>>
    tpu.enqueue_indirect_dma source(%dma_start3A_56 : memref<10000x128xf32, #tpu.memory_space<hbm>>) target(%dma_start3A_50 : memref<128x128xf32, #tpu.memory_space<vmem>>) offsets(%dma_start3A_53 : memref<128xi32, #tpu.memory_space<vmem>>) semaphore(%dma_start3A_58 : memref<!tpu.dma_semaphore, #tpu.memory_space<semaphore_mem>>)
    %dma_start3A_59 = arith.constant 1 : i32
    %dma_start3A_60 = arith.constant 1 : i32
    %dma_start3A_61 = arith.constant 1 : i32
    %dma_start3A_62 = arith.constant 0 : i32
    %dma_start3A_63 = arith.constant 0 : i32
    %dma_start3A_64 = tpu.memref_slice %arg10[%dma_start3A_60, %dma_start3A_62, %dma_start3A_63] : memref<2x128x128xf32, #tpu.memory_space<vmem>> -> memref<1x128x128xf32, #tpu.memory_space<vmem>>
    %dma_start3A_65 = tpu.memref_squeeze %dma_start3A_64 : memref<1x128x128xf32, #tpu.memory_space<vmem>> -> memref<128x128xf32, #tpu.memory_space<vmem>>
    %dma_start3A_66 = arith.constant 0 : i32
    %dma_start3A_67 = tpu.memref_slice %arg8[%dma_start3A_59, %dma_start3A_66] : memref<80x128xi32, #tpu.memory_space<vmem>> -> memref<1x128xi32, #tpu.memory_space<vmem>>
    %dma_start3A_68 = tpu.memref_squeeze %dma_start3A_67 : memref<1x128xi32, #tpu.memory_space<vmem>> -> memref<128xi32, #tpu.memory_space<vmem>>
    %dma_start3A_69 = arith.constant 0 : i32
    %dma_start3A_70 = arith.constant 0 : i32
    %dma_start3A_71 = tpu.memref_slice %arg2[%dma_start3A_69, %dma_start3A_70] : memref<10000x128xf32, #tpu.memory_space<hbm>> -> memref<10000x128xf32, #tpu.memory_space<hbm>>
    %dma_start3A_72 = tpu.memref_slice %arg11[%dma_start3A_61] : memref<2x!tpu.dma_semaphore, #tpu.memory_space<semaphore_mem>> -> memref<1x!tpu.dma_semaphore, #tpu.memory_space<semaphore_mem>>
    %dma_start3A_73 = tpu.memref_squeeze %dma_start3A_72 : memref<1x!tpu.dma_semaphore, #tpu.memory_space<semaphore_mem>> -> memref<!tpu.dma_semaphore, #tpu.memory_space<semaphore_mem>>
    tpu.enqueue_indirect_dma source(%dma_start3A_71 : memref<10000x128xf32, #tpu.memory_space<hbm>>) target(%dma_start3A_65 : memref<128x128xf32, #tpu.memory_space<vmem>>) offsets(%dma_start3A_68 : memref<128xi32, #tpu.memory_space<vmem>>) semaphore(%dma_start3A_73 : memref<!tpu.dma_semaphore, #tpu.memory_space<semaphore_mem>>)
    %scan3A = arith.constant 0 : i32
    %scan3A_74 = arith.constant 10 : i32
    %scan3A_75 = arith.addi %scan3A, %scan3A_74 : i32
    %scan3A_76 = arith.constant 1 : i32
    scf.for %scan3A_83 = %scan3A to %scan3A_75 step %scan3A_76  : i32 {
      %mul3A_84 = arith.constant 1 : i32
      %mul3A_85 = arith.muli %scan3A_83, %mul3A_84 : i32
      %add3A_86 = arith.constant 0 : i32
      %add3A_87 = arith.addi %add3A_86, %mul3A_85 : i32
      %rem3A = arith.constant 2 : i32
      %rem3A_88 = arith.remsi %add3A_87, %rem3A : i32
      %mul3A_89 = arith.constant 8 : i32
      %mul3A_90 = arith.muli %add3A_87, %mul3A_89 : i32
      %dma_wait3A = arith.constant 0 : i32
      %dma_wait3A_91 = arith.constant 0 : i32
      %dma_wait3A_92 = tpu.memref_slice %arg9[%rem3A_88, %dma_wait3A, %dma_wait3A_91] : memref<2x8x128xi32, #tpu.memory_space<vmem>> -> memref<1x8x128xi32, #tpu.memory_space<vmem>>
      %dma_wait3A_93 = tpu.memref_squeeze %dma_wait3A_92 : memref<1x8x128xi32, #tpu.memory_space<vmem>> -> memref<8x128xi32, #tpu.memory_space<vmem>>
      %dma_wait3A_94 = arith.constant 0 : i32
      %dma_wait3A_95 = tpu.memref_slice %arg4[%add3A, %mul3A_90, %dma_wait3A_94] : memref<32x80x128xi32, #tpu.memory_space<hbm>> -> memref<1x8x128xi32, #tpu.memory_space<hbm>>
      %dma_wait3A_96 = tpu.memref_squeeze %dma_wait3A_95 : memref<1x8x128xi32, #tpu.memory_space<hbm>> -> memref<8x128xi32, #tpu.memory_space<hbm>>
      %dma_wait3A_97 = tpu.memref_slice %arg13[%rem3A_88] : memref<2x!tpu.dma_semaphore, #tpu.memory_space<semaphore_mem>> -> memref<1x!tpu.dma_semaphore, #tpu.memory_space<semaphore_mem>>
      %dma_wait3A_98 = tpu.memref_squeeze %dma_wait3A_97 : memref<1x!tpu.dma_semaphore, #tpu.memory_space<semaphore_mem>> -> memref<!tpu.dma_semaphore, #tpu.memory_space<semaphore_mem>>
      %dma_wait3A_99 = arith.constant 0 : i32
      %dma_wait3A_100 = arith.constant 0 : i32
      %dma_wait3A_101 = tpu.memref_slice %arg9[%rem3A_88, %dma_wait3A_99, %dma_wait3A_100] : memref<2x8x128xi32, #tpu.memory_space<vmem>> -> memref<1x8x128xi32, #tpu.memory_space<vmem>>
      %dma_wait3A_102 = tpu.memref_squeeze %dma_wait3A_101 : memref<1x8x128xi32, #tpu.memory_space<vmem>> -> memref<8x128xi32, #tpu.memory_space<vmem>>
      %dma_wait3A_103 = arith.constant 0 : i32
      %dma_wait3A_104 = tpu.memref_slice %arg4[%add3A, %mul3A_90, %dma_wait3A_103] : memref<32x80x128xi32, #tpu.memory_space<hbm>> -> memref<1x8x128xi32, #tpu.memory_space<hbm>>
      %dma_wait3A_105 = tpu.memref_squeeze %dma_wait3A_104 : memref<1x8x128xi32, #tpu.memory_space<hbm>> -> memref<8x128xi32, #tpu.memory_space<hbm>>
      tpu.wait_dma2 semaphore(%dma_wait3A_98 : memref<!tpu.dma_semaphore, #tpu.memory_space<semaphore_mem>>) src(%dma_wait3A_105 : memref<8x128xi32, #tpu.memory_space<hbm>>) dst(%dma_wait3A_102 : memref<8x128xi32, #tpu.memory_space<vmem>>)
      %mul3A_106 = arith.constant 8 : i32
      %mul3A_107 = arith.muli %add3A_87, %mul3A_106 : i32
      %add3A_108 = arith.constant 0 : i32
      %add3A_109 = arith.addi %mul3A_107, %add3A_108 : i32
      %dma_wait3A_110 = arith.constant 0 : i32
      %dma_wait3A_111 = arith.constant 0 : i32
      %dma_wait3A_112 = arith.constant 0 : i32
      %dma_wait3A_113 = arith.constant 0 : i32
      %dma_wait3A_114 = tpu.memref_slice %arg10[%dma_wait3A_110, %dma_wait3A_112, %dma_wait3A_113] : memref<2x128x128xf32, #tpu.memory_space<vmem>> -> memref<1x128x128xf32, #tpu.memory_space<vmem>>
      %dma_wait3A_115 = tpu.memref_squeeze %dma_wait3A_114 : memref<1x128x128xf32, #tpu.memory_space<vmem>> -> memref<128x128xf32, #tpu.memory_space<vmem>>
      %dma_wait3A_116 = arith.constant 0 : i32
      %dma_wait3A_117 = tpu.memref_slice %arg8[%add3A_109, %dma_wait3A_116] : memref<80x128xi32, #tpu.memory_space<vmem>> -> memref<1x128xi32, #tpu.memory_space<vmem>>
      %dma_wait3A_118 = tpu.memref_squeeze %dma_wait3A_117 : memref<1x128xi32, #tpu.memory_space<vmem>> -> memref<128xi32, #tpu.memory_space<vmem>>
      %dma_wait3A_119 = arith.constant 0 : i32
      %dma_wait3A_120 = arith.constant 0 : i32
      %dma_wait3A_121 = tpu.memref_slice %arg2[%dma_wait3A_119, %dma_wait3A_120] : memref<10000x128xf32, #tpu.memory_space<hbm>> -> memref<10000x128xf32, #tpu.memory_space<hbm>>
      %dma_wait3A_122 = tpu.memref_slice %arg11[%dma_wait3A_111] : memref<2x!tpu.dma_semaphore, #tpu.memory_space<semaphore_mem>> -> memref<1x!tpu.dma_semaphore, #tpu.memory_space<semaphore_mem>>
      %dma_wait3A_123 = tpu.memref_squeeze %dma_wait3A_122 : memref<1x!tpu.dma_semaphore, #tpu.memory_space<semaphore_mem>> -> memref<!tpu.dma_semaphore, #tpu.memory_space<semaphore_mem>>
      tpu.wait_indirect_dma semaphore(%dma_wait3A_123 : memref<!tpu.dma_semaphore, #tpu.memory_space<semaphore_mem>>) src(%dma_wait3A_121 : memref<10000x128xf32, #tpu.memory_space<hbm>>) dst(%dma_wait3A_115 : memref<128x128xf32, #tpu.memory_space<vmem>>)
      %dma_start3A_124 = arith.constant 0 : i32
      %dma_start3A_125 = arith.constant 0 : i32
      %dma_start3A_126 = arith.constant 0 : i32
      %dma_start3A_127 = arith.constant 0 : i32
      %dma_start3A_128 = arith.constant 0 : i32
      %dma_start3A_129 = tpu.memref_slice %arg10[%dma_start3A_124, %dma_start3A_127, %dma_start3A_128] : memref<2x128x128xf32, #tpu.memory_space<vmem>> -> memref<1x128x128xf32, #tpu.memory_space<vmem>>
      %dma_start3A_130 = tpu.memref_squeeze %dma_start3A_129 : memref<1x128x128xf32, #tpu.memory_space<vmem>> -> memref<128x128xf32, #tpu.memory_space<vmem>>
      %dma_start3A_131 = arith.constant 0 : i32
      %dma_start3A_132 = tpu.memref_slice %arg9[%rem3A_88, %dma_start3A_125, %dma_start3A_131] : memref<2x8x128xi32, #tpu.memory_space<vmem>> -> memref<1x1x128xi32, #tpu.memory_space<vmem>>
      %dma_start3A_133 = tpu.memref_squeeze %dma_start3A_132 : memref<1x1x128xi32, #tpu.memory_space<vmem>> -> memref<128xi32, #tpu.memory_space<vmem>>
      %dma_start3A_134 = arith.constant 0 : i32
      %dma_start3A_135 = arith.constant 0 : i32
      %dma_start3A_136 = tpu.memref_slice %arg7[%dma_start3A_134, %dma_start3A_135] : memref<10112x128xf32, #tpu.memory_space<vmem_shared>> -> memref<10112x128xf32, #tpu.memory_space<vmem_shared>>
      %dma_start3A_137 = tpu.memref_slice %arg12[%dma_start3A_126] : memref<2x!tpu.dma_semaphore, #tpu.memory_space<semaphore_mem>> -> memref<1x!tpu.dma_semaphore, #tpu.memory_space<semaphore_mem>>
      %dma_start3A_138 = tpu.memref_squeeze %dma_start3A_137 : memref<1x!tpu.dma_semaphore, #tpu.memory_space<semaphore_mem>> -> memref<!tpu.dma_semaphore, #tpu.memory_space<semaphore_mem>>
      tpu.enqueue_indirect_dma source(%dma_start3A_130 : memref<128x128xf32, #tpu.memory_space<vmem>>) target(%dma_start3A_136 : memref<10112x128xf32, #tpu.memory_space<vmem_shared>>) offsets(%dma_start3A_133 : memref<128xi32, #tpu.memory_space<vmem>>) semaphore(%dma_start3A_138 : memref<!tpu.dma_semaphore, #tpu.memory_space<semaphore_mem>>) {add = true}
      %dma_wait3A_139 = arith.constant 0 : i32
      %dma_wait3A_140 = arith.constant 0 : i32
      %dma_wait3A_141 = arith.constant 0 : i32
      %dma_wait3A_142 = arith.constant 0 : i32
      %dma_wait3A_143 = arith.constant 0 : i32
      %dma_wait3A_144 = tpu.memref_slice %arg10[%dma_wait3A_139, %dma_wait3A_142, %dma_wait3A_143] : memref<2x128x128xf32, #tpu.memory_space<vmem>> -> memref<1x128x128xf32, #tpu.memory_space<vmem>>
      %dma_wait3A_145 = tpu.memref_squeeze %dma_wait3A_144 : memref<1x128x128xf32, #tpu.memory_space<vmem>> -> memref<128x128xf32, #tpu.memory_space<vmem>>
      %dma_wait3A_146 = arith.constant 0 : i32
      %dma_wait3A_147 = tpu.memref_slice %arg9[%rem3A_88, %dma_wait3A_140, %dma_wait3A_146] : memref<2x8x128xi32, #tpu.memory_space<vmem>> -> memref<1x1x128xi32, #tpu.memory_space<vmem>>
      %dma_wait3A_148 = tpu.memref_squeeze %dma_wait3A_147 : memref<1x1x128xi32, #tpu.memory_space<vmem>> -> memref<128xi32, #tpu.memory_space<vmem>>
      %dma_wait3A_149 = arith.constant 0 : i32
      %dma_wait3A_150 = arith.constant 0 : i32
      %dma_wait3A_151 = tpu.memref_slice %arg7[%dma_wait3A_149, %dma_wait3A_150] : memref<10112x128xf32, #tpu.memory_space<vmem_shared>> -> memref<10112x128xf32, #tpu.memory_space<vmem_shared>>
      %dma_wait3A_152 = tpu.memref_slice %arg12[%dma_wait3A_141] : memref<2x!tpu.dma_semaphore, #tpu.memory_space<semaphore_mem>> -> memref<1x!tpu.dma_semaphore, #tpu.memory_space<semaphore_mem>>
      %dma_wait3A_153 = tpu.memref_squeeze %dma_wait3A_152 : memref<1x!tpu.dma_semaphore, #tpu.memory_space<semaphore_mem>> -> memref<!tpu.dma_semaphore, #tpu.memory_space<semaphore_mem>>
      tpu.wait_indirect_dma semaphore(%dma_wait3A_153 : memref<!tpu.dma_semaphore, #tpu.memory_space<semaphore_mem>>) src(%dma_wait3A_145 : memref<128x128xf32, #tpu.memory_space<vmem>>) dst(%dma_wait3A_151 : memref<10112x128xf32, #tpu.memory_space<vmem_shared>>)
      %add3A_154 = arith.constant 2 : i32
      %add3A_155 = arith.addi %add3A_109, %add3A_154 : i32
      %lt3A = arith.constant 80 : i32
      %lt3A_156 = arith.cmpi slt, %add3A_155, %lt3A : i32
      %convert_element_type3A = arith.extui %lt3A_156 : i1 to i32
      %cond3A = arith.constant 0 : i32
      %cond3A_157 = arith.cmpi ne, %convert_element_type3A, %cond3A : i32
      scf.if %cond3A_157 {
        %add3A_550 = arith.constant 2 : i32
        %add3A_551 = arith.addi %add3A_109, %add3A_550 : i32
        %dma_start3A_552 = arith.constant 0 : i32
        %dma_start3A_553 = arith.constant 0 : i32
        %dma_start3A_554 = arith.constant 0 : i32
        %dma_start3A_555 = arith.constant 0 : i32
        %dma_start3A_556 = tpu.memref_slice %arg10[%dma_start3A_552, %dma_start3A_554, %dma_start3A_555] : memref<2x128x128xf32, #tpu.memory_space<vmem>> -> memref<1x128x128xf32, #tpu.memory_space<vmem>>
        %dma_start3A_557 = tpu.memref_squeeze %dma_start3A_556 : memref<1x128x128xf32, #tpu.memory_space<vmem>> -> memref<128x128xf32, #tpu.memory_space<vmem>>
        %dma_start3A_558 = arith.constant 0 : i32
        %dma_start3A_559 = tpu.memref_slice %arg8[%add3A_551, %dma_start3A_558] : memref<80x128xi32, #tpu.memory_space<vmem>> -> memref<1x128xi32, #tpu.memory_space<vmem>>
        %dma_start3A_560 = tpu.memref_squeeze %dma_start3A_559 : memref<1x128xi32, #tpu.memory_space<vmem>> -> memref<128xi32, #tpu.memory_space<vmem>>
        %dma_start3A_561 = arith.constant 0 : i32
        %dma_start3A_562 = arith.constant 0 : i32
        %dma_start3A_563 = tpu.memref_slice %arg2[%dma_start3A_561, %dma_start3A_562] : memref<10000x128xf32, #tpu.memory_space<hbm>> -> memref<10000x128xf32, #tpu.memory_space<hbm>>
        %dma_start3A_564 = tpu.memref_slice %arg11[%dma_start3A_553] : memref<2x!tpu.dma_semaphore, #tpu.memory_space<semaphore_mem>> -> memref<1x!tpu.dma_semaphore, #tpu.memory_space<semaphore_mem>>
        %dma_start3A_565 = tpu.memref_squeeze %dma_start3A_564 : memref<1x!tpu.dma_semaphore, #tpu.memory_space<semaphore_mem>> -> memref<!tpu.dma_semaphore, #tpu.memory_space<semaphore_mem>>
        tpu.enqueue_indirect_dma source(%dma_start3A_563 : memref<10000x128xf32, #tpu.memory_space<hbm>>) target(%dma_start3A_557 : memref<128x128xf32, #tpu.memory_space<vmem>>) offsets(%dma_start3A_560 : memref<128xi32, #tpu.memory_space<vmem>>) semaphore(%dma_start3A_565 : memref<!tpu.dma_semaphore, #tpu.memory_space<semaphore_mem>>)
      } else {
      }
      %mul3A_158 = arith.constant 8 : i32
      %mul3A_159 = arith.muli %add3A_87, %mul3A_158 : i32
      %add3A_160 = arith.constant 1 : i32
      %add3A_161 = arith.addi %mul3A_159, %add3A_160 : i32
      %dma_wait3A_162 = arith.constant 1 : i32
      %dma_wait3A_163 = arith.constant 1 : i32
      %dma_wait3A_164 = arith.constant 0 : i32
      %dma_wait3A_165 = arith.constant 0 : i32
      %dma_wait3A_166 = tpu.memref_slice %arg10[%dma_wait3A_162, %dma_wait3A_164, %dma_wait3A_165] : memref<2x128x128xf32, #tpu.memory_space<vmem>> -> memref<1x128x128xf32, #tpu.memory_space<vmem>>
      %dma_wait3A_167 = tpu.memref_squeeze %dma_wait3A_166 : memref<1x128x128xf32, #tpu.memory_space<vmem>> -> memref<128x128xf32, #tpu.memory_space<vmem>>
      %dma_wait3A_168 = arith.constant 0 : i32
      %dma_wait3A_169 = tpu.memref_slice %arg8[%add3A_161, %dma_wait3A_168] : memref<80x128xi32, #tpu.memory_space<vmem>> -> memref<1x128xi32, #tpu.memory_space<vmem>>
      %dma_wait3A_170 = tpu.memref_squeeze %dma_wait3A_169 : memref<1x128xi32, #tpu.memory_space<vmem>> -> memref<128xi32, #tpu.memory_space<vmem>>
      %dma_wait3A_171 = arith.constant 0 : i32
      %dma_wait3A_172 = arith.constant 0 : i32
      %dma_wait3A_173 = tpu.memref_slice %arg2[%dma_wait3A_171, %dma_wait3A_172] : memref<10000x128xf32, #tpu.memory_space<hbm>> -> memref<10000x128xf32, #tpu.memory_space<hbm>>
      %dma_wait3A_174 = tpu.memref_slice %arg11[%dma_wait3A_163] : memref<2x!tpu.dma_semaphore, #tpu.memory_space<semaphore_mem>> -> memref<1x!tpu.dma_semaphore, #tpu.memory_space<semaphore_mem>>
      %dma_wait3A_175 = tpu.memref_squeeze %dma_wait3A_174 : memref<1x!tpu.dma_semaphore, #tpu.memory_space<semaphore_mem>> -> memref<!tpu.dma_semaphore, #tpu.memory_space<semaphore_mem>>
      tpu.wait_indirect_dma semaphore(%dma_wait3A_175 : memref<!tpu.dma_semaphore, #tpu.memory_space<semaphore_mem>>) src(%dma_wait3A_173 : memref<10000x128xf32, #tpu.memory_space<hbm>>) dst(%dma_wait3A_167 : memref<128x128xf32, #tpu.memory_space<vmem>>)
      %dma_start3A_176 = arith.constant 1 : i32
      %dma_start3A_177 = arith.constant 1 : i32
      %dma_start3A_178 = arith.constant 1 : i32
      %dma_start3A_179 = arith.constant 0 : i32
      %dma_start3A_180 = arith.constant 0 : i32
      %dma_start3A_181 = tpu.memref_slice %arg10[%dma_start3A_176, %dma_start3A_179, %dma_start3A_180] : memref<2x128x128xf32, #tpu.memory_space<vmem>> -> memref<1x128x128xf32, #tpu.memory_space<vmem>>
      %dma_start3A_182 = tpu.memref_squeeze %dma_start3A_181 : memref<1x128x128xf32, #tpu.memory_space<vmem>> -> memref<128x128xf32, #tpu.memory_space<vmem>>
      %dma_start3A_183 = arith.constant 0 : i32
      %dma_start3A_184 = tpu.memref_slice %arg9[%rem3A_88, %dma_start3A_177, %dma_start3A_183] : memref<2x8x128xi32, #tpu.memory_space<vmem>> -> memref<1x1x128xi32, #tpu.memory_space<vmem>>
      %dma_start3A_185 = tpu.memref_squeeze %dma_start3A_184 : memref<1x1x128xi32, #tpu.memory_space<vmem>> -> memref<128xi32, #tpu.memory_space<vmem>>
      %dma_start3A_186 = arith.constant 0 : i32
      %dma_start3A_187 = arith.constant 0 : i32
      %dma_start3A_188 = tpu.memref_slice %arg7[%dma_start3A_186, %dma_start3A_187] : memref<10112x128xf32, #tpu.memory_space<vmem_shared>> -> memref<10112x128xf32, #tpu.memory_space<vmem_shared>>
      %dma_start3A_189 = tpu.memref_slice %arg12[%dma_start3A_178] : memref<2x!tpu.dma_semaphore, #tpu.memory_space<semaphore_mem>> -> memref<1x!tpu.dma_semaphore, #tpu.memory_space<semaphore_mem>>
      %dma_start3A_190 = tpu.memref_squeeze %dma_start3A_189 : memref<1x!tpu.dma_semaphore, #tpu.memory_space<semaphore_mem>> -> memref<!tpu.dma_semaphore, #tpu.memory_space<semaphore_mem>>
      tpu.enqueue_indirect_dma source(%dma_start3A_182 : memref<128x128xf32, #tpu.memory_space<vmem>>) target(%dma_start3A_188 : memref<10112x128xf32, #tpu.memory_space<vmem_shared>>) offsets(%dma_start3A_185 : memref<128xi32, #tpu.memory_space<vmem>>) semaphore(%dma_start3A_190 : memref<!tpu.dma_semaphore, #tpu.memory_space<semaphore_mem>>) {add = true}
      %dma_wait3A_191 = arith.constant 1 : i32
      %dma_wait3A_192 = arith.constant 1 : i32
      %dma_wait3A_193 = arith.constant 1 : i32
      %dma_wait3A_194 = arith.constant 0 : i32
      %dma_wait3A_195 = arith.constant 0 : i32
      %dma_wait3A_196 = tpu.memref_slice %arg10[%dma_wait3A_191, %dma_wait3A_194, %dma_wait3A_195] : memref<2x128x128xf32, #tpu.memory_space<vmem>> -> memref<1x128x128xf32, #tpu.memory_space<vmem>>
      %dma_wait3A_197 = tpu.memref_squeeze %dma_wait3A_196 : memref<1x128x128xf32, #tpu.memory_space<vmem>> -> memref<128x128xf32, #tpu.memory_space<vmem>>
      %dma_wait3A_198 = arith.constant 0 : i32
      %dma_wait3A_199 = tpu.memref_slice %arg9[%rem3A_88, %dma_wait3A_192, %dma_wait3A_198] : memref<2x8x128xi32, #tpu.memory_space<vmem>> -> memref<1x1x128xi32, #tpu.memory_space<vmem>>
      %dma_wait3A_200 = tpu.memref_squeeze %dma_wait3A_199 : memref<1x1x128xi32, #tpu.memory_space<vmem>> -> memref<128xi32, #tpu.memory_space<vmem>>
      %dma_wait3A_201 = arith.constant 0 : i32
      %dma_wait3A_202 = arith.constant 0 : i32
      %dma_wait3A_203 = tpu.memref_slice %arg7[%dma_wait3A_201, %dma_wait3A_202] : memref<10112x128xf32, #tpu.memory_space<vmem_shared>> -> memref<10112x128xf32, #tpu.memory_space<vmem_shared>>
      %dma_wait3A_204 = tpu.memref_slice %arg12[%dma_wait3A_193] : memref<2x!tpu.dma_semaphore, #tpu.memory_space<semaphore_mem>> -> memref<1x!tpu.dma_semaphore, #tpu.memory_space<semaphore_mem>>
      %dma_wait3A_205 = tpu.memref_squeeze %dma_wait3A_204 : memref<1x!tpu.dma_semaphore, #tpu.memory_space<semaphore_mem>> -> memref<!tpu.dma_semaphore, #tpu.memory_space<semaphore_mem>>
      tpu.wait_indirect_dma semaphore(%dma_wait3A_205 : memref<!tpu.dma_semaphore, #tpu.memory_space<semaphore_mem>>) src(%dma_wait3A_197 : memref<128x128xf32, #tpu.memory_space<vmem>>) dst(%dma_wait3A_203 : memref<10112x128xf32, #tpu.memory_space<vmem_shared>>)
      %add3A_206 = arith.constant 2 : i32
      %add3A_207 = arith.addi %add3A_161, %add3A_206 : i32
      %lt3A_208 = arith.constant 80 : i32
      %lt3A_209 = arith.cmpi slt, %add3A_207, %lt3A_208 : i32
      %convert_element_type3A_210 = arith.extui %lt3A_209 : i1 to i32
      %cond3A_211 = arith.constant 0 : i32
      %cond3A_212 = arith.cmpi ne, %convert_element_type3A_210, %cond3A_211 : i32
      scf.if %cond3A_212 {
        %add3A_550 = arith.constant 2 : i32
        %add3A_551 = arith.addi %add3A_161, %add3A_550 : i32
        %dma_start3A_552 = arith.constant 1 : i32
        %dma_start3A_553 = arith.constant 1 : i32
        %dma_start3A_554 = arith.constant 0 : i32
        %dma_start3A_555 = arith.constant 0 : i32
        %dma_start3A_556 = tpu.memref_slice %arg10[%dma_start3A_552, %dma_start3A_554, %dma_start3A_555] : memref<2x128x128xf32, #tpu.memory_space<vmem>> -> memref<1x128x128xf32, #tpu.memory_space<vmem>>
        %dma_start3A_557 = tpu.memref_squeeze %dma_start3A_556 : memref<1x128x128xf32, #tpu.memory_space<vmem>> -> memref<128x128xf32, #tpu.memory_space<vmem>>
        %dma_start3A_558 = arith.constant 0 : i32
        %dma_start3A_559 = tpu.memref_slice %arg8[%add3A_551, %dma_start3A_558] : memref<80x128xi32, #tpu.memory_space<vmem>> -> memref<1x128xi32, #tpu.memory_space<vmem>>
        %dma_start3A_560 = tpu.memref_squeeze %dma_start3A_559 : memref<1x128xi32, #tpu.memory_space<vmem>> -> memref<128xi32, #tpu.memory_space<vmem>>
        %dma_start3A_561 = arith.constant 0 : i32
        %dma_start3A_562 = arith.constant 0 : i32
        %dma_start3A_563 = tpu.memref_slice %arg2[%dma_start3A_561, %dma_start3A_562] : memref<10000x128xf32, #tpu.memory_space<hbm>> -> memref<10000x128xf32, #tpu.memory_space<hbm>>
        %dma_start3A_564 = tpu.memref_slice %arg11[%dma_start3A_553] : memref<2x!tpu.dma_semaphore, #tpu.memory_space<semaphore_mem>> -> memref<1x!tpu.dma_semaphore, #tpu.memory_space<semaphore_mem>>
        %dma_start3A_565 = tpu.memref_squeeze %dma_start3A_564 : memref<1x!tpu.dma_semaphore, #tpu.memory_space<semaphore_mem>> -> memref<!tpu.dma_semaphore, #tpu.memory_space<semaphore_mem>>
        tpu.enqueue_indirect_dma source(%dma_start3A_563 : memref<10000x128xf32, #tpu.memory_space<hbm>>) target(%dma_start3A_557 : memref<128x128xf32, #tpu.memory_space<vmem>>) offsets(%dma_start3A_560 : memref<128xi32, #tpu.memory_space<vmem>>) semaphore(%dma_start3A_565 : memref<!tpu.dma_semaphore, #tpu.memory_space<semaphore_mem>>)
      } else {
      }
      %mul3A_213 = arith.constant 8 : i32
      %mul3A_214 = arith.muli %add3A_87, %mul3A_213 : i32
      %add3A_215 = arith.constant 2 : i32
      %add3A_216 = arith.addi %mul3A_214, %add3A_215 : i32
      %dma_wait3A_217 = arith.constant 0 : i32
      %dma_wait3A_218 = arith.constant 0 : i32
      %dma_wait3A_219 = arith.constant 0 : i32
      %dma_wait3A_220 = arith.constant 0 : i32
      %dma_wait3A_221 = tpu.memref_slice %arg10[%dma_wait3A_217, %dma_wait3A_219, %dma_wait3A_220] : memref<2x128x128xf32, #tpu.memory_space<vmem>> -> memref<1x128x128xf32, #tpu.memory_space<vmem>>
      %dma_wait3A_222 = tpu.memref_squeeze %dma_wait3A_221 : memref<1x128x128xf32, #tpu.memory_space<vmem>> -> memref<128x128xf32, #tpu.memory_space<vmem>>
      %dma_wait3A_223 = arith.constant 0 : i32
      %dma_wait3A_224 = tpu.memref_slice %arg8[%add3A_216, %dma_wait3A_223] : memref<80x128xi32, #tpu.memory_space<vmem>> -> memref<1x128xi32, #tpu.memory_space<vmem>>
      %dma_wait3A_225 = tpu.memref_squeeze %dma_wait3A_224 : memref<1x128xi32, #tpu.memory_space<vmem>> -> memref<128xi32, #tpu.memory_space<vmem>>
      %dma_wait3A_226 = arith.constant 0 : i32
      %dma_wait3A_227 = arith.constant 0 : i32
      %dma_wait3A_228 = tpu.memref_slice %arg2[%dma_wait3A_226, %dma_wait3A_227] : memref<10000x128xf32, #tpu.memory_space<hbm>> -> memref<10000x128xf32, #tpu.memory_space<hbm>>
      %dma_wait3A_229 = tpu.memref_slice %arg11[%dma_wait3A_218] : memref<2x!tpu.dma_semaphore, #tpu.memory_space<semaphore_mem>> -> memref<1x!tpu.dma_semaphore, #tpu.memory_space<semaphore_mem>>
      %dma_wait3A_230 = tpu.memref_squeeze %dma_wait3A_229 : memref<1x!tpu.dma_semaphore, #tpu.memory_space<semaphore_mem>> -> memref<!tpu.dma_semaphore, #tpu.memory_space<semaphore_mem>>
      tpu.wait_indirect_dma semaphore(%dma_wait3A_230 : memref<!tpu.dma_semaphore, #tpu.memory_space<semaphore_mem>>) src(%dma_wait3A_228 : memref<10000x128xf32, #tpu.memory_space<hbm>>) dst(%dma_wait3A_222 : memref<128x128xf32, #tpu.memory_space<vmem>>)
      %dma_start3A_231 = arith.constant 0 : i32
      %dma_start3A_232 = arith.constant 2 : i32
      %dma_start3A_233 = arith.constant 0 : i32
      %dma_start3A_234 = arith.constant 0 : i32
      %dma_start3A_235 = arith.constant 0 : i32
      %dma_start3A_236 = tpu.memref_slice %arg10[%dma_start3A_231, %dma_start3A_234, %dma_start3A_235] : memref<2x128x128xf32, #tpu.memory_space<vmem>> -> memref<1x128x128xf32, #tpu.memory_space<vmem>>
      %dma_start3A_237 = tpu.memref_squeeze %dma_start3A_236 : memref<1x128x128xf32, #tpu.memory_space<vmem>> -> memref<128x128xf32, #tpu.memory_space<vmem>>
      %dma_start3A_238 = arith.constant 0 : i32
      %dma_start3A_239 = tpu.memref_slice %arg9[%rem3A_88, %dma_start3A_232, %dma_start3A_238] : memref<2x8x128xi32, #tpu.memory_space<vmem>> -> memref<1x1x128xi32, #tpu.memory_space<vmem>>
      %dma_start3A_240 = tpu.memref_squeeze %dma_start3A_239 : memref<1x1x128xi32, #tpu.memory_space<vmem>> -> memref<128xi32, #tpu.memory_space<vmem>>
      %dma_start3A_241 = arith.constant 0 : i32
      %dma_start3A_242 = arith.constant 0 : i32
      %dma_start3A_243 = tpu.memref_slice %arg7[%dma_start3A_241, %dma_start3A_242] : memref<10112x128xf32, #tpu.memory_space<vmem_shared>> -> memref<10112x128xf32, #tpu.memory_space<vmem_shared>>
      %dma_start3A_244 = tpu.memref_slice %arg12[%dma_start3A_233] : memref<2x!tpu.dma_semaphore, #tpu.memory_space<semaphore_mem>> -> memref<1x!tpu.dma_semaphore, #tpu.memory_space<semaphore_mem>>
      %dma_start3A_245 = tpu.memref_squeeze %dma_start3A_244 : memref<1x!tpu.dma_semaphore, #tpu.memory_space<semaphore_mem>> -> memref<!tpu.dma_semaphore, #tpu.memory_space<semaphore_mem>>
      tpu.enqueue_indirect_dma source(%dma_start3A_237 : memref<128x128xf32, #tpu.memory_space<vmem>>) target(%dma_start3A_243 : memref<10112x128xf32, #tpu.memory_space<vmem_shared>>) offsets(%dma_start3A_240 : memref<128xi32, #tpu.memory_space<vmem>>) semaphore(%dma_start3A_245 : memref<!tpu.dma_semaphore, #tpu.memory_space<semaphore_mem>>) {add = true}
      %dma_wait3A_246 = arith.constant 0 : i32
      %dma_wait3A_247 = arith.constant 2 : i32
      %dma_wait3A_248 = arith.constant 0 : i32
      %dma_wait3A_249 = arith.constant 0 : i32
      %dma_wait3A_250 = arith.constant 0 : i32
      %dma_wait3A_251 = tpu.memref_slice %arg10[%dma_wait3A_246, %dma_wait3A_249, %dma_wait3A_250] : memref<2x128x128xf32, #tpu.memory_space<vmem>> -> memref<1x128x128xf32, #tpu.memory_space<vmem>>
      %dma_wait3A_252 = tpu.memref_squeeze %dma_wait3A_251 : memref<1x128x128xf32, #tpu.memory_space<vmem>> -> memref<128x128xf32, #tpu.memory_space<vmem>>
      %dma_wait3A_253 = arith.constant 0 : i32
      %dma_wait3A_254 = tpu.memref_slice %arg9[%rem3A_88, %dma_wait3A_247, %dma_wait3A_253] : memref<2x8x128xi32, #tpu.memory_space<vmem>> -> memref<1x1x128xi32, #tpu.memory_space<vmem>>
      %dma_wait3A_255 = tpu.memref_squeeze %dma_wait3A_254 : memref<1x1x128xi32, #tpu.memory_space<vmem>> -> memref<128xi32, #tpu.memory_space<vmem>>
      %dma_wait3A_256 = arith.constant 0 : i32
      %dma_wait3A_257 = arith.constant 0 : i32
      %dma_wait3A_258 = tpu.memref_slice %arg7[%dma_wait3A_256, %dma_wait3A_257] : memref<10112x128xf32, #tpu.memory_space<vmem_shared>> -> memref<10112x128xf32, #tpu.memory_space<vmem_shared>>
      %dma_wait3A_259 = tpu.memref_slice %arg12[%dma_wait3A_248] : memref<2x!tpu.dma_semaphore, #tpu.memory_space<semaphore_mem>> -> memref<1x!tpu.dma_semaphore, #tpu.memory_space<semaphore_mem>>
      %dma_wait3A_260 = tpu.memref_squeeze %dma_wait3A_259 : memref<1x!tpu.dma_semaphore, #tpu.memory_space<semaphore_mem>> -> memref<!tpu.dma_semaphore, #tpu.memory_space<semaphore_mem>>
      tpu.wait_indirect_dma semaphore(%dma_wait3A_260 : memref<!tpu.dma_semaphore, #tpu.memory_space<semaphore_mem>>) src(%dma_wait3A_252 : memref<128x128xf32, #tpu.memory_space<vmem>>) dst(%dma_wait3A_258 : memref<10112x128xf32, #tpu.memory_space<vmem_shared>>)
      %add3A_261 = arith.constant 2 : i32
      %add3A_262 = arith.addi %add3A_216, %add3A_261 : i32
      %lt3A_263 = arith.constant 80 : i32
      %lt3A_264 = arith.cmpi slt, %add3A_262, %lt3A_263 : i32
      %convert_element_type3A_265 = arith.extui %lt3A_264 : i1 to i32
      %cond3A_266 = arith.constant 0 : i32
      %cond3A_267 = arith.cmpi ne, %convert_element_type3A_265, %cond3A_266 : i32
      scf.if %cond3A_267 {
        %add3A_550 = arith.constant 2 : i32
        %add3A_551 = arith.addi %add3A_216, %add3A_550 : i32
        %dma_start3A_552 = arith.constant 0 : i32
        %dma_start3A_553 = arith.constant 0 : i32
        %dma_start3A_554 = arith.constant 0 : i32
        %dma_start3A_555 = arith.constant 0 : i32
        %dma_start3A_556 = tpu.memref_slice %arg10[%dma_start3A_552, %dma_start3A_554, %dma_start3A_555] : memref<2x128x128xf32, #tpu.memory_space<vmem>> -> memref<1x128x128xf32, #tpu.memory_space<vmem>>
        %dma_start3A_557 = tpu.memref_squeeze %dma_start3A_556 : memref<1x128x128xf32, #tpu.memory_space<vmem>> -> memref<128x128xf32, #tpu.memory_space<vmem>>
        %dma_start3A_558 = arith.constant 0 : i32
        %dma_start3A_559 = tpu.memref_slice %arg8[%add3A_551, %dma_start3A_558] : memref<80x128xi32, #tpu.memory_space<vmem>> -> memref<1x128xi32, #tpu.memory_space<vmem>>
        %dma_start3A_560 = tpu.memref_squeeze %dma_start3A_559 : memref<1x128xi32, #tpu.memory_space<vmem>> -> memref<128xi32, #tpu.memory_space<vmem>>
        %dma_start3A_561 = arith.constant 0 : i32
        %dma_start3A_562 = arith.constant 0 : i32
        %dma_start3A_563 = tpu.memref_slice %arg2[%dma_start3A_561, %dma_start3A_562] : memref<10000x128xf32, #tpu.memory_space<hbm>> -> memref<10000x128xf32, #tpu.memory_space<hbm>>
        %dma_start3A_564 = tpu.memref_slice %arg11[%dma_start3A_553] : memref<2x!tpu.dma_semaphore, #tpu.memory_space<semaphore_mem>> -> memref<1x!tpu.dma_semaphore, #tpu.memory_space<semaphore_mem>>
        %dma_start3A_565 = tpu.memref_squeeze %dma_start3A_564 : memref<1x!tpu.dma_semaphore, #tpu.memory_space<semaphore_mem>> -> memref<!tpu.dma_semaphore, #tpu.memory_space<semaphore_mem>>
        tpu.enqueue_indirect_dma source(%dma_start3A_563 : memref<10000x128xf32, #tpu.memory_space<hbm>>) target(%dma_start3A_557 : memref<128x128xf32, #tpu.memory_space<vmem>>) offsets(%dma_start3A_560 : memref<128xi32, #tpu.memory_space<vmem>>) semaphore(%dma_start3A_565 : memref<!tpu.dma_semaphore, #tpu.memory_space<semaphore_mem>>)
      } else {
      }
      %mul3A_268 = arith.constant 8 : i32
      %mul3A_269 = arith.muli %add3A_87, %mul3A_268 : i32
      %add3A_270 = arith.constant 3 : i32
      %add3A_271 = arith.addi %mul3A_269, %add3A_270 : i32
      %dma_wait3A_272 = arith.constant 1 : i32
      %dma_wait3A_273 = arith.constant 1 : i32
      %dma_wait3A_274 = arith.constant 0 : i32
      %dma_wait3A_275 = arith.constant 0 : i32
      %dma_wait3A_276 = tpu.memref_slice %arg10[%dma_wait3A_272, %dma_wait3A_274, %dma_wait3A_275] : memref<2x128x128xf32, #tpu.memory_space<vmem>> -> memref<1x128x128xf32, #tpu.memory_space<vmem>>
      %dma_wait3A_277 = tpu.memref_squeeze %dma_wait3A_276 : memref<1x128x128xf32, #tpu.memory_space<vmem>> -> memref<128x128xf32, #tpu.memory_space<vmem>>
      %dma_wait3A_278 = arith.constant 0 : i32
      %dma_wait3A_279 = tpu.memref_slice %arg8[%add3A_271, %dma_wait3A_278] : memref<80x128xi32, #tpu.memory_space<vmem>> -> memref<1x128xi32, #tpu.memory_space<vmem>>
      %dma_wait3A_280 = tpu.memref_squeeze %dma_wait3A_279 : memref<1x128xi32, #tpu.memory_space<vmem>> -> memref<128xi32, #tpu.memory_space<vmem>>
      %dma_wait3A_281 = arith.constant 0 : i32
      %dma_wait3A_282 = arith.constant 0 : i32
      %dma_wait3A_283 = tpu.memref_slice %arg2[%dma_wait3A_281, %dma_wait3A_282] : memref<10000x128xf32, #tpu.memory_space<hbm>> -> memref<10000x128xf32, #tpu.memory_space<hbm>>
      %dma_wait3A_284 = tpu.memref_slice %arg11[%dma_wait3A_273] : memref<2x!tpu.dma_semaphore, #tpu.memory_space<semaphore_mem>> -> memref<1x!tpu.dma_semaphore, #tpu.memory_space<semaphore_mem>>
      %dma_wait3A_285 = tpu.memref_squeeze %dma_wait3A_284 : memref<1x!tpu.dma_semaphore, #tpu.memory_space<semaphore_mem>> -> memref<!tpu.dma_semaphore, #tpu.memory_space<semaphore_mem>>
      tpu.wait_indirect_dma semaphore(%dma_wait3A_285 : memref<!tpu.dma_semaphore, #tpu.memory_space<semaphore_mem>>) src(%dma_wait3A_283 : memref<10000x128xf32, #tpu.memory_space<hbm>>) dst(%dma_wait3A_277 : memref<128x128xf32, #tpu.memory_space<vmem>>)
      %dma_start3A_286 = arith.constant 1 : i32
      %dma_start3A_287 = arith.constant 3 : i32
      %dma_start3A_288 = arith.constant 1 : i32
      %dma_start3A_289 = arith.constant 0 : i32
      %dma_start3A_290 = arith.constant 0 : i32
      %dma_start3A_291 = tpu.memref_slice %arg10[%dma_start3A_286, %dma_start3A_289, %dma_start3A_290] : memref<2x128x128xf32, #tpu.memory_space<vmem>> -> memref<1x128x128xf32, #tpu.memory_space<vmem>>
      %dma_start3A_292 = tpu.memref_squeeze %dma_start3A_291 : memref<1x128x128xf32, #tpu.memory_space<vmem>> -> memref<128x128xf32, #tpu.memory_space<vmem>>
      %dma_start3A_293 = arith.constant 0 : i32
      %dma_start3A_294 = tpu.memref_slice %arg9[%rem3A_88, %dma_start3A_287, %dma_start3A_293] : memref<2x8x128xi32, #tpu.memory_space<vmem>> -> memref<1x1x128xi32, #tpu.memory_space<vmem>>
      %dma_start3A_295 = tpu.memref_squeeze %dma_start3A_294 : memref<1x1x128xi32, #tpu.memory_space<vmem>> -> memref<128xi32, #tpu.memory_space<vmem>>
      %dma_start3A_296 = arith.constant 0 : i32
      %dma_start3A_297 = arith.constant 0 : i32
      %dma_start3A_298 = tpu.memref_slice %arg7[%dma_start3A_296, %dma_start3A_297] : memref<10112x128xf32, #tpu.memory_space<vmem_shared>> -> memref<10112x128xf32, #tpu.memory_space<vmem_shared>>
      %dma_start3A_299 = tpu.memref_slice %arg12[%dma_start3A_288] : memref<2x!tpu.dma_semaphore, #tpu.memory_space<semaphore_mem>> -> memref<1x!tpu.dma_semaphore, #tpu.memory_space<semaphore_mem>>
      %dma_start3A_300 = tpu.memref_squeeze %dma_start3A_299 : memref<1x!tpu.dma_semaphore, #tpu.memory_space<semaphore_mem>> -> memref<!tpu.dma_semaphore, #tpu.memory_space<semaphore_mem>>
      tpu.enqueue_indirect_dma source(%dma_start3A_292 : memref<128x128xf32, #tpu.memory_space<vmem>>) target(%dma_start3A_298 : memref<10112x128xf32, #tpu.memory_space<vmem_shared>>) offsets(%dma_start3A_295 : memref<128xi32, #tpu.memory_space<vmem>>) semaphore(%dma_start3A_300 : memref<!tpu.dma_semaphore, #tpu.memory_space<semaphore_mem>>) {add = true}
      %dma_wait3A_301 = arith.constant 1 : i32
      %dma_wait3A_302 = arith.constant 3 : i32
      %dma_wait3A_303 = arith.constant 1 : i32
      %dma_wait3A_304 = arith.constant 0 : i32
      %dma_wait3A_305 = arith.constant 0 : i32
      %dma_wait3A_306 = tpu.memref_slice %arg10[%dma_wait3A_301, %dma_wait3A_304, %dma_wait3A_305] : memref<2x128x128xf32, #tpu.memory_space<vmem>> -> memref<1x128x128xf32, #tpu.memory_space<vmem>>
      %dma_wait3A_307 = tpu.memref_squeeze %dma_wait3A_306 : memref<1x128x128xf32, #tpu.memory_space<vmem>> -> memref<128x128xf32, #tpu.memory_space<vmem>>
      %dma_wait3A_308 = arith.constant 0 : i32
      %dma_wait3A_309 = tpu.memref_slice %arg9[%rem3A_88, %dma_wait3A_302, %dma_wait3A_308] : memref<2x8x128xi32, #tpu.memory_space<vmem>> -> memref<1x1x128xi32, #tpu.memory_space<vmem>>
      %dma_wait3A_310 = tpu.memref_squeeze %dma_wait3A_309 : memref<1x1x128xi32, #tpu.memory_space<vmem>> -> memref<128xi32, #tpu.memory_space<vmem>>
      %dma_wait3A_311 = arith.constant 0 : i32
      %dma_wait3A_312 = arith.constant 0 : i32
      %dma_wait3A_313 = tpu.memref_slice %arg7[%dma_wait3A_311, %dma_wait3A_312] : memref<10112x128xf32, #tpu.memory_space<vmem_shared>> -> memref<10112x128xf32, #tpu.memory_space<vmem_shared>>
      %dma_wait3A_314 = tpu.memref_slice %arg12[%dma_wait3A_303] : memref<2x!tpu.dma_semaphore, #tpu.memory_space<semaphore_mem>> -> memref<1x!tpu.dma_semaphore, #tpu.memory_space<semaphore_mem>>
      %dma_wait3A_315 = tpu.memref_squeeze %dma_wait3A_314 : memref<1x!tpu.dma_semaphore, #tpu.memory_space<semaphore_mem>> -> memref<!tpu.dma_semaphore, #tpu.memory_space<semaphore_mem>>
      tpu.wait_indirect_dma semaphore(%dma_wait3A_315 : memref<!tpu.dma_semaphore, #tpu.memory_space<semaphore_mem>>) src(%dma_wait3A_307 : memref<128x128xf32, #tpu.memory_space<vmem>>) dst(%dma_wait3A_313 : memref<10112x128xf32, #tpu.memory_space<vmem_shared>>)
      %add3A_316 = arith.constant 2 : i32
      %add3A_317 = arith.addi %add3A_271, %add3A_316 : i32
      %lt3A_318 = arith.constant 80 : i32
      %lt3A_319 = arith.cmpi slt, %add3A_317, %lt3A_318 : i32
      %convert_element_type3A_320 = arith.extui %lt3A_319 : i1 to i32
      %cond3A_321 = arith.constant 0 : i32
      %cond3A_322 = arith.cmpi ne, %convert_element_type3A_320, %cond3A_321 : i32
      scf.if %cond3A_322 {
        %add3A_550 = arith.constant 2 : i32
        %add3A_551 = arith.addi %add3A_271, %add3A_550 : i32
        %dma_start3A_552 = arith.constant 1 : i32
        %dma_start3A_553 = arith.constant 1 : i32
        %dma_start3A_554 = arith.constant 0 : i32
        %dma_start3A_555 = arith.constant 0 : i32
        %dma_start3A_556 = tpu.memref_slice %arg10[%dma_start3A_552, %dma_start3A_554, %dma_start3A_555] : memref<2x128x128xf32, #tpu.memory_space<vmem>> -> memref<1x128x128xf32, #tpu.memory_space<vmem>>
        %dma_start3A_557 = tpu.memref_squeeze %dma_start3A_556 : memref<1x128x128xf32, #tpu.memory_space<vmem>> -> memref<128x128xf32, #tpu.memory_space<vmem>>
        %dma_start3A_558 = arith.constant 0 : i32
        %dma_start3A_559 = tpu.memref_slice %arg8[%add3A_551, %dma_start3A_558] : memref<80x128xi32, #tpu.memory_space<vmem>> -> memref<1x128xi32, #tpu.memory_space<vmem>>
        %dma_start3A_560 = tpu.memref_squeeze %dma_start3A_559 : memref<1x128xi32, #tpu.memory_space<vmem>> -> memref<128xi32, #tpu.memory_space<vmem>>
        %dma_start3A_561 = arith.constant 0 : i32
        %dma_start3A_562 = arith.constant 0 : i32
        %dma_start3A_563 = tpu.memref_slice %arg2[%dma_start3A_561, %dma_start3A_562] : memref<10000x128xf32, #tpu.memory_space<hbm>> -> memref<10000x128xf32, #tpu.memory_space<hbm>>
        %dma_start3A_564 = tpu.memref_slice %arg11[%dma_start3A_553] : memref<2x!tpu.dma_semaphore, #tpu.memory_space<semaphore_mem>> -> memref<1x!tpu.dma_semaphore, #tpu.memory_space<semaphore_mem>>
        %dma_start3A_565 = tpu.memref_squeeze %dma_start3A_564 : memref<1x!tpu.dma_semaphore, #tpu.memory_space<semaphore_mem>> -> memref<!tpu.dma_semaphore, #tpu.memory_space<semaphore_mem>>
        tpu.enqueue_indirect_dma source(%dma_start3A_563 : memref<10000x128xf32, #tpu.memory_space<hbm>>) target(%dma_start3A_557 : memref<128x128xf32, #tpu.memory_space<vmem>>) offsets(%dma_start3A_560 : memref<128xi32, #tpu.memory_space<vmem>>) semaphore(%dma_start3A_565 : memref<!tpu.dma_semaphore, #tpu.memory_space<semaphore_mem>>)
      } else {
      }
      %mul3A_323 = arith.constant 8 : i32
      %mul3A_324 = arith.muli %add3A_87, %mul3A_323 : i32
      %add3A_325 = arith.constant 4 : i32
      %add3A_326 = arith.addi %mul3A_324, %add3A_325 : i32
      %dma_wait3A_327 = arith.constant 0 : i32
      %dma_wait3A_328 = arith.constant 0 : i32
      %dma_wait3A_329 = arith.constant 0 : i32
      %dma_wait3A_330 = arith.constant 0 : i32
      %dma_wait3A_331 = tpu.memref_slice %arg10[%dma_wait3A_327, %dma_wait3A_329, %dma_wait3A_330] : memref<2x128x128xf32, #tpu.memory_space<vmem>> -> memref<1x128x128xf32, #tpu.memory_space<vmem>>
      %dma_wait3A_332 = tpu.memref_squeeze %dma_wait3A_331 : memref<1x128x128xf32, #tpu.memory_space<vmem>> -> memref<128x128xf32, #tpu.memory_space<vmem>>
      %dma_wait3A_333 = arith.constant 0 : i32
      %dma_wait3A_334 = tpu.memref_slice %arg8[%add3A_326, %dma_wait3A_333] : memref<80x128xi32, #tpu.memory_space<vmem>> -> memref<1x128xi32, #tpu.memory_space<vmem>>
      %dma_wait3A_335 = tpu.memref_squeeze %dma_wait3A_334 : memref<1x128xi32, #tpu.memory_space<vmem>> -> memref<128xi32, #tpu.memory_space<vmem>>
      %dma_wait3A_336 = arith.constant 0 : i32
      %dma_wait3A_337 = arith.constant 0 : i32
      %dma_wait3A_338 = tpu.memref_slice %arg2[%dma_wait3A_336, %dma_wait3A_337] : memref<10000x128xf32, #tpu.memory_space<hbm>> -> memref<10000x128xf32, #tpu.memory_space<hbm>>
      %dma_wait3A_339 = tpu.memref_slice %arg11[%dma_wait3A_328] : memref<2x!tpu.dma_semaphore, #tpu.memory_space<semaphore_mem>> -> memref<1x!tpu.dma_semaphore, #tpu.memory_space<semaphore_mem>>
      %dma_wait3A_340 = tpu.memref_squeeze %dma_wait3A_339 : memref<1x!tpu.dma_semaphore, #tpu.memory_space<semaphore_mem>> -> memref<!tpu.dma_semaphore, #tpu.memory_space<semaphore_mem>>
      tpu.wait_indirect_dma semaphore(%dma_wait3A_340 : memref<!tpu.dma_semaphore, #tpu.memory_space<semaphore_mem>>) src(%dma_wait3A_338 : memref<10000x128xf32, #tpu.memory_space<hbm>>) dst(%dma_wait3A_332 : memref<128x128xf32, #tpu.memory_space<vmem>>)
      %dma_start3A_341 = arith.constant 0 : i32
      %dma_start3A_342 = arith.constant 4 : i32
      %dma_start3A_343 = arith.constant 0 : i32
      %dma_start3A_344 = arith.constant 0 : i32
      %dma_start3A_345 = arith.constant 0 : i32
      %dma_start3A_346 = tpu.memref_slice %arg10[%dma_start3A_341, %dma_start3A_344, %dma_start3A_345] : memref<2x128x128xf32, #tpu.memory_space<vmem>> -> memref<1x128x128xf32, #tpu.memory_space<vmem>>
      %dma_start3A_347 = tpu.memref_squeeze %dma_start3A_346 : memref<1x128x128xf32, #tpu.memory_space<vmem>> -> memref<128x128xf32, #tpu.memory_space<vmem>>
      %dma_start3A_348 = arith.constant 0 : i32
      %dma_start3A_349 = tpu.memref_slice %arg9[%rem3A_88, %dma_start3A_342, %dma_start3A_348] : memref<2x8x128xi32, #tpu.memory_space<vmem>> -> memref<1x1x128xi32, #tpu.memory_space<vmem>>
      %dma_start3A_350 = tpu.memref_squeeze %dma_start3A_349 : memref<1x1x128xi32, #tpu.memory_space<vmem>> -> memref<128xi32, #tpu.memory_space<vmem>>
      %dma_start3A_351 = arith.constant 0 : i32
      %dma_start3A_352 = arith.constant 0 : i32
      %dma_start3A_353 = tpu.memref_slice %arg7[%dma_start3A_351, %dma_start3A_352] : memref<10112x128xf32, #tpu.memory_space<vmem_shared>> -> memref<10112x128xf32, #tpu.memory_space<vmem_shared>>
      %dma_start3A_354 = tpu.memref_slice %arg12[%dma_start3A_343] : memref<2x!tpu.dma_semaphore, #tpu.memory_space<semaphore_mem>> -> memref<1x!tpu.dma_semaphore, #tpu.memory_space<semaphore_mem>>
      %dma_start3A_355 = tpu.memref_squeeze %dma_start3A_354 : memref<1x!tpu.dma_semaphore, #tpu.memory_space<semaphore_mem>> -> memref<!tpu.dma_semaphore, #tpu.memory_space<semaphore_mem>>
      tpu.enqueue_indirect_dma source(%dma_start3A_347 : memref<128x128xf32, #tpu.memory_space<vmem>>) target(%dma_start3A_353 : memref<10112x128xf32, #tpu.memory_space<vmem_shared>>) offsets(%dma_start3A_350 : memref<128xi32, #tpu.memory_space<vmem>>) semaphore(%dma_start3A_355 : memref<!tpu.dma_semaphore, #tpu.memory_space<semaphore_mem>>) {add = true}
      %dma_wait3A_356 = arith.constant 0 : i32
      %dma_wait3A_357 = arith.constant 4 : i32
      %dma_wait3A_358 = arith.constant 0 : i32
      %dma_wait3A_359 = arith.constant 0 : i32
      %dma_wait3A_360 = arith.constant 0 : i32
      %dma_wait3A_361 = tpu.memref_slice %arg10[%dma_wait3A_356, %dma_wait3A_359, %dma_wait3A_360] : memref<2x128x128xf32, #tpu.memory_space<vmem>> -> memref<1x128x128xf32, #tpu.memory_space<vmem>>
      %dma_wait3A_362 = tpu.memref_squeeze %dma_wait3A_361 : memref<1x128x128xf32, #tpu.memory_space<vmem>> -> memref<128x128xf32, #tpu.memory_space<vmem>>
      %dma_wait3A_363 = arith.constant 0 : i32
      %dma_wait3A_364 = tpu.memref_slice %arg9[%rem3A_88, %dma_wait3A_357, %dma_wait3A_363] : memref<2x8x128xi32, #tpu.memory_space<vmem>> -> memref<1x1x128xi32, #tpu.memory_space<vmem>>
      %dma_wait3A_365 = tpu.memref_squeeze %dma_wait3A_364 : memref<1x1x128xi32, #tpu.memory_space<vmem>> -> memref<128xi32, #tpu.memory_space<vmem>>
      %dma_wait3A_366 = arith.constant 0 : i32
      %dma_wait3A_367 = arith.constant 0 : i32
      %dma_wait3A_368 = tpu.memref_slice %arg7[%dma_wait3A_366, %dma_wait3A_367] : memref<10112x128xf32, #tpu.memory_space<vmem_shared>> -> memref<10112x128xf32, #tpu.memory_space<vmem_shared>>
      %dma_wait3A_369 = tpu.memref_slice %arg12[%dma_wait3A_358] : memref<2x!tpu.dma_semaphore, #tpu.memory_space<semaphore_mem>> -> memref<1x!tpu.dma_semaphore, #tpu.memory_space<semaphore_mem>>
      %dma_wait3A_370 = tpu.memref_squeeze %dma_wait3A_369 : memref<1x!tpu.dma_semaphore, #tpu.memory_space<semaphore_mem>> -> memref<!tpu.dma_semaphore, #tpu.memory_space<semaphore_mem>>
      tpu.wait_indirect_dma semaphore(%dma_wait3A_370 : memref<!tpu.dma_semaphore, #tpu.memory_space<semaphore_mem>>) src(%dma_wait3A_362 : memref<128x128xf32, #tpu.memory_space<vmem>>) dst(%dma_wait3A_368 : memref<10112x128xf32, #tpu.memory_space<vmem_shared>>)
      %add3A_371 = arith.constant 2 : i32
      %add3A_372 = arith.addi %add3A_326, %add3A_371 : i32
      %lt3A_373 = arith.constant 80 : i32
      %lt3A_374 = arith.cmpi slt, %add3A_372, %lt3A_373 : i32
      %convert_element_type3A_375 = arith.extui %lt3A_374 : i1 to i32
      %cond3A_376 = arith.constant 0 : i32
      %cond3A_377 = arith.cmpi ne, %convert_element_type3A_375, %cond3A_376 : i32
      scf.if %cond3A_377 {
        %add3A_550 = arith.constant 2 : i32
        %add3A_551 = arith.addi %add3A_326, %add3A_550 : i32
        %dma_start3A_552 = arith.constant 0 : i32
        %dma_start3A_553 = arith.constant 0 : i32
        %dma_start3A_554 = arith.constant 0 : i32
        %dma_start3A_555 = arith.constant 0 : i32
        %dma_start3A_556 = tpu.memref_slice %arg10[%dma_start3A_552, %dma_start3A_554, %dma_start3A_555] : memref<2x128x128xf32, #tpu.memory_space<vmem>> -> memref<1x128x128xf32, #tpu.memory_space<vmem>>
        %dma_start3A_557 = tpu.memref_squeeze %dma_start3A_556 : memref<1x128x128xf32, #tpu.memory_space<vmem>> -> memref<128x128xf32, #tpu.memory_space<vmem>>
        %dma_start3A_558 = arith.constant 0 : i32
        %dma_start3A_559 = tpu.memref_slice %arg8[%add3A_551, %dma_start3A_558] : memref<80x128xi32, #tpu.memory_space<vmem>> -> memref<1x128xi32, #tpu.memory_space<vmem>>
        %dma_start3A_560 = tpu.memref_squeeze %dma_start3A_559 : memref<1x128xi32, #tpu.memory_space<vmem>> -> memref<128xi32, #tpu.memory_space<vmem>>
        %dma_start3A_561 = arith.constant 0 : i32
        %dma_start3A_562 = arith.constant 0 : i32
        %dma_start3A_563 = tpu.memref_slice %arg2[%dma_start3A_561, %dma_start3A_562] : memref<10000x128xf32, #tpu.memory_space<hbm>> -> memref<10000x128xf32, #tpu.memory_space<hbm>>
        %dma_start3A_564 = tpu.memref_slice %arg11[%dma_start3A_553] : memref<2x!tpu.dma_semaphore, #tpu.memory_space<semaphore_mem>> -> memref<1x!tpu.dma_semaphore, #tpu.memory_space<semaphore_mem>>
        %dma_start3A_565 = tpu.memref_squeeze %dma_start3A_564 : memref<1x!tpu.dma_semaphore, #tpu.memory_space<semaphore_mem>> -> memref<!tpu.dma_semaphore, #tpu.memory_space<semaphore_mem>>
        tpu.enqueue_indirect_dma source(%dma_start3A_563 : memref<10000x128xf32, #tpu.memory_space<hbm>>) target(%dma_start3A_557 : memref<128x128xf32, #tpu.memory_space<vmem>>) offsets(%dma_start3A_560 : memref<128xi32, #tpu.memory_space<vmem>>) semaphore(%dma_start3A_565 : memref<!tpu.dma_semaphore, #tpu.memory_space<semaphore_mem>>)
      } else {
      }
      %mul3A_378 = arith.constant 8 : i32
      %mul3A_379 = arith.muli %add3A_87, %mul3A_378 : i32
      %add3A_380 = arith.constant 5 : i32
      %add3A_381 = arith.addi %mul3A_379, %add3A_380 : i32
      %dma_wait3A_382 = arith.constant 1 : i32
      %dma_wait3A_383 = arith.constant 1 : i32
      %dma_wait3A_384 = arith.constant 0 : i32
      %dma_wait3A_385 = arith.constant 0 : i32
      %dma_wait3A_386 = tpu.memref_slice %arg10[%dma_wait3A_382, %dma_wait3A_384, %dma_wait3A_385] : memref<2x128x128xf32, #tpu.memory_space<vmem>> -> memref<1x128x128xf32, #tpu.memory_space<vmem>>
      %dma_wait3A_387 = tpu.memref_squeeze %dma_wait3A_386 : memref<1x128x128xf32, #tpu.memory_space<vmem>> -> memref<128x128xf32, #tpu.memory_space<vmem>>
      %dma_wait3A_388 = arith.constant 0 : i32
      %dma_wait3A_389 = tpu.memref_slice %arg8[%add3A_381, %dma_wait3A_388] : memref<80x128xi32, #tpu.memory_space<vmem>> -> memref<1x128xi32, #tpu.memory_space<vmem>>
      %dma_wait3A_390 = tpu.memref_squeeze %dma_wait3A_389 : memref<1x128xi32, #tpu.memory_space<vmem>> -> memref<128xi32, #tpu.memory_space<vmem>>
      %dma_wait3A_391 = arith.constant 0 : i32
      %dma_wait3A_392 = arith.constant 0 : i32
      %dma_wait3A_393 = tpu.memref_slice %arg2[%dma_wait3A_391, %dma_wait3A_392] : memref<10000x128xf32, #tpu.memory_space<hbm>> -> memref<10000x128xf32, #tpu.memory_space<hbm>>
      %dma_wait3A_394 = tpu.memref_slice %arg11[%dma_wait3A_383] : memref<2x!tpu.dma_semaphore, #tpu.memory_space<semaphore_mem>> -> memref<1x!tpu.dma_semaphore, #tpu.memory_space<semaphore_mem>>
      %dma_wait3A_395 = tpu.memref_squeeze %dma_wait3A_394 : memref<1x!tpu.dma_semaphore, #tpu.memory_space<semaphore_mem>> -> memref<!tpu.dma_semaphore, #tpu.memory_space<semaphore_mem>>
      tpu.wait_indirect_dma semaphore(%dma_wait3A_395 : memref<!tpu.dma_semaphore, #tpu.memory_space<semaphore_mem>>) src(%dma_wait3A_393 : memref<10000x128xf32, #tpu.memory_space<hbm>>) dst(%dma_wait3A_387 : memref<128x128xf32, #tpu.memory_space<vmem>>)
      %dma_start3A_396 = arith.constant 1 : i32
      %dma_start3A_397 = arith.constant 5 : i32
      %dma_start3A_398 = arith.constant 1 : i32
      %dma_start3A_399 = arith.constant 0 : i32
      %dma_start3A_400 = arith.constant 0 : i32
      %dma_start3A_401 = tpu.memref_slice %arg10[%dma_start3A_396, %dma_start3A_399, %dma_start3A_400] : memref<2x128x128xf32, #tpu.memory_space<vmem>> -> memref<1x128x128xf32, #tpu.memory_space<vmem>>
      %dma_start3A_402 = tpu.memref_squeeze %dma_start3A_401 : memref<1x128x128xf32, #tpu.memory_space<vmem>> -> memref<128x128xf32, #tpu.memory_space<vmem>>
      %dma_start3A_403 = arith.constant 0 : i32
      %dma_start3A_404 = tpu.memref_slice %arg9[%rem3A_88, %dma_start3A_397, %dma_start3A_403] : memref<2x8x128xi32, #tpu.memory_space<vmem>> -> memref<1x1x128xi32, #tpu.memory_space<vmem>>
      %dma_start3A_405 = tpu.memref_squeeze %dma_start3A_404 : memref<1x1x128xi32, #tpu.memory_space<vmem>> -> memref<128xi32, #tpu.memory_space<vmem>>
      %dma_start3A_406 = arith.constant 0 : i32
      %dma_start3A_407 = arith.constant 0 : i32
      %dma_start3A_408 = tpu.memref_slice %arg7[%dma_start3A_406, %dma_start3A_407] : memref<10112x128xf32, #tpu.memory_space<vmem_shared>> -> memref<10112x128xf32, #tpu.memory_space<vmem_shared>>
      %dma_start3A_409 = tpu.memref_slice %arg12[%dma_start3A_398] : memref<2x!tpu.dma_semaphore, #tpu.memory_space<semaphore_mem>> -> memref<1x!tpu.dma_semaphore, #tpu.memory_space<semaphore_mem>>
      %dma_start3A_410 = tpu.memref_squeeze %dma_start3A_409 : memref<1x!tpu.dma_semaphore, #tpu.memory_space<semaphore_mem>> -> memref<!tpu.dma_semaphore, #tpu.memory_space<semaphore_mem>>
      tpu.enqueue_indirect_dma source(%dma_start3A_402 : memref<128x128xf32, #tpu.memory_space<vmem>>) target(%dma_start3A_408 : memref<10112x128xf32, #tpu.memory_space<vmem_shared>>) offsets(%dma_start3A_405 : memref<128xi32, #tpu.memory_space<vmem>>) semaphore(%dma_start3A_410 : memref<!tpu.dma_semaphore, #tpu.memory_space<semaphore_mem>>) {add = true}
      %dma_wait3A_411 = arith.constant 1 : i32
      %dma_wait3A_412 = arith.constant 5 : i32
      %dma_wait3A_413 = arith.constant 1 : i32
      %dma_wait3A_414 = arith.constant 0 : i32
      %dma_wait3A_415 = arith.constant 0 : i32
      %dma_wait3A_416 = tpu.memref_slice %arg10[%dma_wait3A_411, %dma_wait3A_414, %dma_wait3A_415] : memref<2x128x128xf32, #tpu.memory_space<vmem>> -> memref<1x128x128xf32, #tpu.memory_space<vmem>>
      %dma_wait3A_417 = tpu.memref_squeeze %dma_wait3A_416 : memref<1x128x128xf32, #tpu.memory_space<vmem>> -> memref<128x128xf32, #tpu.memory_space<vmem>>
      %dma_wait3A_418 = arith.constant 0 : i32
      %dma_wait3A_419 = tpu.memref_slice %arg9[%rem3A_88, %dma_wait3A_412, %dma_wait3A_418] : memref<2x8x128xi32, #tpu.memory_space<vmem>> -> memref<1x1x128xi32, #tpu.memory_space<vmem>>
      %dma_wait3A_420 = tpu.memref_squeeze %dma_wait3A_419 : memref<1x1x128xi32, #tpu.memory_space<vmem>> -> memref<128xi32, #tpu.memory_space<vmem>>
      %dma_wait3A_421 = arith.constant 0 : i32
      %dma_wait3A_422 = arith.constant 0 : i32
      %dma_wait3A_423 = tpu.memref_slice %arg7[%dma_wait3A_421, %dma_wait3A_422] : memref<10112x128xf32, #tpu.memory_space<vmem_shared>> -> memref<10112x128xf32, #tpu.memory_space<vmem_shared>>
      %dma_wait3A_424 = tpu.memref_slice %arg12[%dma_wait3A_413] : memref<2x!tpu.dma_semaphore, #tpu.memory_space<semaphore_mem>> -> memref<1x!tpu.dma_semaphore, #tpu.memory_space<semaphore_mem>>
      %dma_wait3A_425 = tpu.memref_squeeze %dma_wait3A_424 : memref<1x!tpu.dma_semaphore, #tpu.memory_space<semaphore_mem>> -> memref<!tpu.dma_semaphore, #tpu.memory_space<semaphore_mem>>
      tpu.wait_indirect_dma semaphore(%dma_wait3A_425 : memref<!tpu.dma_semaphore, #tpu.memory_space<semaphore_mem>>) src(%dma_wait3A_417 : memref<128x128xf32, #tpu.memory_space<vmem>>) dst(%dma_wait3A_423 : memref<10112x128xf32, #tpu.memory_space<vmem_shared>>)
      %add3A_426 = arith.constant 2 : i32
      %add3A_427 = arith.addi %add3A_381, %add3A_426 : i32
      %lt3A_428 = arith.constant 80 : i32
      %lt3A_429 = arith.cmpi slt, %add3A_427, %lt3A_428 : i32
      %convert_element_type3A_430 = arith.extui %lt3A_429 : i1 to i32
      %cond3A_431 = arith.constant 0 : i32
      %cond3A_432 = arith.cmpi ne, %convert_element_type3A_430, %cond3A_431 : i32
      scf.if %cond3A_432 {
        %add3A_550 = arith.constant 2 : i32
        %add3A_551 = arith.addi %add3A_381, %add3A_550 : i32
        %dma_start3A_552 = arith.constant 1 : i32
        %dma_start3A_553 = arith.constant 1 : i32
        %dma_start3A_554 = arith.constant 0 : i32
        %dma_start3A_555 = arith.constant 0 : i32
        %dma_start3A_556 = tpu.memref_slice %arg10[%dma_start3A_552, %dma_start3A_554, %dma_start3A_555] : memref<2x128x128xf32, #tpu.memory_space<vmem>> -> memref<1x128x128xf32, #tpu.memory_space<vmem>>
        %dma_start3A_557 = tpu.memref_squeeze %dma_start3A_556 : memref<1x128x128xf32, #tpu.memory_space<vmem>> -> memref<128x128xf32, #tpu.memory_space<vmem>>
        %dma_start3A_558 = arith.constant 0 : i32
        %dma_start3A_559 = tpu.memref_slice %arg8[%add3A_551, %dma_start3A_558] : memref<80x128xi32, #tpu.memory_space<vmem>> -> memref<1x128xi32, #tpu.memory_space<vmem>>
        %dma_start3A_560 = tpu.memref_squeeze %dma_start3A_559 : memref<1x128xi32, #tpu.memory_space<vmem>> -> memref<128xi32, #tpu.memory_space<vmem>>
        %dma_start3A_561 = arith.constant 0 : i32
        %dma_start3A_562 = arith.constant 0 : i32
        %dma_start3A_563 = tpu.memref_slice %arg2[%dma_start3A_561, %dma_start3A_562] : memref<10000x128xf32, #tpu.memory_space<hbm>> -> memref<10000x128xf32, #tpu.memory_space<hbm>>
        %dma_start3A_564 = tpu.memref_slice %arg11[%dma_start3A_553] : memref<2x!tpu.dma_semaphore, #tpu.memory_space<semaphore_mem>> -> memref<1x!tpu.dma_semaphore, #tpu.memory_space<semaphore_mem>>
        %dma_start3A_565 = tpu.memref_squeeze %dma_start3A_564 : memref<1x!tpu.dma_semaphore, #tpu.memory_space<semaphore_mem>> -> memref<!tpu.dma_semaphore, #tpu.memory_space<semaphore_mem>>
        tpu.enqueue_indirect_dma source(%dma_start3A_563 : memref<10000x128xf32, #tpu.memory_space<hbm>>) target(%dma_start3A_557 : memref<128x128xf32, #tpu.memory_space<vmem>>) offsets(%dma_start3A_560 : memref<128xi32, #tpu.memory_space<vmem>>) semaphore(%dma_start3A_565 : memref<!tpu.dma_semaphore, #tpu.memory_space<semaphore_mem>>)
      } else {
      }
      %mul3A_433 = arith.constant 8 : i32
      %mul3A_434 = arith.muli %add3A_87, %mul3A_433 : i32
      %add3A_435 = arith.constant 6 : i32
      %add3A_436 = arith.addi %mul3A_434, %add3A_435 : i32
      %dma_wait3A_437 = arith.constant 0 : i32
      %dma_wait3A_438 = arith.constant 0 : i32
      %dma_wait3A_439 = arith.constant 0 : i32
      %dma_wait3A_440 = arith.constant 0 : i32
      %dma_wait3A_441 = tpu.memref_slice %arg10[%dma_wait3A_437, %dma_wait3A_439, %dma_wait3A_440] : memref<2x128x128xf32, #tpu.memory_space<vmem>> -> memref<1x128x128xf32, #tpu.memory_space<vmem>>
      %dma_wait3A_442 = tpu.memref_squeeze %dma_wait3A_441 : memref<1x128x128xf32, #tpu.memory_space<vmem>> -> memref<128x128xf32, #tpu.memory_space<vmem>>
      %dma_wait3A_443 = arith.constant 0 : i32
      %dma_wait3A_444 = tpu.memref_slice %arg8[%add3A_436, %dma_wait3A_443] : memref<80x128xi32, #tpu.memory_space<vmem>> -> memref<1x128xi32, #tpu.memory_space<vmem>>
      %dma_wait3A_445 = tpu.memref_squeeze %dma_wait3A_444 : memref<1x128xi32, #tpu.memory_space<vmem>> -> memref<128xi32, #tpu.memory_space<vmem>>
      %dma_wait3A_446 = arith.constant 0 : i32
      %dma_wait3A_447 = arith.constant 0 : i32
      %dma_wait3A_448 = tpu.memref_slice %arg2[%dma_wait3A_446, %dma_wait3A_447] : memref<10000x128xf32, #tpu.memory_space<hbm>> -> memref<10000x128xf32, #tpu.memory_space<hbm>>
      %dma_wait3A_449 = tpu.memref_slice %arg11[%dma_wait3A_438] : memref<2x!tpu.dma_semaphore, #tpu.memory_space<semaphore_mem>> -> memref<1x!tpu.dma_semaphore, #tpu.memory_space<semaphore_mem>>
      %dma_wait3A_450 = tpu.memref_squeeze %dma_wait3A_449 : memref<1x!tpu.dma_semaphore, #tpu.memory_space<semaphore_mem>> -> memref<!tpu.dma_semaphore, #tpu.memory_space<semaphore_mem>>
      tpu.wait_indirect_dma semaphore(%dma_wait3A_450 : memref<!tpu.dma_semaphore, #tpu.memory_space<semaphore_mem>>) src(%dma_wait3A_448 : memref<10000x128xf32, #tpu.memory_space<hbm>>) dst(%dma_wait3A_442 : memref<128x128xf32, #tpu.memory_space<vmem>>)
      %dma_start3A_451 = arith.constant 0 : i32
      %dma_start3A_452 = arith.constant 6 : i32
      %dma_start3A_453 = arith.constant 0 : i32
      %dma_start3A_454 = arith.constant 0 : i32
      %dma_start3A_455 = arith.constant 0 : i32
      %dma_start3A_456 = tpu.memref_slice %arg10[%dma_start3A_451, %dma_start3A_454, %dma_start3A_455] : memref<2x128x128xf32, #tpu.memory_space<vmem>> -> memref<1x128x128xf32, #tpu.memory_space<vmem>>
      %dma_start3A_457 = tpu.memref_squeeze %dma_start3A_456 : memref<1x128x128xf32, #tpu.memory_space<vmem>> -> memref<128x128xf32, #tpu.memory_space<vmem>>
      %dma_start3A_458 = arith.constant 0 : i32
      %dma_start3A_459 = tpu.memref_slice %arg9[%rem3A_88, %dma_start3A_452, %dma_start3A_458] : memref<2x8x128xi32, #tpu.memory_space<vmem>> -> memref<1x1x128xi32, #tpu.memory_space<vmem>>
      %dma_start3A_460 = tpu.memref_squeeze %dma_start3A_459 : memref<1x1x128xi32, #tpu.memory_space<vmem>> -> memref<128xi32, #tpu.memory_space<vmem>>
      %dma_start3A_461 = arith.constant 0 : i32
      %dma_start3A_462 = arith.constant 0 : i32
      %dma_start3A_463 = tpu.memref_slice %arg7[%dma_start3A_461, %dma_start3A_462] : memref<10112x128xf32, #tpu.memory_space<vmem_shared>> -> memref<10112x128xf32, #tpu.memory_space<vmem_shared>>
      %dma_start3A_464 = tpu.memref_slice %arg12[%dma_start3A_453] : memref<2x!tpu.dma_semaphore, #tpu.memory_space<semaphore_mem>> -> memref<1x!tpu.dma_semaphore, #tpu.memory_space<semaphore_mem>>
      %dma_start3A_465 = tpu.memref_squeeze %dma_start3A_464 : memref<1x!tpu.dma_semaphore, #tpu.memory_space<semaphore_mem>> -> memref<!tpu.dma_semaphore, #tpu.memory_space<semaphore_mem>>
      tpu.enqueue_indirect_dma source(%dma_start3A_457 : memref<128x128xf32, #tpu.memory_space<vmem>>) target(%dma_start3A_463 : memref<10112x128xf32, #tpu.memory_space<vmem_shared>>) offsets(%dma_start3A_460 : memref<128xi32, #tpu.memory_space<vmem>>) semaphore(%dma_start3A_465 : memref<!tpu.dma_semaphore, #tpu.memory_space<semaphore_mem>>) {add = true}
      %dma_wait3A_466 = arith.constant 0 : i32
      %dma_wait3A_467 = arith.constant 6 : i32
      %dma_wait3A_468 = arith.constant 0 : i32
      %dma_wait3A_469 = arith.constant 0 : i32
      %dma_wait3A_470 = arith.constant 0 : i32
      %dma_wait3A_471 = tpu.memref_slice %arg10[%dma_wait3A_466, %dma_wait3A_469, %dma_wait3A_470] : memref<2x128x128xf32, #tpu.memory_space<vmem>> -> memref<1x128x128xf32, #tpu.memory_space<vmem>>
      %dma_wait3A_472 = tpu.memref_squeeze %dma_wait3A_471 : memref<1x128x128xf32, #tpu.memory_space<vmem>> -> memref<128x128xf32, #tpu.memory_space<vmem>>
      %dma_wait3A_473 = arith.constant 0 : i32
      %dma_wait3A_474 = tpu.memref_slice %arg9[%rem3A_88, %dma_wait3A_467, %dma_wait3A_473] : memref<2x8x128xi32, #tpu.memory_space<vmem>> -> memref<1x1x128xi32, #tpu.memory_space<vmem>>
      %dma_wait3A_475 = tpu.memref_squeeze %dma_wait3A_474 : memref<1x1x128xi32, #tpu.memory_space<vmem>> -> memref<128xi32, #tpu.memory_space<vmem>>
      %dma_wait3A_476 = arith.constant 0 : i32
      %dma_wait3A_477 = arith.constant 0 : i32
      %dma_wait3A_478 = tpu.memref_slice %arg7[%dma_wait3A_476, %dma_wait3A_477] : memref<10112x128xf32, #tpu.memory_space<vmem_shared>> -> memref<10112x128xf32, #tpu.memory_space<vmem_shared>>
      %dma_wait3A_479 = tpu.memref_slice %arg12[%dma_wait3A_468] : memref<2x!tpu.dma_semaphore, #tpu.memory_space<semaphore_mem>> -> memref<1x!tpu.dma_semaphore, #tpu.memory_space<semaphore_mem>>
      %dma_wait3A_480 = tpu.memref_squeeze %dma_wait3A_479 : memref<1x!tpu.dma_semaphore, #tpu.memory_space<semaphore_mem>> -> memref<!tpu.dma_semaphore, #tpu.memory_space<semaphore_mem>>
      tpu.wait_indirect_dma semaphore(%dma_wait3A_480 : memref<!tpu.dma_semaphore, #tpu.memory_space<semaphore_mem>>) src(%dma_wait3A_472 : memref<128x128xf32, #tpu.memory_space<vmem>>) dst(%dma_wait3A_478 : memref<10112x128xf32, #tpu.memory_space<vmem_shared>>)
      %add3A_481 = arith.constant 2 : i32
      %add3A_482 = arith.addi %add3A_436, %add3A_481 : i32
      %lt3A_483 = arith.constant 80 : i32
      %lt3A_484 = arith.cmpi slt, %add3A_482, %lt3A_483 : i32
      %convert_element_type3A_485 = arith.extui %lt3A_484 : i1 to i32
      %cond3A_486 = arith.constant 0 : i32
      %cond3A_487 = arith.cmpi ne, %convert_element_type3A_485, %cond3A_486 : i32
      scf.if %cond3A_487 {
        %add3A_550 = arith.constant 2 : i32
        %add3A_551 = arith.addi %add3A_436, %add3A_550 : i32
        %dma_start3A_552 = arith.constant 0 : i32
        %dma_start3A_553 = arith.constant 0 : i32
        %dma_start3A_554 = arith.constant 0 : i32
        %dma_start3A_555 = arith.constant 0 : i32
        %dma_start3A_556 = tpu.memref_slice %arg10[%dma_start3A_552, %dma_start3A_554, %dma_start3A_555] : memref<2x128x128xf32, #tpu.memory_space<vmem>> -> memref<1x128x128xf32, #tpu.memory_space<vmem>>
        %dma_start3A_557 = tpu.memref_squeeze %dma_start3A_556 : memref<1x128x128xf32, #tpu.memory_space<vmem>> -> memref<128x128xf32, #tpu.memory_space<vmem>>
        %dma_start3A_558 = arith.constant 0 : i32
        %dma_start3A_559 = tpu.memref_slice %arg8[%add3A_551, %dma_start3A_558] : memref<80x128xi32, #tpu.memory_space<vmem>> -> memref<1x128xi32, #tpu.memory_space<vmem>>
        %dma_start3A_560 = tpu.memref_squeeze %dma_start3A_559 : memref<1x128xi32, #tpu.memory_space<vmem>> -> memref<128xi32, #tpu.memory_space<vmem>>
        %dma_start3A_561 = arith.constant 0 : i32
        %dma_start3A_562 = arith.constant 0 : i32
        %dma_start3A_563 = tpu.memref_slice %arg2[%dma_start3A_561, %dma_start3A_562] : memref<10000x128xf32, #tpu.memory_space<hbm>> -> memref<10000x128xf32, #tpu.memory_space<hbm>>
        %dma_start3A_564 = tpu.memref_slice %arg11[%dma_start3A_553] : memref<2x!tpu.dma_semaphore, #tpu.memory_space<semaphore_mem>> -> memref<1x!tpu.dma_semaphore, #tpu.memory_space<semaphore_mem>>
        %dma_start3A_565 = tpu.memref_squeeze %dma_start3A_564 : memref<1x!tpu.dma_semaphore, #tpu.memory_space<semaphore_mem>> -> memref<!tpu.dma_semaphore, #tpu.memory_space<semaphore_mem>>
        tpu.enqueue_indirect_dma source(%dma_start3A_563 : memref<10000x128xf32, #tpu.memory_space<hbm>>) target(%dma_start3A_557 : memref<128x128xf32, #tpu.memory_space<vmem>>) offsets(%dma_start3A_560 : memref<128xi32, #tpu.memory_space<vmem>>) semaphore(%dma_start3A_565 : memref<!tpu.dma_semaphore, #tpu.memory_space<semaphore_mem>>)
      } else {
      }
      %mul3A_488 = arith.constant 8 : i32
      %mul3A_489 = arith.muli %add3A_87, %mul3A_488 : i32
      %add3A_490 = arith.constant 7 : i32
      %add3A_491 = arith.addi %mul3A_489, %add3A_490 : i32
      %dma_wait3A_492 = arith.constant 1 : i32
      %dma_wait3A_493 = arith.constant 1 : i32
      %dma_wait3A_494 = arith.constant 0 : i32
      %dma_wait3A_495 = arith.constant 0 : i32
      %dma_wait3A_496 = tpu.memref_slice %arg10[%dma_wait3A_492, %dma_wait3A_494, %dma_wait3A_495] : memref<2x128x128xf32, #tpu.memory_space<vmem>> -> memref<1x128x128xf32, #tpu.memory_space<vmem>>
      %dma_wait3A_497 = tpu.memref_squeeze %dma_wait3A_496 : memref<1x128x128xf32, #tpu.memory_space<vmem>> -> memref<128x128xf32, #tpu.memory_space<vmem>>
      %dma_wait3A_498 = arith.constant 0 : i32
      %dma_wait3A_499 = tpu.memref_slice %arg8[%add3A_491, %dma_wait3A_498] : memref<80x128xi32, #tpu.memory_space<vmem>> -> memref<1x128xi32, #tpu.memory_space<vmem>>
      %dma_wait3A_500 = tpu.memref_squeeze %dma_wait3A_499 : memref<1x128xi32, #tpu.memory_space<vmem>> -> memref<128xi32, #tpu.memory_space<vmem>>
      %dma_wait3A_501 = arith.constant 0 : i32
      %dma_wait3A_502 = arith.constant 0 : i32
      %dma_wait3A_503 = tpu.memref_slice %arg2[%dma_wait3A_501, %dma_wait3A_502] : memref<10000x128xf32, #tpu.memory_space<hbm>> -> memref<10000x128xf32, #tpu.memory_space<hbm>>
      %dma_wait3A_504 = tpu.memref_slice %arg11[%dma_wait3A_493] : memref<2x!tpu.dma_semaphore, #tpu.memory_space<semaphore_mem>> -> memref<1x!tpu.dma_semaphore, #tpu.memory_space<semaphore_mem>>
      %dma_wait3A_505 = tpu.memref_squeeze %dma_wait3A_504 : memref<1x!tpu.dma_semaphore, #tpu.memory_space<semaphore_mem>> -> memref<!tpu.dma_semaphore, #tpu.memory_space<semaphore_mem>>
      tpu.wait_indirect_dma semaphore(%dma_wait3A_505 : memref<!tpu.dma_semaphore, #tpu.memory_space<semaphore_mem>>) src(%dma_wait3A_503 : memref<10000x128xf32, #tpu.memory_space<hbm>>) dst(%dma_wait3A_497 : memref<128x128xf32, #tpu.memory_space<vmem>>)
      %dma_start3A_506 = arith.constant 1 : i32
      %dma_start3A_507 = arith.constant 7 : i32
      %dma_start3A_508 = arith.constant 1 : i32
      %dma_start3A_509 = arith.constant 0 : i32
      %dma_start3A_510 = arith.constant 0 : i32
      %dma_start3A_511 = tpu.memref_slice %arg10[%dma_start3A_506, %dma_start3A_509, %dma_start3A_510] : memref<2x128x128xf32, #tpu.memory_space<vmem>> -> memref<1x128x128xf32, #tpu.memory_space<vmem>>
      %dma_start3A_512 = tpu.memref_squeeze %dma_start3A_511 : memref<1x128x128xf32, #tpu.memory_space<vmem>> -> memref<128x128xf32, #tpu.memory_space<vmem>>
      %dma_start3A_513 = arith.constant 0 : i32
      %dma_start3A_514 = tpu.memref_slice %arg9[%rem3A_88, %dma_start3A_507, %dma_start3A_513] : memref<2x8x128xi32, #tpu.memory_space<vmem>> -> memref<1x1x128xi32, #tpu.memory_space<vmem>>
      %dma_start3A_515 = tpu.memref_squeeze %dma_start3A_514 : memref<1x1x128xi32, #tpu.memory_space<vmem>> -> memref<128xi32, #tpu.memory_space<vmem>>
      %dma_start3A_516 = arith.constant 0 : i32
      %dma_start3A_517 = arith.constant 0 : i32
      %dma_start3A_518 = tpu.memref_slice %arg7[%dma_start3A_516, %dma_start3A_517] : memref<10112x128xf32, #tpu.memory_space<vmem_shared>> -> memref<10112x128xf32, #tpu.memory_space<vmem_shared>>
      %dma_start3A_519 = tpu.memref_slice %arg12[%dma_start3A_508] : memref<2x!tpu.dma_semaphore, #tpu.memory_space<semaphore_mem>> -> memref<1x!tpu.dma_semaphore, #tpu.memory_space<semaphore_mem>>
      %dma_start3A_520 = tpu.memref_squeeze %dma_start3A_519 : memref<1x!tpu.dma_semaphore, #tpu.memory_space<semaphore_mem>> -> memref<!tpu.dma_semaphore, #tpu.memory_space<semaphore_mem>>
      tpu.enqueue_indirect_dma source(%dma_start3A_512 : memref<128x128xf32, #tpu.memory_space<vmem>>) target(%dma_start3A_518 : memref<10112x128xf32, #tpu.memory_space<vmem_shared>>) offsets(%dma_start3A_515 : memref<128xi32, #tpu.memory_space<vmem>>) semaphore(%dma_start3A_520 : memref<!tpu.dma_semaphore, #tpu.memory_space<semaphore_mem>>) {add = true}
      %dma_wait3A_521 = arith.constant 1 : i32
      %dma_wait3A_522 = arith.constant 7 : i32
      %dma_wait3A_523 = arith.constant 1 : i32
      %dma_wait3A_524 = arith.constant 0 : i32
      %dma_wait3A_525 = arith.constant 0 : i32
      %dma_wait3A_526 = tpu.memref_slice %arg10[%dma_wait3A_521, %dma_wait3A_524, %dma_wait3A_525] : memref<2x128x128xf32, #tpu.memory_space<vmem>> -> memref<1x128x128xf32, #tpu.memory_space<vmem>>
      %dma_wait3A_527 = tpu.memref_squeeze %dma_wait3A_526 : memref<1x128x128xf32, #tpu.memory_space<vmem>> -> memref<128x128xf32, #tpu.memory_space<vmem>>
      %dma_wait3A_528 = arith.constant 0 : i32
      %dma_wait3A_529 = tpu.memref_slice %arg9[%rem3A_88, %dma_wait3A_522, %dma_wait3A_528] : memref<2x8x128xi32, #tpu.memory_space<vmem>> -> memref<1x1x128xi32, #tpu.memory_space<vmem>>
      %dma_wait3A_530 = tpu.memref_squeeze %dma_wait3A_529 : memref<1x1x128xi32, #tpu.memory_space<vmem>> -> memref<128xi32, #tpu.memory_space<vmem>>
      %dma_wait3A_531 = arith.constant 0 : i32
      %dma_wait3A_532 = arith.constant 0 : i32
      %dma_wait3A_533 = tpu.memref_slice %arg7[%dma_wait3A_531, %dma_wait3A_532] : memref<10112x128xf32, #tpu.memory_space<vmem_shared>> -> memref<10112x128xf32, #tpu.memory_space<vmem_shared>>
      %dma_wait3A_534 = tpu.memref_slice %arg12[%dma_wait3A_523] : memref<2x!tpu.dma_semaphore, #tpu.memory_space<semaphore_mem>> -> memref<1x!tpu.dma_semaphore, #tpu.memory_space<semaphore_mem>>
      %dma_wait3A_535 = tpu.memref_squeeze %dma_wait3A_534 : memref<1x!tpu.dma_semaphore, #tpu.memory_space<semaphore_mem>> -> memref<!tpu.dma_semaphore, #tpu.memory_space<semaphore_mem>>
      tpu.wait_indirect_dma semaphore(%dma_wait3A_535 : memref<!tpu.dma_semaphore, #tpu.memory_space<semaphore_mem>>) src(%dma_wait3A_527 : memref<128x128xf32, #tpu.memory_space<vmem>>) dst(%dma_wait3A_533 : memref<10112x128xf32, #tpu.memory_space<vmem_shared>>)
      %add3A_536 = arith.constant 2 : i32
      %add3A_537 = arith.addi %add3A_491, %add3A_536 : i32
      %lt3A_538 = arith.constant 80 : i32
      %lt3A_539 = arith.cmpi slt, %add3A_537, %lt3A_538 : i32
      %convert_element_type3A_540 = arith.extui %lt3A_539 : i1 to i32
      %cond3A_541 = arith.constant 0 : i32
      %cond3A_542 = arith.cmpi ne, %convert_element_type3A_540, %cond3A_541 : i32
      scf.if %cond3A_542 {
        %add3A_550 = arith.constant 2 : i32
        %add3A_551 = arith.addi %add3A_491, %add3A_550 : i32
        %dma_start3A_552 = arith.constant 1 : i32
        %dma_start3A_553 = arith.constant 1 : i32
        %dma_start3A_554 = arith.constant 0 : i32
        %dma_start3A_555 = arith.constant 0 : i32
        %dma_start3A_556 = tpu.memref_slice %arg10[%dma_start3A_552, %dma_start3A_554, %dma_start3A_555] : memref<2x128x128xf32, #tpu.memory_space<vmem>> -> memref<1x128x128xf32, #tpu.memory_space<vmem>>
        %dma_start3A_557 = tpu.memref_squeeze %dma_start3A_556 : memref<1x128x128xf32, #tpu.memory_space<vmem>> -> memref<128x128xf32, #tpu.memory_space<vmem>>
        %dma_start3A_558 = arith.constant 0 : i32
        %dma_start3A_559 = tpu.memref_slice %arg8[%add3A_551, %dma_start3A_558] : memref<80x128xi32, #tpu.memory_space<vmem>> -> memref<1x128xi32, #tpu.memory_space<vmem>>
        %dma_start3A_560 = tpu.memref_squeeze %dma_start3A_559 : memref<1x128xi32, #tpu.memory_space<vmem>> -> memref<128xi32, #tpu.memory_space<vmem>>
        %dma_start3A_561 = arith.constant 0 : i32
        %dma_start3A_562 = arith.constant 0 : i32
        %dma_start3A_563 = tpu.memref_slice %arg2[%dma_start3A_561, %dma_start3A_562] : memref<10000x128xf32, #tpu.memory_space<hbm>> -> memref<10000x128xf32, #tpu.memory_space<hbm>>
        %dma_start3A_564 = tpu.memref_slice %arg11[%dma_start3A_553] : memref<2x!tpu.dma_semaphore, #tpu.memory_space<semaphore_mem>> -> memref<1x!tpu.dma_semaphore, #tpu.memory_space<semaphore_mem>>
        %dma_start3A_565 = tpu.memref_squeeze %dma_start3A_564 : memref<1x!tpu.dma_semaphore, #tpu.memory_space<semaphore_mem>> -> memref<!tpu.dma_semaphore, #tpu.memory_space<semaphore_mem>>
        tpu.enqueue_indirect_dma source(%dma_start3A_563 : memref<10000x128xf32, #tpu.memory_space<hbm>>) target(%dma_start3A_557 : memref<128x128xf32, #tpu.memory_space<vmem>>) offsets(%dma_start3A_560 : memref<128xi32, #tpu.memory_space<vmem>>) semaphore(%dma_start3A_565 : memref<!tpu.dma_semaphore, #tpu.memory_space<semaphore_mem>>)
      } else {
      }
      %add3A_543 = arith.constant 2 : i32
      %add3A_544 = arith.addi %add3A_87, %add3A_543 : i32
      %lt3A_545 = arith.constant 10 : i32
      %lt3A_546 = arith.cmpi slt, %add3A_544, %lt3A_545 : i32
      %convert_element_type3A_547 = arith.extui %lt3A_546 : i1 to i32
      %cond3A_548 = arith.constant 0 : i32
      %cond3A_549 = arith.cmpi ne, %convert_element_type3A_547, %cond3A_548 : i32
      scf.if %cond3A_549 {
        %add3A_550 = arith.constant 2 : i32
        %add3A_551 = arith.addi %add3A_87, %add3A_550 : i32
        %mul3A_552 = arith.constant 8 : i32
        %mul3A_553 = arith.muli %add3A_551, %mul3A_552 : i32
        %dma_start3A_554 = arith.constant 0 : i32
        %dma_start3A_555 = arith.constant 0 : i32
        %dma_start3A_556 = tpu.memref_slice %arg9[%rem3A_88, %dma_start3A_554, %dma_start3A_555] : memref<2x8x128xi32, #tpu.memory_space<vmem>> -> memref<1x8x128xi32, #tpu.memory_space<vmem>>
        %dma_start3A_557 = tpu.memref_squeeze %dma_start3A_556 : memref<1x8x128xi32, #tpu.memory_space<vmem>> -> memref<8x128xi32, #tpu.memory_space<vmem>>
        %dma_start3A_558 = arith.constant 0 : i32
        %dma_start3A_559 = tpu.memref_slice %arg4[%add3A, %mul3A_553, %dma_start3A_558] : memref<32x80x128xi32, #tpu.memory_space<hbm>> -> memref<1x8x128xi32, #tpu.memory_space<hbm>>
        %dma_start3A_560 = tpu.memref_squeeze %dma_start3A_559 : memref<1x8x128xi32, #tpu.memory_space<hbm>> -> memref<8x128xi32, #tpu.memory_space<hbm>>
        %dma_start3A_561 = tpu.memref_slice %arg13[%rem3A_88] : memref<2x!tpu.dma_semaphore, #tpu.memory_space<semaphore_mem>> -> memref<1x!tpu.dma_semaphore, #tpu.memory_space<semaphore_mem>>
        %dma_start3A_562 = tpu.memref_squeeze %dma_start3A_561 : memref<1x!tpu.dma_semaphore, #tpu.memory_space<semaphore_mem>> -> memref<!tpu.dma_semaphore, #tpu.memory_space<semaphore_mem>>
        %dma_start3A_563 = arith.constant 0 : i32
        %dma_start3A_564 = arith.constant 0 : i32
        %dma_start3A_565 = tpu.memref_slice %arg9[%rem3A_88, %dma_start3A_563, %dma_start3A_564] : memref<2x8x128xi32, #tpu.memory_space<vmem>> -> memref<1x8x128xi32, #tpu.memory_space<vmem>>
        %dma_start3A_566 = tpu.memref_squeeze %dma_start3A_565 : memref<1x8x128xi32, #tpu.memory_space<vmem>> -> memref<8x128xi32, #tpu.memory_space<vmem>>
        %dma_start3A_567 = arith.constant 0 : i32
        %dma_start3A_568 = tpu.memref_slice %arg4[%add3A, %mul3A_553, %dma_start3A_567] : memref<32x80x128xi32, #tpu.memory_space<hbm>> -> memref<1x8x128xi32, #tpu.memory_space<hbm>>
        %dma_start3A_569 = tpu.memref_squeeze %dma_start3A_568 : memref<1x8x128xi32, #tpu.memory_space<hbm>> -> memref<8x128xi32, #tpu.memory_space<hbm>>
        tpu.enqueue_dma source(%dma_start3A_569 : memref<8x128xi32, #tpu.memory_space<hbm>>) target(%dma_start3A_566 : memref<8x128xi32, #tpu.memory_space<vmem>>) target_semaphore(%dma_start3A_562 : memref<!tpu.dma_semaphore, #tpu.memory_space<semaphore_mem>>)
      } else {
      }
    }
    %scan3A_77 = arith.constant 10 : i32
    %barrier3A_78 = arith.constant 0 : index
    tpu.barrier barrier_id(%barrier3A_78)
    %mul3A_79 = arith.constant 632 : i32
    %mul3A_80 = arith.muli %arg1, %mul3A_79 : i32
    %mul3A_81 = arith.constant 632 : i32
    %mul3A_82 = arith.muli %arg1, %mul3A_81 : i32
    "tpu.region"() ({
      %run_scoped3A = tpu.sem_alloc : memref<!tpu.dma_semaphore, #tpu.memory_space<semaphore_mem>>
      %dma_start3A_83 = arith.constant 0 : i32
      %dma_start3A_84 = tpu.memref_slice %arg6[%arg0, %mul3A_82, %dma_start3A_83] : memref<2x10112x128xf32, #tpu.memory_space<hbm>> -> memref<1x632x128xf32, #tpu.memory_space<hbm>>
      %dma_start3A_85 = tpu.memref_squeeze %dma_start3A_84 : memref<1x632x128xf32, #tpu.memory_space<hbm>> -> memref<632x128xf32, #tpu.memory_space<hbm>>
      %dma_start3A_86 = arith.constant 0 : i32
      %dma_start3A_87 = tpu.memref_slice %arg7[%mul3A_80, %dma_start3A_86] : memref<10112x128xf32, #tpu.memory_space<vmem_shared>> -> memref<632x128xf32, #tpu.memory_space<vmem_shared>>
      tpu.enqueue_dma source(%dma_start3A_87 : memref<632x128xf32, #tpu.memory_space<vmem_shared>>) target(%dma_start3A_85 : memref<632x128xf32, #tpu.memory_space<hbm>>) target_semaphore(%run_scoped3A : memref<!tpu.dma_semaphore, #tpu.memory_space<semaphore_mem>>)
      %dma_wait3A = arith.constant 0 : i32
      %dma_wait3A_88 = tpu.memref_slice %arg6[%arg0, %mul3A_82, %dma_wait3A] : memref<2x10112x128xf32, #tpu.memory_space<hbm>> -> memref<1x632x128xf32, #tpu.memory_space<hbm>>
      %dma_wait3A_89 = tpu.memref_squeeze %dma_wait3A_88 : memref<1x632x128xf32, #tpu.memory_space<hbm>> -> memref<632x128xf32, #tpu.memory_space<hbm>>
      %dma_wait3A_90 = arith.constant 0 : i32
      %dma_wait3A_91 = tpu.memref_slice %arg7[%mul3A_80, %dma_wait3A_90] : memref<10112x128xf32, #tpu.memory_space<vmem_shared>> -> memref<632x128xf32, #tpu.memory_space<vmem_shared>>
      tpu.wait_dma2 semaphore(%run_scoped3A : memref<!tpu.dma_semaphore, #tpu.memory_space<semaphore_mem>>) src(%dma_wait3A_91 : memref<632x128xf32, #tpu.memory_space<vmem_shared>>) dst(%dma_wait3A_89 : memref<632x128xf32, #tpu.memory_space<hbm>>)
      tpu.yield
    }) : () -> ()
    return
  }
}

#map = affine_map<(d0, d1) -> (0, 0)>
#map1 = affine_map<(d0, d1) -> (0, 0, 0)>
module attributes {stable_mosaic.version = 14 : i64} {
  func.func @run(%arg0: i32, %arg1: i32, %arg2: memref<10000x128xf32, #tpu.memory_space<hbm>>, %arg3: memref<32x80x128xi32, #tpu.memory_space<hbm>>, %arg4: memref<32x80x128xi32, #tpu.memory_space<hbm>>, %arg5: memref<10112x128xf32, #tpu.memory_space<hbm>>, %arg6: memref<2x10112x128xf32, #tpu.memory_space<hbm>>, %arg7: memref<10112x128xf32, #tpu.memory_space<vmem_shared>>, %arg8: memref<80x128xi32, #tpu.memory_space<vmem>>, %arg9: memref<2x8x128xi32, #tpu.memory_space<vmem>>, %arg10: memref<2x128x128xf32, #tpu.memory_space<vmem>>, %arg11: memref<2x!tpu.dma_semaphore, #tpu.memory_space<semaphore_mem>>, %arg12: memref<2x!tpu.dma_semaphore, #tpu.memory_space<semaphore_mem>>, %arg13: memref<2x!tpu.dma_semaphore, #tpu.memory_space<semaphore_mem>>) attributes {dimension_semantics = [#tpu.dimension_semantics<core_parallel>, #tpu.dimension_semantics<subcore_parallel>], iteration_bounds = array<i64: 2, 16>, scalar_prefetch = 0 : i64, scratch_operands = 7 : i64, tpu.core_type = #tpu.core_type<sc_vector_subcore>, window_params = [{transform_indices = #map}, {transform_indices = #map1}, {transform_indices = #map1}, {transform_indices = #map}, {transform_indices = #map1}]} {
    %mul3A = arith.constant 16 : i32
    %mul3A_0 = arith.muli %arg0, %mul3A : i32
    %add3A = arith.addi %mul3A_0, %arg1 : i32
    %mul3A_1 = arith.constant 632 : i32
    %mul3A_2 = arith.muli %arg1, %mul3A_1 : i32
    %mul3A_3 = arith.constant 632 : i32
    %mul3A_4 = arith.muli %arg1, %mul3A_3 : i32
    "tpu.region"() ({
      %run_scoped3A = tpu.sem_alloc : memref<!tpu.dma_semaphore, #tpu.memory_space<semaphore_mem>>
      %dma_start3A_83 = arith.constant 0 : i32
      %dma_start3A_84 = tpu.memref_slice %arg7[%mul3A_4, %dma_start3A_83] : memref<10112x128xf32, #tpu.memory_space<vmem_shared>> -> memref<632x128xf32, #tpu.memory_space<vmem_shared>>
      %dma_start3A_85 = arith.constant 0 : i32
      %dma_start3A_86 = tpu.memref_slice %arg5[%mul3A_2, %dma_start3A_85] : memref<10112x128xf32, #tpu.memory_space<hbm>> -> memref<632x128xf32, #tpu.memory_space<hbm>>
      tpu.enqueue_dma source(%dma_start3A_86 : memref<632x128xf32, #tpu.memory_space<hbm>>) target(%dma_start3A_84 : memref<632x128xf32, #tpu.memory_space<vmem_shared>>) target_semaphore(%run_scoped3A : memref<!tpu.dma_semaphore, #tpu.memory_space<semaphore_mem>>)
      %dma_wait3A = arith.constant 0 : i32
      %dma_wait3A_87 = tpu.memref_slice %arg7[%mul3A_4, %dma_wait3A] : memref<10112x128xf32, #tpu.memory_space<vmem_shared>> -> memref<632x128xf32, #tpu.memory_space<vmem_shared>>
      %dma_wait3A_88 = arith.constant 0 : i32
      %dma_wait3A_89 = tpu.memref_slice %arg5[%mul3A_2, %dma_wait3A_88] : memref<10112x128xf32, #tpu.memory_space<hbm>> -> memref<632x128xf32, #tpu.memory_space<hbm>>
      tpu.wait_dma2 semaphore(%run_scoped3A : memref<!tpu.dma_semaphore, #tpu.memory_space<semaphore_mem>>) src(%dma_wait3A_89 : memref<632x128xf32, #tpu.memory_space<hbm>>) dst(%dma_wait3A_87 : memref<632x128xf32, #tpu.memory_space<vmem_shared>>)
      tpu.yield
    }) : () -> ()
    "tpu.region"() ({
      %run_scoped3A = tpu.sem_alloc : memref<!tpu.dma_semaphore, #tpu.memory_space<semaphore_mem>>
      %dma_start3A_83 = arith.constant 0 : i32
      %dma_start3A_84 = arith.constant 0 : i32
      %dma_start3A_85 = tpu.memref_slice %arg3[%add3A, %dma_start3A_83, %dma_start3A_84] : memref<32x80x128xi32, #tpu.memory_space<hbm>> -> memref<1x80x128xi32, #tpu.memory_space<hbm>>
      %dma_start3A_86 = tpu.memref_squeeze %dma_start3A_85 : memref<1x80x128xi32, #tpu.memory_space<hbm>> -> memref<80x128xi32, #tpu.memory_space<hbm>>
      %dma_start3A_87 = arith.constant 0 : i32
      %dma_start3A_88 = arith.constant 0 : i32
      %dma_start3A_89 = tpu.memref_slice %arg3[%add3A, %dma_start3A_87, %dma_start3A_88] : memref<32x80x128xi32, #tpu.memory_space<hbm>> -> memref<1x80x128xi32, #tpu.memory_space<hbm>>
      %dma_start3A_90 = tpu.memref_squeeze %dma_start3A_89 : memref<1x80x128xi32, #tpu.memory_space<hbm>> -> memref<80x128xi32, #tpu.memory_space<hbm>>
      tpu.enqueue_dma source(%dma_start3A_90 : memref<80x128xi32, #tpu.memory_space<hbm>>) target(%arg8 : memref<80x128xi32, #tpu.memory_space<vmem>>) target_semaphore(%run_scoped3A : memref<!tpu.dma_semaphore, #tpu.memory_space<semaphore_mem>>)
      %dma_wait3A = arith.constant 0 : i32
      %dma_wait3A_91 = arith.constant 0 : i32
      %dma_wait3A_92 = tpu.memref_slice %arg3[%add3A, %dma_wait3A, %dma_wait3A_91] : memref<32x80x128xi32, #tpu.memory_space<hbm>> -> memref<1x80x128xi32, #tpu.memory_space<hbm>>
      %dma_wait3A_93 = tpu.memref_squeeze %dma_wait3A_92 : memref<1x80x128xi32, #tpu.memory_space<hbm>> -> memref<80x128xi32, #tpu.memory_space<hbm>>
      %dma_wait3A_94 = arith.constant 0 : i32
      %dma_wait3A_95 = arith.constant 0 : i32
      %dma_wait3A_96 = tpu.memref_slice %arg3[%add3A, %dma_wait3A_94, %dma_wait3A_95] : memref<32x80x128xi32, #tpu.memory_space<hbm>> -> memref<1x80x128xi32, #tpu.memory_space<hbm>>
      %dma_wait3A_97 = tpu.memref_squeeze %dma_wait3A_96 : memref<1x80x128xi32, #tpu.memory_space<hbm>> -> memref<80x128xi32, #tpu.memory_space<hbm>>
      tpu.wait_dma2 semaphore(%run_scoped3A : memref<!tpu.dma_semaphore, #tpu.memory_space<semaphore_mem>>) src(%dma_wait3A_97 : memref<80x128xi32, #tpu.memory_space<hbm>>) dst(%arg8 : memref<80x128xi32, #tpu.memory_space<vmem>>)
      tpu.yield
    }) : () -> ()
    %barrier3A = arith.constant 0 : index
    tpu.barrier barrier_id(%barrier3A)
    %dma_start3A = arith.constant 0 : i32
    %dma_start3A_5 = arith.constant 0 : i32
    %dma_start3A_6 = arith.constant 0 : i32
    %dma_start3A_7 = arith.constant 0 : i32
    %dma_start3A_8 = tpu.memref_slice %arg9[%dma_start3A, %dma_start3A_6, %dma_start3A_7] : memref<2x8x128xi32, #tpu.memory_space<vmem>> -> memref<1x8x128xi32, #tpu.memory_space<vmem>>
    %dma_start3A_9 = tpu.memref_squeeze %dma_start3A_8 : memref<1x8x128xi32, #tpu.memory_space<vmem>> -> memref<8x128xi32, #tpu.memory_space<vmem>>
    %dma_start3A_10 = arith.constant 0 : i32
    %dma_start3A_11 = arith.constant 0 : i32
    %dma_start3A_12 = tpu.memref_slice %arg4[%add3A, %dma_start3A_10, %dma_start3A_11] : memref<32x80x128xi32, #tpu.memory_space<hbm>> -> memref<1x8x128xi32, #tpu.memory_space<hbm>>
    %dma_start3A_13 = tpu.memref_squeeze %dma_start3A_12 : memref<1x8x128xi32, #tpu.memory_space<hbm>> -> memref<8x128xi32, #tpu.memory_space<hbm>>
    %dma_start3A_14 = tpu.memref_slice %arg13[%dma_start3A_5] : memref<2x!tpu.dma_semaphore, #tpu.memory_space<semaphore_mem>> -> memref<1x!tpu.dma_semaphore, #tpu.memory_space<semaphore_mem>>
    %dma_start3A_15 = tpu.memref_squeeze %dma_start3A_14 : memref<1x!tpu.dma_semaphore, #tpu.memory_space<semaphore_mem>> -> memref<!tpu.dma_semaphore, #tpu.memory_space<semaphore_mem>>
    %dma_start3A_16 = arith.constant 0 : i32
    %dma_start3A_17 = arith.constant 0 : i32
    %dma_start3A_18 = tpu.memref_slice %arg9[%dma_start3A, %dma_start3A_16, %dma_start3A_17] : memref<2x8x128xi32, #tpu.memory_space<vmem>> -> memref<1x8x128xi32, #tpu.memory_space<vmem>>
    %dma_start3A_19 = tpu.memref_squeeze %dma_start3A_18 : memref<1x8x128xi32, #tpu.memory_space<vmem>> -> memref<8x128xi32, #tpu.memory_space<vmem>>
    %dma_start3A_20 = arith.constant 0 : i32
    %dma_start3A_21 = arith.constant 0 : i32
    %dma_start3A_22 = tpu.memref_slice %arg4[%add3A, %dma_start3A_20, %dma_start3A_21] : memref<32x80x128xi32, #tpu.memory_space<hbm>> -> memref<1x8x128xi32, #tpu.memory_space<hbm>>
    %dma_start3A_23 = tpu.memref_squeeze %dma_start3A_22 : memref<1x8x128xi32, #tpu.memory_space<hbm>> -> memref<8x128xi32, #tpu.memory_space<hbm>>
    tpu.enqueue_dma source(%dma_start3A_23 : memref<8x128xi32, #tpu.memory_space<hbm>>) target(%dma_start3A_19 : memref<8x128xi32, #tpu.memory_space<vmem>>) target_semaphore(%dma_start3A_15 : memref<!tpu.dma_semaphore, #tpu.memory_space<semaphore_mem>>)
    %dma_start3A_24 = arith.constant 1 : i32
    %dma_start3A_25 = arith.constant 1 : i32
    %dma_start3A_26 = arith.constant 0 : i32
    %dma_start3A_27 = arith.constant 0 : i32
    %dma_start3A_28 = tpu.memref_slice %arg9[%dma_start3A_24, %dma_start3A_26, %dma_start3A_27] : memref<2x8x128xi32, #tpu.memory_space<vmem>> -> memref<1x8x128xi32, #tpu.memory_space<vmem>>
    %dma_start3A_29 = tpu.memref_squeeze %dma_start3A_28 : memref<1x8x128xi32, #tpu.memory_space<vmem>> -> memref<8x128xi32, #tpu.memory_space<vmem>>
    %dma_start3A_30 = arith.constant 8 : i32
    %dma_start3A_31 = arith.constant 0 : i32
    %dma_start3A_32 = tpu.memref_slice %arg4[%add3A, %dma_start3A_30, %dma_start3A_31] : memref<32x80x128xi32, #tpu.memory_space<hbm>> -> memref<1x8x128xi32, #tpu.memory_space<hbm>>
    %dma_start3A_33 = tpu.memref_squeeze %dma_start3A_32 : memref<1x8x128xi32, #tpu.memory_space<hbm>> -> memref<8x128xi32, #tpu.memory_space<hbm>>
    %dma_start3A_34 = tpu.memref_slice %arg13[%dma_start3A_25] : memref<2x!tpu.dma_semaphore, #tpu.memory_space<semaphore_mem>> -> memref<1x!tpu.dma_semaphore, #tpu.memory_space<semaphore_mem>>
    %dma_start3A_35 = tpu.memref_squeeze %dma_start3A_34 : memref<1x!tpu.dma_semaphore, #tpu.memory_space<semaphore_mem>> -> memref<!tpu.dma_semaphore, #tpu.memory_space<semaphore_mem>>
    %dma_start3A_36 = arith.constant 0 : i32
    %dma_start3A_37 = arith.constant 0 : i32
    %dma_start3A_38 = tpu.memref_slice %arg9[%dma_start3A_24, %dma_start3A_36, %dma_start3A_37] : memref<2x8x128xi32, #tpu.memory_space<vmem>> -> memref<1x8x128xi32, #tpu.memory_space<vmem>>
    %dma_start3A_39 = tpu.memref_squeeze %dma_start3A_38 : memref<1x8x128xi32, #tpu.memory_space<vmem>> -> memref<8x128xi32, #tpu.memory_space<vmem>>
    %dma_start3A_40 = arith.constant 8 : i32
    %dma_start3A_41 = arith.constant 0 : i32
    %dma_start3A_42 = tpu.memref_slice %arg4[%add3A, %dma_start3A_40, %dma_start3A_41] : memref<32x80x128xi32, #tpu.memory_space<hbm>> -> memref<1x8x128xi32, #tpu.memory_space<hbm>>
    %dma_start3A_43 = tpu.memref_squeeze %dma_start3A_42 : memref<1x8x128xi32, #tpu.memory_space<hbm>> -> memref<8x128xi32, #tpu.memory_space<hbm>>
    tpu.enqueue_dma source(%dma_start3A_43 : memref<8x128xi32, #tpu.memory_space<hbm>>) target(%dma_start3A_39 : memref<8x128xi32, #tpu.memory_space<vmem>>) target_semaphore(%dma_start3A_35 : memref<!tpu.dma_semaphore, #tpu.memory_space<semaphore_mem>>)
    %dma_start3A_44 = arith.constant 0 : i32
    %dma_start3A_45 = arith.constant 0 : i32
    %dma_start3A_46 = arith.constant 0 : i32
    %dma_start3A_47 = arith.constant 0 : i32
    %dma_start3A_48 = arith.constant 0 : i32
    %dma_start3A_49 = tpu.memref_slice %arg10[%dma_start3A_45, %dma_start3A_47, %dma_start3A_48] : memref<2x128x128xf32, #tpu.memory_space<vmem>> -> memref<1x128x128xf32, #tpu.memory_space<vmem>>
    %dma_start3A_50 = tpu.memref_squeeze %dma_start3A_49 : memref<1x128x128xf32, #tpu.memory_space<vmem>> -> memref<128x128xf32, #tpu.memory_space<vmem>>
    %dma_start3A_51 = arith.constant 0 : i32
    %dma_start3A_52 = tpu.memref_slice %arg8[%dma_start3A_44, %dma_start3A_51] : memref<80x128xi32, #tpu.memory_space<vmem>> -> memref<1x128xi32, #tpu.memory_space<vmem>>
    %dma_start3A_53 = tpu.memref_squeeze %dma_start3A_52 : memref<1x128xi32, #tpu.memory_space<vmem>> -> memref<128xi32, #tpu.memory_space<vmem>>
    %dma_start3A_54 = arith.constant 0 : i32
    %dma_start3A_55 = arith.constant 0 : i32
    %dma_start3A_56 = tpu.memref_slice %arg2[%dma_start3A_54, %dma_start3A_55] : memref<10000x128xf32, #tpu.memory_space<hbm>> -> memref<10000x128xf32, #tpu.memory_space<hbm>>
    %dma_start3A_57 = tpu.memref_slice %arg11[%dma_start3A_46] : memref<2x!tpu.dma_semaphore, #tpu.memory_space<semaphore_mem>> -> memref<1x!tpu.dma_semaphore, #tpu.memory_space<semaphore_mem>>
    %dma_start3A_58 = tpu.memref_squeeze %dma_start3A_57 : memref<1x!tpu.dma_semaphore, #tpu.memory_space<semaphore_mem>> -> memref<!tpu.dma_semaphore, #tpu.memory_space<semaphore_mem>>
    tpu.enqueue_indirect_dma source(%dma_start3A_56 : memref<10000x128xf32, #tpu.memory_space<hbm>>) target(%dma_start3A_50 : memref<128x128xf32, #tpu.memory_space<vmem>>) offsets(%dma_start3A_53 : memref<128xi32, #tpu.memory_space<vmem>>) semaphore(%dma_start3A_58 : memref<!tpu.dma_semaphore, #tpu.memory_space<semaphore_mem>>)
    %dma_start3A_59 = arith.constant 1 : i32
    %dma_start3A_60 = arith.constant 1 : i32
    %dma_start3A_61 = arith.constant 1 : i32
    %dma_start3A_62 = arith.constant 0 : i32
    %dma_start3A_63 = arith.constant 0 : i32
    %dma_start3A_64 = tpu.memref_slice %arg10[%dma_start3A_60, %dma_start3A_62, %dma_start3A_63] : memref<2x128x128xf32, #tpu.memory_space<vmem>> -> memref<1x128x128xf32, #tpu.memory_space<vmem>>
    %dma_start3A_65 = tpu.memref_squeeze %dma_start3A_64 : memref<1x128x128xf32, #tpu.memory_space<vmem>> -> memref<128x128xf32, #tpu.memory_space<vmem>>
    %dma_start3A_66 = arith.constant 0 : i32
    %dma_start3A_67 = tpu.memref_slice %arg8[%dma_start3A_59, %dma_start3A_66] : memref<80x128xi32, #tpu.memory_space<vmem>> -> memref<1x128xi32, #tpu.memory_space<vmem>>
    %dma_start3A_68 = tpu.memref_squeeze %dma_start3A_67 : memref<1x128xi32, #tpu.memory_space<vmem>> -> memref<128xi32, #tpu.memory_space<vmem>>
    %dma_start3A_69 = arith.constant 0 : i32
    %dma_start3A_70 = arith.constant 0 : i32
    %dma_start3A_71 = tpu.memref_slice %arg2[%dma_start3A_69, %dma_start3A_70] : memref<10000x128xf32, #tpu.memory_space<hbm>> -> memref<10000x128xf32, #tpu.memory_space<hbm>>
    %dma_start3A_72 = tpu.memref_slice %arg11[%dma_start3A_61] : memref<2x!tpu.dma_semaphore, #tpu.memory_space<semaphore_mem>> -> memref<1x!tpu.dma_semaphore, #tpu.memory_space<semaphore_mem>>
    %dma_start3A_73 = tpu.memref_squeeze %dma_start3A_72 : memref<1x!tpu.dma_semaphore, #tpu.memory_space<semaphore_mem>> -> memref<!tpu.dma_semaphore, #tpu.memory_space<semaphore_mem>>
    tpu.enqueue_indirect_dma source(%dma_start3A_71 : memref<10000x128xf32, #tpu.memory_space<hbm>>) target(%dma_start3A_65 : memref<128x128xf32, #tpu.memory_space<vmem>>) offsets(%dma_start3A_68 : memref<128xi32, #tpu.memory_space<vmem>>) semaphore(%dma_start3A_73 : memref<!tpu.dma_semaphore, #tpu.memory_space<semaphore_mem>>)
    %scan3A = arith.constant 0 : i32
    %scan3A_74 = arith.constant 10 : i32
    %scan3A_75 = arith.addi %scan3A, %scan3A_74 : i32
    %scan3A_76 = arith.constant 1 : i32
    scf.for %scan3A_83 = %scan3A to %scan3A_75 step %scan3A_76  : i32 {
      %mul3A_84 = arith.constant 1 : i32
      %mul3A_85 = arith.muli %scan3A_83, %mul3A_84 : i32
      %add3A_86 = arith.constant 0 : i32
      %add3A_87 = arith.addi %add3A_86, %mul3A_85 : i32
      %rem3A = arith.constant 2 : i32
      %rem3A_88 = arith.remsi %add3A_87, %rem3A : i32
      %mul3A_89 = arith.constant 8 : i32
      %mul3A_90 = arith.muli %add3A_87, %mul3A_89 : i32
      %dma_wait3A = arith.constant 0 : i32
      %dma_wait3A_91 = arith.constant 0 : i32
      %dma_wait3A_92 = tpu.memref_slice %arg9[%rem3A_88, %dma_wait3A, %dma_wait3A_91] : memref<2x8x128xi32, #tpu.memory_space<vmem>> -> memref<1x8x128xi32, #tpu.memory_space<vmem>>
      %dma_wait3A_93 = tpu.memref_squeeze %dma_wait3A_92 : memref<1x8x128xi32, #tpu.memory_space<vmem>> -> memref<8x128xi32, #tpu.memory_space<vmem>>
      %dma_wait3A_94 = arith.constant 0 : i32
      %dma_wait3A_95 = tpu.memref_slice %arg4[%add3A, %mul3A_90, %dma_wait3A_94] : memref<32x80x128xi32, #tpu.memory_space<hbm>> -> memref<1x8x128xi32, #tpu.memory_space<hbm>>
      %dma_wait3A_96 = tpu.memref_squeeze %dma_wait3A_95 : memref<1x8x128xi32, #tpu.memory_space<hbm>> -> memref<8x128xi32, #tpu.memory_space<hbm>>
      %dma_wait3A_97 = tpu.memref_slice %arg13[%rem3A_88] : memref<2x!tpu.dma_semaphore, #tpu.memory_space<semaphore_mem>> -> memref<1x!tpu.dma_semaphore, #tpu.memory_space<semaphore_mem>>
      %dma_wait3A_98 = tpu.memref_squeeze %dma_wait3A_97 : memref<1x!tpu.dma_semaphore, #tpu.memory_space<semaphore_mem>> -> memref<!tpu.dma_semaphore, #tpu.memory_space<semaphore_mem>>
      %dma_wait3A_99 = arith.constant 0 : i32
      %dma_wait3A_100 = arith.constant 0 : i32
      %dma_wait3A_101 = tpu.memref_slice %arg9[%rem3A_88, %dma_wait3A_99, %dma_wait3A_100] : memref<2x8x128xi32, #tpu.memory_space<vmem>> -> memref<1x8x128xi32, #tpu.memory_space<vmem>>
      %dma_wait3A_102 = tpu.memref_squeeze %dma_wait3A_101 : memref<1x8x128xi32, #tpu.memory_space<vmem>> -> memref<8x128xi32, #tpu.memory_space<vmem>>
      %dma_wait3A_103 = arith.constant 0 : i32
      %dma_wait3A_104 = tpu.memref_slice %arg4[%add3A, %mul3A_90, %dma_wait3A_103] : memref<32x80x128xi32, #tpu.memory_space<hbm>> -> memref<1x8x128xi32, #tpu.memory_space<hbm>>
      %dma_wait3A_105 = tpu.memref_squeeze %dma_wait3A_104 : memref<1x8x128xi32, #tpu.memory_space<hbm>> -> memref<8x128xi32, #tpu.memory_space<hbm>>
      tpu.wait_dma2 semaphore(%dma_wait3A_98 : memref<!tpu.dma_semaphore, #tpu.memory_space<semaphore_mem>>) src(%dma_wait3A_105 : memref<8x128xi32, #tpu.memory_space<hbm>>) dst(%dma_wait3A_102 : memref<8x128xi32, #tpu.memory_space<vmem>>)
      %mul3A_106 = arith.constant 8 : i32
      %mul3A_107 = arith.muli %add3A_87, %mul3A_106 : i32
      %add3A_108 = arith.constant 0 : i32
      %add3A_109 = arith.addi %mul3A_107, %add3A_108 : i32
      %dma_wait3A_110 = arith.constant 0 : i32
      %dma_wait3A_111 = arith.constant 0 : i32
      %dma_wait3A_112 = arith.constant 0 : i32
      %dma_wait3A_113 = arith.constant 0 : i32
      %dma_wait3A_114 = tpu.memref_slice %arg10[%dma_wait3A_110, %dma_wait3A_112, %dma_wait3A_113] : memref<2x128x128xf32, #tpu.memory_space<vmem>> -> memref<1x128x128xf32, #tpu.memory_space<vmem>>
      %dma_wait3A_115 = tpu.memref_squeeze %dma_wait3A_114 : memref<1x128x128xf32, #tpu.memory_space<vmem>> -> memref<128x128xf32, #tpu.memory_space<vmem>>
      %dma_wait3A_116 = arith.constant 0 : i32
      %dma_wait3A_117 = tpu.memref_slice %arg8[%add3A_109, %dma_wait3A_116] : memref<80x128xi32, #tpu.memory_space<vmem>> -> memref<1x128xi32, #tpu.memory_space<vmem>>
      %dma_wait3A_118 = tpu.memref_squeeze %dma_wait3A_117 : memref<1x128xi32, #tpu.memory_space<vmem>> -> memref<128xi32, #tpu.memory_space<vmem>>
      %dma_wait3A_119 = arith.constant 0 : i32
      %dma_wait3A_120 = arith.constant 0 : i32
      %dma_wait3A_121 = tpu.memref_slice %arg2[%dma_wait3A_119, %dma_wait3A_120] : memref<10000x128xf32, #tpu.memory_space<hbm>> -> memref<10000x128xf32, #tpu.memory_space<hbm>>
      %dma_wait3A_122 = tpu.memref_slice %arg11[%dma_wait3A_111] : memref<2x!tpu.dma_semaphore, #tpu.memory_space<semaphore_mem>> -> memref<1x!tpu.dma_semaphore, #tpu.memory_space<semaphore_mem>>
      %dma_wait3A_123 = tpu.memref_squeeze %dma_wait3A_122 : memref<1x!tpu.dma_semaphore, #tpu.memory_space<semaphore_mem>> -> memref<!tpu.dma_semaphore, #tpu.memory_space<semaphore_mem>>
      tpu.wait_indirect_dma semaphore(%dma_wait3A_123 : memref<!tpu.dma_semaphore, #tpu.memory_space<semaphore_mem>>) src(%dma_wait3A_121 : memref<10000x128xf32, #tpu.memory_space<hbm>>) dst(%dma_wait3A_115 : memref<128x128xf32, #tpu.memory_space<vmem>>)
      %dma_start3A_124 = arith.constant 0 : i32
      %dma_start3A_125 = arith.constant 0 : i32
      %dma_start3A_126 = arith.constant 0 : i32
      %dma_start3A_127 = arith.constant 0 : i32
      %dma_start3A_128 = arith.constant 0 : i32
      %dma_start3A_129 = tpu.memref_slice %arg10[%dma_start3A_124, %dma_start3A_127, %dma_start3A_128] : memref<2x128x128xf32, #tpu.memory_space<vmem>> -> memref<1x128x128xf32, #tpu.memory_space<vmem>>
      %dma_start3A_130 = tpu.memref_squeeze %dma_start3A_129 : memref<1x128x128xf32, #tpu.memory_space<vmem>> -> memref<128x128xf32, #tpu.memory_space<vmem>>
      %dma_start3A_131 = arith.constant 0 : i32
      %dma_start3A_132 = tpu.memref_slice %arg9[%rem3A_88, %dma_start3A_125, %dma_start3A_131] : memref<2x8x128xi32, #tpu.memory_space<vmem>> -> memref<1x1x128xi32, #tpu.memory_space<vmem>>
      %dma_start3A_133 = tpu.memref_squeeze %dma_start3A_132 : memref<1x1x128xi32, #tpu.memory_space<vmem>> -> memref<128xi32, #tpu.memory_space<vmem>>
      %dma_start3A_134 = arith.constant 0 : i32
      %dma_start3A_135 = arith.constant 0 : i32
      %dma_start3A_136 = tpu.memref_slice %arg7[%dma_start3A_134, %dma_start3A_135] : memref<10112x128xf32, #tpu.memory_space<vmem_shared>> -> memref<10112x128xf32, #tpu.memory_space<vmem_shared>>
      %dma_start3A_137 = tpu.memref_slice %arg12[%dma_start3A_126] : memref<2x!tpu.dma_semaphore, #tpu.memory_space<semaphore_mem>> -> memref<1x!tpu.dma_semaphore, #tpu.memory_space<semaphore_mem>>
      %dma_start3A_138 = tpu.memref_squeeze %dma_start3A_137 : memref<1x!tpu.dma_semaphore, #tpu.memory_space<semaphore_mem>> -> memref<!tpu.dma_semaphore, #tpu.memory_space<semaphore_mem>>
      tpu.enqueue_indirect_dma source(%dma_start3A_130 : memref<128x128xf32, #tpu.memory_space<vmem>>) target(%dma_start3A_136 : memref<10112x128xf32, #tpu.memory_space<vmem_shared>>) offsets(%dma_start3A_133 : memref<128xi32, #tpu.memory_space<vmem>>) semaphore(%dma_start3A_138 : memref<!tpu.dma_semaphore, #tpu.memory_space<semaphore_mem>>) {add = true}
      %dma_wait3A_139 = arith.constant 0 : i32
      %dma_wait3A_140 = arith.constant 0 : i32
      %dma_wait3A_141 = arith.constant 0 : i32
      %dma_wait3A_142 = arith.constant 0 : i32
      %dma_wait3A_143 = arith.constant 0 : i32
      %dma_wait3A_144 = tpu.memref_slice %arg10[%dma_wait3A_139, %dma_wait3A_142, %dma_wait3A_143] : memref<2x128x128xf32, #tpu.memory_space<vmem>> -> memref<1x128x128xf32, #tpu.memory_space<vmem>>
      %dma_wait3A_145 = tpu.memref_squeeze %dma_wait3A_144 : memref<1x128x128xf32, #tpu.memory_space<vmem>> -> memref<128x128xf32, #tpu.memory_space<vmem>>
      %dma_wait3A_146 = arith.constant 0 : i32
      %dma_wait3A_147 = tpu.memref_slice %arg9[%rem3A_88, %dma_wait3A_140, %dma_wait3A_146] : memref<2x8x128xi32, #tpu.memory_space<vmem>> -> memref<1x1x128xi32, #tpu.memory_space<vmem>>
      %dma_wait3A_148 = tpu.memref_squeeze %dma_wait3A_147 : memref<1x1x128xi32, #tpu.memory_space<vmem>> -> memref<128xi32, #tpu.memory_space<vmem>>
      %dma_wait3A_149 = arith.constant 0 : i32
      %dma_wait3A_150 = arith.constant 0 : i32
      %dma_wait3A_151 = tpu.memref_slice %arg7[%dma_wait3A_149, %dma_wait3A_150] : memref<10112x128xf32, #tpu.memory_space<vmem_shared>> -> memref<10112x128xf32, #tpu.memory_space<vmem_shared>>
      %dma_wait3A_152 = tpu.memref_slice %arg12[%dma_wait3A_141] : memref<2x!tpu.dma_semaphore, #tpu.memory_space<semaphore_mem>> -> memref<1x!tpu.dma_semaphore, #tpu.memory_space<semaphore_mem>>
      %dma_wait3A_153 = tpu.memref_squeeze %dma_wait3A_152 : memref<1x!tpu.dma_semaphore, #tpu.memory_space<semaphore_mem>> -> memref<!tpu.dma_semaphore, #tpu.memory_space<semaphore_mem>>
      tpu.wait_indirect_dma semaphore(%dma_wait3A_153 : memref<!tpu.dma_semaphore, #tpu.memory_space<semaphore_mem>>) src(%dma_wait3A_145 : memref<128x128xf32, #tpu.memory_space<vmem>>) dst(%dma_wait3A_151 : memref<10112x128xf32, #tpu.memory_space<vmem_shared>>)
      %add3A_154 = arith.constant 2 : i32
      %add3A_155 = arith.addi %add3A_109, %add3A_154 : i32
      %lt3A = arith.constant 80 : i32
      %lt3A_156 = arith.cmpi slt, %add3A_155, %lt3A : i32
      %convert_element_type3A = arith.extui %lt3A_156 : i1 to i32
      %cond3A = arith.constant 0 : i32
      %cond3A_157 = arith.cmpi ne, %convert_element_type3A, %cond3A : i32
      scf.if %cond3A_157 {
        %add3A_550 = arith.constant 2 : i32
        %add3A_551 = arith.addi %add3A_109, %add3A_550 : i32
        %dma_start3A_552 = arith.constant 0 : i32
        %dma_start3A_553 = arith.constant 0 : i32
        %dma_start3A_554 = arith.constant 0 : i32
        %dma_start3A_555 = arith.constant 0 : i32
        %dma_start3A_556 = tpu.memref_slice %arg10[%dma_start3A_552, %dma_start3A_554, %dma_start3A_555] : memref<2x128x128xf32, #tpu.memory_space<vmem>> -> memref<1x128x128xf32, #tpu.memory_space<vmem>>
        %dma_start3A_557 = tpu.memref_squeeze %dma_start3A_556 : memref<1x128x128xf32, #tpu.memory_space<vmem>> -> memref<128x128xf32, #tpu.memory_space<vmem>>
        %dma_start3A_558 = arith.constant 0 : i32
        %dma_start3A_559 = tpu.memref_slice %arg8[%add3A_551, %dma_start3A_558] : memref<80x128xi32, #tpu.memory_space<vmem>> -> memref<1x128xi32, #tpu.memory_space<vmem>>
        %dma_start3A_560 = tpu.memref_squeeze %dma_start3A_559 : memref<1x128xi32, #tpu.memory_space<vmem>> -> memref<128xi32, #tpu.memory_space<vmem>>
        %dma_start3A_561 = arith.constant 0 : i32
        %dma_start3A_562 = arith.constant 0 : i32
        %dma_start3A_563 = tpu.memref_slice %arg2[%dma_start3A_561, %dma_start3A_562] : memref<10000x128xf32, #tpu.memory_space<hbm>> -> memref<10000x128xf32, #tpu.memory_space<hbm>>
        %dma_start3A_564 = tpu.memref_slice %arg11[%dma_start3A_553] : memref<2x!tpu.dma_semaphore, #tpu.memory_space<semaphore_mem>> -> memref<1x!tpu.dma_semaphore, #tpu.memory_space<semaphore_mem>>
        %dma_start3A_565 = tpu.memref_squeeze %dma_start3A_564 : memref<1x!tpu.dma_semaphore, #tpu.memory_space<semaphore_mem>> -> memref<!tpu.dma_semaphore, #tpu.memory_space<semaphore_mem>>
        tpu.enqueue_indirect_dma source(%dma_start3A_563 : memref<10000x128xf32, #tpu.memory_space<hbm>>) target(%dma_start3A_557 : memref<128x128xf32, #tpu.memory_space<vmem>>) offsets(%dma_start3A_560 : memref<128xi32, #tpu.memory_space<vmem>>) semaphore(%dma_start3A_565 : memref<!tpu.dma_semaphore, #tpu.memory_space<semaphore_mem>>)
      } else {
      }
      %mul3A_158 = arith.constant 8 : i32
      %mul3A_159 = arith.muli %add3A_87, %mul3A_158 : i32
      %add3A_160 = arith.constant 1 : i32
      %add3A_161 = arith.addi %mul3A_159, %add3A_160 : i32
      %dma_wait3A_162 = arith.constant 1 : i32
      %dma_wait3A_163 = arith.constant 1 : i32
      %dma_wait3A_164 = arith.constant 0 : i32
      %dma_wait3A_165 = arith.constant 0 : i32
      %dma_wait3A_166 = tpu.memref_slice %arg10[%dma_wait3A_162, %dma_wait3A_164, %dma_wait3A_165] : memref<2x128x128xf32, #tpu.memory_space<vmem>> -> memref<1x128x128xf32, #tpu.memory_space<vmem>>
      %dma_wait3A_167 = tpu.memref_squeeze %dma_wait3A_166 : memref<1x128x128xf32, #tpu.memory_space<vmem>> -> memref<128x128xf32, #tpu.memory_space<vmem>>
      %dma_wait3A_168 = arith.constant 0 : i32
      %dma_wait3A_169 = tpu.memref_slice %arg8[%add3A_161, %dma_wait3A_168] : memref<80x128xi32, #tpu.memory_space<vmem>> -> memref<1x128xi32, #tpu.memory_space<vmem>>
      %dma_wait3A_170 = tpu.memref_squeeze %dma_wait3A_169 : memref<1x128xi32, #tpu.memory_space<vmem>> -> memref<128xi32, #tpu.memory_space<vmem>>
      %dma_wait3A_171 = arith.constant 0 : i32
      %dma_wait3A_172 = arith.constant 0 : i32
      %dma_wait3A_173 = tpu.memref_slice %arg2[%dma_wait3A_171, %dma_wait3A_172] : memref<10000x128xf32, #tpu.memory_space<hbm>> -> memref<10000x128xf32, #tpu.memory_space<hbm>>
      %dma_wait3A_174 = tpu.memref_slice %arg11[%dma_wait3A_163] : memref<2x!tpu.dma_semaphore, #tpu.memory_space<semaphore_mem>> -> memref<1x!tpu.dma_semaphore, #tpu.memory_space<semaphore_mem>>
      %dma_wait3A_175 = tpu.memref_squeeze %dma_wait3A_174 : memref<1x!tpu.dma_semaphore, #tpu.memory_space<semaphore_mem>> -> memref<!tpu.dma_semaphore, #tpu.memory_space<semaphore_mem>>
      tpu.wait_indirect_dma semaphore(%dma_wait3A_175 : memref<!tpu.dma_semaphore, #tpu.memory_space<semaphore_mem>>) src(%dma_wait3A_173 : memref<10000x128xf32, #tpu.memory_space<hbm>>) dst(%dma_wait3A_167 : memref<128x128xf32, #tpu.memory_space<vmem>>)
      %dma_start3A_176 = arith.constant 1 : i32
      %dma_start3A_177 = arith.constant 1 : i32
      %dma_start3A_178 = arith.constant 1 : i32
      %dma_start3A_179 = arith.constant 0 : i32
      %dma_start3A_180 = arith.constant 0 : i32
      %dma_start3A_181 = tpu.memref_slice %arg10[%dma_start3A_176, %dma_start3A_179, %dma_start3A_180] : memref<2x128x128xf32, #tpu.memory_space<vmem>> -> memref<1x128x128xf32, #tpu.memory_space<vmem>>
      %dma_start3A_182 = tpu.memref_squeeze %dma_start3A_181 : memref<1x128x128xf32, #tpu.memory_space<vmem>> -> memref<128x128xf32, #tpu.memory_space<vmem>>
      %dma_start3A_183 = arith.constant 0 : i32
      %dma_start3A_184 = tpu.memref_slice %arg9[%rem3A_88, %dma_start3A_177, %dma_start3A_183] : memref<2x8x128xi32, #tpu.memory_space<vmem>> -> memref<1x1x128xi32, #tpu.memory_space<vmem>>
      %dma_start3A_185 = tpu.memref_squeeze %dma_start3A_184 : memref<1x1x128xi32, #tpu.memory_space<vmem>> -> memref<128xi32, #tpu.memory_space<vmem>>
      %dma_start3A_186 = arith.constant 0 : i32
      %dma_start3A_187 = arith.constant 0 : i32
      %dma_start3A_188 = tpu.memref_slice %arg7[%dma_start3A_186, %dma_start3A_187] : memref<10112x128xf32, #tpu.memory_space<vmem_shared>> -> memref<10112x128xf32, #tpu.memory_space<vmem_shared>>
      %dma_start3A_189 = tpu.memref_slice %arg12[%dma_start3A_178] : memref<2x!tpu.dma_semaphore, #tpu.memory_space<semaphore_mem>> -> memref<1x!tpu.dma_semaphore, #tpu.memory_space<semaphore_mem>>
      %dma_start3A_190 = tpu.memref_squeeze %dma_start3A_189 : memref<1x!tpu.dma_semaphore, #tpu.memory_space<semaphore_mem>> -> memref<!tpu.dma_semaphore, #tpu.memory_space<semaphore_mem>>
      tpu.enqueue_indirect_dma source(%dma_start3A_182 : memref<128x128xf32, #tpu.memory_space<vmem>>) target(%dma_start3A_188 : memref<10112x128xf32, #tpu.memory_space<vmem_shared>>) offsets(%dma_start3A_185 : memref<128xi32, #tpu.memory_space<vmem>>) semaphore(%dma_start3A_190 : memref<!tpu.dma_semaphore, #tpu.memory_space<semaphore_mem>>) {add = true}
      %dma_wait3A_191 = arith.constant 1 : i32
      %dma_wait3A_192 = arith.constant 1 : i32
      %dma_wait3A_193 = arith.constant 1 : i32
      %dma_wait3A_194 = arith.constant 0 : i32
      %dma_wait3A_195 = arith.constant 0 : i32
      %dma_wait3A_196 = tpu.memref_slice %arg10[%dma_wait3A_191, %dma_wait3A_194, %dma_wait3A_195] : memref<2x128x128xf32, #tpu.memory_space<vmem>> -> memref<1x128x128xf32, #tpu.memory_space<vmem>>
      %dma_wait3A_197 = tpu.memref_squeeze %dma_wait3A_196 : memref<1x128x128xf32, #tpu.memory_space<vmem>> -> memref<128x128xf32, #tpu.memory_space<vmem>>
      %dma_wait3A_198 = arith.constant 0 : i32
      %dma_wait3A_199 = tpu.memref_slice %arg9[%rem3A_88, %dma_wait3A_192, %dma_wait3A_198] : memref<2x8x128xi32, #tpu.memory_space<vmem>> -> memref<1x1x128xi32, #tpu.memory_space<vmem>>
      %dma_wait3A_200 = tpu.memref_squeeze %dma_wait3A_199 : memref<1x1x128xi32, #tpu.memory_space<vmem>> -> memref<128xi32, #tpu.memory_space<vmem>>
      %dma_wait3A_201 = arith.constant 0 : i32
      %dma_wait3A_202 = arith.constant 0 : i32
      %dma_wait3A_203 = tpu.memref_slice %arg7[%dma_wait3A_201, %dma_wait3A_202] : memref<10112x128xf32, #tpu.memory_space<vmem_shared>> -> memref<10112x128xf32, #tpu.memory_space<vmem_shared>>
      %dma_wait3A_204 = tpu.memref_slice %arg12[%dma_wait3A_193] : memref<2x!tpu.dma_semaphore, #tpu.memory_space<semaphore_mem>> -> memref<1x!tpu.dma_semaphore, #tpu.memory_space<semaphore_mem>>
      %dma_wait3A_205 = tpu.memref_squeeze %dma_wait3A_204 : memref<1x!tpu.dma_semaphore, #tpu.memory_space<semaphore_mem>> -> memref<!tpu.dma_semaphore, #tpu.memory_space<semaphore_mem>>
      tpu.wait_indirect_dma semaphore(%dma_wait3A_205 : memref<!tpu.dma_semaphore, #tpu.memory_space<semaphore_mem>>) src(%dma_wait3A_197 : memref<128x128xf32, #tpu.memory_space<vmem>>) dst(%dma_wait3A_203 : memref<10112x128xf32, #tpu.memory_space<vmem_shared>>)
      %add3A_206 = arith.constant 2 : i32
      %add3A_207 = arith.addi %add3A_161, %add3A_206 : i32
      %lt3A_208 = arith.constant 80 : i32
      %lt3A_209 = arith.cmpi slt, %add3A_207, %lt3A_208 : i32
      %convert_element_type3A_210 = arith.extui %lt3A_209 : i1 to i32
      %cond3A_211 = arith.constant 0 : i32
      %cond3A_212 = arith.cmpi ne, %convert_element_type3A_210, %cond3A_211 : i32
      scf.if %cond3A_212 {
        %add3A_550 = arith.constant 2 : i32
        %add3A_551 = arith.addi %add3A_161, %add3A_550 : i32
        %dma_start3A_552 = arith.constant 1 : i32
        %dma_start3A_553 = arith.constant 1 : i32
        %dma_start3A_554 = arith.constant 0 : i32
        %dma_start3A_555 = arith.constant 0 : i32
        %dma_start3A_556 = tpu.memref_slice %arg10[%dma_start3A_552, %dma_start3A_554, %dma_start3A_555] : memref<2x128x128xf32, #tpu.memory_space<vmem>> -> memref<1x128x128xf32, #tpu.memory_space<vmem>>
        %dma_start3A_557 = tpu.memref_squeeze %dma_start3A_556 : memref<1x128x128xf32, #tpu.memory_space<vmem>> -> memref<128x128xf32, #tpu.memory_space<vmem>>
        %dma_start3A_558 = arith.constant 0 : i32
        %dma_start3A_559 = tpu.memref_slice %arg8[%add3A_551, %dma_start3A_558] : memref<80x128xi32, #tpu.memory_space<vmem>> -> memref<1x128xi32, #tpu.memory_space<vmem>>
        %dma_start3A_560 = tpu.memref_squeeze %dma_start3A_559 : memref<1x128xi32, #tpu.memory_space<vmem>> -> memref<128xi32, #tpu.memory_space<vmem>>
        %dma_start3A_561 = arith.constant 0 : i32
        %dma_start3A_562 = arith.constant 0 : i32
        %dma_start3A_563 = tpu.memref_slice %arg2[%dma_start3A_561, %dma_start3A_562] : memref<10000x128xf32, #tpu.memory_space<hbm>> -> memref<10000x128xf32, #tpu.memory_space<hbm>>
        %dma_start3A_564 = tpu.memref_slice %arg11[%dma_start3A_553] : memref<2x!tpu.dma_semaphore, #tpu.memory_space<semaphore_mem>> -> memref<1x!tpu.dma_semaphore, #tpu.memory_space<semaphore_mem>>
        %dma_start3A_565 = tpu.memref_squeeze %dma_start3A_564 : memref<1x!tpu.dma_semaphore, #tpu.memory_space<semaphore_mem>> -> memref<!tpu.dma_semaphore, #tpu.memory_space<semaphore_mem>>
        tpu.enqueue_indirect_dma source(%dma_start3A_563 : memref<10000x128xf32, #tpu.memory_space<hbm>>) target(%dma_start3A_557 : memref<128x128xf32, #tpu.memory_space<vmem>>) offsets(%dma_start3A_560 : memref<128xi32, #tpu.memory_space<vmem>>) semaphore(%dma_start3A_565 : memref<!tpu.dma_semaphore, #tpu.memory_space<semaphore_mem>>)
      } else {
      }
      %mul3A_213 = arith.constant 8 : i32
      %mul3A_214 = arith.muli %add3A_87, %mul3A_213 : i32
      %add3A_215 = arith.constant 2 : i32
      %add3A_216 = arith.addi %mul3A_214, %add3A_215 : i32
      %dma_wait3A_217 = arith.constant 0 : i32
      %dma_wait3A_218 = arith.constant 0 : i32
      %dma_wait3A_219 = arith.constant 0 : i32
      %dma_wait3A_220 = arith.constant 0 : i32
      %dma_wait3A_221 = tpu.memref_slice %arg10[%dma_wait3A_217, %dma_wait3A_219, %dma_wait3A_220] : memref<2x128x128xf32, #tpu.memory_space<vmem>> -> memref<1x128x128xf32, #tpu.memory_space<vmem>>
      %dma_wait3A_222 = tpu.memref_squeeze %dma_wait3A_221 : memref<1x128x128xf32, #tpu.memory_space<vmem>> -> memref<128x128xf32, #tpu.memory_space<vmem>>
      %dma_wait3A_223 = arith.constant 0 : i32
      %dma_wait3A_224 = tpu.memref_slice %arg8[%add3A_216, %dma_wait3A_223] : memref<80x128xi32, #tpu.memory_space<vmem>> -> memref<1x128xi32, #tpu.memory_space<vmem>>
      %dma_wait3A_225 = tpu.memref_squeeze %dma_wait3A_224 : memref<1x128xi32, #tpu.memory_space<vmem>> -> memref<128xi32, #tpu.memory_space<vmem>>
      %dma_wait3A_226 = arith.constant 0 : i32
      %dma_wait3A_227 = arith.constant 0 : i32
      %dma_wait3A_228 = tpu.memref_slice %arg2[%dma_wait3A_226, %dma_wait3A_227] : memref<10000x128xf32, #tpu.memory_space<hbm>> -> memref<10000x128xf32, #tpu.memory_space<hbm>>
      %dma_wait3A_229 = tpu.memref_slice %arg11[%dma_wait3A_218] : memref<2x!tpu.dma_semaphore, #tpu.memory_space<semaphore_mem>> -> memref<1x!tpu.dma_semaphore, #tpu.memory_space<semaphore_mem>>
      %dma_wait3A_230 = tpu.memref_squeeze %dma_wait3A_229 : memref<1x!tpu.dma_semaphore, #tpu.memory_space<semaphore_mem>> -> memref<!tpu.dma_semaphore, #tpu.memory_space<semaphore_mem>>
      tpu.wait_indirect_dma semaphore(%dma_wait3A_230 : memref<!tpu.dma_semaphore, #tpu.memory_space<semaphore_mem>>) src(%dma_wait3A_228 : memref<10000x128xf32, #tpu.memory_space<hbm>>) dst(%dma_wait3A_222 : memref<128x128xf32, #tpu.memory_space<vmem>>)
      %dma_start3A_231 = arith.constant 0 : i32
      %dma_start3A_232 = arith.constant 2 : i32
      %dma_start3A_233 = arith.constant 0 : i32
      %dma_start3A_234 = arith.constant 0 : i32
      %dma_start3A_235 = arith.constant 0 : i32
      %dma_start3A_236 = tpu.memref_slice %arg10[%dma_start3A_231, %dma_start3A_234, %dma_start3A_235] : memref<2x128x128xf32, #tpu.memory_space<vmem>> -> memref<1x128x128xf32, #tpu.memory_space<vmem>>
      %dma_start3A_237 = tpu.memref_squeeze %dma_start3A_236 : memref<1x128x128xf32, #tpu.memory_space<vmem>> -> memref<128x128xf32, #tpu.memory_space<vmem>>
      %dma_start3A_238 = arith.constant 0 : i32
      %dma_start3A_239 = tpu.memref_slice %arg9[%rem3A_88, %dma_start3A_232, %dma_start3A_238] : memref<2x8x128xi32, #tpu.memory_space<vmem>> -> memref<1x1x128xi32, #tpu.memory_space<vmem>>
      %dma_start3A_240 = tpu.memref_squeeze %dma_start3A_239 : memref<1x1x128xi32, #tpu.memory_space<vmem>> -> memref<128xi32, #tpu.memory_space<vmem>>
      %dma_start3A_241 = arith.constant 0 : i32
      %dma_start3A_242 = arith.constant 0 : i32
      %dma_start3A_243 = tpu.memref_slice %arg7[%dma_start3A_241, %dma_start3A_242] : memref<10112x128xf32, #tpu.memory_space<vmem_shared>> -> memref<10112x128xf32, #tpu.memory_space<vmem_shared>>
      %dma_start3A_244 = tpu.memref_slice %arg12[%dma_start3A_233] : memref<2x!tpu.dma_semaphore, #tpu.memory_space<semaphore_mem>> -> memref<1x!tpu.dma_semaphore, #tpu.memory_space<semaphore_mem>>
      %dma_start3A_245 = tpu.memref_squeeze %dma_start3A_244 : memref<1x!tpu.dma_semaphore, #tpu.memory_space<semaphore_mem>> -> memref<!tpu.dma_semaphore, #tpu.memory_space<semaphore_mem>>
      tpu.enqueue_indirect_dma source(%dma_start3A_237 : memref<128x128xf32, #tpu.memory_space<vmem>>) target(%dma_start3A_243 : memref<10112x128xf32, #tpu.memory_space<vmem_shared>>) offsets(%dma_start3A_240 : memref<128xi32, #tpu.memory_space<vmem>>) semaphore(%dma_start3A_245 : memref<!tpu.dma_semaphore, #tpu.memory_space<semaphore_mem>>) {add = true}
      %dma_wait3A_246 = arith.constant 0 : i32
      %dma_wait3A_247 = arith.constant 2 : i32
      %dma_wait3A_248 = arith.constant 0 : i32
      %dma_wait3A_249 = arith.constant 0 : i32
      %dma_wait3A_250 = arith.constant 0 : i32
      %dma_wait3A_251 = tpu.memref_slice %arg10[%dma_wait3A_246, %dma_wait3A_249, %dma_wait3A_250] : memref<2x128x128xf32, #tpu.memory_space<vmem>> -> memref<1x128x128xf32, #tpu.memory_space<vmem>>
      %dma_wait3A_252 = tpu.memref_squeeze %dma_wait3A_251 : memref<1x128x128xf32, #tpu.memory_space<vmem>> -> memref<128x128xf32, #tpu.memory_space<vmem>>
      %dma_wait3A_253 = arith.constant 0 : i32
      %dma_wait3A_254 = tpu.memref_slice %arg9[%rem3A_88, %dma_wait3A_247, %dma_wait3A_253] : memref<2x8x128xi32, #tpu.memory_space<vmem>> -> memref<1x1x128xi32, #tpu.memory_space<vmem>>
      %dma_wait3A_255 = tpu.memref_squeeze %dma_wait3A_254 : memref<1x1x128xi32, #tpu.memory_space<vmem>> -> memref<128xi32, #tpu.memory_space<vmem>>
      %dma_wait3A_256 = arith.constant 0 : i32
      %dma_wait3A_257 = arith.constant 0 : i32
      %dma_wait3A_258 = tpu.memref_slice %arg7[%dma_wait3A_256, %dma_wait3A_257] : memref<10112x128xf32, #tpu.memory_space<vmem_shared>> -> memref<10112x128xf32, #tpu.memory_space<vmem_shared>>
      %dma_wait3A_259 = tpu.memref_slice %arg12[%dma_wait3A_248] : memref<2x!tpu.dma_semaphore, #tpu.memory_space<semaphore_mem>> -> memref<1x!tpu.dma_semaphore, #tpu.memory_space<semaphore_mem>>
      %dma_wait3A_260 = tpu.memref_squeeze %dma_wait3A_259 : memref<1x!tpu.dma_semaphore, #tpu.memory_space<semaphore_mem>> -> memref<!tpu.dma_semaphore, #tpu.memory_space<semaphore_mem>>
      tpu.wait_indirect_dma semaphore(%dma_wait3A_260 : memref<!tpu.dma_semaphore, #tpu.memory_space<semaphore_mem>>) src(%dma_wait3A_252 : memref<128x128xf32, #tpu.memory_space<vmem>>) dst(%dma_wait3A_258 : memref<10112x128xf32, #tpu.memory_space<vmem_shared>>)
      %add3A_261 = arith.constant 2 : i32
      %add3A_262 = arith.addi %add3A_216, %add3A_261 : i32
      %lt3A_263 = arith.constant 80 : i32
      %lt3A_264 = arith.cmpi slt, %add3A_262, %lt3A_263 : i32
      %convert_element_type3A_265 = arith.extui %lt3A_264 : i1 to i32
      %cond3A_266 = arith.constant 0 : i32
      %cond3A_267 = arith.cmpi ne, %convert_element_type3A_265, %cond3A_266 : i32
      scf.if %cond3A_267 {
        %add3A_550 = arith.constant 2 : i32
        %add3A_551 = arith.addi %add3A_216, %add3A_550 : i32
        %dma_start3A_552 = arith.constant 0 : i32
        %dma_start3A_553 = arith.constant 0 : i32
        %dma_start3A_554 = arith.constant 0 : i32
        %dma_start3A_555 = arith.constant 0 : i32
        %dma_start3A_556 = tpu.memref_slice %arg10[%dma_start3A_552, %dma_start3A_554, %dma_start3A_555] : memref<2x128x128xf32, #tpu.memory_space<vmem>> -> memref<1x128x128xf32, #tpu.memory_space<vmem>>
        %dma_start3A_557 = tpu.memref_squeeze %dma_start3A_556 : memref<1x128x128xf32, #tpu.memory_space<vmem>> -> memref<128x128xf32, #tpu.memory_space<vmem>>
        %dma_start3A_558 = arith.constant 0 : i32
        %dma_start3A_559 = tpu.memref_slice %arg8[%add3A_551, %dma_start3A_558] : memref<80x128xi32, #tpu.memory_space<vmem>> -> memref<1x128xi32, #tpu.memory_space<vmem>>
        %dma_start3A_560 = tpu.memref_squeeze %dma_start3A_559 : memref<1x128xi32, #tpu.memory_space<vmem>> -> memref<128xi32, #tpu.memory_space<vmem>>
        %dma_start3A_561 = arith.constant 0 : i32
        %dma_start3A_562 = arith.constant 0 : i32
        %dma_start3A_563 = tpu.memref_slice %arg2[%dma_start3A_561, %dma_start3A_562] : memref<10000x128xf32, #tpu.memory_space<hbm>> -> memref<10000x128xf32, #tpu.memory_space<hbm>>
        %dma_start3A_564 = tpu.memref_slice %arg11[%dma_start3A_553] : memref<2x!tpu.dma_semaphore, #tpu.memory_space<semaphore_mem>> -> memref<1x!tpu.dma_semaphore, #tpu.memory_space<semaphore_mem>>
        %dma_start3A_565 = tpu.memref_squeeze %dma_start3A_564 : memref<1x!tpu.dma_semaphore, #tpu.memory_space<semaphore_mem>> -> memref<!tpu.dma_semaphore, #tpu.memory_space<semaphore_mem>>
        tpu.enqueue_indirect_dma source(%dma_start3A_563 : memref<10000x128xf32, #tpu.memory_space<hbm>>) target(%dma_start3A_557 : memref<128x128xf32, #tpu.memory_space<vmem>>) offsets(%dma_start3A_560 : memref<128xi32, #tpu.memory_space<vmem>>) semaphore(%dma_start3A_565 : memref<!tpu.dma_semaphore, #tpu.memory_space<semaphore_mem>>)
      } else {
      }
      %mul3A_268 = arith.constant 8 : i32
      %mul3A_269 = arith.muli %add3A_87, %mul3A_268 : i32
      %add3A_270 = arith.constant 3 : i32
      %add3A_271 = arith.addi %mul3A_269, %add3A_270 : i32
      %dma_wait3A_272 = arith.constant 1 : i32
      %dma_wait3A_273 = arith.constant 1 : i32
      %dma_wait3A_274 = arith.constant 0 : i32
      %dma_wait3A_275 = arith.constant 0 : i32
      %dma_wait3A_276 = tpu.memref_slice %arg10[%dma_wait3A_272, %dma_wait3A_274, %dma_wait3A_275] : memref<2x128x128xf32, #tpu.memory_space<vmem>> -> memref<1x128x128xf32, #tpu.memory_space<vmem>>
      %dma_wait3A_277 = tpu.memref_squeeze %dma_wait3A_276 : memref<1x128x128xf32, #tpu.memory_space<vmem>> -> memref<128x128xf32, #tpu.memory_space<vmem>>
      %dma_wait3A_278 = arith.constant 0 : i32
      %dma_wait3A_279 = tpu.memref_slice %arg8[%add3A_271, %dma_wait3A_278] : memref<80x128xi32, #tpu.memory_space<vmem>> -> memref<1x128xi32, #tpu.memory_space<vmem>>
      %dma_wait3A_280 = tpu.memref_squeeze %dma_wait3A_279 : memref<1x128xi32, #tpu.memory_space<vmem>> -> memref<128xi32, #tpu.memory_space<vmem>>
      %dma_wait3A_281 = arith.constant 0 : i32
      %dma_wait3A_282 = arith.constant 0 : i32
      %dma_wait3A_283 = tpu.memref_slice %arg2[%dma_wait3A_281, %dma_wait3A_282] : memref<10000x128xf32, #tpu.memory_space<hbm>> -> memref<10000x128xf32, #tpu.memory_space<hbm>>
      %dma_wait3A_284 = tpu.memref_slice %arg11[%dma_wait3A_273] : memref<2x!tpu.dma_semaphore, #tpu.memory_space<semaphore_mem>> -> memref<1x!tpu.dma_semaphore, #tpu.memory_space<semaphore_mem>>
      %dma_wait3A_285 = tpu.memref_squeeze %dma_wait3A_284 : memref<1x!tpu.dma_semaphore, #tpu.memory_space<semaphore_mem>> -> memref<!tpu.dma_semaphore, #tpu.memory_space<semaphore_mem>>
      tpu.wait_indirect_dma semaphore(%dma_wait3A_285 : memref<!tpu.dma_semaphore, #tpu.memory_space<semaphore_mem>>) src(%dma_wait3A_283 : memref<10000x128xf32, #tpu.memory_space<hbm>>) dst(%dma_wait3A_277 : memref<128x128xf32, #tpu.memory_space<vmem>>)
      %dma_start3A_286 = arith.constant 1 : i32
      %dma_start3A_287 = arith.constant 3 : i32
      %dma_start3A_288 = arith.constant 1 : i32
      %dma_start3A_289 = arith.constant 0 : i32
      %dma_start3A_290 = arith.constant 0 : i32
      %dma_start3A_291 = tpu.memref_slice %arg10[%dma_start3A_286, %dma_start3A_289, %dma_start3A_290] : memref<2x128x128xf32, #tpu.memory_space<vmem>> -> memref<1x128x128xf32, #tpu.memory_space<vmem>>
      %dma_start3A_292 = tpu.memref_squeeze %dma_start3A_291 : memref<1x128x128xf32, #tpu.memory_space<vmem>> -> memref<128x128xf32, #tpu.memory_space<vmem>>
      %dma_start3A_293 = arith.constant 0 : i32
      %dma_start3A_294 = tpu.memref_slice %arg9[%rem3A_88, %dma_start3A_287, %dma_start3A_293] : memref<2x8x128xi32, #tpu.memory_space<vmem>> -> memref<1x1x128xi32, #tpu.memory_space<vmem>>
      %dma_start3A_295 = tpu.memref_squeeze %dma_start3A_294 : memref<1x1x128xi32, #tpu.memory_space<vmem>> -> memref<128xi32, #tpu.memory_space<vmem>>
      %dma_start3A_296 = arith.constant 0 : i32
      %dma_start3A_297 = arith.constant 0 : i32
      %dma_start3A_298 = tpu.memref_slice %arg7[%dma_start3A_296, %dma_start3A_297] : memref<10112x128xf32, #tpu.memory_space<vmem_shared>> -> memref<10112x128xf32, #tpu.memory_space<vmem_shared>>
      %dma_start3A_299 = tpu.memref_slice %arg12[%dma_start3A_288] : memref<2x!tpu.dma_semaphore, #tpu.memory_space<semaphore_mem>> -> memref<1x!tpu.dma_semaphore, #tpu.memory_space<semaphore_mem>>
      %dma_start3A_300 = tpu.memref_squeeze %dma_start3A_299 : memref<1x!tpu.dma_semaphore, #tpu.memory_space<semaphore_mem>> -> memref<!tpu.dma_semaphore, #tpu.memory_space<semaphore_mem>>
      tpu.enqueue_indirect_dma source(%dma_start3A_292 : memref<128x128xf32, #tpu.memory_space<vmem>>) target(%dma_start3A_298 : memref<10112x128xf32, #tpu.memory_space<vmem_shared>>) offsets(%dma_start3A_295 : memref<128xi32, #tpu.memory_space<vmem>>) semaphore(%dma_start3A_300 : memref<!tpu.dma_semaphore, #tpu.memory_space<semaphore_mem>>) {add = true}
      %dma_wait3A_301 = arith.constant 1 : i32
      %dma_wait3A_302 = arith.constant 3 : i32
      %dma_wait3A_303 = arith.constant 1 : i32
      %dma_wait3A_304 = arith.constant 0 : i32
      %dma_wait3A_305 = arith.constant 0 : i32
      %dma_wait3A_306 = tpu.memref_slice %arg10[%dma_wait3A_301, %dma_wait3A_304, %dma_wait3A_305] : memref<2x128x128xf32, #tpu.memory_space<vmem>> -> memref<1x128x128xf32, #tpu.memory_space<vmem>>
      %dma_wait3A_307 = tpu.memref_squeeze %dma_wait3A_306 : memref<1x128x128xf32, #tpu.memory_space<vmem>> -> memref<128x128xf32, #tpu.memory_space<vmem>>
      %dma_wait3A_308 = arith.constant 0 : i32
      %dma_wait3A_309 = tpu.memref_slice %arg9[%rem3A_88, %dma_wait3A_302, %dma_wait3A_308] : memref<2x8x128xi32, #tpu.memory_space<vmem>> -> memref<1x1x128xi32, #tpu.memory_space<vmem>>
      %dma_wait3A_310 = tpu.memref_squeeze %dma_wait3A_309 : memref<1x1x128xi32, #tpu.memory_space<vmem>> -> memref<128xi32, #tpu.memory_space<vmem>>
      %dma_wait3A_311 = arith.constant 0 : i32
      %dma_wait3A_312 = arith.constant 0 : i32
      %dma_wait3A_313 = tpu.memref_slice %arg7[%dma_wait3A_311, %dma_wait3A_312] : memref<10112x128xf32, #tpu.memory_space<vmem_shared>> -> memref<10112x128xf32, #tpu.memory_space<vmem_shared>>
      %dma_wait3A_314 = tpu.memref_slice %arg12[%dma_wait3A_303] : memref<2x!tpu.dma_semaphore, #tpu.memory_space<semaphore_mem>> -> memref<1x!tpu.dma_semaphore, #tpu.memory_space<semaphore_mem>>
      %dma_wait3A_315 = tpu.memref_squeeze %dma_wait3A_314 : memref<1x!tpu.dma_semaphore, #tpu.memory_space<semaphore_mem>> -> memref<!tpu.dma_semaphore, #tpu.memory_space<semaphore_mem>>
      tpu.wait_indirect_dma semaphore(%dma_wait3A_315 : memref<!tpu.dma_semaphore, #tpu.memory_space<semaphore_mem>>) src(%dma_wait3A_307 : memref<128x128xf32, #tpu.memory_space<vmem>>) dst(%dma_wait3A_313 : memref<10112x128xf32, #tpu.memory_space<vmem_shared>>)
      %add3A_316 = arith.constant 2 : i32
      %add3A_317 = arith.addi %add3A_271, %add3A_316 : i32
      %lt3A_318 = arith.constant 80 : i32
      %lt3A_319 = arith.cmpi slt, %add3A_317, %lt3A_318 : i32
      %convert_element_type3A_320 = arith.extui %lt3A_319 : i1 to i32
      %cond3A_321 = arith.constant 0 : i32
      %cond3A_322 = arith.cmpi ne, %convert_element_type3A_320, %cond3A_321 : i32
      scf.if %cond3A_322 {
        %add3A_550 = arith.constant 2 : i32
        %add3A_551 = arith.addi %add3A_271, %add3A_550 : i32
        %dma_start3A_552 = arith.constant 1 : i32
        %dma_start3A_553 = arith.constant 1 : i32
        %dma_start3A_554 = arith.constant 0 : i32
        %dma_start3A_555 = arith.constant 0 : i32
        %dma_start3A_556 = tpu.memref_slice %arg10[%dma_start3A_552, %dma_start3A_554, %dma_start3A_555] : memref<2x128x128xf32, #tpu.memory_space<vmem>> -> memref<1x128x128xf32, #tpu.memory_space<vmem>>
        %dma_start3A_557 = tpu.memref_squeeze %dma_start3A_556 : memref<1x128x128xf32, #tpu.memory_space<vmem>> -> memref<128x128xf32, #tpu.memory_space<vmem>>
        %dma_start3A_558 = arith.constant 0 : i32
        %dma_start3A_559 = tpu.memref_slice %arg8[%add3A_551, %dma_start3A_558] : memref<80x128xi32, #tpu.memory_space<vmem>> -> memref<1x128xi32, #tpu.memory_space<vmem>>
        %dma_start3A_560 = tpu.memref_squeeze %dma_start3A_559 : memref<1x128xi32, #tpu.memory_space<vmem>> -> memref<128xi32, #tpu.memory_space<vmem>>
        %dma_start3A_561 = arith.constant 0 : i32
        %dma_start3A_562 = arith.constant 0 : i32
        %dma_start3A_563 = tpu.memref_slice %arg2[%dma_start3A_561, %dma_start3A_562] : memref<10000x128xf32, #tpu.memory_space<hbm>> -> memref<10000x128xf32, #tpu.memory_space<hbm>>
        %dma_start3A_564 = tpu.memref_slice %arg11[%dma_start3A_553] : memref<2x!tpu.dma_semaphore, #tpu.memory_space<semaphore_mem>> -> memref<1x!tpu.dma_semaphore, #tpu.memory_space<semaphore_mem>>
        %dma_start3A_565 = tpu.memref_squeeze %dma_start3A_564 : memref<1x!tpu.dma_semaphore, #tpu.memory_space<semaphore_mem>> -> memref<!tpu.dma_semaphore, #tpu.memory_space<semaphore_mem>>
        tpu.enqueue_indirect_dma source(%dma_start3A_563 : memref<10000x128xf32, #tpu.memory_space<hbm>>) target(%dma_start3A_557 : memref<128x128xf32, #tpu.memory_space<vmem>>) offsets(%dma_start3A_560 : memref<128xi32, #tpu.memory_space<vmem>>) semaphore(%dma_start3A_565 : memref<!tpu.dma_semaphore, #tpu.memory_space<semaphore_mem>>)
      } else {
      }
      %mul3A_323 = arith.constant 8 : i32
      %mul3A_324 = arith.muli %add3A_87, %mul3A_323 : i32
      %add3A_325 = arith.constant 4 : i32
      %add3A_326 = arith.addi %mul3A_324, %add3A_325 : i32
      %dma_wait3A_327 = arith.constant 0 : i32
      %dma_wait3A_328 = arith.constant 0 : i32
      %dma_wait3A_329 = arith.constant 0 : i32
      %dma_wait3A_330 = arith.constant 0 : i32
      %dma_wait3A_331 = tpu.memref_slice %arg10[%dma_wait3A_327, %dma_wait3A_329, %dma_wait3A_330] : memref<2x128x128xf32, #tpu.memory_space<vmem>> -> memref<1x128x128xf32, #tpu.memory_space<vmem>>
      %dma_wait3A_332 = tpu.memref_squeeze %dma_wait3A_331 : memref<1x128x128xf32, #tpu.memory_space<vmem>> -> memref<128x128xf32, #tpu.memory_space<vmem>>
      %dma_wait3A_333 = arith.constant 0 : i32
      %dma_wait3A_334 = tpu.memref_slice %arg8[%add3A_326, %dma_wait3A_333] : memref<80x128xi32, #tpu.memory_space<vmem>> -> memref<1x128xi32, #tpu.memory_space<vmem>>
      %dma_wait3A_335 = tpu.memref_squeeze %dma_wait3A_334 : memref<1x128xi32, #tpu.memory_space<vmem>> -> memref<128xi32, #tpu.memory_space<vmem>>
      %dma_wait3A_336 = arith.constant 0 : i32
      %dma_wait3A_337 = arith.constant 0 : i32
      %dma_wait3A_338 = tpu.memref_slice %arg2[%dma_wait3A_336, %dma_wait3A_337] : memref<10000x128xf32, #tpu.memory_space<hbm>> -> memref<10000x128xf32, #tpu.memory_space<hbm>>
      %dma_wait3A_339 = tpu.memref_slice %arg11[%dma_wait3A_328] : memref<2x!tpu.dma_semaphore, #tpu.memory_space<semaphore_mem>> -> memref<1x!tpu.dma_semaphore, #tpu.memory_space<semaphore_mem>>
      %dma_wait3A_340 = tpu.memref_squeeze %dma_wait3A_339 : memref<1x!tpu.dma_semaphore, #tpu.memory_space<semaphore_mem>> -> memref<!tpu.dma_semaphore, #tpu.memory_space<semaphore_mem>>
      tpu.wait_indirect_dma semaphore(%dma_wait3A_340 : memref<!tpu.dma_semaphore, #tpu.memory_space<semaphore_mem>>) src(%dma_wait3A_338 : memref<10000x128xf32, #tpu.memory_space<hbm>>) dst(%dma_wait3A_332 : memref<128x128xf32, #tpu.memory_space<vmem>>)
      %dma_start3A_341 = arith.constant 0 : i32
      %dma_start3A_342 = arith.constant 4 : i32
      %dma_start3A_343 = arith.constant 0 : i32
      %dma_start3A_344 = arith.constant 0 : i32
      %dma_start3A_345 = arith.constant 0 : i32
      %dma_start3A_346 = tpu.memref_slice %arg10[%dma_start3A_341, %dma_start3A_344, %dma_start3A_345] : memref<2x128x128xf32, #tpu.memory_space<vmem>> -> memref<1x128x128xf32, #tpu.memory_space<vmem>>
      %dma_start3A_347 = tpu.memref_squeeze %dma_start3A_346 : memref<1x128x128xf32, #tpu.memory_space<vmem>> -> memref<128x128xf32, #tpu.memory_space<vmem>>
      %dma_start3A_348 = arith.constant 0 : i32
      %dma_start3A_349 = tpu.memref_slice %arg9[%rem3A_88, %dma_start3A_342, %dma_start3A_348] : memref<2x8x128xi32, #tpu.memory_space<vmem>> -> memref<1x1x128xi32, #tpu.memory_space<vmem>>
      %dma_start3A_350 = tpu.memref_squeeze %dma_start3A_349 : memref<1x1x128xi32, #tpu.memory_space<vmem>> -> memref<128xi32, #tpu.memory_space<vmem>>
      %dma_start3A_351 = arith.constant 0 : i32
      %dma_start3A_352 = arith.constant 0 : i32
      %dma_start3A_353 = tpu.memref_slice %arg7[%dma_start3A_351, %dma_start3A_352] : memref<10112x128xf32, #tpu.memory_space<vmem_shared>> -> memref<10112x128xf32, #tpu.memory_space<vmem_shared>>
      %dma_start3A_354 = tpu.memref_slice %arg12[%dma_start3A_343] : memref<2x!tpu.dma_semaphore, #tpu.memory_space<semaphore_mem>> -> memref<1x!tpu.dma_semaphore, #tpu.memory_space<semaphore_mem>>
      %dma_start3A_355 = tpu.memref_squeeze %dma_start3A_354 : memref<1x!tpu.dma_semaphore, #tpu.memory_space<semaphore_mem>> -> memref<!tpu.dma_semaphore, #tpu.memory_space<semaphore_mem>>
      tpu.enqueue_indirect_dma source(%dma_start3A_347 : memref<128x128xf32, #tpu.memory_space<vmem>>) target(%dma_start3A_353 : memref<10112x128xf32, #tpu.memory_space<vmem_shared>>) offsets(%dma_start3A_350 : memref<128xi32, #tpu.memory_space<vmem>>) semaphore(%dma_start3A_355 : memref<!tpu.dma_semaphore, #tpu.memory_space<semaphore_mem>>) {add = true}
      %dma_wait3A_356 = arith.constant 0 : i32
      %dma_wait3A_357 = arith.constant 4 : i32
      %dma_wait3A_358 = arith.constant 0 : i32
      %dma_wait3A_359 = arith.constant 0 : i32
      %dma_wait3A_360 = arith.constant 0 : i32
      %dma_wait3A_361 = tpu.memref_slice %arg10[%dma_wait3A_356, %dma_wait3A_359, %dma_wait3A_360] : memref<2x128x128xf32, #tpu.memory_space<vmem>> -> memref<1x128x128xf32, #tpu.memory_space<vmem>>
      %dma_wait3A_362 = tpu.memref_squeeze %dma_wait3A_361 : memref<1x128x128xf32, #tpu.memory_space<vmem>> -> memref<128x128xf32, #tpu.memory_space<vmem>>
      %dma_wait3A_363 = arith.constant 0 : i32
      %dma_wait3A_364 = tpu.memref_slice %arg9[%rem3A_88, %dma_wait3A_357, %dma_wait3A_363] : memref<2x8x128xi32, #tpu.memory_space<vmem>> -> memref<1x1x128xi32, #tpu.memory_space<vmem>>
      %dma_wait3A_365 = tpu.memref_squeeze %dma_wait3A_364 : memref<1x1x128xi32, #tpu.memory_space<vmem>> -> memref<128xi32, #tpu.memory_space<vmem>>
      %dma_wait3A_366 = arith.constant 0 : i32
      %dma_wait3A_367 = arith.constant 0 : i32
      %dma_wait3A_368 = tpu.memref_slice %arg7[%dma_wait3A_366, %dma_wait3A_367] : memref<10112x128xf32, #tpu.memory_space<vmem_shared>> -> memref<10112x128xf32, #tpu.memory_space<vmem_shared>>
      %dma_wait3A_369 = tpu.memref_slice %arg12[%dma_wait3A_358] : memref<2x!tpu.dma_semaphore, #tpu.memory_space<semaphore_mem>> -> memref<1x!tpu.dma_semaphore, #tpu.memory_space<semaphore_mem>>
      %dma_wait3A_370 = tpu.memref_squeeze %dma_wait3A_369 : memref<1x!tpu.dma_semaphore, #tpu.memory_space<semaphore_mem>> -> memref<!tpu.dma_semaphore, #tpu.memory_space<semaphore_mem>>
      tpu.wait_indirect_dma semaphore(%dma_wait3A_370 : memref<!tpu.dma_semaphore, #tpu.memory_space<semaphore_mem>>) src(%dma_wait3A_362 : memref<128x128xf32, #tpu.memory_space<vmem>>) dst(%dma_wait3A_368 : memref<10112x128xf32, #tpu.memory_space<vmem_shared>>)
      %add3A_371 = arith.constant 2 : i32
      %add3A_372 = arith.addi %add3A_326, %add3A_371 : i32
      %lt3A_373 = arith.constant 80 : i32
      %lt3A_374 = arith.cmpi slt, %add3A_372, %lt3A_373 : i32
      %convert_element_type3A_375 = arith.extui %lt3A_374 : i1 to i32
      %cond3A_376 = arith.constant 0 : i32
      %cond3A_377 = arith.cmpi ne, %convert_element_type3A_375, %cond3A_376 : i32
      scf.if %cond3A_377 {
        %add3A_550 = arith.constant 2 : i32
        %add3A_551 = arith.addi %add3A_326, %add3A_550 : i32
        %dma_start3A_552 = arith.constant 0 : i32
        %dma_start3A_553 = arith.constant 0 : i32
        %dma_start3A_554 = arith.constant 0 : i32
        %dma_start3A_555 = arith.constant 0 : i32
        %dma_start3A_556 = tpu.memref_slice %arg10[%dma_start3A_552, %dma_start3A_554, %dma_start3A_555] : memref<2x128x128xf32, #tpu.memory_space<vmem>> -> memref<1x128x128xf32, #tpu.memory_space<vmem>>
        %dma_start3A_557 = tpu.memref_squeeze %dma_start3A_556 : memref<1x128x128xf32, #tpu.memory_space<vmem>> -> memref<128x128xf32, #tpu.memory_space<vmem>>
        %dma_start3A_558 = arith.constant 0 : i32
        %dma_start3A_559 = tpu.memref_slice %arg8[%add3A_551, %dma_start3A_558] : memref<80x128xi32, #tpu.memory_space<vmem>> -> memref<1x128xi32, #tpu.memory_space<vmem>>
        %dma_start3A_560 = tpu.memref_squeeze %dma_start3A_559 : memref<1x128xi32, #tpu.memory_space<vmem>> -> memref<128xi32, #tpu.memory_space<vmem>>
        %dma_start3A_561 = arith.constant 0 : i32
        %dma_start3A_562 = arith.constant 0 : i32
        %dma_start3A_563 = tpu.memref_slice %arg2[%dma_start3A_561, %dma_start3A_562] : memref<10000x128xf32, #tpu.memory_space<hbm>> -> memref<10000x128xf32, #tpu.memory_space<hbm>>
        %dma_start3A_564 = tpu.memref_slice %arg11[%dma_start3A_553] : memref<2x!tpu.dma_semaphore, #tpu.memory_space<semaphore_mem>> -> memref<1x!tpu.dma_semaphore, #tpu.memory_space<semaphore_mem>>
        %dma_start3A_565 = tpu.memref_squeeze %dma_start3A_564 : memref<1x!tpu.dma_semaphore, #tpu.memory_space<semaphore_mem>> -> memref<!tpu.dma_semaphore, #tpu.memory_space<semaphore_mem>>
        tpu.enqueue_indirect_dma source(%dma_start3A_563 : memref<10000x128xf32, #tpu.memory_space<hbm>>) target(%dma_start3A_557 : memref<128x128xf32, #tpu.memory_space<vmem>>) offsets(%dma_start3A_560 : memref<128xi32, #tpu.memory_space<vmem>>) semaphore(%dma_start3A_565 : memref<!tpu.dma_semaphore, #tpu.memory_space<semaphore_mem>>)
      } else {
      }
      %mul3A_378 = arith.constant 8 : i32
      %mul3A_379 = arith.muli %add3A_87, %mul3A_378 : i32
      %add3A_380 = arith.constant 5 : i32
      %add3A_381 = arith.addi %mul3A_379, %add3A_380 : i32
      %dma_wait3A_382 = arith.constant 1 : i32
      %dma_wait3A_383 = arith.constant 1 : i32
      %dma_wait3A_384 = arith.constant 0 : i32
      %dma_wait3A_385 = arith.constant 0 : i32
      %dma_wait3A_386 = tpu.memref_slice %arg10[%dma_wait3A_382, %dma_wait3A_384, %dma_wait3A_385] : memref<2x128x128xf32, #tpu.memory_space<vmem>> -> memref<1x128x128xf32, #tpu.memory_space<vmem>>
      %dma_wait3A_387 = tpu.memref_squeeze %dma_wait3A_386 : memref<1x128x128xf32, #tpu.memory_space<vmem>> -> memref<128x128xf32, #tpu.memory_space<vmem>>
      %dma_wait3A_388 = arith.constant 0 : i32
      %dma_wait3A_389 = tpu.memref_slice %arg8[%add3A_381, %dma_wait3A_388] : memref<80x128xi32, #tpu.memory_space<vmem>> -> memref<1x128xi32, #tpu.memory_space<vmem>>
      %dma_wait3A_390 = tpu.memref_squeeze %dma_wait3A_389 : memref<1x128xi32, #tpu.memory_space<vmem>> -> memref<128xi32, #tpu.memory_space<vmem>>
      %dma_wait3A_391 = arith.constant 0 : i32
      %dma_wait3A_392 = arith.constant 0 : i32
      %dma_wait3A_393 = tpu.memref_slice %arg2[%dma_wait3A_391, %dma_wait3A_392] : memref<10000x128xf32, #tpu.memory_space<hbm>> -> memref<10000x128xf32, #tpu.memory_space<hbm>>
      %dma_wait3A_394 = tpu.memref_slice %arg11[%dma_wait3A_383] : memref<2x!tpu.dma_semaphore, #tpu.memory_space<semaphore_mem>> -> memref<1x!tpu.dma_semaphore, #tpu.memory_space<semaphore_mem>>
      %dma_wait3A_395 = tpu.memref_squeeze %dma_wait3A_394 : memref<1x!tpu.dma_semaphore, #tpu.memory_space<semaphore_mem>> -> memref<!tpu.dma_semaphore, #tpu.memory_space<semaphore_mem>>
      tpu.wait_indirect_dma semaphore(%dma_wait3A_395 : memref<!tpu.dma_semaphore, #tpu.memory_space<semaphore_mem>>) src(%dma_wait3A_393 : memref<10000x128xf32, #tpu.memory_space<hbm>>) dst(%dma_wait3A_387 : memref<128x128xf32, #tpu.memory_space<vmem>>)
      %dma_start3A_396 = arith.constant 1 : i32
      %dma_start3A_397 = arith.constant 5 : i32
      %dma_start3A_398 = arith.constant 1 : i32
      %dma_start3A_399 = arith.constant 0 : i32
      %dma_start3A_400 = arith.constant 0 : i32
      %dma_start3A_401 = tpu.memref_slice %arg10[%dma_start3A_396, %dma_start3A_399, %dma_start3A_400] : memref<2x128x128xf32, #tpu.memory_space<vmem>> -> memref<1x128x128xf32, #tpu.memory_space<vmem>>
      %dma_start3A_402 = tpu.memref_squeeze %dma_start3A_401 : memref<1x128x128xf32, #tpu.memory_space<vmem>> -> memref<128x128xf32, #tpu.memory_space<vmem>>
      %dma_start3A_403 = arith.constant 0 : i32
      %dma_start3A_404 = tpu.memref_slice %arg9[%rem3A_88, %dma_start3A_397, %dma_start3A_403] : memref<2x8x128xi32, #tpu.memory_space<vmem>> -> memref<1x1x128xi32, #tpu.memory_space<vmem>>
      %dma_start3A_405 = tpu.memref_squeeze %dma_start3A_404 : memref<1x1x128xi32, #tpu.memory_space<vmem>> -> memref<128xi32, #tpu.memory_space<vmem>>
      %dma_start3A_406 = arith.constant 0 : i32
      %dma_start3A_407 = arith.constant 0 : i32
      %dma_start3A_408 = tpu.memref_slice %arg7[%dma_start3A_406, %dma_start3A_407] : memref<10112x128xf32, #tpu.memory_space<vmem_shared>> -> memref<10112x128xf32, #tpu.memory_space<vmem_shared>>
      %dma_start3A_409 = tpu.memref_slice %arg12[%dma_start3A_398] : memref<2x!tpu.dma_semaphore, #tpu.memory_space<semaphore_mem>> -> memref<1x!tpu.dma_semaphore, #tpu.memory_space<semaphore_mem>>
      %dma_start3A_410 = tpu.memref_squeeze %dma_start3A_409 : memref<1x!tpu.dma_semaphore, #tpu.memory_space<semaphore_mem>> -> memref<!tpu.dma_semaphore, #tpu.memory_space<semaphore_mem>>
      tpu.enqueue_indirect_dma source(%dma_start3A_402 : memref<128x128xf32, #tpu.memory_space<vmem>>) target(%dma_start3A_408 : memref<10112x128xf32, #tpu.memory_space<vmem_shared>>) offsets(%dma_start3A_405 : memref<128xi32, #tpu.memory_space<vmem>>) semaphore(%dma_start3A_410 : memref<!tpu.dma_semaphore, #tpu.memory_space<semaphore_mem>>) {add = true}
      %dma_wait3A_411 = arith.constant 1 : i32
      %dma_wait3A_412 = arith.constant 5 : i32
      %dma_wait3A_413 = arith.constant 1 : i32
      %dma_wait3A_414 = arith.constant 0 : i32
      %dma_wait3A_415 = arith.constant 0 : i32
      %dma_wait3A_416 = tpu.memref_slice %arg10[%dma_wait3A_411, %dma_wait3A_414, %dma_wait3A_415] : memref<2x128x128xf32, #tpu.memory_space<vmem>> -> memref<1x128x128xf32, #tpu.memory_space<vmem>>
      %dma_wait3A_417 = tpu.memref_squeeze %dma_wait3A_416 : memref<1x128x128xf32, #tpu.memory_space<vmem>> -> memref<128x128xf32, #tpu.memory_space<vmem>>
      %dma_wait3A_418 = arith.constant 0 : i32
      %dma_wait3A_419 = tpu.memref_slice %arg9[%rem3A_88, %dma_wait3A_412, %dma_wait3A_418] : memref<2x8x128xi32, #tpu.memory_space<vmem>> -> memref<1x1x128xi32, #tpu.memory_space<vmem>>
      %dma_wait3A_420 = tpu.memref_squeeze %dma_wait3A_419 : memref<1x1x128xi32, #tpu.memory_space<vmem>> -> memref<128xi32, #tpu.memory_space<vmem>>
      %dma_wait3A_421 = arith.constant 0 : i32
      %dma_wait3A_422 = arith.constant 0 : i32
      %dma_wait3A_423 = tpu.memref_slice %arg7[%dma_wait3A_421, %dma_wait3A_422] : memref<10112x128xf32, #tpu.memory_space<vmem_shared>> -> memref<10112x128xf32, #tpu.memory_space<vmem_shared>>
      %dma_wait3A_424 = tpu.memref_slice %arg12[%dma_wait3A_413] : memref<2x!tpu.dma_semaphore, #tpu.memory_space<semaphore_mem>> -> memref<1x!tpu.dma_semaphore, #tpu.memory_space<semaphore_mem>>
      %dma_wait3A_425 = tpu.memref_squeeze %dma_wait3A_424 : memref<1x!tpu.dma_semaphore, #tpu.memory_space<semaphore_mem>> -> memref<!tpu.dma_semaphore, #tpu.memory_space<semaphore_mem>>
      tpu.wait_indirect_dma semaphore(%dma_wait3A_425 : memref<!tpu.dma_semaphore, #tpu.memory_space<semaphore_mem>>) src(%dma_wait3A_417 : memref<128x128xf32, #tpu.memory_space<vmem>>) dst(%dma_wait3A_423 : memref<10112x128xf32, #tpu.memory_space<vmem_shared>>)
      %add3A_426 = arith.constant 2 : i32
      %add3A_427 = arith.addi %add3A_381, %add3A_426 : i32
      %lt3A_428 = arith.constant 80 : i32
      %lt3A_429 = arith.cmpi slt, %add3A_427, %lt3A_428 : i32
      %convert_element_type3A_430 = arith.extui %lt3A_429 : i1 to i32
      %cond3A_431 = arith.constant 0 : i32
      %cond3A_432 = arith.cmpi ne, %convert_element_type3A_430, %cond3A_431 : i32
      scf.if %cond3A_432 {
        %add3A_550 = arith.constant 2 : i32
        %add3A_551 = arith.addi %add3A_381, %add3A_550 : i32
        %dma_start3A_552 = arith.constant 1 : i32
        %dma_start3A_553 = arith.constant 1 : i32
        %dma_start3A_554 = arith.constant 0 : i32
        %dma_start3A_555 = arith.constant 0 : i32
        %dma_start3A_556 = tpu.memref_slice %arg10[%dma_start3A_552, %dma_start3A_554, %dma_start3A_555] : memref<2x128x128xf32, #tpu.memory_space<vmem>> -> memref<1x128x128xf32, #tpu.memory_space<vmem>>
        %dma_start3A_557 = tpu.memref_squeeze %dma_start3A_556 : memref<1x128x128xf32, #tpu.memory_space<vmem>> -> memref<128x128xf32, #tpu.memory_space<vmem>>
        %dma_start3A_558 = arith.constant 0 : i32
        %dma_start3A_559 = tpu.memref_slice %arg8[%add3A_551, %dma_start3A_558] : memref<80x128xi32, #tpu.memory_space<vmem>> -> memref<1x128xi32, #tpu.memory_space<vmem>>
        %dma_start3A_560 = tpu.memref_squeeze %dma_start3A_559 : memref<1x128xi32, #tpu.memory_space<vmem>> -> memref<128xi32, #tpu.memory_space<vmem>>
        %dma_start3A_561 = arith.constant 0 : i32
        %dma_start3A_562 = arith.constant 0 : i32
        %dma_start3A_563 = tpu.memref_slice %arg2[%dma_start3A_561, %dma_start3A_562] : memref<10000x128xf32, #tpu.memory_space<hbm>> -> memref<10000x128xf32, #tpu.memory_space<hbm>>
        %dma_start3A_564 = tpu.memref_slice %arg11[%dma_start3A_553] : memref<2x!tpu.dma_semaphore, #tpu.memory_space<semaphore_mem>> -> memref<1x!tpu.dma_semaphore, #tpu.memory_space<semaphore_mem>>
        %dma_start3A_565 = tpu.memref_squeeze %dma_start3A_564 : memref<1x!tpu.dma_semaphore, #tpu.memory_space<semaphore_mem>> -> memref<!tpu.dma_semaphore, #tpu.memory_space<semaphore_mem>>
        tpu.enqueue_indirect_dma source(%dma_start3A_563 : memref<10000x128xf32, #tpu.memory_space<hbm>>) target(%dma_start3A_557 : memref<128x128xf32, #tpu.memory_space<vmem>>) offsets(%dma_start3A_560 : memref<128xi32, #tpu.memory_space<vmem>>) semaphore(%dma_start3A_565 : memref<!tpu.dma_semaphore, #tpu.memory_space<semaphore_mem>>)
      } else {
      }
      %mul3A_433 = arith.constant 8 : i32
      %mul3A_434 = arith.muli %add3A_87, %mul3A_433 : i32
      %add3A_435 = arith.constant 6 : i32
      %add3A_436 = arith.addi %mul3A_434, %add3A_435 : i32
      %dma_wait3A_437 = arith.constant 0 : i32
      %dma_wait3A_438 = arith.constant 0 : i32
      %dma_wait3A_439 = arith.constant 0 : i32
      %dma_wait3A_440 = arith.constant 0 : i32
      %dma_wait3A_441 = tpu.memref_slice %arg10[%dma_wait3A_437, %dma_wait3A_439, %dma_wait3A_440] : memref<2x128x128xf32, #tpu.memory_space<vmem>> -> memref<1x128x128xf32, #tpu.memory_space<vmem>>
      %dma_wait3A_442 = tpu.memref_squeeze %dma_wait3A_441 : memref<1x128x128xf32, #tpu.memory_space<vmem>> -> memref<128x128xf32, #tpu.memory_space<vmem>>
      %dma_wait3A_443 = arith.constant 0 : i32
      %dma_wait3A_444 = tpu.memref_slice %arg8[%add3A_436, %dma_wait3A_443] : memref<80x128xi32, #tpu.memory_space<vmem>> -> memref<1x128xi32, #tpu.memory_space<vmem>>
      %dma_wait3A_445 = tpu.memref_squeeze %dma_wait3A_444 : memref<1x128xi32, #tpu.memory_space<vmem>> -> memref<128xi32, #tpu.memory_space<vmem>>
      %dma_wait3A_446 = arith.constant 0 : i32
      %dma_wait3A_447 = arith.constant 0 : i32
      %dma_wait3A_448 = tpu.memref_slice %arg2[%dma_wait3A_446, %dma_wait3A_447] : memref<10000x128xf32, #tpu.memory_space<hbm>> -> memref<10000x128xf32, #tpu.memory_space<hbm>>
      %dma_wait3A_449 = tpu.memref_slice %arg11[%dma_wait3A_438] : memref<2x!tpu.dma_semaphore, #tpu.memory_space<semaphore_mem>> -> memref<1x!tpu.dma_semaphore, #tpu.memory_space<semaphore_mem>>
      %dma_wait3A_450 = tpu.memref_squeeze %dma_wait3A_449 : memref<1x!tpu.dma_semaphore, #tpu.memory_space<semaphore_mem>> -> memref<!tpu.dma_semaphore, #tpu.memory_space<semaphore_mem>>
      tpu.wait_indirect_dma semaphore(%dma_wait3A_450 : memref<!tpu.dma_semaphore, #tpu.memory_space<semaphore_mem>>) src(%dma_wait3A_448 : memref<10000x128xf32, #tpu.memory_space<hbm>>) dst(%dma_wait3A_442 : memref<128x128xf32, #tpu.memory_space<vmem>>)
      %dma_start3A_451 = arith.constant 0 : i32
      %dma_start3A_452 = arith.constant 6 : i32
      %dma_start3A_453 = arith.constant 0 : i32
      %dma_start3A_454 = arith.constant 0 : i32
      %dma_start3A_455 = arith.constant 0 : i32
      %dma_start3A_456 = tpu.memref_slice %arg10[%dma_start3A_451, %dma_start3A_454, %dma_start3A_455] : memref<2x128x128xf32, #tpu.memory_space<vmem>> -> memref<1x128x128xf32, #tpu.memory_space<vmem>>
      %dma_start3A_457 = tpu.memref_squeeze %dma_start3A_456 : memref<1x128x128xf32, #tpu.memory_space<vmem>> -> memref<128x128xf32, #tpu.memory_space<vmem>>
      %dma_start3A_458 = arith.constant 0 : i32
      %dma_start3A_459 = tpu.memref_slice %arg9[%rem3A_88, %dma_start3A_452, %dma_start3A_458] : memref<2x8x128xi32, #tpu.memory_space<vmem>> -> memref<1x1x128xi32, #tpu.memory_space<vmem>>
      %dma_start3A_460 = tpu.memref_squeeze %dma_start3A_459 : memref<1x1x128xi32, #tpu.memory_space<vmem>> -> memref<128xi32, #tpu.memory_space<vmem>>
      %dma_start3A_461 = arith.constant 0 : i32
      %dma_start3A_462 = arith.constant 0 : i32
      %dma_start3A_463 = tpu.memref_slice %arg7[%dma_start3A_461, %dma_start3A_462] : memref<10112x128xf32, #tpu.memory_space<vmem_shared>> -> memref<10112x128xf32, #tpu.memory_space<vmem_shared>>
      %dma_start3A_464 = tpu.memref_slice %arg12[%dma_start3A_453] : memref<2x!tpu.dma_semaphore, #tpu.memory_space<semaphore_mem>> -> memref<1x!tpu.dma_semaphore, #tpu.memory_space<semaphore_mem>>
      %dma_start3A_465 = tpu.memref_squeeze %dma_start3A_464 : memref<1x!tpu.dma_semaphore, #tpu.memory_space<semaphore_mem>> -> memref<!tpu.dma_semaphore, #tpu.memory_space<semaphore_mem>>
      tpu.enqueue_indirect_dma source(%dma_start3A_457 : memref<128x128xf32, #tpu.memory_space<vmem>>) target(%dma_start3A_463 : memref<10112x128xf32, #tpu.memory_space<vmem_shared>>) offsets(%dma_start3A_460 : memref<128xi32, #tpu.memory_space<vmem>>) semaphore(%dma_start3A_465 : memref<!tpu.dma_semaphore, #tpu.memory_space<semaphore_mem>>) {add = true}
      %dma_wait3A_466 = arith.constant 0 : i32
      %dma_wait3A_467 = arith.constant 6 : i32
      %dma_wait3A_468 = arith.constant 0 : i32
      %dma_wait3A_469 = arith.constant 0 : i32
      %dma_wait3A_470 = arith.constant 0 : i32
      %dma_wait3A_471 = tpu.memref_slice %arg10[%dma_wait3A_466, %dma_wait3A_469, %dma_wait3A_470] : memref<2x128x128xf32, #tpu.memory_space<vmem>> -> memref<1x128x128xf32, #tpu.memory_space<vmem>>
      %dma_wait3A_472 = tpu.memref_squeeze %dma_wait3A_471 : memref<1x128x128xf32, #tpu.memory_space<vmem>> -> memref<128x128xf32, #tpu.memory_space<vmem>>
      %dma_wait3A_473 = arith.constant 0 : i32
      %dma_wait3A_474 = tpu.memref_slice %arg9[%rem3A_88, %dma_wait3A_467, %dma_wait3A_473] : memref<2x8x128xi32, #tpu.memory_space<vmem>> -> memref<1x1x128xi32, #tpu.memory_space<vmem>>
      %dma_wait3A_475 = tpu.memref_squeeze %dma_wait3A_474 : memref<1x1x128xi32, #tpu.memory_space<vmem>> -> memref<128xi32, #tpu.memory_space<vmem>>
      %dma_wait3A_476 = arith.constant 0 : i32
      %dma_wait3A_477 = arith.constant 0 : i32
      %dma_wait3A_478 = tpu.memref_slice %arg7[%dma_wait3A_476, %dma_wait3A_477] : memref<10112x128xf32, #tpu.memory_space<vmem_shared>> -> memref<10112x128xf32, #tpu.memory_space<vmem_shared>>
      %dma_wait3A_479 = tpu.memref_slice %arg12[%dma_wait3A_468] : memref<2x!tpu.dma_semaphore, #tpu.memory_space<semaphore_mem>> -> memref<1x!tpu.dma_semaphore, #tpu.memory_space<semaphore_mem>>
      %dma_wait3A_480 = tpu.memref_squeeze %dma_wait3A_479 : memref<1x!tpu.dma_semaphore, #tpu.memory_space<semaphore_mem>> -> memref<!tpu.dma_semaphore, #tpu.memory_space<semaphore_mem>>
      tpu.wait_indirect_dma semaphore(%dma_wait3A_480 : memref<!tpu.dma_semaphore, #tpu.memory_space<semaphore_mem>>) src(%dma_wait3A_472 : memref<128x128xf32, #tpu.memory_space<vmem>>) dst(%dma_wait3A_478 : memref<10112x128xf32, #tpu.memory_space<vmem_shared>>)
      %add3A_481 = arith.constant 2 : i32
      %add3A_482 = arith.addi %add3A_436, %add3A_481 : i32
      %lt3A_483 = arith.constant 80 : i32
      %lt3A_484 = arith.cmpi slt, %add3A_482, %lt3A_483 : i32
      %convert_element_type3A_485 = arith.extui %lt3A_484 : i1 to i32
      %cond3A_486 = arith.constant 0 : i32
      %cond3A_487 = arith.cmpi ne, %convert_element_type3A_485, %cond3A_486 : i32
      scf.if %cond3A_487 {
        %add3A_550 = arith.constant 2 : i32
        %add3A_551 = arith.addi %add3A_436, %add3A_550 : i32
        %dma_start3A_552 = arith.constant 0 : i32
        %dma_start3A_553 = arith.constant 0 : i32
        %dma_start3A_554 = arith.constant 0 : i32
        %dma_start3A_555 = arith.constant 0 : i32
        %dma_start3A_556 = tpu.memref_slice %arg10[%dma_start3A_552, %dma_start3A_554, %dma_start3A_555] : memref<2x128x128xf32, #tpu.memory_space<vmem>> -> memref<1x128x128xf32, #tpu.memory_space<vmem>>
        %dma_start3A_557 = tpu.memref_squeeze %dma_start3A_556 : memref<1x128x128xf32, #tpu.memory_space<vmem>> -> memref<128x128xf32, #tpu.memory_space<vmem>>
        %dma_start3A_558 = arith.constant 0 : i32
        %dma_start3A_559 = tpu.memref_slice %arg8[%add3A_551, %dma_start3A_558] : memref<80x128xi32, #tpu.memory_space<vmem>> -> memref<1x128xi32, #tpu.memory_space<vmem>>
        %dma_start3A_560 = tpu.memref_squeeze %dma_start3A_559 : memref<1x128xi32, #tpu.memory_space<vmem>> -> memref<128xi32, #tpu.memory_space<vmem>>
        %dma_start3A_561 = arith.constant 0 : i32
        %dma_start3A_562 = arith.constant 0 : i32
        %dma_start3A_563 = tpu.memref_slice %arg2[%dma_start3A_561, %dma_start3A_562] : memref<10000x128xf32, #tpu.memory_space<hbm>> -> memref<10000x128xf32, #tpu.memory_space<hbm>>
        %dma_start3A_564 = tpu.memref_slice %arg11[%dma_start3A_553] : memref<2x!tpu.dma_semaphore, #tpu.memory_space<semaphore_mem>> -> memref<1x!tpu.dma_semaphore, #tpu.memory_space<semaphore_mem>>
        %dma_start3A_565 = tpu.memref_squeeze %dma_start3A_564 : memref<1x!tpu.dma_semaphore, #tpu.memory_space<semaphore_mem>> -> memref<!tpu.dma_semaphore, #tpu.memory_space<semaphore_mem>>
        tpu.enqueue_indirect_dma source(%dma_start3A_563 : memref<10000x128xf32, #tpu.memory_space<hbm>>) target(%dma_start3A_557 : memref<128x128xf32, #tpu.memory_space<vmem>>) offsets(%dma_start3A_560 : memref<128xi32, #tpu.memory_space<vmem>>) semaphore(%dma_start3A_565 : memref<!tpu.dma_semaphore, #tpu.memory_space<semaphore_mem>>)
      } else {
      }
      %mul3A_488 = arith.constant 8 : i32
      %mul3A_489 = arith.muli %add3A_87, %mul3A_488 : i32
      %add3A_490 = arith.constant 7 : i32
      %add3A_491 = arith.addi %mul3A_489, %add3A_490 : i32
      %dma_wait3A_492 = arith.constant 1 : i32
      %dma_wait3A_493 = arith.constant 1 : i32
      %dma_wait3A_494 = arith.constant 0 : i32
      %dma_wait3A_495 = arith.constant 0 : i32
      %dma_wait3A_496 = tpu.memref_slice %arg10[%dma_wait3A_492, %dma_wait3A_494, %dma_wait3A_495] : memref<2x128x128xf32, #tpu.memory_space<vmem>> -> memref<1x128x128xf32, #tpu.memory_space<vmem>>
      %dma_wait3A_497 = tpu.memref_squeeze %dma_wait3A_496 : memref<1x128x128xf32, #tpu.memory_space<vmem>> -> memref<128x128xf32, #tpu.memory_space<vmem>>
      %dma_wait3A_498 = arith.constant 0 : i32
      %dma_wait3A_499 = tpu.memref_slice %arg8[%add3A_491, %dma_wait3A_498] : memref<80x128xi32, #tpu.memory_space<vmem>> -> memref<1x128xi32, #tpu.memory_space<vmem>>
      %dma_wait3A_500 = tpu.memref_squeeze %dma_wait3A_499 : memref<1x128xi32, #tpu.memory_space<vmem>> -> memref<128xi32, #tpu.memory_space<vmem>>
      %dma_wait3A_501 = arith.constant 0 : i32
      %dma_wait3A_502 = arith.constant 0 : i32
      %dma_wait3A_503 = tpu.memref_slice %arg2[%dma_wait3A_501, %dma_wait3A_502] : memref<10000x128xf32, #tpu.memory_space<hbm>> -> memref<10000x128xf32, #tpu.memory_space<hbm>>
      %dma_wait3A_504 = tpu.memref_slice %arg11[%dma_wait3A_493] : memref<2x!tpu.dma_semaphore, #tpu.memory_space<semaphore_mem>> -> memref<1x!tpu.dma_semaphore, #tpu.memory_space<semaphore_mem>>
      %dma_wait3A_505 = tpu.memref_squeeze %dma_wait3A_504 : memref<1x!tpu.dma_semaphore, #tpu.memory_space<semaphore_mem>> -> memref<!tpu.dma_semaphore, #tpu.memory_space<semaphore_mem>>
      tpu.wait_indirect_dma semaphore(%dma_wait3A_505 : memref<!tpu.dma_semaphore, #tpu.memory_space<semaphore_mem>>) src(%dma_wait3A_503 : memref<10000x128xf32, #tpu.memory_space<hbm>>) dst(%dma_wait3A_497 : memref<128x128xf32, #tpu.memory_space<vmem>>)
      %dma_start3A_506 = arith.constant 1 : i32
      %dma_start3A_507 = arith.constant 7 : i32
      %dma_start3A_508 = arith.constant 1 : i32
      %dma_start3A_509 = arith.constant 0 : i32
      %dma_start3A_510 = arith.constant 0 : i32
      %dma_start3A_511 = tpu.memref_slice %arg10[%dma_start3A_506, %dma_start3A_509, %dma_start3A_510] : memref<2x128x128xf32, #tpu.memory_space<vmem>> -> memref<1x128x128xf32, #tpu.memory_space<vmem>>
      %dma_start3A_512 = tpu.memref_squeeze %dma_start3A_511 : memref<1x128x128xf32, #tpu.memory_space<vmem>> -> memref<128x128xf32, #tpu.memory_space<vmem>>
      %dma_start3A_513 = arith.constant 0 : i32
      %dma_start3A_514 = tpu.memref_slice %arg9[%rem3A_88, %dma_start3A_507, %dma_start3A_513] : memref<2x8x128xi32, #tpu.memory_space<vmem>> -> memref<1x1x128xi32, #tpu.memory_space<vmem>>
      %dma_start3A_515 = tpu.memref_squeeze %dma_start3A_514 : memref<1x1x128xi32, #tpu.memory_space<vmem>> -> memref<128xi32, #tpu.memory_space<vmem>>
      %dma_start3A_516 = arith.constant 0 : i32
      %dma_start3A_517 = arith.constant 0 : i32
      %dma_start3A_518 = tpu.memref_slice %arg7[%dma_start3A_516, %dma_start3A_517] : memref<10112x128xf32, #tpu.memory_space<vmem_shared>> -> memref<10112x128xf32, #tpu.memory_space<vmem_shared>>
      %dma_start3A_519 = tpu.memref_slice %arg12[%dma_start3A_508] : memref<2x!tpu.dma_semaphore, #tpu.memory_space<semaphore_mem>> -> memref<1x!tpu.dma_semaphore, #tpu.memory_space<semaphore_mem>>
      %dma_start3A_520 = tpu.memref_squeeze %dma_start3A_519 : memref<1x!tpu.dma_semaphore, #tpu.memory_space<semaphore_mem>> -> memref<!tpu.dma_semaphore, #tpu.memory_space<semaphore_mem>>
      tpu.enqueue_indirect_dma source(%dma_start3A_512 : memref<128x128xf32, #tpu.memory_space<vmem>>) target(%dma_start3A_518 : memref<10112x128xf32, #tpu.memory_space<vmem_shared>>) offsets(%dma_start3A_515 : memref<128xi32, #tpu.memory_space<vmem>>) semaphore(%dma_start3A_520 : memref<!tpu.dma_semaphore, #tpu.memory_space<semaphore_mem>>) {add = true}
      %dma_wait3A_521 = arith.constant 1 : i32
      %dma_wait3A_522 = arith.constant 7 : i32
      %dma_wait3A_523 = arith.constant 1 : i32
      %dma_wait3A_524 = arith.constant 0 : i32
      %dma_wait3A_525 = arith.constant 0 : i32
      %dma_wait3A_526 = tpu.memref_slice %arg10[%dma_wait3A_521, %dma_wait3A_524, %dma_wait3A_525] : memref<2x128x128xf32, #tpu.memory_space<vmem>> -> memref<1x128x128xf32, #tpu.memory_space<vmem>>
      %dma_wait3A_527 = tpu.memref_squeeze %dma_wait3A_526 : memref<1x128x128xf32, #tpu.memory_space<vmem>> -> memref<128x128xf32, #tpu.memory_space<vmem>>
      %dma_wait3A_528 = arith.constant 0 : i32
      %dma_wait3A_529 = tpu.memref_slice %arg9[%rem3A_88, %dma_wait3A_522, %dma_wait3A_528] : memref<2x8x128xi32, #tpu.memory_space<vmem>> -> memref<1x1x128xi32, #tpu.memory_space<vmem>>
      %dma_wait3A_530 = tpu.memref_squeeze %dma_wait3A_529 : memref<1x1x128xi32, #tpu.memory_space<vmem>> -> memref<128xi32, #tpu.memory_space<vmem>>
      %dma_wait3A_531 = arith.constant 0 : i32
      %dma_wait3A_532 = arith.constant 0 : i32
      %dma_wait3A_533 = tpu.memref_slice %arg7[%dma_wait3A_531, %dma_wait3A_532] : memref<10112x128xf32, #tpu.memory_space<vmem_shared>> -> memref<10112x128xf32, #tpu.memory_space<vmem_shared>>
      %dma_wait3A_534 = tpu.memref_slice %arg12[%dma_wait3A_523] : memref<2x!tpu.dma_semaphore, #tpu.memory_space<semaphore_mem>> -> memref<1x!tpu.dma_semaphore, #tpu.memory_space<semaphore_mem>>
      %dma_wait3A_535 = tpu.memref_squeeze %dma_wait3A_534 : memref<1x!tpu.dma_semaphore, #tpu.memory_space<semaphore_mem>> -> memref<!tpu.dma_semaphore, #tpu.memory_space<semaphore_mem>>
      tpu.wait_indirect_dma semaphore(%dma_wait3A_535 : memref<!tpu.dma_semaphore, #tpu.memory_space<semaphore_mem>>) src(%dma_wait3A_527 : memref<128x128xf32, #tpu.memory_space<vmem>>) dst(%dma_wait3A_533 : memref<10112x128xf32, #tpu.memory_space<vmem_shared>>)
      %add3A_536 = arith.constant 2 : i32
      %add3A_537 = arith.addi %add3A_491, %add3A_536 : i32
      %lt3A_538 = arith.constant 80 : i32
      %lt3A_539 = arith.cmpi slt, %add3A_537, %lt3A_538 : i32
      %convert_element_type3A_540 = arith.extui %lt3A_539 : i1 to i32
      %cond3A_541 = arith.constant 0 : i32
      %cond3A_542 = arith.cmpi ne, %convert_element_type3A_540, %cond3A_541 : i32
      scf.if %cond3A_542 {
        %add3A_550 = arith.constant 2 : i32
        %add3A_551 = arith.addi %add3A_491, %add3A_550 : i32
        %dma_start3A_552 = arith.constant 1 : i32
        %dma_start3A_553 = arith.constant 1 : i32
        %dma_start3A_554 = arith.constant 0 : i32
        %dma_start3A_555 = arith.constant 0 : i32
        %dma_start3A_556 = tpu.memref_slice %arg10[%dma_start3A_552, %dma_start3A_554, %dma_start3A_555] : memref<2x128x128xf32, #tpu.memory_space<vmem>> -> memref<1x128x128xf32, #tpu.memory_space<vmem>>
        %dma_start3A_557 = tpu.memref_squeeze %dma_start3A_556 : memref<1x128x128xf32, #tpu.memory_space<vmem>> -> memref<128x128xf32, #tpu.memory_space<vmem>>
        %dma_start3A_558 = arith.constant 0 : i32
        %dma_start3A_559 = tpu.memref_slice %arg8[%add3A_551, %dma_start3A_558] : memref<80x128xi32, #tpu.memory_space<vmem>> -> memref<1x128xi32, #tpu.memory_space<vmem>>
        %dma_start3A_560 = tpu.memref_squeeze %dma_start3A_559 : memref<1x128xi32, #tpu.memory_space<vmem>> -> memref<128xi32, #tpu.memory_space<vmem>>
        %dma_start3A_561 = arith.constant 0 : i32
        %dma_start3A_562 = arith.constant 0 : i32
        %dma_start3A_563 = tpu.memref_slice %arg2[%dma_start3A_561, %dma_start3A_562] : memref<10000x128xf32, #tpu.memory_space<hbm>> -> memref<10000x128xf32, #tpu.memory_space<hbm>>
        %dma_start3A_564 = tpu.memref_slice %arg11[%dma_start3A_553] : memref<2x!tpu.dma_semaphore, #tpu.memory_space<semaphore_mem>> -> memref<1x!tpu.dma_semaphore, #tpu.memory_space<semaphore_mem>>
        %dma_start3A_565 = tpu.memref_squeeze %dma_start3A_564 : memref<1x!tpu.dma_semaphore, #tpu.memory_space<semaphore_mem>> -> memref<!tpu.dma_semaphore, #tpu.memory_space<semaphore_mem>>
        tpu.enqueue_indirect_dma source(%dma_start3A_563 : memref<10000x128xf32, #tpu.memory_space<hbm>>) target(%dma_start3A_557 : memref<128x128xf32, #tpu.memory_space<vmem>>) offsets(%dma_start3A_560 : memref<128xi32, #tpu.memory_space<vmem>>) semaphore(%dma_start3A_565 : memref<!tpu.dma_semaphore, #tpu.memory_space<semaphore_mem>>)
      } else {
      }
      %add3A_543 = arith.constant 2 : i32
      %add3A_544 = arith.addi %add3A_87, %add3A_543 : i32
      %lt3A_545 = arith.constant 10 : i32
      %lt3A_546 = arith.cmpi slt, %add3A_544, %lt3A_545 : i32
      %convert_element_type3A_547 = arith.extui %lt3A_546 : i1 to i32
      %cond3A_548 = arith.constant 0 : i32
      %cond3A_549 = arith.cmpi ne, %convert_element_type3A_547, %cond3A_548 : i32
      scf.if %cond3A_549 {
        %add3A_550 = arith.constant 2 : i32
        %add3A_551 = arith.addi %add3A_87, %add3A_550 : i32
        %mul3A_552 = arith.constant 8 : i32
        %mul3A_553 = arith.muli %add3A_551, %mul3A_552 : i32
        %dma_start3A_554 = arith.constant 0 : i32
        %dma_start3A_555 = arith.constant 0 : i32
        %dma_start3A_556 = tpu.memref_slice %arg9[%rem3A_88, %dma_start3A_554, %dma_start3A_555] : memref<2x8x128xi32, #tpu.memory_space<vmem>> -> memref<1x8x128xi32, #tpu.memory_space<vmem>>
        %dma_start3A_557 = tpu.memref_squeeze %dma_start3A_556 : memref<1x8x128xi32, #tpu.memory_space<vmem>> -> memref<8x128xi32, #tpu.memory_space<vmem>>
        %dma_start3A_558 = arith.constant 0 : i32
        %dma_start3A_559 = tpu.memref_slice %arg4[%add3A, %mul3A_553, %dma_start3A_558] : memref<32x80x128xi32, #tpu.memory_space<hbm>> -> memref<1x8x128xi32, #tpu.memory_space<hbm>>
        %dma_start3A_560 = tpu.memref_squeeze %dma_start3A_559 : memref<1x8x128xi32, #tpu.memory_space<hbm>> -> memref<8x128xi32, #tpu.memory_space<hbm>>
        %dma_start3A_561 = tpu.memref_slice %arg13[%rem3A_88] : memref<2x!tpu.dma_semaphore, #tpu.memory_space<semaphore_mem>> -> memref<1x!tpu.dma_semaphore, #tpu.memory_space<semaphore_mem>>
        %dma_start3A_562 = tpu.memref_squeeze %dma_start3A_561 : memref<1x!tpu.dma_semaphore, #tpu.memory_space<semaphore_mem>> -> memref<!tpu.dma_semaphore, #tpu.memory_space<semaphore_mem>>
        %dma_start3A_563 = arith.constant 0 : i32
        %dma_start3A_564 = arith.constant 0 : i32
        %dma_start3A_565 = tpu.memref_slice %arg9[%rem3A_88, %dma_start3A_563, %dma_start3A_564] : memref<2x8x128xi32, #tpu.memory_space<vmem>> -> memref<1x8x128xi32, #tpu.memory_space<vmem>>
        %dma_start3A_566 = tpu.memref_squeeze %dma_start3A_565 : memref<1x8x128xi32, #tpu.memory_space<vmem>> -> memref<8x128xi32, #tpu.memory_space<vmem>>
        %dma_start3A_567 = arith.constant 0 : i32
        %dma_start3A_568 = tpu.memref_slice %arg4[%add3A, %mul3A_553, %dma_start3A_567] : memref<32x80x128xi32, #tpu.memory_space<hbm>> -> memref<1x8x128xi32, #tpu.memory_space<hbm>>
        %dma_start3A_569 = tpu.memref_squeeze %dma_start3A_568 : memref<1x8x128xi32, #tpu.memory_space<hbm>> -> memref<8x128xi32, #tpu.memory_space<hbm>>
        tpu.enqueue_dma source(%dma_start3A_569 : memref<8x128xi32, #tpu.memory_space<hbm>>) target(%dma_start3A_566 : memref<8x128xi32, #tpu.memory_space<vmem>>) target_semaphore(%dma_start3A_562 : memref<!tpu.dma_semaphore, #tpu.memory_space<semaphore_mem>>)
      } else {
      }
    }
    %scan3A_77 = arith.constant 10 : i32
    %barrier3A_78 = arith.constant 0 : index
    tpu.barrier barrier_id(%barrier3A_78)
    %mul3A_79 = arith.constant 632 : i32
    %mul3A_80 = arith.muli %arg1, %mul3A_79 : i32
    %mul3A_81 = arith.constant 632 : i32
    %mul3A_82 = arith.muli %arg1, %mul3A_81 : i32
    "tpu.region"() ({
      %run_scoped3A = tpu.sem_alloc : memref<!tpu.dma_semaphore, #tpu.memory_space<semaphore_mem>>
      %dma_start3A_83 = arith.constant 0 : i32
      %dma_start3A_84 = tpu.memref_slice %arg6[%arg0, %mul3A_82, %dma_start3A_83] : memref<2x10112x128xf32, #tpu.memory_space<hbm>> -> memref<1x632x128xf32, #tpu.memory_space<hbm>>
      %dma_start3A_85 = tpu.memref_squeeze %dma_start3A_84 : memref<1x632x128xf32, #tpu.memory_space<hbm>> -> memref<632x128xf32, #tpu.memory_space<hbm>>
      %dma_start3A_86 = arith.constant 0 : i32
      %dma_start3A_87 = tpu.memref_slice %arg7[%mul3A_80, %dma_start3A_86] : memref<10112x128xf32, #tpu.memory_space<vmem_shared>> -> memref<632x128xf32, #tpu.memory_space<vmem_shared>>
      tpu.enqueue_dma source(%dma_start3A_87 : memref<632x128xf32, #tpu.memory_space<vmem_shared>>) target(%dma_start3A_85 : memref<632x128xf32, #tpu.memory_space<hbm>>) target_semaphore(%run_scoped3A : memref<!tpu.dma_semaphore, #tpu.memory_space<semaphore_mem>>)
      %dma_wait3A = arith.constant 0 : i32
      %dma_wait3A_88 = tpu.memref_slice %arg6[%arg0, %mul3A_82, %dma_wait3A] : memref<2x10112x128xf32, #tpu.memory_space<hbm>> -> memref<1x632x128xf32, #tpu.memory_space<hbm>>
      %dma_wait3A_89 = tpu.memref_squeeze %dma_wait3A_88 : memref<1x632x128xf32, #tpu.memory_space<hbm>> -> memref<632x128xf32, #tpu.memory_space<hbm>>
      %dma_wait3A_90 = arith.constant 0 : i32
      %dma_wait3A_91 = tpu.memref_slice %arg7[%mul3A_80, %dma_wait3A_90] : memref<10112x128xf32, #tpu.memory_space<vmem_shared>> -> memref<632x128xf32, #tpu.memory_space<vmem_shared>>
      tpu.wait_dma2 semaphore(%run_scoped3A : memref<!tpu.dma_semaphore, #tpu.memory_space<semaphore_mem>>) src(%dma_wait3A_91 : memref<632x128xf32, #tpu.memory_space<vmem_shared>>) dst(%dma_wait3A_89 : memref<632x128xf32, #tpu.memory_space<hbm>>)
      tpu.yield
    }) : () -> ()
    return
  }
}

#map = affine_map<(d0, d1) -> (0, 0, 0)>
#map1 = affine_map<(d0, d1) -> (0, 0)>
module attributes {stable_mosaic.version = 14 : i64} {
  func.func @run(%arg0: i32, %arg1: i32, %arg2: memref<32x80x128xi32, #tpu.memory_space<hbm>>, %arg3: memref<10112x16xf32, #tpu.memory_space<hbm>>, %arg4: memref<128x16xf32, #tpu.memory_space<hbm>>, %arg5: memref<2x10112x16xf32, #tpu.memory_space<hbm>>, %arg6: memref<10112x16xf32, #tpu.memory_space<vmem_shared>>, %arg7: memref<80x128xi32, #tpu.memory_space<vmem>>, %arg8: memref<128x16xf32, #tpu.memory_space<vmem>>) attributes {dimension_semantics = [#tpu.dimension_semantics<core_parallel>, #tpu.dimension_semantics<subcore_parallel>], iteration_bounds = array<i64: 2, 16>, scalar_prefetch = 0 : i64, scratch_operands = 3 : i64, tpu.core_type = #tpu.core_type<sc_vector_subcore>, window_params = [{transform_indices = #map}, {transform_indices = #map1}, {transform_indices = #map1}, {transform_indices = #map}]} {
    %mul3A = arith.constant 16 : i32
    %mul3A_0 = arith.muli %arg0, %mul3A : i32
    %add3A = arith.addi %mul3A_0, %arg1 : i32
    %mul3A_1 = arith.constant 632 : i32
    %mul3A_2 = arith.muli %arg1, %mul3A_1 : i32
    %mul3A_3 = arith.constant 632 : i32
    %mul3A_4 = arith.muli %arg1, %mul3A_3 : i32
    "tpu.region"() ({
      %run_scoped3A = tpu.sem_alloc : memref<!tpu.dma_semaphore, #tpu.memory_space<semaphore_mem>>
      %dma_start3A = arith.constant 0 : i32
      %dma_start3A_14 = tpu.memref_slice %arg6[%mul3A_4, %dma_start3A] : memref<10112x16xf32, #tpu.memory_space<vmem_shared>> -> memref<632x16xf32, #tpu.memory_space<vmem_shared>>
      %dma_start3A_15 = arith.constant 0 : i32
      %dma_start3A_16 = tpu.memref_slice %arg3[%mul3A_2, %dma_start3A_15] : memref<10112x16xf32, #tpu.memory_space<hbm>> -> memref<632x16xf32, #tpu.memory_space<hbm>>
      tpu.enqueue_dma source(%dma_start3A_16 : memref<632x16xf32, #tpu.memory_space<hbm>>) target(%dma_start3A_14 : memref<632x16xf32, #tpu.memory_space<vmem_shared>>) target_semaphore(%run_scoped3A : memref<!tpu.dma_semaphore, #tpu.memory_space<semaphore_mem>>)
      %dma_wait3A = arith.constant 0 : i32
      %dma_wait3A_17 = tpu.memref_slice %arg6[%mul3A_4, %dma_wait3A] : memref<10112x16xf32, #tpu.memory_space<vmem_shared>> -> memref<632x16xf32, #tpu.memory_space<vmem_shared>>
      %dma_wait3A_18 = arith.constant 0 : i32
      %dma_wait3A_19 = tpu.memref_slice %arg3[%mul3A_2, %dma_wait3A_18] : memref<10112x16xf32, #tpu.memory_space<hbm>> -> memref<632x16xf32, #tpu.memory_space<hbm>>
      tpu.wait_dma2 semaphore(%run_scoped3A : memref<!tpu.dma_semaphore, #tpu.memory_space<semaphore_mem>>) src(%dma_wait3A_19 : memref<632x16xf32, #tpu.memory_space<hbm>>) dst(%dma_wait3A_17 : memref<632x16xf32, #tpu.memory_space<vmem_shared>>)
      tpu.yield
    }) : () -> ()
    "tpu.region"() ({
      %run_scoped3A = tpu.sem_alloc : memref<!tpu.dma_semaphore, #tpu.memory_space<semaphore_mem>>
      %dma_start3A = arith.constant 0 : i32
      %dma_start3A_14 = arith.constant 0 : i32
      %dma_start3A_15 = tpu.memref_slice %arg2[%add3A, %dma_start3A, %dma_start3A_14] : memref<32x80x128xi32, #tpu.memory_space<hbm>> -> memref<1x80x128xi32, #tpu.memory_space<hbm>>
      %dma_start3A_16 = tpu.memref_squeeze %dma_start3A_15 : memref<1x80x128xi32, #tpu.memory_space<hbm>> -> memref<80x128xi32, #tpu.memory_space<hbm>>
      %dma_start3A_17 = arith.constant 0 : i32
      %dma_start3A_18 = arith.constant 0 : i32
      %dma_start3A_19 = tpu.memref_slice %arg2[%add3A, %dma_start3A_17, %dma_start3A_18] : memref<32x80x128xi32, #tpu.memory_space<hbm>> -> memref<1x80x128xi32, #tpu.memory_space<hbm>>
      %dma_start3A_20 = tpu.memref_squeeze %dma_start3A_19 : memref<1x80x128xi32, #tpu.memory_space<hbm>> -> memref<80x128xi32, #tpu.memory_space<hbm>>
      tpu.enqueue_dma source(%dma_start3A_20 : memref<80x128xi32, #tpu.memory_space<hbm>>) target(%arg7 : memref<80x128xi32, #tpu.memory_space<vmem>>) target_semaphore(%run_scoped3A : memref<!tpu.dma_semaphore, #tpu.memory_space<semaphore_mem>>)
      %dma_wait3A = arith.constant 0 : i32
      %dma_wait3A_21 = arith.constant 0 : i32
      %dma_wait3A_22 = tpu.memref_slice %arg2[%add3A, %dma_wait3A, %dma_wait3A_21] : memref<32x80x128xi32, #tpu.memory_space<hbm>> -> memref<1x80x128xi32, #tpu.memory_space<hbm>>
      %dma_wait3A_23 = tpu.memref_squeeze %dma_wait3A_22 : memref<1x80x128xi32, #tpu.memory_space<hbm>> -> memref<80x128xi32, #tpu.memory_space<hbm>>
      %dma_wait3A_24 = arith.constant 0 : i32
      %dma_wait3A_25 = arith.constant 0 : i32
      %dma_wait3A_26 = tpu.memref_slice %arg2[%add3A, %dma_wait3A_24, %dma_wait3A_25] : memref<32x80x128xi32, #tpu.memory_space<hbm>> -> memref<1x80x128xi32, #tpu.memory_space<hbm>>
      %dma_wait3A_27 = tpu.memref_squeeze %dma_wait3A_26 : memref<1x80x128xi32, #tpu.memory_space<hbm>> -> memref<80x128xi32, #tpu.memory_space<hbm>>
      tpu.wait_dma2 semaphore(%run_scoped3A : memref<!tpu.dma_semaphore, #tpu.memory_space<semaphore_mem>>) src(%dma_wait3A_27 : memref<80x128xi32, #tpu.memory_space<hbm>>) dst(%arg7 : memref<80x128xi32, #tpu.memory_space<vmem>>)
      tpu.yield
    }) : () -> ()
    "tpu.region"() ({
      %run_scoped3A = tpu.sem_alloc : memref<!tpu.dma_semaphore, #tpu.memory_space<semaphore_mem>>
      tpu.enqueue_dma source(%arg4 : memref<128x16xf32, #tpu.memory_space<hbm>>) target(%arg8 : memref<128x16xf32, #tpu.memory_space<vmem>>) target_semaphore(%run_scoped3A : memref<!tpu.dma_semaphore, #tpu.memory_space<semaphore_mem>>)
      tpu.wait_dma2 semaphore(%run_scoped3A : memref<!tpu.dma_semaphore, #tpu.memory_space<semaphore_mem>>) src(%arg4 : memref<128x16xf32, #tpu.memory_space<hbm>>) dst(%arg8 : memref<128x16xf32, #tpu.memory_space<vmem>>)
      tpu.yield
    }) : () -> ()
    %barrier3A = arith.constant 0 : index
    tpu.barrier barrier_id(%barrier3A)
    %scan3A = arith.constant 0 : i32
    %scan3A_5 = arith.constant 80 : i32
    %scan3A_6 = arith.addi %scan3A, %scan3A_5 : i32
    %scan3A_7 = arith.constant 1 : i32
    scf.for %scan3A_14 = %scan3A to %scan3A_6 step %scan3A_7  : i32 {
      %mul3A_15 = arith.constant 1 : i32
      %mul3A_16 = arith.muli %scan3A_14, %mul3A_15 : i32
      %add3A_17 = arith.constant 0 : i32
      %add3A_18 = arith.addi %add3A_17, %mul3A_16 : i32
      "tpu.region"() ({
        %run_scoped3A = tpu.sem_alloc : memref<!tpu.dma_semaphore, #tpu.memory_space<semaphore_mem>>
        %dma_start3A = arith.constant 0 : i32
        %dma_start3A_19 = tpu.memref_slice %arg7[%add3A_18, %dma_start3A] : memref<80x128xi32, #tpu.memory_space<vmem>> -> memref<1x128xi32, #tpu.memory_space<vmem>>
        %dma_start3A_20 = tpu.memref_squeeze %dma_start3A_19 : memref<1x128xi32, #tpu.memory_space<vmem>> -> memref<128xi32, #tpu.memory_space<vmem>>
        %dma_start3A_21 = arith.constant 0 : i32
        %dma_start3A_22 = arith.constant 0 : i32
        %dma_start3A_23 = tpu.memref_slice %arg6[%dma_start3A_21, %dma_start3A_22] : memref<10112x16xf32, #tpu.memory_space<vmem_shared>> -> memref<10112x16xf32, #tpu.memory_space<vmem_shared>>
        tpu.enqueue_indirect_dma source(%arg8 : memref<128x16xf32, #tpu.memory_space<vmem>>) target(%dma_start3A_23 : memref<10112x16xf32, #tpu.memory_space<vmem_shared>>) offsets(%dma_start3A_20 : memref<128xi32, #tpu.memory_space<vmem>>) semaphore(%run_scoped3A : memref<!tpu.dma_semaphore, #tpu.memory_space<semaphore_mem>>) {add = true}
        %dma_wait3A = arith.constant 0 : i32
        %dma_wait3A_24 = tpu.memref_slice %arg7[%add3A_18, %dma_wait3A] : memref<80x128xi32, #tpu.memory_space<vmem>> -> memref<1x128xi32, #tpu.memory_space<vmem>>
        %dma_wait3A_25 = tpu.memref_squeeze %dma_wait3A_24 : memref<1x128xi32, #tpu.memory_space<vmem>> -> memref<128xi32, #tpu.memory_space<vmem>>
        %dma_wait3A_26 = arith.constant 0 : i32
        %dma_wait3A_27 = arith.constant 0 : i32
        %dma_wait3A_28 = tpu.memref_slice %arg6[%dma_wait3A_26, %dma_wait3A_27] : memref<10112x16xf32, #tpu.memory_space<vmem_shared>> -> memref<10112x16xf32, #tpu.memory_space<vmem_shared>>
        tpu.wait_indirect_dma semaphore(%run_scoped3A : memref<!tpu.dma_semaphore, #tpu.memory_space<semaphore_mem>>) src(%arg8 : memref<128x16xf32, #tpu.memory_space<vmem>>) dst(%dma_wait3A_28 : memref<10112x16xf32, #tpu.memory_space<vmem_shared>>)
        tpu.yield
      }) : () -> ()
    }
    %scan3A_8 = arith.constant 80 : i32
    %barrier3A_9 = arith.constant 0 : index
    tpu.barrier barrier_id(%barrier3A_9)
    %mul3A_10 = arith.constant 632 : i32
    %mul3A_11 = arith.muli %arg1, %mul3A_10 : i32
    %mul3A_12 = arith.constant 632 : i32
    %mul3A_13 = arith.muli %arg1, %mul3A_12 : i32
    "tpu.region"() ({
      %run_scoped3A = tpu.sem_alloc : memref<!tpu.dma_semaphore, #tpu.memory_space<semaphore_mem>>
      %dma_start3A = arith.constant 0 : i32
      %dma_start3A_14 = tpu.memref_slice %arg5[%arg0, %mul3A_13, %dma_start3A] : memref<2x10112x16xf32, #tpu.memory_space<hbm>> -> memref<1x632x16xf32, #tpu.memory_space<hbm>>
      %dma_start3A_15 = tpu.memref_squeeze %dma_start3A_14 : memref<1x632x16xf32, #tpu.memory_space<hbm>> -> memref<632x16xf32, #tpu.memory_space<hbm>>
      %dma_start3A_16 = arith.constant 0 : i32
      %dma_start3A_17 = tpu.memref_slice %arg6[%mul3A_11, %dma_start3A_16] : memref<10112x16xf32, #tpu.memory_space<vmem_shared>> -> memref<632x16xf32, #tpu.memory_space<vmem_shared>>
      tpu.enqueue_dma source(%dma_start3A_17 : memref<632x16xf32, #tpu.memory_space<vmem_shared>>) target(%dma_start3A_15 : memref<632x16xf32, #tpu.memory_space<hbm>>) target_semaphore(%run_scoped3A : memref<!tpu.dma_semaphore, #tpu.memory_space<semaphore_mem>>)
      %dma_wait3A = arith.constant 0 : i32
      %dma_wait3A_18 = tpu.memref_slice %arg5[%arg0, %mul3A_13, %dma_wait3A] : memref<2x10112x16xf32, #tpu.memory_space<hbm>> -> memref<1x632x16xf32, #tpu.memory_space<hbm>>
      %dma_wait3A_19 = tpu.memref_squeeze %dma_wait3A_18 : memref<1x632x16xf32, #tpu.memory_space<hbm>> -> memref<632x16xf32, #tpu.memory_space<hbm>>
      %dma_wait3A_20 = arith.constant 0 : i32
      %dma_wait3A_21 = tpu.memref_slice %arg6[%mul3A_11, %dma_wait3A_20] : memref<10112x16xf32, #tpu.memory_space<vmem_shared>> -> memref<632x16xf32, #tpu.memory_space<vmem_shared>>
      tpu.wait_dma2 semaphore(%run_scoped3A : memref<!tpu.dma_semaphore, #tpu.memory_space<semaphore_mem>>) src(%dma_wait3A_21 : memref<632x16xf32, #tpu.memory_space<vmem_shared>>) dst(%dma_wait3A_19 : memref<632x16xf32, #tpu.memory_space<hbm>>)
      tpu.yield
    }) : () -> ()
    return
  }
}

#map = affine_map<(d0, d1) -> (0, 0)>
#map1 = affine_map<(d0, d1) -> (0, 0, 0)>
module attributes {stable_mosaic.version = 14 : i64} {
  func.func @run(%arg0: i32, %arg1: i32, %arg2: memref<10000x128xf32, #tpu.memory_space<hbm>>, %arg3: memref<32x80x128xi32, #tpu.memory_space<hbm>>, %arg4: memref<32x80x128xi32, #tpu.memory_space<hbm>>, %arg5: memref<10112x128xf32, #tpu.memory_space<hbm>>, %arg6: memref<2x10112x128xf32, #tpu.memory_space<hbm>>, %arg7: memref<10112x128xf32, #tpu.memory_space<vmem_shared>>, %arg8: memref<80x128xi32, #tpu.memory_space<vmem>>, %arg9: memref<2x8x128xi32, #tpu.memory_space<vmem>>, %arg10: memref<2x128x128xf32, #tpu.memory_space<vmem>>, %arg11: memref<2x!tpu.dma_semaphore, #tpu.memory_space<semaphore_mem>>, %arg12: memref<2x!tpu.dma_semaphore, #tpu.memory_space<semaphore_mem>>, %arg13: memref<2x!tpu.dma_semaphore, #tpu.memory_space<semaphore_mem>>) attributes {dimension_semantics = [#tpu.dimension_semantics<core_parallel>, #tpu.dimension_semantics<subcore_parallel>], iteration_bounds = array<i64: 2, 16>, scalar_prefetch = 0 : i64, scratch_operands = 7 : i64, tpu.core_type = #tpu.core_type<sc_vector_subcore>, window_params = [{transform_indices = #map}, {transform_indices = #map1}, {transform_indices = #map1}, {transform_indices = #map}, {transform_indices = #map1}]} {
    %mul3A = arith.constant 16 : i32
    %mul3A_0 = arith.muli %arg0, %mul3A : i32
    %add3A = arith.addi %mul3A_0, %arg1 : i32
    %mul3A_1 = arith.constant 632 : i32
    %mul3A_2 = arith.muli %arg1, %mul3A_1 : i32
    %mul3A_3 = arith.constant 632 : i32
    %mul3A_4 = arith.muli %arg1, %mul3A_3 : i32
    "tpu.region"() ({
      %run_scoped3A = tpu.sem_alloc : memref<!tpu.dma_semaphore, #tpu.memory_space<semaphore_mem>>
      %dma_start3A_83 = arith.constant 0 : i32
      %dma_start3A_84 = tpu.memref_slice %arg7[%mul3A_4, %dma_start3A_83] : memref<10112x128xf32, #tpu.memory_space<vmem_shared>> -> memref<632x128xf32, #tpu.memory_space<vmem_shared>>
      %dma_start3A_85 = arith.constant 0 : i32
      %dma_start3A_86 = tpu.memref_slice %arg5[%mul3A_2, %dma_start3A_85] : memref<10112x128xf32, #tpu.memory_space<hbm>> -> memref<632x128xf32, #tpu.memory_space<hbm>>
      tpu.enqueue_dma source(%dma_start3A_86 : memref<632x128xf32, #tpu.memory_space<hbm>>) target(%dma_start3A_84 : memref<632x128xf32, #tpu.memory_space<vmem_shared>>) target_semaphore(%run_scoped3A : memref<!tpu.dma_semaphore, #tpu.memory_space<semaphore_mem>>)
      %dma_wait3A = arith.constant 0 : i32
      %dma_wait3A_87 = tpu.memref_slice %arg7[%mul3A_4, %dma_wait3A] : memref<10112x128xf32, #tpu.memory_space<vmem_shared>> -> memref<632x128xf32, #tpu.memory_space<vmem_shared>>
      %dma_wait3A_88 = arith.constant 0 : i32
      %dma_wait3A_89 = tpu.memref_slice %arg5[%mul3A_2, %dma_wait3A_88] : memref<10112x128xf32, #tpu.memory_space<hbm>> -> memref<632x128xf32, #tpu.memory_space<hbm>>
      tpu.wait_dma2 semaphore(%run_scoped3A : memref<!tpu.dma_semaphore, #tpu.memory_space<semaphore_mem>>) src(%dma_wait3A_89 : memref<632x128xf32, #tpu.memory_space<hbm>>) dst(%dma_wait3A_87 : memref<632x128xf32, #tpu.memory_space<vmem_shared>>)
      tpu.yield
    }) : () -> ()
    "tpu.region"() ({
      %run_scoped3A = tpu.sem_alloc : memref<!tpu.dma_semaphore, #tpu.memory_space<semaphore_mem>>
      %dma_start3A_83 = arith.constant 0 : i32
      %dma_start3A_84 = arith.constant 0 : i32
      %dma_start3A_85 = tpu.memref_slice %arg3[%add3A, %dma_start3A_83, %dma_start3A_84] : memref<32x80x128xi32, #tpu.memory_space<hbm>> -> memref<1x80x128xi32, #tpu.memory_space<hbm>>
      %dma_start3A_86 = tpu.memref_squeeze %dma_start3A_85 : memref<1x80x128xi32, #tpu.memory_space<hbm>> -> memref<80x128xi32, #tpu.memory_space<hbm>>
      %dma_start3A_87 = arith.constant 0 : i32
      %dma_start3A_88 = arith.constant 0 : i32
      %dma_start3A_89 = tpu.memref_slice %arg3[%add3A, %dma_start3A_87, %dma_start3A_88] : memref<32x80x128xi32, #tpu.memory_space<hbm>> -> memref<1x80x128xi32, #tpu.memory_space<hbm>>
      %dma_start3A_90 = tpu.memref_squeeze %dma_start3A_89 : memref<1x80x128xi32, #tpu.memory_space<hbm>> -> memref<80x128xi32, #tpu.memory_space<hbm>>
      tpu.enqueue_dma source(%dma_start3A_90 : memref<80x128xi32, #tpu.memory_space<hbm>>) target(%arg8 : memref<80x128xi32, #tpu.memory_space<vmem>>) target_semaphore(%run_scoped3A : memref<!tpu.dma_semaphore, #tpu.memory_space<semaphore_mem>>)
      %dma_wait3A = arith.constant 0 : i32
      %dma_wait3A_91 = arith.constant 0 : i32
      %dma_wait3A_92 = tpu.memref_slice %arg3[%add3A, %dma_wait3A, %dma_wait3A_91] : memref<32x80x128xi32, #tpu.memory_space<hbm>> -> memref<1x80x128xi32, #tpu.memory_space<hbm>>
      %dma_wait3A_93 = tpu.memref_squeeze %dma_wait3A_92 : memref<1x80x128xi32, #tpu.memory_space<hbm>> -> memref<80x128xi32, #tpu.memory_space<hbm>>
      %dma_wait3A_94 = arith.constant 0 : i32
      %dma_wait3A_95 = arith.constant 0 : i32
      %dma_wait3A_96 = tpu.memref_slice %arg3[%add3A, %dma_wait3A_94, %dma_wait3A_95] : memref<32x80x128xi32, #tpu.memory_space<hbm>> -> memref<1x80x128xi32, #tpu.memory_space<hbm>>
      %dma_wait3A_97 = tpu.memref_squeeze %dma_wait3A_96 : memref<1x80x128xi32, #tpu.memory_space<hbm>> -> memref<80x128xi32, #tpu.memory_space<hbm>>
      tpu.wait_dma2 semaphore(%run_scoped3A : memref<!tpu.dma_semaphore, #tpu.memory_space<semaphore_mem>>) src(%dma_wait3A_97 : memref<80x128xi32, #tpu.memory_space<hbm>>) dst(%arg8 : memref<80x128xi32, #tpu.memory_space<vmem>>)
      tpu.yield
    }) : () -> ()
    %barrier3A = arith.constant 0 : index
    tpu.barrier barrier_id(%barrier3A)
    %dma_start3A = arith.constant 0 : i32
    %dma_start3A_5 = arith.constant 0 : i32
    %dma_start3A_6 = arith.constant 0 : i32
    %dma_start3A_7 = arith.constant 0 : i32
    %dma_start3A_8 = tpu.memref_slice %arg9[%dma_start3A, %dma_start3A_6, %dma_start3A_7] : memref<2x8x128xi32, #tpu.memory_space<vmem>> -> memref<1x8x128xi32, #tpu.memory_space<vmem>>
    %dma_start3A_9 = tpu.memref_squeeze %dma_start3A_8 : memref<1x8x128xi32, #tpu.memory_space<vmem>> -> memref<8x128xi32, #tpu.memory_space<vmem>>
    %dma_start3A_10 = arith.constant 0 : i32
    %dma_start3A_11 = arith.constant 0 : i32
    %dma_start3A_12 = tpu.memref_slice %arg4[%add3A, %dma_start3A_10, %dma_start3A_11] : memref<32x80x128xi32, #tpu.memory_space<hbm>> -> memref<1x8x128xi32, #tpu.memory_space<hbm>>
    %dma_start3A_13 = tpu.memref_squeeze %dma_start3A_12 : memref<1x8x128xi32, #tpu.memory_space<hbm>> -> memref<8x128xi32, #tpu.memory_space<hbm>>
    %dma_start3A_14 = tpu.memref_slice %arg13[%dma_start3A_5] : memref<2x!tpu.dma_semaphore, #tpu.memory_space<semaphore_mem>> -> memref<1x!tpu.dma_semaphore, #tpu.memory_space<semaphore_mem>>
    %dma_start3A_15 = tpu.memref_squeeze %dma_start3A_14 : memref<1x!tpu.dma_semaphore, #tpu.memory_space<semaphore_mem>> -> memref<!tpu.dma_semaphore, #tpu.memory_space<semaphore_mem>>
    %dma_start3A_16 = arith.constant 0 : i32
    %dma_start3A_17 = arith.constant 0 : i32
    %dma_start3A_18 = tpu.memref_slice %arg9[%dma_start3A, %dma_start3A_16, %dma_start3A_17] : memref<2x8x128xi32, #tpu.memory_space<vmem>> -> memref<1x8x128xi32, #tpu.memory_space<vmem>>
    %dma_start3A_19 = tpu.memref_squeeze %dma_start3A_18 : memref<1x8x128xi32, #tpu.memory_space<vmem>> -> memref<8x128xi32, #tpu.memory_space<vmem>>
    %dma_start3A_20 = arith.constant 0 : i32
    %dma_start3A_21 = arith.constant 0 : i32
    %dma_start3A_22 = tpu.memref_slice %arg4[%add3A, %dma_start3A_20, %dma_start3A_21] : memref<32x80x128xi32, #tpu.memory_space<hbm>> -> memref<1x8x128xi32, #tpu.memory_space<hbm>>
    %dma_start3A_23 = tpu.memref_squeeze %dma_start3A_22 : memref<1x8x128xi32, #tpu.memory_space<hbm>> -> memref<8x128xi32, #tpu.memory_space<hbm>>
    tpu.enqueue_dma source(%dma_start3A_23 : memref<8x128xi32, #tpu.memory_space<hbm>>) target(%dma_start3A_19 : memref<8x128xi32, #tpu.memory_space<vmem>>) target_semaphore(%dma_start3A_15 : memref<!tpu.dma_semaphore, #tpu.memory_space<semaphore_mem>>)
    %dma_start3A_24 = arith.constant 1 : i32
    %dma_start3A_25 = arith.constant 1 : i32
    %dma_start3A_26 = arith.constant 0 : i32
    %dma_start3A_27 = arith.constant 0 : i32
    %dma_start3A_28 = tpu.memref_slice %arg9[%dma_start3A_24, %dma_start3A_26, %dma_start3A_27] : memref<2x8x128xi32, #tpu.memory_space<vmem>> -> memref<1x8x128xi32, #tpu.memory_space<vmem>>
    %dma_start3A_29 = tpu.memref_squeeze %dma_start3A_28 : memref<1x8x128xi32, #tpu.memory_space<vmem>> -> memref<8x128xi32, #tpu.memory_space<vmem>>
    %dma_start3A_30 = arith.constant 8 : i32
    %dma_start3A_31 = arith.constant 0 : i32
    %dma_start3A_32 = tpu.memref_slice %arg4[%add3A, %dma_start3A_30, %dma_start3A_31] : memref<32x80x128xi32, #tpu.memory_space<hbm>> -> memref<1x8x128xi32, #tpu.memory_space<hbm>>
    %dma_start3A_33 = tpu.memref_squeeze %dma_start3A_32 : memref<1x8x128xi32, #tpu.memory_space<hbm>> -> memref<8x128xi32, #tpu.memory_space<hbm>>
    %dma_start3A_34 = tpu.memref_slice %arg13[%dma_start3A_25] : memref<2x!tpu.dma_semaphore, #tpu.memory_space<semaphore_mem>> -> memref<1x!tpu.dma_semaphore, #tpu.memory_space<semaphore_mem>>
    %dma_start3A_35 = tpu.memref_squeeze %dma_start3A_34 : memref<1x!tpu.dma_semaphore, #tpu.memory_space<semaphore_mem>> -> memref<!tpu.dma_semaphore, #tpu.memory_space<semaphore_mem>>
    %dma_start3A_36 = arith.constant 0 : i32
    %dma_start3A_37 = arith.constant 0 : i32
    %dma_start3A_38 = tpu.memref_slice %arg9[%dma_start3A_24, %dma_start3A_36, %dma_start3A_37] : memref<2x8x128xi32, #tpu.memory_space<vmem>> -> memref<1x8x128xi32, #tpu.memory_space<vmem>>
    %dma_start3A_39 = tpu.memref_squeeze %dma_start3A_38 : memref<1x8x128xi32, #tpu.memory_space<vmem>> -> memref<8x128xi32, #tpu.memory_space<vmem>>
    %dma_start3A_40 = arith.constant 8 : i32
    %dma_start3A_41 = arith.constant 0 : i32
    %dma_start3A_42 = tpu.memref_slice %arg4[%add3A, %dma_start3A_40, %dma_start3A_41] : memref<32x80x128xi32, #tpu.memory_space<hbm>> -> memref<1x8x128xi32, #tpu.memory_space<hbm>>
    %dma_start3A_43 = tpu.memref_squeeze %dma_start3A_42 : memref<1x8x128xi32, #tpu.memory_space<hbm>> -> memref<8x128xi32, #tpu.memory_space<hbm>>
    tpu.enqueue_dma source(%dma_start3A_43 : memref<8x128xi32, #tpu.memory_space<hbm>>) target(%dma_start3A_39 : memref<8x128xi32, #tpu.memory_space<vmem>>) target_semaphore(%dma_start3A_35 : memref<!tpu.dma_semaphore, #tpu.memory_space<semaphore_mem>>)
    %dma_start3A_44 = arith.constant 0 : i32
    %dma_start3A_45 = arith.constant 0 : i32
    %dma_start3A_46 = arith.constant 0 : i32
    %dma_start3A_47 = arith.constant 0 : i32
    %dma_start3A_48 = arith.constant 0 : i32
    %dma_start3A_49 = tpu.memref_slice %arg10[%dma_start3A_45, %dma_start3A_47, %dma_start3A_48] : memref<2x128x128xf32, #tpu.memory_space<vmem>> -> memref<1x128x128xf32, #tpu.memory_space<vmem>>
    %dma_start3A_50 = tpu.memref_squeeze %dma_start3A_49 : memref<1x128x128xf32, #tpu.memory_space<vmem>> -> memref<128x128xf32, #tpu.memory_space<vmem>>
    %dma_start3A_51 = arith.constant 0 : i32
    %dma_start3A_52 = tpu.memref_slice %arg8[%dma_start3A_44, %dma_start3A_51] : memref<80x128xi32, #tpu.memory_space<vmem>> -> memref<1x128xi32, #tpu.memory_space<vmem>>
    %dma_start3A_53 = tpu.memref_squeeze %dma_start3A_52 : memref<1x128xi32, #tpu.memory_space<vmem>> -> memref<128xi32, #tpu.memory_space<vmem>>
    %dma_start3A_54 = arith.constant 0 : i32
    %dma_start3A_55 = arith.constant 0 : i32
    %dma_start3A_56 = tpu.memref_slice %arg2[%dma_start3A_54, %dma_start3A_55] : memref<10000x128xf32, #tpu.memory_space<hbm>> -> memref<10000x128xf32, #tpu.memory_space<hbm>>
    %dma_start3A_57 = tpu.memref_slice %arg11[%dma_start3A_46] : memref<2x!tpu.dma_semaphore, #tpu.memory_space<semaphore_mem>> -> memref<1x!tpu.dma_semaphore, #tpu.memory_space<semaphore_mem>>
    %dma_start3A_58 = tpu.memref_squeeze %dma_start3A_57 : memref<1x!tpu.dma_semaphore, #tpu.memory_space<semaphore_mem>> -> memref<!tpu.dma_semaphore, #tpu.memory_space<semaphore_mem>>
    tpu.enqueue_indirect_dma source(%dma_start3A_56 : memref<10000x128xf32, #tpu.memory_space<hbm>>) target(%dma_start3A_50 : memref<128x128xf32, #tpu.memory_space<vmem>>) offsets(%dma_start3A_53 : memref<128xi32, #tpu.memory_space<vmem>>) semaphore(%dma_start3A_58 : memref<!tpu.dma_semaphore, #tpu.memory_space<semaphore_mem>>)
    %dma_start3A_59 = arith.constant 1 : i32
    %dma_start3A_60 = arith.constant 1 : i32
    %dma_start3A_61 = arith.constant 1 : i32
    %dma_start3A_62 = arith.constant 0 : i32
    %dma_start3A_63 = arith.constant 0 : i32
    %dma_start3A_64 = tpu.memref_slice %arg10[%dma_start3A_60, %dma_start3A_62, %dma_start3A_63] : memref<2x128x128xf32, #tpu.memory_space<vmem>> -> memref<1x128x128xf32, #tpu.memory_space<vmem>>
    %dma_start3A_65 = tpu.memref_squeeze %dma_start3A_64 : memref<1x128x128xf32, #tpu.memory_space<vmem>> -> memref<128x128xf32, #tpu.memory_space<vmem>>
    %dma_start3A_66 = arith.constant 0 : i32
    %dma_start3A_67 = tpu.memref_slice %arg8[%dma_start3A_59, %dma_start3A_66] : memref<80x128xi32, #tpu.memory_space<vmem>> -> memref<1x128xi32, #tpu.memory_space<vmem>>
    %dma_start3A_68 = tpu.memref_squeeze %dma_start3A_67 : memref<1x128xi32, #tpu.memory_space<vmem>> -> memref<128xi32, #tpu.memory_space<vmem>>
    %dma_start3A_69 = arith.constant 0 : i32
    %dma_start3A_70 = arith.constant 0 : i32
    %dma_start3A_71 = tpu.memref_slice %arg2[%dma_start3A_69, %dma_start3A_70] : memref<10000x128xf32, #tpu.memory_space<hbm>> -> memref<10000x128xf32, #tpu.memory_space<hbm>>
    %dma_start3A_72 = tpu.memref_slice %arg11[%dma_start3A_61] : memref<2x!tpu.dma_semaphore, #tpu.memory_space<semaphore_mem>> -> memref<1x!tpu.dma_semaphore, #tpu.memory_space<semaphore_mem>>
    %dma_start3A_73 = tpu.memref_squeeze %dma_start3A_72 : memref<1x!tpu.dma_semaphore, #tpu.memory_space<semaphore_mem>> -> memref<!tpu.dma_semaphore, #tpu.memory_space<semaphore_mem>>
    tpu.enqueue_indirect_dma source(%dma_start3A_71 : memref<10000x128xf32, #tpu.memory_space<hbm>>) target(%dma_start3A_65 : memref<128x128xf32, #tpu.memory_space<vmem>>) offsets(%dma_start3A_68 : memref<128xi32, #tpu.memory_space<vmem>>) semaphore(%dma_start3A_73 : memref<!tpu.dma_semaphore, #tpu.memory_space<semaphore_mem>>)
    %scan3A = arith.constant 0 : i32
    %scan3A_74 = arith.constant 10 : i32
    %scan3A_75 = arith.addi %scan3A, %scan3A_74 : i32
    %scan3A_76 = arith.constant 1 : i32
    scf.for %scan3A_83 = %scan3A to %scan3A_75 step %scan3A_76  : i32 {
      %mul3A_84 = arith.constant 1 : i32
      %mul3A_85 = arith.muli %scan3A_83, %mul3A_84 : i32
      %add3A_86 = arith.constant 0 : i32
      %add3A_87 = arith.addi %add3A_86, %mul3A_85 : i32
      %rem3A = arith.constant 2 : i32
      %rem3A_88 = arith.remsi %add3A_87, %rem3A : i32
      %mul3A_89 = arith.constant 8 : i32
      %mul3A_90 = arith.muli %add3A_87, %mul3A_89 : i32
      %dma_wait3A = arith.constant 0 : i32
      %dma_wait3A_91 = arith.constant 0 : i32
      %dma_wait3A_92 = tpu.memref_slice %arg9[%rem3A_88, %dma_wait3A, %dma_wait3A_91] : memref<2x8x128xi32, #tpu.memory_space<vmem>> -> memref<1x8x128xi32, #tpu.memory_space<vmem>>
      %dma_wait3A_93 = tpu.memref_squeeze %dma_wait3A_92 : memref<1x8x128xi32, #tpu.memory_space<vmem>> -> memref<8x128xi32, #tpu.memory_space<vmem>>
      %dma_wait3A_94 = arith.constant 0 : i32
      %dma_wait3A_95 = tpu.memref_slice %arg4[%add3A, %mul3A_90, %dma_wait3A_94] : memref<32x80x128xi32, #tpu.memory_space<hbm>> -> memref<1x8x128xi32, #tpu.memory_space<hbm>>
      %dma_wait3A_96 = tpu.memref_squeeze %dma_wait3A_95 : memref<1x8x128xi32, #tpu.memory_space<hbm>> -> memref<8x128xi32, #tpu.memory_space<hbm>>
      %dma_wait3A_97 = tpu.memref_slice %arg13[%rem3A_88] : memref<2x!tpu.dma_semaphore, #tpu.memory_space<semaphore_mem>> -> memref<1x!tpu.dma_semaphore, #tpu.memory_space<semaphore_mem>>
      %dma_wait3A_98 = tpu.memref_squeeze %dma_wait3A_97 : memref<1x!tpu.dma_semaphore, #tpu.memory_space<semaphore_mem>> -> memref<!tpu.dma_semaphore, #tpu.memory_space<semaphore_mem>>
      %dma_wait3A_99 = arith.constant 0 : i32
      %dma_wait3A_100 = arith.constant 0 : i32
      %dma_wait3A_101 = tpu.memref_slice %arg9[%rem3A_88, %dma_wait3A_99, %dma_wait3A_100] : memref<2x8x128xi32, #tpu.memory_space<vmem>> -> memref<1x8x128xi32, #tpu.memory_space<vmem>>
      %dma_wait3A_102 = tpu.memref_squeeze %dma_wait3A_101 : memref<1x8x128xi32, #tpu.memory_space<vmem>> -> memref<8x128xi32, #tpu.memory_space<vmem>>
      %dma_wait3A_103 = arith.constant 0 : i32
      %dma_wait3A_104 = tpu.memref_slice %arg4[%add3A, %mul3A_90, %dma_wait3A_103] : memref<32x80x128xi32, #tpu.memory_space<hbm>> -> memref<1x8x128xi32, #tpu.memory_space<hbm>>
      %dma_wait3A_105 = tpu.memref_squeeze %dma_wait3A_104 : memref<1x8x128xi32, #tpu.memory_space<hbm>> -> memref<8x128xi32, #tpu.memory_space<hbm>>
      tpu.wait_dma2 semaphore(%dma_wait3A_98 : memref<!tpu.dma_semaphore, #tpu.memory_space<semaphore_mem>>) src(%dma_wait3A_105 : memref<8x128xi32, #tpu.memory_space<hbm>>) dst(%dma_wait3A_102 : memref<8x128xi32, #tpu.memory_space<vmem>>)
      %mul3A_106 = arith.constant 8 : i32
      %mul3A_107 = arith.muli %add3A_87, %mul3A_106 : i32
      %add3A_108 = arith.constant 0 : i32
      %add3A_109 = arith.addi %mul3A_107, %add3A_108 : i32
      %dma_wait3A_110 = arith.constant 0 : i32
      %dma_wait3A_111 = arith.constant 0 : i32
      %dma_wait3A_112 = arith.constant 0 : i32
      %dma_wait3A_113 = arith.constant 0 : i32
      %dma_wait3A_114 = tpu.memref_slice %arg10[%dma_wait3A_110, %dma_wait3A_112, %dma_wait3A_113] : memref<2x128x128xf32, #tpu.memory_space<vmem>> -> memref<1x128x128xf32, #tpu.memory_space<vmem>>
      %dma_wait3A_115 = tpu.memref_squeeze %dma_wait3A_114 : memref<1x128x128xf32, #tpu.memory_space<vmem>> -> memref<128x128xf32, #tpu.memory_space<vmem>>
      %dma_wait3A_116 = arith.constant 0 : i32
      %dma_wait3A_117 = tpu.memref_slice %arg8[%add3A_109, %dma_wait3A_116] : memref<80x128xi32, #tpu.memory_space<vmem>> -> memref<1x128xi32, #tpu.memory_space<vmem>>
      %dma_wait3A_118 = tpu.memref_squeeze %dma_wait3A_117 : memref<1x128xi32, #tpu.memory_space<vmem>> -> memref<128xi32, #tpu.memory_space<vmem>>
      %dma_wait3A_119 = arith.constant 0 : i32
      %dma_wait3A_120 = arith.constant 0 : i32
      %dma_wait3A_121 = tpu.memref_slice %arg2[%dma_wait3A_119, %dma_wait3A_120] : memref<10000x128xf32, #tpu.memory_space<hbm>> -> memref<10000x128xf32, #tpu.memory_space<hbm>>
      %dma_wait3A_122 = tpu.memref_slice %arg11[%dma_wait3A_111] : memref<2x!tpu.dma_semaphore, #tpu.memory_space<semaphore_mem>> -> memref<1x!tpu.dma_semaphore, #tpu.memory_space<semaphore_mem>>
      %dma_wait3A_123 = tpu.memref_squeeze %dma_wait3A_122 : memref<1x!tpu.dma_semaphore, #tpu.memory_space<semaphore_mem>> -> memref<!tpu.dma_semaphore, #tpu.memory_space<semaphore_mem>>
      tpu.wait_indirect_dma semaphore(%dma_wait3A_123 : memref<!tpu.dma_semaphore, #tpu.memory_space<semaphore_mem>>) src(%dma_wait3A_121 : memref<10000x128xf32, #tpu.memory_space<hbm>>) dst(%dma_wait3A_115 : memref<128x128xf32, #tpu.memory_space<vmem>>)
      %dma_start3A_124 = arith.constant 0 : i32
      %dma_start3A_125 = arith.constant 0 : i32
      %dma_start3A_126 = arith.constant 0 : i32
      %dma_start3A_127 = arith.constant 0 : i32
      %dma_start3A_128 = arith.constant 0 : i32
      %dma_start3A_129 = tpu.memref_slice %arg10[%dma_start3A_124, %dma_start3A_127, %dma_start3A_128] : memref<2x128x128xf32, #tpu.memory_space<vmem>> -> memref<1x128x128xf32, #tpu.memory_space<vmem>>
      %dma_start3A_130 = tpu.memref_squeeze %dma_start3A_129 : memref<1x128x128xf32, #tpu.memory_space<vmem>> -> memref<128x128xf32, #tpu.memory_space<vmem>>
      %dma_start3A_131 = arith.constant 0 : i32
      %dma_start3A_132 = tpu.memref_slice %arg9[%rem3A_88, %dma_start3A_125, %dma_start3A_131] : memref<2x8x128xi32, #tpu.memory_space<vmem>> -> memref<1x1x128xi32, #tpu.memory_space<vmem>>
      %dma_start3A_133 = tpu.memref_squeeze %dma_start3A_132 : memref<1x1x128xi32, #tpu.memory_space<vmem>> -> memref<128xi32, #tpu.memory_space<vmem>>
      %dma_start3A_134 = arith.constant 0 : i32
      %dma_start3A_135 = arith.constant 0 : i32
      %dma_start3A_136 = tpu.memref_slice %arg7[%dma_start3A_134, %dma_start3A_135] : memref<10112x128xf32, #tpu.memory_space<vmem_shared>> -> memref<10112x128xf32, #tpu.memory_space<vmem_shared>>
      %dma_start3A_137 = tpu.memref_slice %arg12[%dma_start3A_126] : memref<2x!tpu.dma_semaphore, #tpu.memory_space<semaphore_mem>> -> memref<1x!tpu.dma_semaphore, #tpu.memory_space<semaphore_mem>>
      %dma_start3A_138 = tpu.memref_squeeze %dma_start3A_137 : memref<1x!tpu.dma_semaphore, #tpu.memory_space<semaphore_mem>> -> memref<!tpu.dma_semaphore, #tpu.memory_space<semaphore_mem>>
      tpu.enqueue_indirect_dma source(%dma_start3A_130 : memref<128x128xf32, #tpu.memory_space<vmem>>) target(%dma_start3A_136 : memref<10112x128xf32, #tpu.memory_space<vmem_shared>>) offsets(%dma_start3A_133 : memref<128xi32, #tpu.memory_space<vmem>>) semaphore(%dma_start3A_138 : memref<!tpu.dma_semaphore, #tpu.memory_space<semaphore_mem>>) {add = true}
      %dma_wait3A_139 = arith.constant 0 : i32
      %dma_wait3A_140 = arith.constant 0 : i32
      %dma_wait3A_141 = arith.constant 0 : i32
      %dma_wait3A_142 = arith.constant 0 : i32
      %dma_wait3A_143 = arith.constant 0 : i32
      %dma_wait3A_144 = tpu.memref_slice %arg10[%dma_wait3A_139, %dma_wait3A_142, %dma_wait3A_143] : memref<2x128x128xf32, #tpu.memory_space<vmem>> -> memref<1x128x128xf32, #tpu.memory_space<vmem>>
      %dma_wait3A_145 = tpu.memref_squeeze %dma_wait3A_144 : memref<1x128x128xf32, #tpu.memory_space<vmem>> -> memref<128x128xf32, #tpu.memory_space<vmem>>
      %dma_wait3A_146 = arith.constant 0 : i32
      %dma_wait3A_147 = tpu.memref_slice %arg9[%rem3A_88, %dma_wait3A_140, %dma_wait3A_146] : memref<2x8x128xi32, #tpu.memory_space<vmem>> -> memref<1x1x128xi32, #tpu.memory_space<vmem>>
      %dma_wait3A_148 = tpu.memref_squeeze %dma_wait3A_147 : memref<1x1x128xi32, #tpu.memory_space<vmem>> -> memref<128xi32, #tpu.memory_space<vmem>>
      %dma_wait3A_149 = arith.constant 0 : i32
      %dma_wait3A_150 = arith.constant 0 : i32
      %dma_wait3A_151 = tpu.memref_slice %arg7[%dma_wait3A_149, %dma_wait3A_150] : memref<10112x128xf32, #tpu.memory_space<vmem_shared>> -> memref<10112x128xf32, #tpu.memory_space<vmem_shared>>
      %dma_wait3A_152 = tpu.memref_slice %arg12[%dma_wait3A_141] : memref<2x!tpu.dma_semaphore, #tpu.memory_space<semaphore_mem>> -> memref<1x!tpu.dma_semaphore, #tpu.memory_space<semaphore_mem>>
      %dma_wait3A_153 = tpu.memref_squeeze %dma_wait3A_152 : memref<1x!tpu.dma_semaphore, #tpu.memory_space<semaphore_mem>> -> memref<!tpu.dma_semaphore, #tpu.memory_space<semaphore_mem>>
      tpu.wait_indirect_dma semaphore(%dma_wait3A_153 : memref<!tpu.dma_semaphore, #tpu.memory_space<semaphore_mem>>) src(%dma_wait3A_145 : memref<128x128xf32, #tpu.memory_space<vmem>>) dst(%dma_wait3A_151 : memref<10112x128xf32, #tpu.memory_space<vmem_shared>>)
      %add3A_154 = arith.constant 2 : i32
      %add3A_155 = arith.addi %add3A_109, %add3A_154 : i32
      %lt3A = arith.constant 80 : i32
      %lt3A_156 = arith.cmpi slt, %add3A_155, %lt3A : i32
      %convert_element_type3A = arith.extui %lt3A_156 : i1 to i32
      %cond3A = arith.constant 0 : i32
      %cond3A_157 = arith.cmpi ne, %convert_element_type3A, %cond3A : i32
      scf.if %cond3A_157 {
        %add3A_550 = arith.constant 2 : i32
        %add3A_551 = arith.addi %add3A_109, %add3A_550 : i32
        %dma_start3A_552 = arith.constant 0 : i32
        %dma_start3A_553 = arith.constant 0 : i32
        %dma_start3A_554 = arith.constant 0 : i32
        %dma_start3A_555 = arith.constant 0 : i32
        %dma_start3A_556 = tpu.memref_slice %arg10[%dma_start3A_552, %dma_start3A_554, %dma_start3A_555] : memref<2x128x128xf32, #tpu.memory_space<vmem>> -> memref<1x128x128xf32, #tpu.memory_space<vmem>>
        %dma_start3A_557 = tpu.memref_squeeze %dma_start3A_556 : memref<1x128x128xf32, #tpu.memory_space<vmem>> -> memref<128x128xf32, #tpu.memory_space<vmem>>
        %dma_start3A_558 = arith.constant 0 : i32
        %dma_start3A_559 = tpu.memref_slice %arg8[%add3A_551, %dma_start3A_558] : memref<80x128xi32, #tpu.memory_space<vmem>> -> memref<1x128xi32, #tpu.memory_space<vmem>>
        %dma_start3A_560 = tpu.memref_squeeze %dma_start3A_559 : memref<1x128xi32, #tpu.memory_space<vmem>> -> memref<128xi32, #tpu.memory_space<vmem>>
        %dma_start3A_561 = arith.constant 0 : i32
        %dma_start3A_562 = arith.constant 0 : i32
        %dma_start3A_563 = tpu.memref_slice %arg2[%dma_start3A_561, %dma_start3A_562] : memref<10000x128xf32, #tpu.memory_space<hbm>> -> memref<10000x128xf32, #tpu.memory_space<hbm>>
        %dma_start3A_564 = tpu.memref_slice %arg11[%dma_start3A_553] : memref<2x!tpu.dma_semaphore, #tpu.memory_space<semaphore_mem>> -> memref<1x!tpu.dma_semaphore, #tpu.memory_space<semaphore_mem>>
        %dma_start3A_565 = tpu.memref_squeeze %dma_start3A_564 : memref<1x!tpu.dma_semaphore, #tpu.memory_space<semaphore_mem>> -> memref<!tpu.dma_semaphore, #tpu.memory_space<semaphore_mem>>
        tpu.enqueue_indirect_dma source(%dma_start3A_563 : memref<10000x128xf32, #tpu.memory_space<hbm>>) target(%dma_start3A_557 : memref<128x128xf32, #tpu.memory_space<vmem>>) offsets(%dma_start3A_560 : memref<128xi32, #tpu.memory_space<vmem>>) semaphore(%dma_start3A_565 : memref<!tpu.dma_semaphore, #tpu.memory_space<semaphore_mem>>)
      } else {
      }
      %mul3A_158 = arith.constant 8 : i32
      %mul3A_159 = arith.muli %add3A_87, %mul3A_158 : i32
      %add3A_160 = arith.constant 1 : i32
      %add3A_161 = arith.addi %mul3A_159, %add3A_160 : i32
      %dma_wait3A_162 = arith.constant 1 : i32
      %dma_wait3A_163 = arith.constant 1 : i32
      %dma_wait3A_164 = arith.constant 0 : i32
      %dma_wait3A_165 = arith.constant 0 : i32
      %dma_wait3A_166 = tpu.memref_slice %arg10[%dma_wait3A_162, %dma_wait3A_164, %dma_wait3A_165] : memref<2x128x128xf32, #tpu.memory_space<vmem>> -> memref<1x128x128xf32, #tpu.memory_space<vmem>>
      %dma_wait3A_167 = tpu.memref_squeeze %dma_wait3A_166 : memref<1x128x128xf32, #tpu.memory_space<vmem>> -> memref<128x128xf32, #tpu.memory_space<vmem>>
      %dma_wait3A_168 = arith.constant 0 : i32
      %dma_wait3A_169 = tpu.memref_slice %arg8[%add3A_161, %dma_wait3A_168] : memref<80x128xi32, #tpu.memory_space<vmem>> -> memref<1x128xi32, #tpu.memory_space<vmem>>
      %dma_wait3A_170 = tpu.memref_squeeze %dma_wait3A_169 : memref<1x128xi32, #tpu.memory_space<vmem>> -> memref<128xi32, #tpu.memory_space<vmem>>
      %dma_wait3A_171 = arith.constant 0 : i32
      %dma_wait3A_172 = arith.constant 0 : i32
      %dma_wait3A_173 = tpu.memref_slice %arg2[%dma_wait3A_171, %dma_wait3A_172] : memref<10000x128xf32, #tpu.memory_space<hbm>> -> memref<10000x128xf32, #tpu.memory_space<hbm>>
      %dma_wait3A_174 = tpu.memref_slice %arg11[%dma_wait3A_163] : memref<2x!tpu.dma_semaphore, #tpu.memory_space<semaphore_mem>> -> memref<1x!tpu.dma_semaphore, #tpu.memory_space<semaphore_mem>>
      %dma_wait3A_175 = tpu.memref_squeeze %dma_wait3A_174 : memref<1x!tpu.dma_semaphore, #tpu.memory_space<semaphore_mem>> -> memref<!tpu.dma_semaphore, #tpu.memory_space<semaphore_mem>>
      tpu.wait_indirect_dma semaphore(%dma_wait3A_175 : memref<!tpu.dma_semaphore, #tpu.memory_space<semaphore_mem>>) src(%dma_wait3A_173 : memref<10000x128xf32, #tpu.memory_space<hbm>>) dst(%dma_wait3A_167 : memref<128x128xf32, #tpu.memory_space<vmem>>)
      %dma_start3A_176 = arith.constant 1 : i32
      %dma_start3A_177 = arith.constant 1 : i32
      %dma_start3A_178 = arith.constant 1 : i32
      %dma_start3A_179 = arith.constant 0 : i32
      %dma_start3A_180 = arith.constant 0 : i32
      %dma_start3A_181 = tpu.memref_slice %arg10[%dma_start3A_176, %dma_start3A_179, %dma_start3A_180] : memref<2x128x128xf32, #tpu.memory_space<vmem>> -> memref<1x128x128xf32, #tpu.memory_space<vmem>>
      %dma_start3A_182 = tpu.memref_squeeze %dma_start3A_181 : memref<1x128x128xf32, #tpu.memory_space<vmem>> -> memref<128x128xf32, #tpu.memory_space<vmem>>
      %dma_start3A_183 = arith.constant 0 : i32
      %dma_start3A_184 = tpu.memref_slice %arg9[%rem3A_88, %dma_start3A_177, %dma_start3A_183] : memref<2x8x128xi32, #tpu.memory_space<vmem>> -> memref<1x1x128xi32, #tpu.memory_space<vmem>>
      %dma_start3A_185 = tpu.memref_squeeze %dma_start3A_184 : memref<1x1x128xi32, #tpu.memory_space<vmem>> -> memref<128xi32, #tpu.memory_space<vmem>>
      %dma_start3A_186 = arith.constant 0 : i32
      %dma_start3A_187 = arith.constant 0 : i32
      %dma_start3A_188 = tpu.memref_slice %arg7[%dma_start3A_186, %dma_start3A_187] : memref<10112x128xf32, #tpu.memory_space<vmem_shared>> -> memref<10112x128xf32, #tpu.memory_space<vmem_shared>>
      %dma_start3A_189 = tpu.memref_slice %arg12[%dma_start3A_178] : memref<2x!tpu.dma_semaphore, #tpu.memory_space<semaphore_mem>> -> memref<1x!tpu.dma_semaphore, #tpu.memory_space<semaphore_mem>>
      %dma_start3A_190 = tpu.memref_squeeze %dma_start3A_189 : memref<1x!tpu.dma_semaphore, #tpu.memory_space<semaphore_mem>> -> memref<!tpu.dma_semaphore, #tpu.memory_space<semaphore_mem>>
      tpu.enqueue_indirect_dma source(%dma_start3A_182 : memref<128x128xf32, #tpu.memory_space<vmem>>) target(%dma_start3A_188 : memref<10112x128xf32, #tpu.memory_space<vmem_shared>>) offsets(%dma_start3A_185 : memref<128xi32, #tpu.memory_space<vmem>>) semaphore(%dma_start3A_190 : memref<!tpu.dma_semaphore, #tpu.memory_space<semaphore_mem>>) {add = true}
      %dma_wait3A_191 = arith.constant 1 : i32
      %dma_wait3A_192 = arith.constant 1 : i32
      %dma_wait3A_193 = arith.constant 1 : i32
      %dma_wait3A_194 = arith.constant 0 : i32
      %dma_wait3A_195 = arith.constant 0 : i32
      %dma_wait3A_196 = tpu.memref_slice %arg10[%dma_wait3A_191, %dma_wait3A_194, %dma_wait3A_195] : memref<2x128x128xf32, #tpu.memory_space<vmem>> -> memref<1x128x128xf32, #tpu.memory_space<vmem>>
      %dma_wait3A_197 = tpu.memref_squeeze %dma_wait3A_196 : memref<1x128x128xf32, #tpu.memory_space<vmem>> -> memref<128x128xf32, #tpu.memory_space<vmem>>
      %dma_wait3A_198 = arith.constant 0 : i32
      %dma_wait3A_199 = tpu.memref_slice %arg9[%rem3A_88, %dma_wait3A_192, %dma_wait3A_198] : memref<2x8x128xi32, #tpu.memory_space<vmem>> -> memref<1x1x128xi32, #tpu.memory_space<vmem>>
      %dma_wait3A_200 = tpu.memref_squeeze %dma_wait3A_199 : memref<1x1x128xi32, #tpu.memory_space<vmem>> -> memref<128xi32, #tpu.memory_space<vmem>>
      %dma_wait3A_201 = arith.constant 0 : i32
      %dma_wait3A_202 = arith.constant 0 : i32
      %dma_wait3A_203 = tpu.memref_slice %arg7[%dma_wait3A_201, %dma_wait3A_202] : memref<10112x128xf32, #tpu.memory_space<vmem_shared>> -> memref<10112x128xf32, #tpu.memory_space<vmem_shared>>
      %dma_wait3A_204 = tpu.memref_slice %arg12[%dma_wait3A_193] : memref<2x!tpu.dma_semaphore, #tpu.memory_space<semaphore_mem>> -> memref<1x!tpu.dma_semaphore, #tpu.memory_space<semaphore_mem>>
      %dma_wait3A_205 = tpu.memref_squeeze %dma_wait3A_204 : memref<1x!tpu.dma_semaphore, #tpu.memory_space<semaphore_mem>> -> memref<!tpu.dma_semaphore, #tpu.memory_space<semaphore_mem>>
      tpu.wait_indirect_dma semaphore(%dma_wait3A_205 : memref<!tpu.dma_semaphore, #tpu.memory_space<semaphore_mem>>) src(%dma_wait3A_197 : memref<128x128xf32, #tpu.memory_space<vmem>>) dst(%dma_wait3A_203 : memref<10112x128xf32, #tpu.memory_space<vmem_shared>>)
      %add3A_206 = arith.constant 2 : i32
      %add3A_207 = arith.addi %add3A_161, %add3A_206 : i32
      %lt3A_208 = arith.constant 80 : i32
      %lt3A_209 = arith.cmpi slt, %add3A_207, %lt3A_208 : i32
      %convert_element_type3A_210 = arith.extui %lt3A_209 : i1 to i32
      %cond3A_211 = arith.constant 0 : i32
      %cond3A_212 = arith.cmpi ne, %convert_element_type3A_210, %cond3A_211 : i32
      scf.if %cond3A_212 {
        %add3A_550 = arith.constant 2 : i32
        %add3A_551 = arith.addi %add3A_161, %add3A_550 : i32
        %dma_start3A_552 = arith.constant 1 : i32
        %dma_start3A_553 = arith.constant 1 : i32
        %dma_start3A_554 = arith.constant 0 : i32
        %dma_start3A_555 = arith.constant 0 : i32
        %dma_start3A_556 = tpu.memref_slice %arg10[%dma_start3A_552, %dma_start3A_554, %dma_start3A_555] : memref<2x128x128xf32, #tpu.memory_space<vmem>> -> memref<1x128x128xf32, #tpu.memory_space<vmem>>
        %dma_start3A_557 = tpu.memref_squeeze %dma_start3A_556 : memref<1x128x128xf32, #tpu.memory_space<vmem>> -> memref<128x128xf32, #tpu.memory_space<vmem>>
        %dma_start3A_558 = arith.constant 0 : i32
        %dma_start3A_559 = tpu.memref_slice %arg8[%add3A_551, %dma_start3A_558] : memref<80x128xi32, #tpu.memory_space<vmem>> -> memref<1x128xi32, #tpu.memory_space<vmem>>
        %dma_start3A_560 = tpu.memref_squeeze %dma_start3A_559 : memref<1x128xi32, #tpu.memory_space<vmem>> -> memref<128xi32, #tpu.memory_space<vmem>>
        %dma_start3A_561 = arith.constant 0 : i32
        %dma_start3A_562 = arith.constant 0 : i32
        %dma_start3A_563 = tpu.memref_slice %arg2[%dma_start3A_561, %dma_start3A_562] : memref<10000x128xf32, #tpu.memory_space<hbm>> -> memref<10000x128xf32, #tpu.memory_space<hbm>>
        %dma_start3A_564 = tpu.memref_slice %arg11[%dma_start3A_553] : memref<2x!tpu.dma_semaphore, #tpu.memory_space<semaphore_mem>> -> memref<1x!tpu.dma_semaphore, #tpu.memory_space<semaphore_mem>>
        %dma_start3A_565 = tpu.memref_squeeze %dma_start3A_564 : memref<1x!tpu.dma_semaphore, #tpu.memory_space<semaphore_mem>> -> memref<!tpu.dma_semaphore, #tpu.memory_space<semaphore_mem>>
        tpu.enqueue_indirect_dma source(%dma_start3A_563 : memref<10000x128xf32, #tpu.memory_space<hbm>>) target(%dma_start3A_557 : memref<128x128xf32, #tpu.memory_space<vmem>>) offsets(%dma_start3A_560 : memref<128xi32, #tpu.memory_space<vmem>>) semaphore(%dma_start3A_565 : memref<!tpu.dma_semaphore, #tpu.memory_space<semaphore_mem>>)
      } else {
      }
      %mul3A_213 = arith.constant 8 : i32
      %mul3A_214 = arith.muli %add3A_87, %mul3A_213 : i32
      %add3A_215 = arith.constant 2 : i32
      %add3A_216 = arith.addi %mul3A_214, %add3A_215 : i32
      %dma_wait3A_217 = arith.constant 0 : i32
      %dma_wait3A_218 = arith.constant 0 : i32
      %dma_wait3A_219 = arith.constant 0 : i32
      %dma_wait3A_220 = arith.constant 0 : i32
      %dma_wait3A_221 = tpu.memref_slice %arg10[%dma_wait3A_217, %dma_wait3A_219, %dma_wait3A_220] : memref<2x128x128xf32, #tpu.memory_space<vmem>> -> memref<1x128x128xf32, #tpu.memory_space<vmem>>
      %dma_wait3A_222 = tpu.memref_squeeze %dma_wait3A_221 : memref<1x128x128xf32, #tpu.memory_space<vmem>> -> memref<128x128xf32, #tpu.memory_space<vmem>>
      %dma_wait3A_223 = arith.constant 0 : i32
      %dma_wait3A_224 = tpu.memref_slice %arg8[%add3A_216, %dma_wait3A_223] : memref<80x128xi32, #tpu.memory_space<vmem>> -> memref<1x128xi32, #tpu.memory_space<vmem>>
      %dma_wait3A_225 = tpu.memref_squeeze %dma_wait3A_224 : memref<1x128xi32, #tpu.memory_space<vmem>> -> memref<128xi32, #tpu.memory_space<vmem>>
      %dma_wait3A_226 = arith.constant 0 : i32
      %dma_wait3A_227 = arith.constant 0 : i32
      %dma_wait3A_228 = tpu.memref_slice %arg2[%dma_wait3A_226, %dma_wait3A_227] : memref<10000x128xf32, #tpu.memory_space<hbm>> -> memref<10000x128xf32, #tpu.memory_space<hbm>>
      %dma_wait3A_229 = tpu.memref_slice %arg11[%dma_wait3A_218] : memref<2x!tpu.dma_semaphore, #tpu.memory_space<semaphore_mem>> -> memref<1x!tpu.dma_semaphore, #tpu.memory_space<semaphore_mem>>
      %dma_wait3A_230 = tpu.memref_squeeze %dma_wait3A_229 : memref<1x!tpu.dma_semaphore, #tpu.memory_space<semaphore_mem>> -> memref<!tpu.dma_semaphore, #tpu.memory_space<semaphore_mem>>
      tpu.wait_indirect_dma semaphore(%dma_wait3A_230 : memref<!tpu.dma_semaphore, #tpu.memory_space<semaphore_mem>>) src(%dma_wait3A_228 : memref<10000x128xf32, #tpu.memory_space<hbm>>) dst(%dma_wait3A_222 : memref<128x128xf32, #tpu.memory_space<vmem>>)
      %dma_start3A_231 = arith.constant 0 : i32
      %dma_start3A_232 = arith.constant 2 : i32
      %dma_start3A_233 = arith.constant 0 : i32
      %dma_start3A_234 = arith.constant 0 : i32
      %dma_start3A_235 = arith.constant 0 : i32
      %dma_start3A_236 = tpu.memref_slice %arg10[%dma_start3A_231, %dma_start3A_234, %dma_start3A_235] : memref<2x128x128xf32, #tpu.memory_space<vmem>> -> memref<1x128x128xf32, #tpu.memory_space<vmem>>
      %dma_start3A_237 = tpu.memref_squeeze %dma_start3A_236 : memref<1x128x128xf32, #tpu.memory_space<vmem>> -> memref<128x128xf32, #tpu.memory_space<vmem>>
      %dma_start3A_238 = arith.constant 0 : i32
      %dma_start3A_239 = tpu.memref_slice %arg9[%rem3A_88, %dma_start3A_232, %dma_start3A_238] : memref<2x8x128xi32, #tpu.memory_space<vmem>> -> memref<1x1x128xi32, #tpu.memory_space<vmem>>
      %dma_start3A_240 = tpu.memref_squeeze %dma_start3A_239 : memref<1x1x128xi32, #tpu.memory_space<vmem>> -> memref<128xi32, #tpu.memory_space<vmem>>
      %dma_start3A_241 = arith.constant 0 : i32
      %dma_start3A_242 = arith.constant 0 : i32
      %dma_start3A_243 = tpu.memref_slice %arg7[%dma_start3A_241, %dma_start3A_242] : memref<10112x128xf32, #tpu.memory_space<vmem_shared>> -> memref<10112x128xf32, #tpu.memory_space<vmem_shared>>
      %dma_start3A_244 = tpu.memref_slice %arg12[%dma_start3A_233] : memref<2x!tpu.dma_semaphore, #tpu.memory_space<semaphore_mem>> -> memref<1x!tpu.dma_semaphore, #tpu.memory_space<semaphore_mem>>
      %dma_start3A_245 = tpu.memref_squeeze %dma_start3A_244 : memref<1x!tpu.dma_semaphore, #tpu.memory_space<semaphore_mem>> -> memref<!tpu.dma_semaphore, #tpu.memory_space<semaphore_mem>>
      tpu.enqueue_indirect_dma source(%dma_start3A_237 : memref<128x128xf32, #tpu.memory_space<vmem>>) target(%dma_start3A_243 : memref<10112x128xf32, #tpu.memory_space<vmem_shared>>) offsets(%dma_start3A_240 : memref<128xi32, #tpu.memory_space<vmem>>) semaphore(%dma_start3A_245 : memref<!tpu.dma_semaphore, #tpu.memory_space<semaphore_mem>>) {add = true}
      %dma_wait3A_246 = arith.constant 0 : i32
      %dma_wait3A_247 = arith.constant 2 : i32
      %dma_wait3A_248 = arith.constant 0 : i32
      %dma_wait3A_249 = arith.constant 0 : i32
      %dma_wait3A_250 = arith.constant 0 : i32
      %dma_wait3A_251 = tpu.memref_slice %arg10[%dma_wait3A_246, %dma_wait3A_249, %dma_wait3A_250] : memref<2x128x128xf32, #tpu.memory_space<vmem>> -> memref<1x128x128xf32, #tpu.memory_space<vmem>>
      %dma_wait3A_252 = tpu.memref_squeeze %dma_wait3A_251 : memref<1x128x128xf32, #tpu.memory_space<vmem>> -> memref<128x128xf32, #tpu.memory_space<vmem>>
      %dma_wait3A_253 = arith.constant 0 : i32
      %dma_wait3A_254 = tpu.memref_slice %arg9[%rem3A_88, %dma_wait3A_247, %dma_wait3A_253] : memref<2x8x128xi32, #tpu.memory_space<vmem>> -> memref<1x1x128xi32, #tpu.memory_space<vmem>>
      %dma_wait3A_255 = tpu.memref_squeeze %dma_wait3A_254 : memref<1x1x128xi32, #tpu.memory_space<vmem>> -> memref<128xi32, #tpu.memory_space<vmem>>
      %dma_wait3A_256 = arith.constant 0 : i32
      %dma_wait3A_257 = arith.constant 0 : i32
      %dma_wait3A_258 = tpu.memref_slice %arg7[%dma_wait3A_256, %dma_wait3A_257] : memref<10112x128xf32, #tpu.memory_space<vmem_shared>> -> memref<10112x128xf32, #tpu.memory_space<vmem_shared>>
      %dma_wait3A_259 = tpu.memref_slice %arg12[%dma_wait3A_248] : memref<2x!tpu.dma_semaphore, #tpu.memory_space<semaphore_mem>> -> memref<1x!tpu.dma_semaphore, #tpu.memory_space<semaphore_mem>>
      %dma_wait3A_260 = tpu.memref_squeeze %dma_wait3A_259 : memref<1x!tpu.dma_semaphore, #tpu.memory_space<semaphore_mem>> -> memref<!tpu.dma_semaphore, #tpu.memory_space<semaphore_mem>>
      tpu.wait_indirect_dma semaphore(%dma_wait3A_260 : memref<!tpu.dma_semaphore, #tpu.memory_space<semaphore_mem>>) src(%dma_wait3A_252 : memref<128x128xf32, #tpu.memory_space<vmem>>) dst(%dma_wait3A_258 : memref<10112x128xf32, #tpu.memory_space<vmem_shared>>)
      %add3A_261 = arith.constant 2 : i32
      %add3A_262 = arith.addi %add3A_216, %add3A_261 : i32
      %lt3A_263 = arith.constant 80 : i32
      %lt3A_264 = arith.cmpi slt, %add3A_262, %lt3A_263 : i32
      %convert_element_type3A_265 = arith.extui %lt3A_264 : i1 to i32
      %cond3A_266 = arith.constant 0 : i32
      %cond3A_267 = arith.cmpi ne, %convert_element_type3A_265, %cond3A_266 : i32
      scf.if %cond3A_267 {
        %add3A_550 = arith.constant 2 : i32
        %add3A_551 = arith.addi %add3A_216, %add3A_550 : i32
        %dma_start3A_552 = arith.constant 0 : i32
        %dma_start3A_553 = arith.constant 0 : i32
        %dma_start3A_554 = arith.constant 0 : i32
        %dma_start3A_555 = arith.constant 0 : i32
        %dma_start3A_556 = tpu.memref_slice %arg10[%dma_start3A_552, %dma_start3A_554, %dma_start3A_555] : memref<2x128x128xf32, #tpu.memory_space<vmem>> -> memref<1x128x128xf32, #tpu.memory_space<vmem>>
        %dma_start3A_557 = tpu.memref_squeeze %dma_start3A_556 : memref<1x128x128xf32, #tpu.memory_space<vmem>> -> memref<128x128xf32, #tpu.memory_space<vmem>>
        %dma_start3A_558 = arith.constant 0 : i32
        %dma_start3A_559 = tpu.memref_slice %arg8[%add3A_551, %dma_start3A_558] : memref<80x128xi32, #tpu.memory_space<vmem>> -> memref<1x128xi32, #tpu.memory_space<vmem>>
        %dma_start3A_560 = tpu.memref_squeeze %dma_start3A_559 : memref<1x128xi32, #tpu.memory_space<vmem>> -> memref<128xi32, #tpu.memory_space<vmem>>
        %dma_start3A_561 = arith.constant 0 : i32
        %dma_start3A_562 = arith.constant 0 : i32
        %dma_start3A_563 = tpu.memref_slice %arg2[%dma_start3A_561, %dma_start3A_562] : memref<10000x128xf32, #tpu.memory_space<hbm>> -> memref<10000x128xf32, #tpu.memory_space<hbm>>
        %dma_start3A_564 = tpu.memref_slice %arg11[%dma_start3A_553] : memref<2x!tpu.dma_semaphore, #tpu.memory_space<semaphore_mem>> -> memref<1x!tpu.dma_semaphore, #tpu.memory_space<semaphore_mem>>
        %dma_start3A_565 = tpu.memref_squeeze %dma_start3A_564 : memref<1x!tpu.dma_semaphore, #tpu.memory_space<semaphore_mem>> -> memref<!tpu.dma_semaphore, #tpu.memory_space<semaphore_mem>>
        tpu.enqueue_indirect_dma source(%dma_start3A_563 : memref<10000x128xf32, #tpu.memory_space<hbm>>) target(%dma_start3A_557 : memref<128x128xf32, #tpu.memory_space<vmem>>) offsets(%dma_start3A_560 : memref<128xi32, #tpu.memory_space<vmem>>) semaphore(%dma_start3A_565 : memref<!tpu.dma_semaphore, #tpu.memory_space<semaphore_mem>>)
      } else {
      }
      %mul3A_268 = arith.constant 8 : i32
      %mul3A_269 = arith.muli %add3A_87, %mul3A_268 : i32
      %add3A_270 = arith.constant 3 : i32
      %add3A_271 = arith.addi %mul3A_269, %add3A_270 : i32
      %dma_wait3A_272 = arith.constant 1 : i32
      %dma_wait3A_273 = arith.constant 1 : i32
      %dma_wait3A_274 = arith.constant 0 : i32
      %dma_wait3A_275 = arith.constant 0 : i32
      %dma_wait3A_276 = tpu.memref_slice %arg10[%dma_wait3A_272, %dma_wait3A_274, %dma_wait3A_275] : memref<2x128x128xf32, #tpu.memory_space<vmem>> -> memref<1x128x128xf32, #tpu.memory_space<vmem>>
      %dma_wait3A_277 = tpu.memref_squeeze %dma_wait3A_276 : memref<1x128x128xf32, #tpu.memory_space<vmem>> -> memref<128x128xf32, #tpu.memory_space<vmem>>
      %dma_wait3A_278 = arith.constant 0 : i32
      %dma_wait3A_279 = tpu.memref_slice %arg8[%add3A_271, %dma_wait3A_278] : memref<80x128xi32, #tpu.memory_space<vmem>> -> memref<1x128xi32, #tpu.memory_space<vmem>>
      %dma_wait3A_280 = tpu.memref_squeeze %dma_wait3A_279 : memref<1x128xi32, #tpu.memory_space<vmem>> -> memref<128xi32, #tpu.memory_space<vmem>>
      %dma_wait3A_281 = arith.constant 0 : i32
      %dma_wait3A_282 = arith.constant 0 : i32
      %dma_wait3A_283 = tpu.memref_slice %arg2[%dma_wait3A_281, %dma_wait3A_282] : memref<10000x128xf32, #tpu.memory_space<hbm>> -> memref<10000x128xf32, #tpu.memory_space<hbm>>
      %dma_wait3A_284 = tpu.memref_slice %arg11[%dma_wait3A_273] : memref<2x!tpu.dma_semaphore, #tpu.memory_space<semaphore_mem>> -> memref<1x!tpu.dma_semaphore, #tpu.memory_space<semaphore_mem>>
      %dma_wait3A_285 = tpu.memref_squeeze %dma_wait3A_284 : memref<1x!tpu.dma_semaphore, #tpu.memory_space<semaphore_mem>> -> memref<!tpu.dma_semaphore, #tpu.memory_space<semaphore_mem>>
      tpu.wait_indirect_dma semaphore(%dma_wait3A_285 : memref<!tpu.dma_semaphore, #tpu.memory_space<semaphore_mem>>) src(%dma_wait3A_283 : memref<10000x128xf32, #tpu.memory_space<hbm>>) dst(%dma_wait3A_277 : memref<128x128xf32, #tpu.memory_space<vmem>>)
      %dma_start3A_286 = arith.constant 1 : i32
      %dma_start3A_287 = arith.constant 3 : i32
      %dma_start3A_288 = arith.constant 1 : i32
      %dma_start3A_289 = arith.constant 0 : i32
      %dma_start3A_290 = arith.constant 0 : i32
      %dma_start3A_291 = tpu.memref_slice %arg10[%dma_start3A_286, %dma_start3A_289, %dma_start3A_290] : memref<2x128x128xf32, #tpu.memory_space<vmem>> -> memref<1x128x128xf32, #tpu.memory_space<vmem>>
      %dma_start3A_292 = tpu.memref_squeeze %dma_start3A_291 : memref<1x128x128xf32, #tpu.memory_space<vmem>> -> memref<128x128xf32, #tpu.memory_space<vmem>>
      %dma_start3A_293 = arith.constant 0 : i32
      %dma_start3A_294 = tpu.memref_slice %arg9[%rem3A_88, %dma_start3A_287, %dma_start3A_293] : memref<2x8x128xi32, #tpu.memory_space<vmem>> -> memref<1x1x128xi32, #tpu.memory_space<vmem>>
      %dma_start3A_295 = tpu.memref_squeeze %dma_start3A_294 : memref<1x1x128xi32, #tpu.memory_space<vmem>> -> memref<128xi32, #tpu.memory_space<vmem>>
      %dma_start3A_296 = arith.constant 0 : i32
      %dma_start3A_297 = arith.constant 0 : i32
      %dma_start3A_298 = tpu.memref_slice %arg7[%dma_start3A_296, %dma_start3A_297] : memref<10112x128xf32, #tpu.memory_space<vmem_shared>> -> memref<10112x128xf32, #tpu.memory_space<vmem_shared>>
      %dma_start3A_299 = tpu.memref_slice %arg12[%dma_start3A_288] : memref<2x!tpu.dma_semaphore, #tpu.memory_space<semaphore_mem>> -> memref<1x!tpu.dma_semaphore, #tpu.memory_space<semaphore_mem>>
      %dma_start3A_300 = tpu.memref_squeeze %dma_start3A_299 : memref<1x!tpu.dma_semaphore, #tpu.memory_space<semaphore_mem>> -> memref<!tpu.dma_semaphore, #tpu.memory_space<semaphore_mem>>
      tpu.enqueue_indirect_dma source(%dma_start3A_292 : memref<128x128xf32, #tpu.memory_space<vmem>>) target(%dma_start3A_298 : memref<10112x128xf32, #tpu.memory_space<vmem_shared>>) offsets(%dma_start3A_295 : memref<128xi32, #tpu.memory_space<vmem>>) semaphore(%dma_start3A_300 : memref<!tpu.dma_semaphore, #tpu.memory_space<semaphore_mem>>) {add = true}
      %dma_wait3A_301 = arith.constant 1 : i32
      %dma_wait3A_302 = arith.constant 3 : i32
      %dma_wait3A_303 = arith.constant 1 : i32
      %dma_wait3A_304 = arith.constant 0 : i32
      %dma_wait3A_305 = arith.constant 0 : i32
      %dma_wait3A_306 = tpu.memref_slice %arg10[%dma_wait3A_301, %dma_wait3A_304, %dma_wait3A_305] : memref<2x128x128xf32, #tpu.memory_space<vmem>> -> memref<1x128x128xf32, #tpu.memory_space<vmem>>
      %dma_wait3A_307 = tpu.memref_squeeze %dma_wait3A_306 : memref<1x128x128xf32, #tpu.memory_space<vmem>> -> memref<128x128xf32, #tpu.memory_space<vmem>>
      %dma_wait3A_308 = arith.constant 0 : i32
      %dma_wait3A_309 = tpu.memref_slice %arg9[%rem3A_88, %dma_wait3A_302, %dma_wait3A_308] : memref<2x8x128xi32, #tpu.memory_space<vmem>> -> memref<1x1x128xi32, #tpu.memory_space<vmem>>
      %dma_wait3A_310 = tpu.memref_squeeze %dma_wait3A_309 : memref<1x1x128xi32, #tpu.memory_space<vmem>> -> memref<128xi32, #tpu.memory_space<vmem>>
      %dma_wait3A_311 = arith.constant 0 : i32
      %dma_wait3A_312 = arith.constant 0 : i32
      %dma_wait3A_313 = tpu.memref_slice %arg7[%dma_wait3A_311, %dma_wait3A_312] : memref<10112x128xf32, #tpu.memory_space<vmem_shared>> -> memref<10112x128xf32, #tpu.memory_space<vmem_shared>>
      %dma_wait3A_314 = tpu.memref_slice %arg12[%dma_wait3A_303] : memref<2x!tpu.dma_semaphore, #tpu.memory_space<semaphore_mem>> -> memref<1x!tpu.dma_semaphore, #tpu.memory_space<semaphore_mem>>
      %dma_wait3A_315 = tpu.memref_squeeze %dma_wait3A_314 : memref<1x!tpu.dma_semaphore, #tpu.memory_space<semaphore_mem>> -> memref<!tpu.dma_semaphore, #tpu.memory_space<semaphore_mem>>
      tpu.wait_indirect_dma semaphore(%dma_wait3A_315 : memref<!tpu.dma_semaphore, #tpu.memory_space<semaphore_mem>>) src(%dma_wait3A_307 : memref<128x128xf32, #tpu.memory_space<vmem>>) dst(%dma_wait3A_313 : memref<10112x128xf32, #tpu.memory_space<vmem_shared>>)
      %add3A_316 = arith.constant 2 : i32
      %add3A_317 = arith.addi %add3A_271, %add3A_316 : i32
      %lt3A_318 = arith.constant 80 : i32
      %lt3A_319 = arith.cmpi slt, %add3A_317, %lt3A_318 : i32
      %convert_element_type3A_320 = arith.extui %lt3A_319 : i1 to i32
      %cond3A_321 = arith.constant 0 : i32
      %cond3A_322 = arith.cmpi ne, %convert_element_type3A_320, %cond3A_321 : i32
      scf.if %cond3A_322 {
        %add3A_550 = arith.constant 2 : i32
        %add3A_551 = arith.addi %add3A_271, %add3A_550 : i32
        %dma_start3A_552 = arith.constant 1 : i32
        %dma_start3A_553 = arith.constant 1 : i32
        %dma_start3A_554 = arith.constant 0 : i32
        %dma_start3A_555 = arith.constant 0 : i32
        %dma_start3A_556 = tpu.memref_slice %arg10[%dma_start3A_552, %dma_start3A_554, %dma_start3A_555] : memref<2x128x128xf32, #tpu.memory_space<vmem>> -> memref<1x128x128xf32, #tpu.memory_space<vmem>>
        %dma_start3A_557 = tpu.memref_squeeze %dma_start3A_556 : memref<1x128x128xf32, #tpu.memory_space<vmem>> -> memref<128x128xf32, #tpu.memory_space<vmem>>
        %dma_start3A_558 = arith.constant 0 : i32
        %dma_start3A_559 = tpu.memref_slice %arg8[%add3A_551, %dma_start3A_558] : memref<80x128xi32, #tpu.memory_space<vmem>> -> memref<1x128xi32, #tpu.memory_space<vmem>>
        %dma_start3A_560 = tpu.memref_squeeze %dma_start3A_559 : memref<1x128xi32, #tpu.memory_space<vmem>> -> memref<128xi32, #tpu.memory_space<vmem>>
        %dma_start3A_561 = arith.constant 0 : i32
        %dma_start3A_562 = arith.constant 0 : i32
        %dma_start3A_563 = tpu.memref_slice %arg2[%dma_start3A_561, %dma_start3A_562] : memref<10000x128xf32, #tpu.memory_space<hbm>> -> memref<10000x128xf32, #tpu.memory_space<hbm>>
        %dma_start3A_564 = tpu.memref_slice %arg11[%dma_start3A_553] : memref<2x!tpu.dma_semaphore, #tpu.memory_space<semaphore_mem>> -> memref<1x!tpu.dma_semaphore, #tpu.memory_space<semaphore_mem>>
        %dma_start3A_565 = tpu.memref_squeeze %dma_start3A_564 : memref<1x!tpu.dma_semaphore, #tpu.memory_space<semaphore_mem>> -> memref<!tpu.dma_semaphore, #tpu.memory_space<semaphore_mem>>
        tpu.enqueue_indirect_dma source(%dma_start3A_563 : memref<10000x128xf32, #tpu.memory_space<hbm>>) target(%dma_start3A_557 : memref<128x128xf32, #tpu.memory_space<vmem>>) offsets(%dma_start3A_560 : memref<128xi32, #tpu.memory_space<vmem>>) semaphore(%dma_start3A_565 : memref<!tpu.dma_semaphore, #tpu.memory_space<semaphore_mem>>)
      } else {
      }
      %mul3A_323 = arith.constant 8 : i32
      %mul3A_324 = arith.muli %add3A_87, %mul3A_323 : i32
      %add3A_325 = arith.constant 4 : i32
      %add3A_326 = arith.addi %mul3A_324, %add3A_325 : i32
      %dma_wait3A_327 = arith.constant 0 : i32
      %dma_wait3A_328 = arith.constant 0 : i32
      %dma_wait3A_329 = arith.constant 0 : i32
      %dma_wait3A_330 = arith.constant 0 : i32
      %dma_wait3A_331 = tpu.memref_slice %arg10[%dma_wait3A_327, %dma_wait3A_329, %dma_wait3A_330] : memref<2x128x128xf32, #tpu.memory_space<vmem>> -> memref<1x128x128xf32, #tpu.memory_space<vmem>>
      %dma_wait3A_332 = tpu.memref_squeeze %dma_wait3A_331 : memref<1x128x128xf32, #tpu.memory_space<vmem>> -> memref<128x128xf32, #tpu.memory_space<vmem>>
      %dma_wait3A_333 = arith.constant 0 : i32
      %dma_wait3A_334 = tpu.memref_slice %arg8[%add3A_326, %dma_wait3A_333] : memref<80x128xi32, #tpu.memory_space<vmem>> -> memref<1x128xi32, #tpu.memory_space<vmem>>
      %dma_wait3A_335 = tpu.memref_squeeze %dma_wait3A_334 : memref<1x128xi32, #tpu.memory_space<vmem>> -> memref<128xi32, #tpu.memory_space<vmem>>
      %dma_wait3A_336 = arith.constant 0 : i32
      %dma_wait3A_337 = arith.constant 0 : i32
      %dma_wait3A_338 = tpu.memref_slice %arg2[%dma_wait3A_336, %dma_wait3A_337] : memref<10000x128xf32, #tpu.memory_space<hbm>> -> memref<10000x128xf32, #tpu.memory_space<hbm>>
      %dma_wait3A_339 = tpu.memref_slice %arg11[%dma_wait3A_328] : memref<2x!tpu.dma_semaphore, #tpu.memory_space<semaphore_mem>> -> memref<1x!tpu.dma_semaphore, #tpu.memory_space<semaphore_mem>>
      %dma_wait3A_340 = tpu.memref_squeeze %dma_wait3A_339 : memref<1x!tpu.dma_semaphore, #tpu.memory_space<semaphore_mem>> -> memref<!tpu.dma_semaphore, #tpu.memory_space<semaphore_mem>>
      tpu.wait_indirect_dma semaphore(%dma_wait3A_340 : memref<!tpu.dma_semaphore, #tpu.memory_space<semaphore_mem>>) src(%dma_wait3A_338 : memref<10000x128xf32, #tpu.memory_space<hbm>>) dst(%dma_wait3A_332 : memref<128x128xf32, #tpu.memory_space<vmem>>)
      %dma_start3A_341 = arith.constant 0 : i32
      %dma_start3A_342 = arith.constant 4 : i32
      %dma_start3A_343 = arith.constant 0 : i32
      %dma_start3A_344 = arith.constant 0 : i32
      %dma_start3A_345 = arith.constant 0 : i32
      %dma_start3A_346 = tpu.memref_slice %arg10[%dma_start3A_341, %dma_start3A_344, %dma_start3A_345] : memref<2x128x128xf32, #tpu.memory_space<vmem>> -> memref<1x128x128xf32, #tpu.memory_space<vmem>>
      %dma_start3A_347 = tpu.memref_squeeze %dma_start3A_346 : memref<1x128x128xf32, #tpu.memory_space<vmem>> -> memref<128x128xf32, #tpu.memory_space<vmem>>
      %dma_start3A_348 = arith.constant 0 : i32
      %dma_start3A_349 = tpu.memref_slice %arg9[%rem3A_88, %dma_start3A_342, %dma_start3A_348] : memref<2x8x128xi32, #tpu.memory_space<vmem>> -> memref<1x1x128xi32, #tpu.memory_space<vmem>>
      %dma_start3A_350 = tpu.memref_squeeze %dma_start3A_349 : memref<1x1x128xi32, #tpu.memory_space<vmem>> -> memref<128xi32, #tpu.memory_space<vmem>>
      %dma_start3A_351 = arith.constant 0 : i32
      %dma_start3A_352 = arith.constant 0 : i32
      %dma_start3A_353 = tpu.memref_slice %arg7[%dma_start3A_351, %dma_start3A_352] : memref<10112x128xf32, #tpu.memory_space<vmem_shared>> -> memref<10112x128xf32, #tpu.memory_space<vmem_shared>>
      %dma_start3A_354 = tpu.memref_slice %arg12[%dma_start3A_343] : memref<2x!tpu.dma_semaphore, #tpu.memory_space<semaphore_mem>> -> memref<1x!tpu.dma_semaphore, #tpu.memory_space<semaphore_mem>>
      %dma_start3A_355 = tpu.memref_squeeze %dma_start3A_354 : memref<1x!tpu.dma_semaphore, #tpu.memory_space<semaphore_mem>> -> memref<!tpu.dma_semaphore, #tpu.memory_space<semaphore_mem>>
      tpu.enqueue_indirect_dma source(%dma_start3A_347 : memref<128x128xf32, #tpu.memory_space<vmem>>) target(%dma_start3A_353 : memref<10112x128xf32, #tpu.memory_space<vmem_shared>>) offsets(%dma_start3A_350 : memref<128xi32, #tpu.memory_space<vmem>>) semaphore(%dma_start3A_355 : memref<!tpu.dma_semaphore, #tpu.memory_space<semaphore_mem>>) {add = true}
      %dma_wait3A_356 = arith.constant 0 : i32
      %dma_wait3A_357 = arith.constant 4 : i32
      %dma_wait3A_358 = arith.constant 0 : i32
      %dma_wait3A_359 = arith.constant 0 : i32
      %dma_wait3A_360 = arith.constant 0 : i32
      %dma_wait3A_361 = tpu.memref_slice %arg10[%dma_wait3A_356, %dma_wait3A_359, %dma_wait3A_360] : memref<2x128x128xf32, #tpu.memory_space<vmem>> -> memref<1x128x128xf32, #tpu.memory_space<vmem>>
      %dma_wait3A_362 = tpu.memref_squeeze %dma_wait3A_361 : memref<1x128x128xf32, #tpu.memory_space<vmem>> -> memref<128x128xf32, #tpu.memory_space<vmem>>
      %dma_wait3A_363 = arith.constant 0 : i32
      %dma_wait3A_364 = tpu.memref_slice %arg9[%rem3A_88, %dma_wait3A_357, %dma_wait3A_363] : memref<2x8x128xi32, #tpu.memory_space<vmem>> -> memref<1x1x128xi32, #tpu.memory_space<vmem>>
      %dma_wait3A_365 = tpu.memref_squeeze %dma_wait3A_364 : memref<1x1x128xi32, #tpu.memory_space<vmem>> -> memref<128xi32, #tpu.memory_space<vmem>>
      %dma_wait3A_366 = arith.constant 0 : i32
      %dma_wait3A_367 = arith.constant 0 : i32
      %dma_wait3A_368 = tpu.memref_slice %arg7[%dma_wait3A_366, %dma_wait3A_367] : memref<10112x128xf32, #tpu.memory_space<vmem_shared>> -> memref<10112x128xf32, #tpu.memory_space<vmem_shared>>
      %dma_wait3A_369 = tpu.memref_slice %arg12[%dma_wait3A_358] : memref<2x!tpu.dma_semaphore, #tpu.memory_space<semaphore_mem>> -> memref<1x!tpu.dma_semaphore, #tpu.memory_space<semaphore_mem>>
      %dma_wait3A_370 = tpu.memref_squeeze %dma_wait3A_369 : memref<1x!tpu.dma_semaphore, #tpu.memory_space<semaphore_mem>> -> memref<!tpu.dma_semaphore, #tpu.memory_space<semaphore_mem>>
      tpu.wait_indirect_dma semaphore(%dma_wait3A_370 : memref<!tpu.dma_semaphore, #tpu.memory_space<semaphore_mem>>) src(%dma_wait3A_362 : memref<128x128xf32, #tpu.memory_space<vmem>>) dst(%dma_wait3A_368 : memref<10112x128xf32, #tpu.memory_space<vmem_shared>>)
      %add3A_371 = arith.constant 2 : i32
      %add3A_372 = arith.addi %add3A_326, %add3A_371 : i32
      %lt3A_373 = arith.constant 80 : i32
      %lt3A_374 = arith.cmpi slt, %add3A_372, %lt3A_373 : i32
      %convert_element_type3A_375 = arith.extui %lt3A_374 : i1 to i32
      %cond3A_376 = arith.constant 0 : i32
      %cond3A_377 = arith.cmpi ne, %convert_element_type3A_375, %cond3A_376 : i32
      scf.if %cond3A_377 {
        %add3A_550 = arith.constant 2 : i32
        %add3A_551 = arith.addi %add3A_326, %add3A_550 : i32
        %dma_start3A_552 = arith.constant 0 : i32
        %dma_start3A_553 = arith.constant 0 : i32
        %dma_start3A_554 = arith.constant 0 : i32
        %dma_start3A_555 = arith.constant 0 : i32
        %dma_start3A_556 = tpu.memref_slice %arg10[%dma_start3A_552, %dma_start3A_554, %dma_start3A_555] : memref<2x128x128xf32, #tpu.memory_space<vmem>> -> memref<1x128x128xf32, #tpu.memory_space<vmem>>
        %dma_start3A_557 = tpu.memref_squeeze %dma_start3A_556 : memref<1x128x128xf32, #tpu.memory_space<vmem>> -> memref<128x128xf32, #tpu.memory_space<vmem>>
        %dma_start3A_558 = arith.constant 0 : i32
        %dma_start3A_559 = tpu.memref_slice %arg8[%add3A_551, %dma_start3A_558] : memref<80x128xi32, #tpu.memory_space<vmem>> -> memref<1x128xi32, #tpu.memory_space<vmem>>
        %dma_start3A_560 = tpu.memref_squeeze %dma_start3A_559 : memref<1x128xi32, #tpu.memory_space<vmem>> -> memref<128xi32, #tpu.memory_space<vmem>>
        %dma_start3A_561 = arith.constant 0 : i32
        %dma_start3A_562 = arith.constant 0 : i32
        %dma_start3A_563 = tpu.memref_slice %arg2[%dma_start3A_561, %dma_start3A_562] : memref<10000x128xf32, #tpu.memory_space<hbm>> -> memref<10000x128xf32, #tpu.memory_space<hbm>>
        %dma_start3A_564 = tpu.memref_slice %arg11[%dma_start3A_553] : memref<2x!tpu.dma_semaphore, #tpu.memory_space<semaphore_mem>> -> memref<1x!tpu.dma_semaphore, #tpu.memory_space<semaphore_mem>>
        %dma_start3A_565 = tpu.memref_squeeze %dma_start3A_564 : memref<1x!tpu.dma_semaphore, #tpu.memory_space<semaphore_mem>> -> memref<!tpu.dma_semaphore, #tpu.memory_space<semaphore_mem>>
        tpu.enqueue_indirect_dma source(%dma_start3A_563 : memref<10000x128xf32, #tpu.memory_space<hbm>>) target(%dma_start3A_557 : memref<128x128xf32, #tpu.memory_space<vmem>>) offsets(%dma_start3A_560 : memref<128xi32, #tpu.memory_space<vmem>>) semaphore(%dma_start3A_565 : memref<!tpu.dma_semaphore, #tpu.memory_space<semaphore_mem>>)
      } else {
      }
      %mul3A_378 = arith.constant 8 : i32
      %mul3A_379 = arith.muli %add3A_87, %mul3A_378 : i32
      %add3A_380 = arith.constant 5 : i32
      %add3A_381 = arith.addi %mul3A_379, %add3A_380 : i32
      %dma_wait3A_382 = arith.constant 1 : i32
      %dma_wait3A_383 = arith.constant 1 : i32
      %dma_wait3A_384 = arith.constant 0 : i32
      %dma_wait3A_385 = arith.constant 0 : i32
      %dma_wait3A_386 = tpu.memref_slice %arg10[%dma_wait3A_382, %dma_wait3A_384, %dma_wait3A_385] : memref<2x128x128xf32, #tpu.memory_space<vmem>> -> memref<1x128x128xf32, #tpu.memory_space<vmem>>
      %dma_wait3A_387 = tpu.memref_squeeze %dma_wait3A_386 : memref<1x128x128xf32, #tpu.memory_space<vmem>> -> memref<128x128xf32, #tpu.memory_space<vmem>>
      %dma_wait3A_388 = arith.constant 0 : i32
      %dma_wait3A_389 = tpu.memref_slice %arg8[%add3A_381, %dma_wait3A_388] : memref<80x128xi32, #tpu.memory_space<vmem>> -> memref<1x128xi32, #tpu.memory_space<vmem>>
      %dma_wait3A_390 = tpu.memref_squeeze %dma_wait3A_389 : memref<1x128xi32, #tpu.memory_space<vmem>> -> memref<128xi32, #tpu.memory_space<vmem>>
      %dma_wait3A_391 = arith.constant 0 : i32
      %dma_wait3A_392 = arith.constant 0 : i32
      %dma_wait3A_393 = tpu.memref_slice %arg2[%dma_wait3A_391, %dma_wait3A_392] : memref<10000x128xf32, #tpu.memory_space<hbm>> -> memref<10000x128xf32, #tpu.memory_space<hbm>>
      %dma_wait3A_394 = tpu.memref_slice %arg11[%dma_wait3A_383] : memref<2x!tpu.dma_semaphore, #tpu.memory_space<semaphore_mem>> -> memref<1x!tpu.dma_semaphore, #tpu.memory_space<semaphore_mem>>
      %dma_wait3A_395 = tpu.memref_squeeze %dma_wait3A_394 : memref<1x!tpu.dma_semaphore, #tpu.memory_space<semaphore_mem>> -> memref<!tpu.dma_semaphore, #tpu.memory_space<semaphore_mem>>
      tpu.wait_indirect_dma semaphore(%dma_wait3A_395 : memref<!tpu.dma_semaphore, #tpu.memory_space<semaphore_mem>>) src(%dma_wait3A_393 : memref<10000x128xf32, #tpu.memory_space<hbm>>) dst(%dma_wait3A_387 : memref<128x128xf32, #tpu.memory_space<vmem>>)
      %dma_start3A_396 = arith.constant 1 : i32
      %dma_start3A_397 = arith.constant 5 : i32
      %dma_start3A_398 = arith.constant 1 : i32
      %dma_start3A_399 = arith.constant 0 : i32
      %dma_start3A_400 = arith.constant 0 : i32
      %dma_start3A_401 = tpu.memref_slice %arg10[%dma_start3A_396, %dma_start3A_399, %dma_start3A_400] : memref<2x128x128xf32, #tpu.memory_space<vmem>> -> memref<1x128x128xf32, #tpu.memory_space<vmem>>
      %dma_start3A_402 = tpu.memref_squeeze %dma_start3A_401 : memref<1x128x128xf32, #tpu.memory_space<vmem>> -> memref<128x128xf32, #tpu.memory_space<vmem>>
      %dma_start3A_403 = arith.constant 0 : i32
      %dma_start3A_404 = tpu.memref_slice %arg9[%rem3A_88, %dma_start3A_397, %dma_start3A_403] : memref<2x8x128xi32, #tpu.memory_space<vmem>> -> memref<1x1x128xi32, #tpu.memory_space<vmem>>
      %dma_start3A_405 = tpu.memref_squeeze %dma_start3A_404 : memref<1x1x128xi32, #tpu.memory_space<vmem>> -> memref<128xi32, #tpu.memory_space<vmem>>
      %dma_start3A_406 = arith.constant 0 : i32
      %dma_start3A_407 = arith.constant 0 : i32
      %dma_start3A_408 = tpu.memref_slice %arg7[%dma_start3A_406, %dma_start3A_407] : memref<10112x128xf32, #tpu.memory_space<vmem_shared>> -> memref<10112x128xf32, #tpu.memory_space<vmem_shared>>
      %dma_start3A_409 = tpu.memref_slice %arg12[%dma_start3A_398] : memref<2x!tpu.dma_semaphore, #tpu.memory_space<semaphore_mem>> -> memref<1x!tpu.dma_semaphore, #tpu.memory_space<semaphore_mem>>
      %dma_start3A_410 = tpu.memref_squeeze %dma_start3A_409 : memref<1x!tpu.dma_semaphore, #tpu.memory_space<semaphore_mem>> -> memref<!tpu.dma_semaphore, #tpu.memory_space<semaphore_mem>>
      tpu.enqueue_indirect_dma source(%dma_start3A_402 : memref<128x128xf32, #tpu.memory_space<vmem>>) target(%dma_start3A_408 : memref<10112x128xf32, #tpu.memory_space<vmem_shared>>) offsets(%dma_start3A_405 : memref<128xi32, #tpu.memory_space<vmem>>) semaphore(%dma_start3A_410 : memref<!tpu.dma_semaphore, #tpu.memory_space<semaphore_mem>>) {add = true}
      %dma_wait3A_411 = arith.constant 1 : i32
      %dma_wait3A_412 = arith.constant 5 : i32
      %dma_wait3A_413 = arith.constant 1 : i32
      %dma_wait3A_414 = arith.constant 0 : i32
      %dma_wait3A_415 = arith.constant 0 : i32
      %dma_wait3A_416 = tpu.memref_slice %arg10[%dma_wait3A_411, %dma_wait3A_414, %dma_wait3A_415] : memref<2x128x128xf32, #tpu.memory_space<vmem>> -> memref<1x128x128xf32, #tpu.memory_space<vmem>>
      %dma_wait3A_417 = tpu.memref_squeeze %dma_wait3A_416 : memref<1x128x128xf32, #tpu.memory_space<vmem>> -> memref<128x128xf32, #tpu.memory_space<vmem>>
      %dma_wait3A_418 = arith.constant 0 : i32
      %dma_wait3A_419 = tpu.memref_slice %arg9[%rem3A_88, %dma_wait3A_412, %dma_wait3A_418] : memref<2x8x128xi32, #tpu.memory_space<vmem>> -> memref<1x1x128xi32, #tpu.memory_space<vmem>>
      %dma_wait3A_420 = tpu.memref_squeeze %dma_wait3A_419 : memref<1x1x128xi32, #tpu.memory_space<vmem>> -> memref<128xi32, #tpu.memory_space<vmem>>
      %dma_wait3A_421 = arith.constant 0 : i32
      %dma_wait3A_422 = arith.constant 0 : i32
      %dma_wait3A_423 = tpu.memref_slice %arg7[%dma_wait3A_421, %dma_wait3A_422] : memref<10112x128xf32, #tpu.memory_space<vmem_shared>> -> memref<10112x128xf32, #tpu.memory_space<vmem_shared>>
      %dma_wait3A_424 = tpu.memref_slice %arg12[%dma_wait3A_413] : memref<2x!tpu.dma_semaphore, #tpu.memory_space<semaphore_mem>> -> memref<1x!tpu.dma_semaphore, #tpu.memory_space<semaphore_mem>>
      %dma_wait3A_425 = tpu.memref_squeeze %dma_wait3A_424 : memref<1x!tpu.dma_semaphore, #tpu.memory_space<semaphore_mem>> -> memref<!tpu.dma_semaphore, #tpu.memory_space<semaphore_mem>>
      tpu.wait_indirect_dma semaphore(%dma_wait3A_425 : memref<!tpu.dma_semaphore, #tpu.memory_space<semaphore_mem>>) src(%dma_wait3A_417 : memref<128x128xf32, #tpu.memory_space<vmem>>) dst(%dma_wait3A_423 : memref<10112x128xf32, #tpu.memory_space<vmem_shared>>)
      %add3A_426 = arith.constant 2 : i32
      %add3A_427 = arith.addi %add3A_381, %add3A_426 : i32
      %lt3A_428 = arith.constant 80 : i32
      %lt3A_429 = arith.cmpi slt, %add3A_427, %lt3A_428 : i32
      %convert_element_type3A_430 = arith.extui %lt3A_429 : i1 to i32
      %cond3A_431 = arith.constant 0 : i32
      %cond3A_432 = arith.cmpi ne, %convert_element_type3A_430, %cond3A_431 : i32
      scf.if %cond3A_432 {
        %add3A_550 = arith.constant 2 : i32
        %add3A_551 = arith.addi %add3A_381, %add3A_550 : i32
        %dma_start3A_552 = arith.constant 1 : i32
        %dma_start3A_553 = arith.constant 1 : i32
        %dma_start3A_554 = arith.constant 0 : i32
        %dma_start3A_555 = arith.constant 0 : i32
        %dma_start3A_556 = tpu.memref_slice %arg10[%dma_start3A_552, %dma_start3A_554, %dma_start3A_555] : memref<2x128x128xf32, #tpu.memory_space<vmem>> -> memref<1x128x128xf32, #tpu.memory_space<vmem>>
        %dma_start3A_557 = tpu.memref_squeeze %dma_start3A_556 : memref<1x128x128xf32, #tpu.memory_space<vmem>> -> memref<128x128xf32, #tpu.memory_space<vmem>>
        %dma_start3A_558 = arith.constant 0 : i32
        %dma_start3A_559 = tpu.memref_slice %arg8[%add3A_551, %dma_start3A_558] : memref<80x128xi32, #tpu.memory_space<vmem>> -> memref<1x128xi32, #tpu.memory_space<vmem>>
        %dma_start3A_560 = tpu.memref_squeeze %dma_start3A_559 : memref<1x128xi32, #tpu.memory_space<vmem>> -> memref<128xi32, #tpu.memory_space<vmem>>
        %dma_start3A_561 = arith.constant 0 : i32
        %dma_start3A_562 = arith.constant 0 : i32
        %dma_start3A_563 = tpu.memref_slice %arg2[%dma_start3A_561, %dma_start3A_562] : memref<10000x128xf32, #tpu.memory_space<hbm>> -> memref<10000x128xf32, #tpu.memory_space<hbm>>
        %dma_start3A_564 = tpu.memref_slice %arg11[%dma_start3A_553] : memref<2x!tpu.dma_semaphore, #tpu.memory_space<semaphore_mem>> -> memref<1x!tpu.dma_semaphore, #tpu.memory_space<semaphore_mem>>
        %dma_start3A_565 = tpu.memref_squeeze %dma_start3A_564 : memref<1x!tpu.dma_semaphore, #tpu.memory_space<semaphore_mem>> -> memref<!tpu.dma_semaphore, #tpu.memory_space<semaphore_mem>>
        tpu.enqueue_indirect_dma source(%dma_start3A_563 : memref<10000x128xf32, #tpu.memory_space<hbm>>) target(%dma_start3A_557 : memref<128x128xf32, #tpu.memory_space<vmem>>) offsets(%dma_start3A_560 : memref<128xi32, #tpu.memory_space<vmem>>) semaphore(%dma_start3A_565 : memref<!tpu.dma_semaphore, #tpu.memory_space<semaphore_mem>>)
      } else {
      }
      %mul3A_433 = arith.constant 8 : i32
      %mul3A_434 = arith.muli %add3A_87, %mul3A_433 : i32
      %add3A_435 = arith.constant 6 : i32
      %add3A_436 = arith.addi %mul3A_434, %add3A_435 : i32
      %dma_wait3A_437 = arith.constant 0 : i32
      %dma_wait3A_438 = arith.constant 0 : i32
      %dma_wait3A_439 = arith.constant 0 : i32
      %dma_wait3A_440 = arith.constant 0 : i32
      %dma_wait3A_441 = tpu.memref_slice %arg10[%dma_wait3A_437, %dma_wait3A_439, %dma_wait3A_440] : memref<2x128x128xf32, #tpu.memory_space<vmem>> -> memref<1x128x128xf32, #tpu.memory_space<vmem>>
      %dma_wait3A_442 = tpu.memref_squeeze %dma_wait3A_441 : memref<1x128x128xf32, #tpu.memory_space<vmem>> -> memref<128x128xf32, #tpu.memory_space<vmem>>
      %dma_wait3A_443 = arith.constant 0 : i32
      %dma_wait3A_444 = tpu.memref_slice %arg8[%add3A_436, %dma_wait3A_443] : memref<80x128xi32, #tpu.memory_space<vmem>> -> memref<1x128xi32, #tpu.memory_space<vmem>>
      %dma_wait3A_445 = tpu.memref_squeeze %dma_wait3A_444 : memref<1x128xi32, #tpu.memory_space<vmem>> -> memref<128xi32, #tpu.memory_space<vmem>>
      %dma_wait3A_446 = arith.constant 0 : i32
      %dma_wait3A_447 = arith.constant 0 : i32
      %dma_wait3A_448 = tpu.memref_slice %arg2[%dma_wait3A_446, %dma_wait3A_447] : memref<10000x128xf32, #tpu.memory_space<hbm>> -> memref<10000x128xf32, #tpu.memory_space<hbm>>
      %dma_wait3A_449 = tpu.memref_slice %arg11[%dma_wait3A_438] : memref<2x!tpu.dma_semaphore, #tpu.memory_space<semaphore_mem>> -> memref<1x!tpu.dma_semaphore, #tpu.memory_space<semaphore_mem>>
      %dma_wait3A_450 = tpu.memref_squeeze %dma_wait3A_449 : memref<1x!tpu.dma_semaphore, #tpu.memory_space<semaphore_mem>> -> memref<!tpu.dma_semaphore, #tpu.memory_space<semaphore_mem>>
      tpu.wait_indirect_dma semaphore(%dma_wait3A_450 : memref<!tpu.dma_semaphore, #tpu.memory_space<semaphore_mem>>) src(%dma_wait3A_448 : memref<10000x128xf32, #tpu.memory_space<hbm>>) dst(%dma_wait3A_442 : memref<128x128xf32, #tpu.memory_space<vmem>>)
      %dma_start3A_451 = arith.constant 0 : i32
      %dma_start3A_452 = arith.constant 6 : i32
      %dma_start3A_453 = arith.constant 0 : i32
      %dma_start3A_454 = arith.constant 0 : i32
      %dma_start3A_455 = arith.constant 0 : i32
      %dma_start3A_456 = tpu.memref_slice %arg10[%dma_start3A_451, %dma_start3A_454, %dma_start3A_455] : memref<2x128x128xf32, #tpu.memory_space<vmem>> -> memref<1x128x128xf32, #tpu.memory_space<vmem>>
      %dma_start3A_457 = tpu.memref_squeeze %dma_start3A_456 : memref<1x128x128xf32, #tpu.memory_space<vmem>> -> memref<128x128xf32, #tpu.memory_space<vmem>>
      %dma_start3A_458 = arith.constant 0 : i32
      %dma_start3A_459 = tpu.memref_slice %arg9[%rem3A_88, %dma_start3A_452, %dma_start3A_458] : memref<2x8x128xi32, #tpu.memory_space<vmem>> -> memref<1x1x128xi32, #tpu.memory_space<vmem>>
      %dma_start3A_460 = tpu.memref_squeeze %dma_start3A_459 : memref<1x1x128xi32, #tpu.memory_space<vmem>> -> memref<128xi32, #tpu.memory_space<vmem>>
      %dma_start3A_461 = arith.constant 0 : i32
      %dma_start3A_462 = arith.constant 0 : i32
      %dma_start3A_463 = tpu.memref_slice %arg7[%dma_start3A_461, %dma_start3A_462] : memref<10112x128xf32, #tpu.memory_space<vmem_shared>> -> memref<10112x128xf32, #tpu.memory_space<vmem_shared>>
      %dma_start3A_464 = tpu.memref_slice %arg12[%dma_start3A_453] : memref<2x!tpu.dma_semaphore, #tpu.memory_space<semaphore_mem>> -> memref<1x!tpu.dma_semaphore, #tpu.memory_space<semaphore_mem>>
      %dma_start3A_465 = tpu.memref_squeeze %dma_start3A_464 : memref<1x!tpu.dma_semaphore, #tpu.memory_space<semaphore_mem>> -> memref<!tpu.dma_semaphore, #tpu.memory_space<semaphore_mem>>
      tpu.enqueue_indirect_dma source(%dma_start3A_457 : memref<128x128xf32, #tpu.memory_space<vmem>>) target(%dma_start3A_463 : memref<10112x128xf32, #tpu.memory_space<vmem_shared>>) offsets(%dma_start3A_460 : memref<128xi32, #tpu.memory_space<vmem>>) semaphore(%dma_start3A_465 : memref<!tpu.dma_semaphore, #tpu.memory_space<semaphore_mem>>) {add = true}
      %dma_wait3A_466 = arith.constant 0 : i32
      %dma_wait3A_467 = arith.constant 6 : i32
      %dma_wait3A_468 = arith.constant 0 : i32
      %dma_wait3A_469 = arith.constant 0 : i32
      %dma_wait3A_470 = arith.constant 0 : i32
      %dma_wait3A_471 = tpu.memref_slice %arg10[%dma_wait3A_466, %dma_wait3A_469, %dma_wait3A_470] : memref<2x128x128xf32, #tpu.memory_space<vmem>> -> memref<1x128x128xf32, #tpu.memory_space<vmem>>
      %dma_wait3A_472 = tpu.memref_squeeze %dma_wait3A_471 : memref<1x128x128xf32, #tpu.memory_space<vmem>> -> memref<128x128xf32, #tpu.memory_space<vmem>>
      %dma_wait3A_473 = arith.constant 0 : i32
      %dma_wait3A_474 = tpu.memref_slice %arg9[%rem3A_88, %dma_wait3A_467, %dma_wait3A_473] : memref<2x8x128xi32, #tpu.memory_space<vmem>> -> memref<1x1x128xi32, #tpu.memory_space<vmem>>
      %dma_wait3A_475 = tpu.memref_squeeze %dma_wait3A_474 : memref<1x1x128xi32, #tpu.memory_space<vmem>> -> memref<128xi32, #tpu.memory_space<vmem>>
      %dma_wait3A_476 = arith.constant 0 : i32
      %dma_wait3A_477 = arith.constant 0 : i32
      %dma_wait3A_478 = tpu.memref_slice %arg7[%dma_wait3A_476, %dma_wait3A_477] : memref<10112x128xf32, #tpu.memory_space<vmem_shared>> -> memref<10112x128xf32, #tpu.memory_space<vmem_shared>>
      %dma_wait3A_479 = tpu.memref_slice %arg12[%dma_wait3A_468] : memref<2x!tpu.dma_semaphore, #tpu.memory_space<semaphore_mem>> -> memref<1x!tpu.dma_semaphore, #tpu.memory_space<semaphore_mem>>
      %dma_wait3A_480 = tpu.memref_squeeze %dma_wait3A_479 : memref<1x!tpu.dma_semaphore, #tpu.memory_space<semaphore_mem>> -> memref<!tpu.dma_semaphore, #tpu.memory_space<semaphore_mem>>
      tpu.wait_indirect_dma semaphore(%dma_wait3A_480 : memref<!tpu.dma_semaphore, #tpu.memory_space<semaphore_mem>>) src(%dma_wait3A_472 : memref<128x128xf32, #tpu.memory_space<vmem>>) dst(%dma_wait3A_478 : memref<10112x128xf32, #tpu.memory_space<vmem_shared>>)
      %add3A_481 = arith.constant 2 : i32
      %add3A_482 = arith.addi %add3A_436, %add3A_481 : i32
      %lt3A_483 = arith.constant 80 : i32
      %lt3A_484 = arith.cmpi slt, %add3A_482, %lt3A_483 : i32
      %convert_element_type3A_485 = arith.extui %lt3A_484 : i1 to i32
      %cond3A_486 = arith.constant 0 : i32
      %cond3A_487 = arith.cmpi ne, %convert_element_type3A_485, %cond3A_486 : i32
      scf.if %cond3A_487 {
        %add3A_550 = arith.constant 2 : i32
        %add3A_551 = arith.addi %add3A_436, %add3A_550 : i32
        %dma_start3A_552 = arith.constant 0 : i32
        %dma_start3A_553 = arith.constant 0 : i32
        %dma_start3A_554 = arith.constant 0 : i32
        %dma_start3A_555 = arith.constant 0 : i32
        %dma_start3A_556 = tpu.memref_slice %arg10[%dma_start3A_552, %dma_start3A_554, %dma_start3A_555] : memref<2x128x128xf32, #tpu.memory_space<vmem>> -> memref<1x128x128xf32, #tpu.memory_space<vmem>>
        %dma_start3A_557 = tpu.memref_squeeze %dma_start3A_556 : memref<1x128x128xf32, #tpu.memory_space<vmem>> -> memref<128x128xf32, #tpu.memory_space<vmem>>
        %dma_start3A_558 = arith.constant 0 : i32
        %dma_start3A_559 = tpu.memref_slice %arg8[%add3A_551, %dma_start3A_558] : memref<80x128xi32, #tpu.memory_space<vmem>> -> memref<1x128xi32, #tpu.memory_space<vmem>>
        %dma_start3A_560 = tpu.memref_squeeze %dma_start3A_559 : memref<1x128xi32, #tpu.memory_space<vmem>> -> memref<128xi32, #tpu.memory_space<vmem>>
        %dma_start3A_561 = arith.constant 0 : i32
        %dma_start3A_562 = arith.constant 0 : i32
        %dma_start3A_563 = tpu.memref_slice %arg2[%dma_start3A_561, %dma_start3A_562] : memref<10000x128xf32, #tpu.memory_space<hbm>> -> memref<10000x128xf32, #tpu.memory_space<hbm>>
        %dma_start3A_564 = tpu.memref_slice %arg11[%dma_start3A_553] : memref<2x!tpu.dma_semaphore, #tpu.memory_space<semaphore_mem>> -> memref<1x!tpu.dma_semaphore, #tpu.memory_space<semaphore_mem>>
        %dma_start3A_565 = tpu.memref_squeeze %dma_start3A_564 : memref<1x!tpu.dma_semaphore, #tpu.memory_space<semaphore_mem>> -> memref<!tpu.dma_semaphore, #tpu.memory_space<semaphore_mem>>
        tpu.enqueue_indirect_dma source(%dma_start3A_563 : memref<10000x128xf32, #tpu.memory_space<hbm>>) target(%dma_start3A_557 : memref<128x128xf32, #tpu.memory_space<vmem>>) offsets(%dma_start3A_560 : memref<128xi32, #tpu.memory_space<vmem>>) semaphore(%dma_start3A_565 : memref<!tpu.dma_semaphore, #tpu.memory_space<semaphore_mem>>)
      } else {
      }
      %mul3A_488 = arith.constant 8 : i32
      %mul3A_489 = arith.muli %add3A_87, %mul3A_488 : i32
      %add3A_490 = arith.constant 7 : i32
      %add3A_491 = arith.addi %mul3A_489, %add3A_490 : i32
      %dma_wait3A_492 = arith.constant 1 : i32
      %dma_wait3A_493 = arith.constant 1 : i32
      %dma_wait3A_494 = arith.constant 0 : i32
      %dma_wait3A_495 = arith.constant 0 : i32
      %dma_wait3A_496 = tpu.memref_slice %arg10[%dma_wait3A_492, %dma_wait3A_494, %dma_wait3A_495] : memref<2x128x128xf32, #tpu.memory_space<vmem>> -> memref<1x128x128xf32, #tpu.memory_space<vmem>>
      %dma_wait3A_497 = tpu.memref_squeeze %dma_wait3A_496 : memref<1x128x128xf32, #tpu.memory_space<vmem>> -> memref<128x128xf32, #tpu.memory_space<vmem>>
      %dma_wait3A_498 = arith.constant 0 : i32
      %dma_wait3A_499 = tpu.memref_slice %arg8[%add3A_491, %dma_wait3A_498] : memref<80x128xi32, #tpu.memory_space<vmem>> -> memref<1x128xi32, #tpu.memory_space<vmem>>
      %dma_wait3A_500 = tpu.memref_squeeze %dma_wait3A_499 : memref<1x128xi32, #tpu.memory_space<vmem>> -> memref<128xi32, #tpu.memory_space<vmem>>
      %dma_wait3A_501 = arith.constant 0 : i32
      %dma_wait3A_502 = arith.constant 0 : i32
      %dma_wait3A_503 = tpu.memref_slice %arg2[%dma_wait3A_501, %dma_wait3A_502] : memref<10000x128xf32, #tpu.memory_space<hbm>> -> memref<10000x128xf32, #tpu.memory_space<hbm>>
      %dma_wait3A_504 = tpu.memref_slice %arg11[%dma_wait3A_493] : memref<2x!tpu.dma_semaphore, #tpu.memory_space<semaphore_mem>> -> memref<1x!tpu.dma_semaphore, #tpu.memory_space<semaphore_mem>>
      %dma_wait3A_505 = tpu.memref_squeeze %dma_wait3A_504 : memref<1x!tpu.dma_semaphore, #tpu.memory_space<semaphore_mem>> -> memref<!tpu.dma_semaphore, #tpu.memory_space<semaphore_mem>>
      tpu.wait_indirect_dma semaphore(%dma_wait3A_505 : memref<!tpu.dma_semaphore, #tpu.memory_space<semaphore_mem>>) src(%dma_wait3A_503 : memref<10000x128xf32, #tpu.memory_space<hbm>>) dst(%dma_wait3A_497 : memref<128x128xf32, #tpu.memory_space<vmem>>)
      %dma_start3A_506 = arith.constant 1 : i32
      %dma_start3A_507 = arith.constant 7 : i32
      %dma_start3A_508 = arith.constant 1 : i32
      %dma_start3A_509 = arith.constant 0 : i32
      %dma_start3A_510 = arith.constant 0 : i32
      %dma_start3A_511 = tpu.memref_slice %arg10[%dma_start3A_506, %dma_start3A_509, %dma_start3A_510] : memref<2x128x128xf32, #tpu.memory_space<vmem>> -> memref<1x128x128xf32, #tpu.memory_space<vmem>>
      %dma_start3A_512 = tpu.memref_squeeze %dma_start3A_511 : memref<1x128x128xf32, #tpu.memory_space<vmem>> -> memref<128x128xf32, #tpu.memory_space<vmem>>
      %dma_start3A_513 = arith.constant 0 : i32
      %dma_start3A_514 = tpu.memref_slice %arg9[%rem3A_88, %dma_start3A_507, %dma_start3A_513] : memref<2x8x128xi32, #tpu.memory_space<vmem>> -> memref<1x1x128xi32, #tpu.memory_space<vmem>>
      %dma_start3A_515 = tpu.memref_squeeze %dma_start3A_514 : memref<1x1x128xi32, #tpu.memory_space<vmem>> -> memref<128xi32, #tpu.memory_space<vmem>>
      %dma_start3A_516 = arith.constant 0 : i32
      %dma_start3A_517 = arith.constant 0 : i32
      %dma_start3A_518 = tpu.memref_slice %arg7[%dma_start3A_516, %dma_start3A_517] : memref<10112x128xf32, #tpu.memory_space<vmem_shared>> -> memref<10112x128xf32, #tpu.memory_space<vmem_shared>>
      %dma_start3A_519 = tpu.memref_slice %arg12[%dma_start3A_508] : memref<2x!tpu.dma_semaphore, #tpu.memory_space<semaphore_mem>> -> memref<1x!tpu.dma_semaphore, #tpu.memory_space<semaphore_mem>>
      %dma_start3A_520 = tpu.memref_squeeze %dma_start3A_519 : memref<1x!tpu.dma_semaphore, #tpu.memory_space<semaphore_mem>> -> memref<!tpu.dma_semaphore, #tpu.memory_space<semaphore_mem>>
      tpu.enqueue_indirect_dma source(%dma_start3A_512 : memref<128x128xf32, #tpu.memory_space<vmem>>) target(%dma_start3A_518 : memref<10112x128xf32, #tpu.memory_space<vmem_shared>>) offsets(%dma_start3A_515 : memref<128xi32, #tpu.memory_space<vmem>>) semaphore(%dma_start3A_520 : memref<!tpu.dma_semaphore, #tpu.memory_space<semaphore_mem>>) {add = true}
      %dma_wait3A_521 = arith.constant 1 : i32
      %dma_wait3A_522 = arith.constant 7 : i32
      %dma_wait3A_523 = arith.constant 1 : i32
      %dma_wait3A_524 = arith.constant 0 : i32
      %dma_wait3A_525 = arith.constant 0 : i32
      %dma_wait3A_526 = tpu.memref_slice %arg10[%dma_wait3A_521, %dma_wait3A_524, %dma_wait3A_525] : memref<2x128x128xf32, #tpu.memory_space<vmem>> -> memref<1x128x128xf32, #tpu.memory_space<vmem>>
      %dma_wait3A_527 = tpu.memref_squeeze %dma_wait3A_526 : memref<1x128x128xf32, #tpu.memory_space<vmem>> -> memref<128x128xf32, #tpu.memory_space<vmem>>
      %dma_wait3A_528 = arith.constant 0 : i32
      %dma_wait3A_529 = tpu.memref_slice %arg9[%rem3A_88, %dma_wait3A_522, %dma_wait3A_528] : memref<2x8x128xi32, #tpu.memory_space<vmem>> -> memref<1x1x128xi32, #tpu.memory_space<vmem>>
      %dma_wait3A_530 = tpu.memref_squeeze %dma_wait3A_529 : memref<1x1x128xi32, #tpu.memory_space<vmem>> -> memref<128xi32, #tpu.memory_space<vmem>>
      %dma_wait3A_531 = arith.constant 0 : i32
      %dma_wait3A_532 = arith.constant 0 : i32
      %dma_wait3A_533 = tpu.memref_slice %arg7[%dma_wait3A_531, %dma_wait3A_532] : memref<10112x128xf32, #tpu.memory_space<vmem_shared>> -> memref<10112x128xf32, #tpu.memory_space<vmem_shared>>
      %dma_wait3A_534 = tpu.memref_slice %arg12[%dma_wait3A_523] : memref<2x!tpu.dma_semaphore, #tpu.memory_space<semaphore_mem>> -> memref<1x!tpu.dma_semaphore, #tpu.memory_space<semaphore_mem>>
      %dma_wait3A_535 = tpu.memref_squeeze %dma_wait3A_534 : memref<1x!tpu.dma_semaphore, #tpu.memory_space<semaphore_mem>> -> memref<!tpu.dma_semaphore, #tpu.memory_space<semaphore_mem>>
      tpu.wait_indirect_dma semaphore(%dma_wait3A_535 : memref<!tpu.dma_semaphore, #tpu.memory_space<semaphore_mem>>) src(%dma_wait3A_527 : memref<128x128xf32, #tpu.memory_space<vmem>>) dst(%dma_wait3A_533 : memref<10112x128xf32, #tpu.memory_space<vmem_shared>>)
      %add3A_536 = arith.constant 2 : i32
      %add3A_537 = arith.addi %add3A_491, %add3A_536 : i32
      %lt3A_538 = arith.constant 80 : i32
      %lt3A_539 = arith.cmpi slt, %add3A_537, %lt3A_538 : i32
      %convert_element_type3A_540 = arith.extui %lt3A_539 : i1 to i32
      %cond3A_541 = arith.constant 0 : i32
      %cond3A_542 = arith.cmpi ne, %convert_element_type3A_540, %cond3A_541 : i32
      scf.if %cond3A_542 {
        %add3A_550 = arith.constant 2 : i32
        %add3A_551 = arith.addi %add3A_491, %add3A_550 : i32
        %dma_start3A_552 = arith.constant 1 : i32
        %dma_start3A_553 = arith.constant 1 : i32
        %dma_start3A_554 = arith.constant 0 : i32
        %dma_start3A_555 = arith.constant 0 : i32
        %dma_start3A_556 = tpu.memref_slice %arg10[%dma_start3A_552, %dma_start3A_554, %dma_start3A_555] : memref<2x128x128xf32, #tpu.memory_space<vmem>> -> memref<1x128x128xf32, #tpu.memory_space<vmem>>
        %dma_start3A_557 = tpu.memref_squeeze %dma_start3A_556 : memref<1x128x128xf32, #tpu.memory_space<vmem>> -> memref<128x128xf32, #tpu.memory_space<vmem>>
        %dma_start3A_558 = arith.constant 0 : i32
        %dma_start3A_559 = tpu.memref_slice %arg8[%add3A_551, %dma_start3A_558] : memref<80x128xi32, #tpu.memory_space<vmem>> -> memref<1x128xi32, #tpu.memory_space<vmem>>
        %dma_start3A_560 = tpu.memref_squeeze %dma_start3A_559 : memref<1x128xi32, #tpu.memory_space<vmem>> -> memref<128xi32, #tpu.memory_space<vmem>>
        %dma_start3A_561 = arith.constant 0 : i32
        %dma_start3A_562 = arith.constant 0 : i32
        %dma_start3A_563 = tpu.memref_slice %arg2[%dma_start3A_561, %dma_start3A_562] : memref<10000x128xf32, #tpu.memory_space<hbm>> -> memref<10000x128xf32, #tpu.memory_space<hbm>>
        %dma_start3A_564 = tpu.memref_slice %arg11[%dma_start3A_553] : memref<2x!tpu.dma_semaphore, #tpu.memory_space<semaphore_mem>> -> memref<1x!tpu.dma_semaphore, #tpu.memory_space<semaphore_mem>>
        %dma_start3A_565 = tpu.memref_squeeze %dma_start3A_564 : memref<1x!tpu.dma_semaphore, #tpu.memory_space<semaphore_mem>> -> memref<!tpu.dma_semaphore, #tpu.memory_space<semaphore_mem>>
        tpu.enqueue_indirect_dma source(%dma_start3A_563 : memref<10000x128xf32, #tpu.memory_space<hbm>>) target(%dma_start3A_557 : memref<128x128xf32, #tpu.memory_space<vmem>>) offsets(%dma_start3A_560 : memref<128xi32, #tpu.memory_space<vmem>>) semaphore(%dma_start3A_565 : memref<!tpu.dma_semaphore, #tpu.memory_space<semaphore_mem>>)
      } else {
      }
      %add3A_543 = arith.constant 2 : i32
      %add3A_544 = arith.addi %add3A_87, %add3A_543 : i32
      %lt3A_545 = arith.constant 10 : i32
      %lt3A_546 = arith.cmpi slt, %add3A_544, %lt3A_545 : i32
      %convert_element_type3A_547 = arith.extui %lt3A_546 : i1 to i32
      %cond3A_548 = arith.constant 0 : i32
      %cond3A_549 = arith.cmpi ne, %convert_element_type3A_547, %cond3A_548 : i32
      scf.if %cond3A_549 {
        %add3A_550 = arith.constant 2 : i32
        %add3A_551 = arith.addi %add3A_87, %add3A_550 : i32
        %mul3A_552 = arith.constant 8 : i32
        %mul3A_553 = arith.muli %add3A_551, %mul3A_552 : i32
        %dma_start3A_554 = arith.constant 0 : i32
        %dma_start3A_555 = arith.constant 0 : i32
        %dma_start3A_556 = tpu.memref_slice %arg9[%rem3A_88, %dma_start3A_554, %dma_start3A_555] : memref<2x8x128xi32, #tpu.memory_space<vmem>> -> memref<1x8x128xi32, #tpu.memory_space<vmem>>
        %dma_start3A_557 = tpu.memref_squeeze %dma_start3A_556 : memref<1x8x128xi32, #tpu.memory_space<vmem>> -> memref<8x128xi32, #tpu.memory_space<vmem>>
        %dma_start3A_558 = arith.constant 0 : i32
        %dma_start3A_559 = tpu.memref_slice %arg4[%add3A, %mul3A_553, %dma_start3A_558] : memref<32x80x128xi32, #tpu.memory_space<hbm>> -> memref<1x8x128xi32, #tpu.memory_space<hbm>>
        %dma_start3A_560 = tpu.memref_squeeze %dma_start3A_559 : memref<1x8x128xi32, #tpu.memory_space<hbm>> -> memref<8x128xi32, #tpu.memory_space<hbm>>
        %dma_start3A_561 = tpu.memref_slice %arg13[%rem3A_88] : memref<2x!tpu.dma_semaphore, #tpu.memory_space<semaphore_mem>> -> memref<1x!tpu.dma_semaphore, #tpu.memory_space<semaphore_mem>>
        %dma_start3A_562 = tpu.memref_squeeze %dma_start3A_561 : memref<1x!tpu.dma_semaphore, #tpu.memory_space<semaphore_mem>> -> memref<!tpu.dma_semaphore, #tpu.memory_space<semaphore_mem>>
        %dma_start3A_563 = arith.constant 0 : i32
        %dma_start3A_564 = arith.constant 0 : i32
        %dma_start3A_565 = tpu.memref_slice %arg9[%rem3A_88, %dma_start3A_563, %dma_start3A_564] : memref<2x8x128xi32, #tpu.memory_space<vmem>> -> memref<1x8x128xi32, #tpu.memory_space<vmem>>
        %dma_start3A_566 = tpu.memref_squeeze %dma_start3A_565 : memref<1x8x128xi32, #tpu.memory_space<vmem>> -> memref<8x128xi32, #tpu.memory_space<vmem>>
        %dma_start3A_567 = arith.constant 0 : i32
        %dma_start3A_568 = tpu.memref_slice %arg4[%add3A, %mul3A_553, %dma_start3A_567] : memref<32x80x128xi32, #tpu.memory_space<hbm>> -> memref<1x8x128xi32, #tpu.memory_space<hbm>>
        %dma_start3A_569 = tpu.memref_squeeze %dma_start3A_568 : memref<1x8x128xi32, #tpu.memory_space<hbm>> -> memref<8x128xi32, #tpu.memory_space<hbm>>
        tpu.enqueue_dma source(%dma_start3A_569 : memref<8x128xi32, #tpu.memory_space<hbm>>) target(%dma_start3A_566 : memref<8x128xi32, #tpu.memory_space<vmem>>) target_semaphore(%dma_start3A_562 : memref<!tpu.dma_semaphore, #tpu.memory_space<semaphore_mem>>)
      } else {
      }
    }
    %scan3A_77 = arith.constant 10 : i32
    %barrier3A_78 = arith.constant 0 : index
    tpu.barrier barrier_id(%barrier3A_78)
    %mul3A_79 = arith.constant 632 : i32
    %mul3A_80 = arith.muli %arg1, %mul3A_79 : i32
    %mul3A_81 = arith.constant 632 : i32
    %mul3A_82 = arith.muli %arg1, %mul3A_81 : i32
    "tpu.region"() ({
      %run_scoped3A = tpu.sem_alloc : memref<!tpu.dma_semaphore, #tpu.memory_space<semaphore_mem>>
      %dma_start3A_83 = arith.constant 0 : i32
      %dma_start3A_84 = tpu.memref_slice %arg6[%arg0, %mul3A_82, %dma_start3A_83] : memref<2x10112x128xf32, #tpu.memory_space<hbm>> -> memref<1x632x128xf32, #tpu.memory_space<hbm>>
      %dma_start3A_85 = tpu.memref_squeeze %dma_start3A_84 : memref<1x632x128xf32, #tpu.memory_space<hbm>> -> memref<632x128xf32, #tpu.memory_space<hbm>>
      %dma_start3A_86 = arith.constant 0 : i32
      %dma_start3A_87 = tpu.memref_slice %arg7[%mul3A_80, %dma_start3A_86] : memref<10112x128xf32, #tpu.memory_space<vmem_shared>> -> memref<632x128xf32, #tpu.memory_space<vmem_shared>>
      tpu.enqueue_dma source(%dma_start3A_87 : memref<632x128xf32, #tpu.memory_space<vmem_shared>>) target(%dma_start3A_85 : memref<632x128xf32, #tpu.memory_space<hbm>>) target_semaphore(%run_scoped3A : memref<!tpu.dma_semaphore, #tpu.memory_space<semaphore_mem>>)
      %dma_wait3A = arith.constant 0 : i32
      %dma_wait3A_88 = tpu.memref_slice %arg6[%arg0, %mul3A_82, %dma_wait3A] : memref<2x10112x128xf32, #tpu.memory_space<hbm>> -> memref<1x632x128xf32, #tpu.memory_space<hbm>>
      %dma_wait3A_89 = tpu.memref_squeeze %dma_wait3A_88 : memref<1x632x128xf32, #tpu.memory_space<hbm>> -> memref<632x128xf32, #tpu.memory_space<hbm>>
      %dma_wait3A_90 = arith.constant 0 : i32
      %dma_wait3A_91 = tpu.memref_slice %arg7[%mul3A_80, %dma_wait3A_90] : memref<10112x128xf32, #tpu.memory_space<vmem_shared>> -> memref<632x128xf32, #tpu.memory_space<vmem_shared>>
      tpu.wait_dma2 semaphore(%run_scoped3A : memref<!tpu.dma_semaphore, #tpu.memory_space<semaphore_mem>>) src(%dma_wait3A_91 : memref<632x128xf32, #tpu.memory_space<vmem_shared>>) dst(%dma_wait3A_89 : memref<632x128xf32, #tpu.memory_space<hbm>>)
      tpu.yield
    }) : () -> ()
    return
  }
}

module attributes {stable_mosaic.version = 14 : i64} {
  func.func @body(%arg0: i32, %arg1: memref<1000x128xf32, #tpu.memory_space<vmem>>, %arg2: memref<128x128xf32, #tpu.memory_space<vmem>>, %arg3: memref<1000x16xf32, #tpu.memory_space<vmem>>, %arg4: memref<1000x16xf32, #tpu.memory_space<vmem>>, %arg5: memref<1000x128xf32, #tpu.memory_space<vmem>>) attributes {dimension_semantics = [#tpu.dimension_semantics<arbitrary>], iteration_bounds = array<i64: 10>, scalar_prefetch = 0 : i64, scratch_operands = 0 : i64, tpu.core_type = #tpu.core_type<tc>, window_params = [{transform_indices = @transform_0, window_bounds = array<i64: 1000, 128>}, {pipeline_mode = #tpu.pipeline_mode<synchronous>, transform_indices = @transform_1, window_bounds = array<i64: 128, 128>}, {transform_indices = @transform_2, window_bounds = array<i64: 1000, 16>}, {transform_indices = @transform_3, window_bounds = array<i64: 1000, 16>}, {transform_indices = @transform_4, window_bounds = array<i64: 1000, 128>}]} {
    %get3A = arith.constant 0 : index
    %get3A_0 = arith.constant 0 : index
    %get3A_1 = vector.load %arg3[%get3A, %get3A_0] : memref<1000x16xf32, #tpu.memory_space<vmem>>, vector<1000x1xf32>
    %get3A_2 = arith.constant 0 : index
    %get3A_3 = arith.constant 0 : index
    %get3A_4 = vector.load %arg4[%get3A_2, %get3A_3] : memref<1000x16xf32, #tpu.memory_space<vmem>>, vector<1000x1xf32>
    %add3A = arith.addf %get3A_1, %get3A_4 : vector<1000x1xf32>
    %add3A_5 = arith.constant 1.000000e+00 : f32
    %add3A_6 = vector.broadcast %add3A_5 : f32 to vector<1000x1xf32>
    %add3A_7 = arith.addf %add3A, %add3A_6 : vector<1000x1xf32>
    %rsqrt3A = math.rsqrt %add3A_7 : vector<1000x1xf32>
    %get3A_8 = arith.constant 0 : index
    %get3A_9 = arith.constant 0 : index
    %get3A_10 = vector.load %arg1[%get3A_8, %get3A_9] : memref<1000x128xf32, #tpu.memory_space<vmem>>, vector<1000x128xf32>
    %get3A_11 = arith.constant 0 : index
    %get3A_12 = arith.constant 0 : index
    %get3A_13 = vector.load %arg2[%get3A_11, %get3A_12] : memref<128x128xf32, #tpu.memory_space<vmem>>, vector<128x128xf32>
    %dot_general3A = arith.constant dense<0.000000e+00> : vector<1000x128xf32>
    %dot_general3A_14 = tpu.matmul %get3A_10, %get3A_13, %dot_general3A {dimension_numbers = #tpu.dot_dimension_numbers<[1], [0], [0], [1], [0, 0, 1, 1], [], []>, transpose_lhs_hint = false} : vector<1000x128xf32>, vector<128x128xf32>, vector<1000x128xf32> -> vector<1000x128xf32>
    %mul3A = vector.broadcast %rsqrt3A : vector<1000x1xf32> to vector<1000x128xf32>
    %mul3A_15 = arith.mulf %dot_general3A_14, %mul3A : vector<1000x128xf32>
    %swap3A = arith.constant 0 : index
    %swap3A_16 = arith.constant 0 : index
    %swap3A_17 = vector.load %arg5[%swap3A, %swap3A_16] : memref<1000x128xf32, #tpu.memory_space<vmem>>, vector<1000x128xf32>
    tpu.vector_store %arg5[%swap3A, %swap3A_16], %mul3A_15 {strides = array<i32>} : memref<1000x128xf32, #tpu.memory_space<vmem>>, vector<1000x128xf32>,
    return
  }
  func.func @transform_0(%arg0: i32) -> (i32, i32) {
    %c0_i32 = arith.constant 0 : i32
    %c0_i32_0 = arith.constant 0 : i32
    return %arg0, %c0_i32 : i32, i32
  }
  func.func @transform_1(%arg0: i32) -> (i32, i32) {
    %c0_i32 = arith.constant 0 : i32
    %c0_i32_0 = arith.constant 0 : i32
    %c0_i32_1 = arith.constant 0 : i32
    return %c0_i32, %c0_i32_0 : i32, i32
  }
  func.func @transform_2(%arg0: i32) -> (i32, i32) {
    %c0_i32 = arith.constant 0 : i32
    %c0_i32_0 = arith.constant 0 : i32
    return %arg0, %c0_i32 : i32, i32
  }
  func.func @transform_3(%arg0: i32) -> (i32, i32) {
    %c0_i32 = arith.constant 0 : i32
    %c0_i32_0 = arith.constant 0 : i32
    return %arg0, %c0_i32 : i32, i32
  }
  func.func @transform_4(%arg0: i32) -> (i32, i32) {
    %c0_i32 = arith.constant 0 : i32
    %c0_i32_0 = arith.constant 0 : i32
    return %arg0, %c0_i32 : i32, i32
  }
}

module attributes {stable_mosaic.version = 14 : i64} {
  func.func @body(%arg0: i32, %arg1: memref<1000x128xf32, #tpu.memory_space<vmem>>, %arg2: memref<1000x128xf32, #tpu.memory_space<vmem>>, %arg3: memref<1000x128xf32, #tpu.memory_space<vmem>>, %arg4: memref<1000x16xf32, #tpu.memory_space<vmem>>, %arg5: memref<1000x16xf32, #tpu.memory_space<vmem>>, %arg6: memref<1x128xf32, #tpu.memory_space<vmem>>, %arg7: memref<128x128xf32, #tpu.memory_space<vmem>>, %arg8: memref<1000x128xf32, #tpu.memory_space<vmem>>) attributes {dimension_semantics = [#tpu.dimension_semantics<arbitrary>], iteration_bounds = array<i64: 10>, scalar_prefetch = 0 : i64, scratch_operands = 0 : i64, tpu.core_type = #tpu.core_type<tc>, window_params = [{transform_indices = @transform_0, window_bounds = array<i64: 1000, 128>}, {transform_indices = @transform_1, window_bounds = array<i64: 1000, 128>}, {transform_indices = @transform_2, window_bounds = array<i64: 1000, 128>}, {transform_indices = @transform_3, window_bounds = array<i64: 1000, 16>}, {transform_indices = @transform_4, window_bounds = array<i64: 1000, 16>}, {pipeline_mode = #tpu.pipeline_mode<synchronous>, transform_indices = @transform_5, window_bounds = array<i64: 1, 128>}, {pipeline_mode = #tpu.pipeline_mode<synchronous>, transform_indices = @transform_6, window_bounds = array<i64: 128, 128>}, {transform_indices = @transform_7, window_bounds = array<i64: 1000, 128>}]} {
    %get3A = arith.constant 0 : index
    %get3A_0 = arith.constant 0 : index
    %get3A_1 = vector.load %arg4[%get3A, %get3A_0] : memref<1000x16xf32, #tpu.memory_space<vmem>>, vector<1000x1xf32>
    %get3A_2 = arith.constant 0 : index
    %get3A_3 = arith.constant 0 : index
    %get3A_4 = vector.load %arg5[%get3A_2, %get3A_3] : memref<1000x16xf32, #tpu.memory_space<vmem>>, vector<1000x1xf32>
    %add3A = arith.addf %get3A_1, %get3A_4 : vector<1000x1xf32>
    %add3A_5 = arith.constant 1.000000e+00 : f32
    %add3A_6 = vector.broadcast %add3A_5 : f32 to vector<1000x1xf32>
    %add3A_7 = arith.addf %add3A, %add3A_6 : vector<1000x1xf32>
    %rsqrt3A = math.rsqrt %add3A_7 : vector<1000x1xf32>
    %get3A_8 = arith.constant 0 : index
    %get3A_9 = arith.constant 0 : index
    %get3A_10 = vector.load %arg1[%get3A_8, %get3A_9] : memref<1000x128xf32, #tpu.memory_space<vmem>>, vector<1000x128xf32>
    %get3A_11 = arith.constant 0 : index
    %get3A_12 = arith.constant 0 : index
    %get3A_13 = vector.load %arg2[%get3A_11, %get3A_12] : memref<1000x128xf32, #tpu.memory_space<vmem>>, vector<1000x128xf32>
    %add3A_14 = arith.addf %get3A_10, %get3A_13 : vector<1000x128xf32>
    %get3A_15 = arith.constant 0 : index
    %get3A_16 = arith.constant 0 : index
    %get3A_17 = vector.load %arg3[%get3A_15, %get3A_16] : memref<1000x128xf32, #tpu.memory_space<vmem>>, vector<1000x128xf32>
    %add3A_18 = arith.addf %add3A_14, %get3A_17 : vector<1000x128xf32>
    %mul3A = vector.broadcast %rsqrt3A : vector<1000x1xf32> to vector<1000x128xf32>
    %mul3A_19 = arith.mulf %add3A_18, %mul3A : vector<1000x128xf32>
    %get3A_20 = arith.constant 0 : index
    %get3A_21 = arith.constant 0 : index
    %get3A_22 = vector.load %arg6[%get3A_20, %get3A_21] : memref<1x128xf32, #tpu.memory_space<vmem>>, vector<1x128xf32>
    %add3A_23 = vector.broadcast %get3A_22 : vector<1x128xf32> to vector<1000x128xf32>
    %add3A_24 = arith.addf %mul3A_19, %add3A_23 : vector<1000x128xf32>
    %max3A = arith.constant 0.000000e+00 : f32
    %max3A_25 = vector.broadcast %max3A : f32 to vector<1000x128xf32>
    %max3A_26 = arith.maximumf %add3A_24, %max3A_25 : vector<1000x128xf32>
    %get3A_27 = arith.constant 0 : index
    %get3A_28 = arith.constant 0 : index
    %get3A_29 = vector.load %arg7[%get3A_27, %get3A_28] : memref<128x128xf32, #tpu.memory_space<vmem>>, vector<128x128xf32>
    %dot_general3A = arith.constant dense<0.000000e+00> : vector<1000x128xf32>
    %dot_general3A_30 = tpu.matmul %max3A_26, %get3A_29, %dot_general3A {dimension_numbers = #tpu.dot_dimension_numbers<[1], [0], [0], [1], [0, 0, 1, 1], [], []>, transpose_lhs_hint = false} : vector<1000x128xf32>, vector<128x128xf32>, vector<1000x128xf32> -> vector<1000x128xf32>
    %mul3A_31 = vector.broadcast %rsqrt3A : vector<1000x1xf32> to vector<1000x128xf32>
    %mul3A_32 = arith.mulf %dot_general3A_30, %mul3A_31 : vector<1000x128xf32>
    %swap3A = arith.constant 0 : index
    %swap3A_33 = arith.constant 0 : index
    %swap3A_34 = vector.load %arg8[%swap3A, %swap3A_33] : memref<1000x128xf32, #tpu.memory_space<vmem>>, vector<1000x128xf32>
    tpu.vector_store %arg8[%swap3A, %swap3A_33], %mul3A_32 {strides = array<i32>} : memref<1000x128xf32, #tpu.memory_space<vmem>>, vector<1000x128xf32>,
    return
  }
  func.func @transform_0(%arg0: i32) -> (i32, i32) {
    %c0_i32 = arith.constant 0 : i32
    %c0_i32_0 = arith.constant 0 : i32
    return %arg0, %c0_i32 : i32, i32
  }
  func.func @transform_1(%arg0: i32) -> (i32, i32) {
    %c0_i32 = arith.constant 0 : i32
    %c0_i32_0 = arith.constant 0 : i32
    return %arg0, %c0_i32 : i32, i32
  }
  func.func @transform_2(%arg0: i32) -> (i32, i32) {
    %c0_i32 = arith.constant 0 : i32
    %c0_i32_0 = arith.constant 0 : i32
    return %arg0, %c0_i32 : i32, i32
  }
  func.func @transform_3(%arg0: i32) -> (i32, i32) {
    %c0_i32 = arith.constant 0 : i32
    %c0_i32_0 = arith.constant 0 : i32
    return %arg0, %c0_i32 : i32, i32
  }
  func.func @transform_4(%arg0: i32) -> (i32, i32) {
    %c0_i32 = arith.constant 0 : i32
    %c0_i32_0 = arith.constant 0 : i32
    return %arg0, %c0_i32 : i32, i32
  }
  func.func @transform_5(%arg0: i32) -> (i32, i32) {
    %c0_i32 = arith.constant 0 : i32
    %c0_i32_0 = arith.constant 0 : i32
    %c0_i32_1 = arith.constant 0 : i32
    return %c0_i32, %c0_i32_0 : i32, i32
  }
  func.func @transform_6(%arg0: i32) -> (i32, i32) {
    %c0_i32 = arith.constant 0 : i32
    %c0_i32_0 = arith.constant 0 : i32
    %c0_i32_1 = arith.constant 0 : i32
    return %c0_i32, %c0_i32_0 : i32, i32
  }
  func.func @transform_7(%arg0: i32) -> (i32, i32) {
    %c0_i32 = arith.constant 0 : i32
    %c0_i32_0 = arith.constant 0 : i32
    return %arg0, %c0_i32 : i32, i32
  }
}

module attributes {stable_mosaic.version = 14 : i64} {
  func.func @body(%arg0: i32, %arg1: memref<1000x128xf32, #tpu.memory_space<vmem>>, %arg2: memref<1000x128xf32, #tpu.memory_space<vmem>>, %arg3: memref<1000x128xf32, #tpu.memory_space<vmem>>, %arg4: memref<1000x16xf32, #tpu.memory_space<vmem>>, %arg5: memref<1000x16xf32, #tpu.memory_space<vmem>>, %arg6: memref<1x128xf32, #tpu.memory_space<vmem>>, %arg7: memref<1000x128xf32, #tpu.memory_space<vmem>>) attributes {dimension_semantics = [#tpu.dimension_semantics<arbitrary>], iteration_bounds = array<i64: 10>, scalar_prefetch = 0 : i64, scratch_operands = 0 : i64, tpu.core_type = #tpu.core_type<tc>, window_params = [{transform_indices = @transform_0, window_bounds = array<i64: 1000, 128>}, {transform_indices = @transform_1, window_bounds = array<i64: 1000, 128>}, {transform_indices = @transform_2, window_bounds = array<i64: 1000, 128>}, {transform_indices = @transform_3, window_bounds = array<i64: 1000, 16>}, {transform_indices = @transform_4, window_bounds = array<i64: 1000, 16>}, {pipeline_mode = #tpu.pipeline_mode<synchronous>, transform_indices = @transform_5, window_bounds = array<i64: 1, 128>}, {transform_indices = @transform_6, window_bounds = array<i64: 1000, 128>}]} {
    %get3A = arith.constant 0 : index
    %get3A_0 = arith.constant 0 : index
    %get3A_1 = vector.load %arg4[%get3A, %get3A_0] : memref<1000x16xf32, #tpu.memory_space<vmem>>, vector<1000x1xf32>
    %get3A_2 = arith.constant 0 : index
    %get3A_3 = arith.constant 0 : index
    %get3A_4 = vector.load %arg5[%get3A_2, %get3A_3] : memref<1000x16xf32, #tpu.memory_space<vmem>>, vector<1000x1xf32>
    %add3A = arith.addf %get3A_1, %get3A_4 : vector<1000x1xf32>
    %add3A_5 = arith.constant 1.000000e+00 : f32
    %add3A_6 = vector.broadcast %add3A_5 : f32 to vector<1000x1xf32>
    %add3A_7 = arith.addf %add3A, %add3A_6 : vector<1000x1xf32>
    %rsqrt3A = math.rsqrt %add3A_7 : vector<1000x1xf32>
    %get3A_8 = arith.constant 0 : index
    %get3A_9 = arith.constant 0 : index
    %get3A_10 = vector.load %arg1[%get3A_8, %get3A_9] : memref<1000x128xf32, #tpu.memory_space<vmem>>, vector<1000x128xf32>
    %get3A_11 = arith.constant 0 : index
    %get3A_12 = arith.constant 0 : index
    %get3A_13 = vector.load %arg2[%get3A_11, %get3A_12] : memref<1000x128xf32, #tpu.memory_space<vmem>>, vector<1000x128xf32>
    %add3A_14 = arith.addf %get3A_10, %get3A_13 : vector<1000x128xf32>
    %get3A_15 = arith.constant 0 : index
    %get3A_16 = arith.constant 0 : index
    %get3A_17 = vector.load %arg3[%get3A_15, %get3A_16] : memref<1000x128xf32, #tpu.memory_space<vmem>>, vector<1000x128xf32>
    %add3A_18 = arith.addf %add3A_14, %get3A_17 : vector<1000x128xf32>
    %mul3A = vector.broadcast %rsqrt3A : vector<1000x1xf32> to vector<1000x128xf32>
    %mul3A_19 = arith.mulf %add3A_18, %mul3A : vector<1000x128xf32>
    %get3A_20 = arith.constant 0 : index
    %get3A_21 = arith.constant 0 : index
    %get3A_22 = vector.load %arg6[%get3A_20, %get3A_21] : memref<1x128xf32, #tpu.memory_space<vmem>>, vector<1x128xf32>
    %add3A_23 = vector.broadcast %get3A_22 : vector<1x128xf32> to vector<1000x128xf32>
    %add3A_24 = arith.addf %mul3A_19, %add3A_23 : vector<1000x128xf32>
    %swap3A = arith.constant 0 : index
    %swap3A_25 = arith.constant 0 : index
    %swap3A_26 = vector.load %arg7[%swap3A, %swap3A_25] : memref<1000x128xf32, #tpu.memory_space<vmem>>, vector<1000x128xf32>
    tpu.vector_store %arg7[%swap3A, %swap3A_25], %add3A_24 {strides = array<i32>} : memref<1000x128xf32, #tpu.memory_space<vmem>>, vector<1000x128xf32>,
    return
  }
  func.func @transform_0(%arg0: i32) -> (i32, i32) {
    %c0_i32 = arith.constant 0 : i32
    %c0_i32_0 = arith.constant 0 : i32
    return %arg0, %c0_i32 : i32, i32
  }
  func.func @transform_1(%arg0: i32) -> (i32, i32) {
    %c0_i32 = arith.constant 0 : i32
    %c0_i32_0 = arith.constant 0 : i32
    return %arg0, %c0_i32 : i32, i32
  }
  func.func @transform_2(%arg0: i32) -> (i32, i32) {
    %c0_i32 = arith.constant 0 : i32
    %c0_i32_0 = arith.constant 0 : i32
    return %arg0, %c0_i32 : i32, i32
  }
  func.func @transform_3(%arg0: i32) -> (i32, i32) {
    %c0_i32 = arith.constant 0 : i32
    %c0_i32_0 = arith.constant 0 : i32
    return %arg0, %c0_i32 : i32, i32
  }
  func.func @transform_4(%arg0: i32) -> (i32, i32) {
    %c0_i32 = arith.constant 0 : i32
    %c0_i32_0 = arith.constant 0 : i32
    return %arg0, %c0_i32 : i32, i32
  }
  func.func @transform_5(%arg0: i32) -> (i32, i32) {
    %c0_i32 = arith.constant 0 : i32
    %c0_i32_0 = arith.constant 0 : i32
    %c0_i32_1 = arith.constant 0 : i32
    return %c0_i32, %c0_i32_0 : i32, i32
  }
  func.func @transform_6(%arg0: i32) -> (i32, i32) {
    %c0_i32 = arith.constant 0 : i32
    %c0_i32_0 = arith.constant 0 : i32
    return %arg0, %c0_i32 : i32, i32
  }
}

</mosaic_0001>

<sc_bundles>
// kernel: kernel.10.cloned.1.call-start
scs
__scs_entry_jumppad:
0x0: {  	(pc) =	sbr.rel $0x88, $3  }
0x1: {  	(tag) =	ssettag $0x0;
	lr =	simm.s32 $0x1  }
0x2: {  	[smem:$0x3F99] =	sst lr;
	_ =	strace $0xD0000000  }
0x3: {  	_ = 	snop  }
0x4: {  	_ = 	snop  }
0x5: {  	_ = 	snop  }
0x6: {  	_ = 	snop  }
0x7: {  	_ = 	snop  }
__scs_overlays_trampoline_lowered:
0x8: {  	[smem:$0x3FA8] =	sst s0  }
0x9: {  	[smem:$0x3FA9] =	sst s1  }
0xa: {  	[smem:$0x3FAA] =	sst s2  }
0xb: {  	[smem:$0x3FAB] =	sst s3  }
0xc: {  	[smem:$0x3FAC] =	sst s4  }
0xd: {  	[smem:$0x3FAD] =	sst s5  }
0xe: {  	[smem:$0x3FAE] =	sst s6  }
0xf: {  	[smem:$0x3FAF] =	sst s7  }
0x10: {  	[smem:$0x3FB0] =	sst s8  }
0x11: {  	[smem:$0x3FB1] =	sst s9;
	s0 =	simm.s32 @!p0 $0x0  }
0x12: {  	s1 =	sld [smem:$0x3F97];
	s0 =	simm.s32 @p0 $0x1  }
0x13: {  	[smem:$0x3FB2] =	sst s0;
	s0 =	simm.s32 @!p1 $0x0  }
0x14: {  	s2 =	sld [smem:$0x3F96];
	s0 =	simm.s32 @p1 $0x1  }
0x15: {  	[smem:$0x3FB3] =	sst s0;
	s0 =	simm.s32 @!p2 $0x0  }
0x16: {  	s3 =	sld [smem:$0x3FDB];
	s0 =	simm.s32 @p2 $0x1  }
0x17: {  	s4 =	simm.s32 $0x1BF5;
	[smem:$0x3FB5] =	sst s0  }
0x18: {  	s0 =	sld [smem:$0x3F98];
	_ =	swait.ge [sflag:s4], $0x0  }
0x19: {  	s7 =	sld [smem:$0x3F99]  }
0x1a: {  	s8 =	sadd.s32 $0xFFFFE003, lr  }
0x1b: {  	s9 =	sadd.s32 $0xFFFFFEF7, lr;
	s5 =	simm.s32 $0xFFFFFFFF;
	p2 =	slt.u32 s8, $0xFFFFF086  }
0x1c: {  	p1 =	slt.u32 s9, $0xF7A;
	s5 =	simm.s32 @!p2 $0x0  }
0x1d: {  	s5 =	simm.s32 @p1 $0x1;
	p0 =	seq.s32 s7, s2  }
0x1e: {  	s7 =	smul.u32 @!p0 $0xF7A, s2;
	p2 =	seq.s32 @!p0 s5, $0x0  }
0x1f: {  	s9 =	smul.u32 $0xF7A, s1;
	s8 =	simm.s32 @!p0 $0x1BF5;
	p2 =	por !p2, p0  }
0x20: {  	[sflag:s8] =	ssyncset.s32 @!p0 $0xFFFFF086;
	s6 =	sadd.s32 @!p0 s3, s7;
	s7 =	simm.s32 @!p0 $0x108  }
0x21: {  	s3 =	sadd.s32 s3, s9;
	s6 =	sadd.s32 @!p0 $0x88, s6;
	s7 =	simm.s32 @p2 $0x1082  }
0x22: {  	[simem:s7], [sflag:s8] =	dma.local @!p0 [hbm:s6], $0xF7A  }
0x23: {  	s9 =	sor.u32 $0xD0000000, s2;
	s6 =	simm.s32 $0x108;
	_ =	swait.ge @!p0 [sflag:s8], $0x0  }
0x24: {  	s3 =	sadd.s32 $0x88, s3;
	s6 =	simm.s32 @!p1 $0x1082;
	[sflag:s4] =	ssyncset.s32 $0xFFFFF086  }
0x25: {  	[simem:s6], [sflag:s4] =	dma.local [hbm:s3], $0xF7A  }
0x26: {  	[smem:$0x3F99] =	sst s1;
	(tag) =	ssettag s2;
	_ =	strace s9  }
0x27: {  	s1 =	sld [smem:$0x3FA9]  }
0x28: {  	s2 =	sld [smem:$0x3FAA]  }
0x29: {  	s4 =	sld [smem:$0x3FAC]  }
0x2a: {  	p0 =	seq.s32 s5, $0x0;
	s5 =	sld [smem:$0x3FAD]  }
0x2b: {  	s6 =	sld [smem:$0x3FAE]  }
0x2c: {  	s7 =	sld [smem:$0x3FAF]  }
0x2d: {  	s3 =	simm.s32 $0x108;
	s8 =	sld [smem:$0x3FB0]  }
0x2e: {  	s3 =	simm.s32 @!p0 $0x1082;
	s9 =	sld [smem:$0x3FB1]  }
0x2f: {  	lr =	sadd.s32 s0, s3;
	s0 =	sld [smem:$0x3FA8]  }
0x30: {  	s3 =	sld [smem:$0x3FAB]  }
0x31: {  	[smem:$0x3FB4] =	sst s10  }
0x32: {  	s10 =	sld [smem:$0x3FB2];
	_ =	sdelay $0x3  }
0x33: {  	p0 =	seq.s32 s10, $0x1;
	s10 =	sld [smem:$0x3FB4];
	_ =	sdelay $0x3  }
0x34: {  	[smem:$0x3FB4] =	sst s10  }
0x35: {  	s10 =	sld [smem:$0x3FB3];
	_ =	sdelay $0x3  }
0x36: {  	p1 =	seq.s32 s10, $0x1;
	s10 =	sld [smem:$0x3FB4];
	_ =	sdelay $0x3  }
0x37: {  	[smem:$0x3FB4] =	sst s10  }
0x38: {  	s10 =	sld [smem:$0x3FB5]  }
0x39: {  	_ = 	snop;
	(pc) =	sbr.ind lr, $3  }
0x3a: {  	_ = 	snop  }
0x3b: {  	_ = 	snop  }
0x3c: {  	p2 =	seq.s32 s10, $0x1;
	s10 =	sld [smem:$0x3FB4]  }
0x3d: {  	_ =	shalt  }
0x3e: {  	_ =	shalt  }
0x3f: {  	_ =	shalt  }
0x40: {  	_ =	shalt  }
0x41: {  	_ =	shalt  }
0x42: {  	_ =	shalt  }
0x43: {  	_ =	shalt  }
0x44: {  	_ =	shalt  }
0x45: {  	_ =	shalt  }
0x46: {  	_ =	shalt  }
0x47: {  	_ =	shalt  }
0x48: {  	_ =	shalt  }
0x49: {  	_ =	shalt  }
0x4a: {  	_ =	shalt  }
0x4b: {  	_ =	shalt  }
0x4c: {  	_ =	shalt  }
0x4d: {  	_ =	shalt  }
0x4e: {  	_ =	shalt  }
0x4f: {  	_ =	shalt  }
0x50: {  	_ =	shalt  }
0x51: {  	_ =	shalt  }
0x52: {  	_ =	shalt  }
0x53: {  	_ =	shalt  }
0x54: {  	_ =	shalt  }
0x55: {  	_ =	shalt  }
0x56: {  	_ =	shalt  }
0x57: {  	_ =	shalt  }
0x58: {  	_ =	shalt  }
0x59: {  	_ =	shalt  }
0x5a: {  	_ =	shalt  }
0x5b: {  	_ =	shalt  }
0x5c: {  	_ =	shalt  }
0x5d: {  	_ =	shalt  }
0x5e: {  	_ =	shalt  }
0x5f: {  	_ =	shalt  }
0x60: {  	_ =	shalt  }
0x61: {  	_ =	shalt  }
0x62: {  	_ =	shalt  }
0x63: {  	_ =	shalt  }
0x64: {  	_ =	shalt  }
0x65: {  	_ =	shalt  }
0x66: {  	_ =	shalt  }
0x67: {  	_ =	shalt  }
0x68: {  	_ =	shalt  }
0x69: {  	_ =	shalt  }
0x6a: {  	_ =	shalt  }
0x6b: {  	_ =	shalt  }
0x6c: {  	_ =	shalt  }
0x6d: {  	_ =	shalt  }
0x6e: {  	_ =	shalt  }
0x6f: {  	_ =	shalt  }
0x70: {  	_ =	shalt  }
0x71: {  	_ =	shalt  }
0x72: {  	_ =	shalt  }
0x73: {  	_ =	shalt  }
0x74: {  	_ =	shalt  }
0x75: {  	_ =	shalt  }
0x76: {  	_ =	shalt  }
0x77: {  	_ =	shalt  }
0x78: {  	_ =	shalt  }
0x79: {  	_ =	shalt  }
0x7a: {  	_ =	shalt  }
0x7b: {  	_ =	shalt  }
0x7c: {  	_ =	shalt  }
0x7d: {  	_ =	shalt  }
0x7e: {  	_ =	shalt  }
0x7f: {  	_ =	shalt  }
0x80: {  	_ =	shalt  }
0x81: {  	_ =	shalt  }
0x82: {  	_ =	shalt  }
0x83: {  	_ =	shalt  }
0x84: {  	_ =	shalt  }
0x85: {  	_ =	shalt  }
0x86: {  	_ =	shalt  }
0x87: {  	_ =	shalt  }
.Lfunc_end0:
.L_simem_size_0:
called_computation_lowered:
.L_overlay_start_0:
0x88: {  	s2 =	sld [smem:$0x3FD9]  }
0x89: {  	s3 =	sld [smem:$0x3FFE];
	_ =	sdelay $0x1  }
0x8a: {  	s1 =	srdreg.scid  }
0x8b: {  	s0 =	sand.u32 $0x1, s1  }
0x8c: {  	s17 =	sshll.u32 s0, $0xA;
	s2 =	sadd.s32 s3, s2  }
0x8d: {  	s2 =	sadd.s32 s2, s17  }
0x8e: {  	[smem:$0x3FC0] =	sst s2  }
0x8f: {  	_ = 	snop  }
0x90: {  	s2 =	sld [smem:$0x3FD0];
	(tm) =	ssettm $0x1  }
0x91: {  	s18 =	sld [smem:$0x3FFB];
	_ =	sdelay $0x3  }
0x92: {  	_ =	strace s18  }
0x93: {  	s3 =	sld [smem:$0x3FFC];
	_ =	sdelay $0x3  }
0x94: {  	_ =	strace s3  }
0x95: {  	s3 =	sld [smem:$0x3FFD];
	_ =	sdelay $0x3  }
0x96: {  	_ =	strace s3  }
0x97: {  	_ =	strace $0x8FFFFFFF  }
0x98: {  	s19 =	sld [smem:$0x3FDB];
	_ =	sdelay $0x1  }
0x99: {  	s4 =	simm.s32 $_scs_section_size  }
0x9a: {  	s5 =	simm.s32 $_size__tile_overlayer_lowered;
	s6 =	simm.s32 $_tile_overlayer_lowered  }
0x9b: {  	s22 =	simm.s32 $0x1BFF;
	s21 =	sshll.u32 s6, $0x1;
	s3 =	sadd.s32 s4, s19  }
0x9c: {  	s7 =	simm.s32 $0x0;
	s20 =	sshll.u32 s5, $0x1;
	s5 =	sadd.s32 s21, s3  }
0x9d: {  	[timem:s7], [sflag:s22] =	dma.local [hbm:s5], s20  }
0x9e: {  	_ =	swait.ge [sflag:s22], s20  }
0x9f: {  	s4 =	ssub.s32 $0x0, s20;
	[sflag:s22] =	ssyncset.done $0x0  }
0xa0: {  	[sflag:s22] =	ssyncadd.s32 s4;
	_ =	sdelay $0x1  }
0xa1: {  	s23 =	simm.s32 $0x1B8B  }
0xa2: {  	_ =	swait.ge [sflag:s23], $0x1  }
0xa3: {  	[sflag:s23] =	ssyncset.done $0x0  }
0xa4: {  	s25 =	simm.s32 $0x1B8E;
	s24 =	sld [smem:$0x3FFE];
	[sflag:s23] =	ssyncadd.s32 $0xFFFFFFFF  }
0xa5: {  	s26 =	simm.s32 $execute0_lowered;
	[smem:$0x3FD2] =	sst s25  }
0xa6: {  	s5 =	sshll.u32 s26, $0x1;
	_ =	strace $0x80000046;
	[dreg:$0x1] =	wrdreg $0xFFFFFFFF  }
0xa7: {  	s28 =	simm.s32 $_size_execute0_lowered;
	s3 =	sadd.s32 s3, s5;
	[dreg:$0x0] =	wrdreg $0x0  }
0xa8: {  	s5 =	sshll.u32 s28, $0x1;
	[dreg:$0x2] =	wrdreg s3  }
0xa9: {  	[dreg:$0x3] =	wrdreg s5  }
0xaa: {  	[dreg:$0x4] =	wrdreg $0xC0  }
0xab: {  	_ =	task [dreg:s7], $0x5FFFF  }
0xac: {  	[dreg:$0x1] =	wrdreg $0xFFFFFFFF  }
0xad: {  	[dreg:$0x0] =	wrdreg $0x60  }
0xae: {  	[dreg:$0x2] =	wrdreg s24  }
0xaf: {  	[dreg:$0x3] =	wrdreg s2  }
0xb0: {  	[dreg:$0x4] =	wrdreg $0x0  }
0xb1: {  	[dreg:$0x5] =	wrdreg $0x9  }
0xb2: {  	_ =	task.clear_ibuf [dreg:s7], $0x6FFFF;
	_ =	strace $0x90000046  }
0xb3: {  	s29 =	simm.s32 $0x9;
	_ =	strace $0x80000048  }
0xb4: {  	_ =	swait.ge [sflag:s29], $0x1  }
0xb5: {  	[sflag:s29] =	ssyncadd.s32 $0xFFFFFFFF  }
0xb6: {  	_ =	strace $0x90000048  }
0xb7: {  	_ =	sfence  }
0xb8: {  	s30 =	sld [smem:$0x0];
	_ =	sdelay $0x2  }
0xb9: {  	s31 =	sshll.u32 s1, $0xD;
	s1 =	sshrl.u32 s1, $0x2  }
0xba: {  	s3 =	sand.u32 $0x4000, s31;
	s1 =	sadd.s32 s1, s30  }
0xbb: {  	s0 =	sor.u32 s3, s0;
	s1 =	sshll.u32 s1, $0x11  }
0xbc: {  	s0 =	sor.u32 s1, s0  }
0xbd: {  	s0 =	sadd.s32 $0x8F2B, s0  }
0xbe: {  	[sflag:s0] =	ssyncadd.remote.s32 $0x1  }
0xbf: {  	_ =	sfence.sel $0xFFFF  }
0xc0: {  	[dreg:$0x0] =	wrdreg $0xFFFFFFFF;
	(pc) =	sbr.abs _section_cstart, $3  }
0xc1: {  	[dreg:$0x1] =	wrdreg $0xFFFFFFFF  }
0xc2: {  	_ =	task.clear_ibuf [dreg:s7], $0x2FFFF;
	_ =	strace $0x9FFFFFFF  }
0xc3: {  	(tm) =	ssettm $0x7FFFFFFF  }
tec
execute0_lowered:
.L_overlay_start_1:
0x0: {  	(tag) =	ssettag $0x1  }
0x1: {  	s6 =	rddreg [dreg:$0x0]  }
0x2: {  	s0 =	srdreg.scid;
	s2 =	rddreg [dreg:$0x1]  }
0x3: {  	s3 =	rddreg [dreg:$0x2];
	s4 =	simm.s32 $0x0;
	s13 =	simm.s32 $0x4F80  }
0x4: {  	s14 =	simm.s32 $0x80;
	s5 =	sand.u32 $0x1, s0;
	s0 =	stileid.u32  }
0x5: {  	s15 =	simm.s32 $0x0;
	[smem:$0x7FF] =	sst s4;
	s8 =	smul.u32 $0x13C00, s0  }
0x6: {  	s1 =	sshll.u32 s5, $0x4;
	s9 =	smul.u32 $0x13C000, s5;
	s5 =	ssub.s32 $0x2, s5  }
0x7: {  	s28 =	smul.u32 $0x4F000, s0;
	s31 =	sshll.u32 s0, $0x6;
	s1 =	sor.u32 s0, s1  }
0x8: {  	s29 =	sshrl.u32 s5, $0x1;
	s7 =	smul.u32 $0x500, s1;
	s1 =	rddreg [dreg:$0x3]  }
0x9: {  	_ =	strace $0x80000047;
	s10 =	sshrl.u32 s8, $0x3;
	s8 =	sadd.s32 s8, s9  }
0xa: {  	s11 =	ssub.s32 s5, s29;
	s30 =	sshrl.u32 s28, $0x2;
	s8 =	sshrl.u32 s8, $0x3  }
0xb: {  	s10 =	sadd.s32 s10, s6;
	s12 =	sadd.s32 s30, s3;
	s9 =	smax.u32 s11, $0x1  }
0xc: {  	s11 =	simm.s32 $0x1;
	s7 =	sadd.s32 s7, s6;
	s8 =	sadd.s32 s8, s6  }
0xd: {  	s5 =	sadd.s32 $0x18A00, s10;
	s6 =	sor.u32 $0x1C01, s31;
	s10 =	sshrl.u32 s12, $0x3  }
0xe: {  	s12 =	simm.s32 $0x2780;
	s7 =	sadd.s32 $0x4A00, s7;
	s8 =	sadd.s32 $0x40200, s8  }
.LBB2_1:
0xf: {  	[spmem:s10], [sflag:s6] =	dma.local [hbm:s5], $0x2780  }
0x10: {  	_ =	swait.ge [sflag:s11], $0x2780  }
0x11: {  	[sflag:s11] =	ssyncset.done $0x0  }
0x12: {  	[sflag:s11] =	ssyncadd.s32 $0xFFFFD880  }
0x13: {  	[tilespmem:s12], [sflag:$0x1] =	stream.linear.gather [hbm4b:s7+s4], $0x2800, $0x38;
	[tilespmem:$0x8F80] =	vst v63  }
0x14: {  	_ =	swait.ge [sflag:s11], $0x2800  }
0x15: {  	[sflag:s11] =	ssyncset.done $0x0  }
0x16: {  	[sflag:s11] =	ssyncadd.s32 $0xFFFFD800  }
0x17: {  	[tilespmem:s13], [sflag:$0x1] =	stream.linear.gather [hbm4b:s2+s4], $0x4000, $0x38;
	[tilespmem:$0x8F80] =	vst v63  }
0x18: {  	_ =	swait.ge [sflag:s11], $0x4000  }
0x19: {  	[sflag:s11] =	ssyncset.done $0x0  }
0x1a: {  	[sflag:s11] =	ssyncadd.s32 $0xFFFFC000  }
0x1b: {  	s16 =	simm.s32 $0x2780;
	[bflag:$0x0] =	sbarrier.arrive $0xFFFF  }
0x1c: {  	[spmem:s3] =	stream.indirect.scatter.add.f32 [tilespmem:s13], [sflag:$0x1], $0x10, s16, s14, $0xb8;
	[tilespmem:$0x8F80] =	vst v63  }
0x1d: {  	s16 =	simm.s32 $0x200;
	_ =	swait.ge [sflag:s11], $0x800  }
.LBB2_2:
0x1e: {  	s17 =	sshra.s32 s16, $0x2;
	[sflag:s11] =	ssyncset.done $0x0;
	p0 =	sne.s32 s16, $0x9E00  }
.Ltmp0:
0x1f: {  	s17 =	sadd.s32 $0x2780, s17;
	[sflag:s11] =	ssyncadd.s32 $0xFFFFF800;
	(pc) =	sbr.rel @p0 .LBB2_2-.Ltmp0, $3  }
0x20: {  	[spmem:s3] =	stream.indirect.scatter.add.f32 [tilespmem:s13], [sflag:$0x1], $0x10, s17, s14, $0xb8;
	[tilespmem:$0x8F80] =	vst v63  }
0x21: {  	s16 =	sadd.s32 $0x200, s16;
	_ =	sdelay $0x1  }
0x22: {  	_ =	swait.ge [sflag:s11], $0x800  }
0x23: {  	[sflag:s11] =	ssyncset.done $0x0;
	s15 =	sadd.s32 $0x1, s15  }
0x24: {  	[sflag:s11] =	ssyncadd.s32 $0xFFFFF800;
	p0 =	sne.s32 s15, s9  }
.Ltmp1:
0x25: {  	[bflag:$0x0] =	sbarrier.arrive $0xFFFF;
	(pc) =	sbr.rel @p0 .LBB2_1-.Ltmp1, $4  }
0x26: {  	[hbm:s8], [sflag:s6] =	dma.local [spmem:s10], $0x2780  }
0x27: {  	_ =	swait.ge [sflag:s11], $0x2780  }
0x28: {  	[sflag:s11] =	ssyncset.done $0x0  }
0x29: {  	[sflag:s11] =	ssyncadd.s32 $0xFFFFD880  }
0x2a: {  	_ =	sfence.sel $0x180000  }
0x2b: {  	[bflag:$0x0] =	sbarrier.arrive $0xFFFF  }
0x2c: {  	p0 =	sne.s32 s0, $0x0;
	_ =	strace $0x90000047  }
0x2d: {  	s0 =	sadd.s32 @!p0 $0x100000, s1;
	[bflag:$0x2] =	sbarrier.arrive $0xFFFF  }
0x2e: {  	[sflag:s0] =	ssyncadd.tile.s32 @!p0 $0x1;
	_ =	shalt  }
.Lfunc_end2:
_tile_overlayer_lowered:
.L_overlay_start_2:
0x2f: {  	(tag) =	ssettag $0x2  }
0x30: {  	s0 =	rddreg [dreg:$0x0];
	s2 =	stileid.u32  }
0x31: {  	s1 =	rddreg [dreg:$0x1];
	p0 =	sne.s32 s2, $0x0  }
0x32: {  	s3 =	rddreg [dreg:$0x2];
	[bflag:$0x3] =	sbarrier.arrive $0xFFFF;
	s2 =	simm.s32 @!p0 $0x1C01  }
0x33: {  	[timem:s3], [sflag:s2] =	dma.local @!p0 [hbm:s0], s1  }
0x34: {  	s0 =	simm.s32 @!p0 $0x1  }
0x35: {  	_ =	swait.ge @!p0 [sflag:s0], s1  }
0x36: {  	s1 =	ssub.s32 @!p0 $0x0, s1;
	[sflag:s0] =	ssyncset.done @!p0 $0x0  }
0x37: {  	[sflag:s0] =	ssyncadd.s32 @!p0 s1  }
0x38: {  	[bflag:$0x3] =	sbarrier.arrive $0xFFFF  }
0x39: {  	_ =	shalt  }

// kernel: kernel.13.cloned.1.call-start
scs
__scs_entry_jumppad:
0x0: {  	(pc) =	sbr.rel $0x88, $3  }
0x1: {  	(tag) =	ssettag $0x0;
	lr =	simm.s32 $0x1  }
0x2: {  	[smem:$0x3F99] =	sst lr;
	_ =	strace $0xD0000000  }
0x3: {  	_ = 	snop  }
0x4: {  	_ = 	snop  }
0x5: {  	_ = 	snop  }
0x6: {  	_ = 	snop  }
0x7: {  	_ = 	snop  }
__scs_overlays_trampoline_lowered:
0x8: {  	[smem:$0x3FA8] =	sst s0  }
0x9: {  	[smem:$0x3FA9] =	sst s1  }
0xa: {  	[smem:$0x3FAA] =	sst s2  }
0xb: {  	[smem:$0x3FAB] =	sst s3  }
0xc: {  	[smem:$0x3FAC] =	sst s4  }
0xd: {  	[smem:$0x3FAD] =	sst s5  }
0xe: {  	[smem:$0x3FAE] =	sst s6  }
0xf: {  	[smem:$0x3FAF] =	sst s7  }
0x10: {  	[smem:$0x3FB0] =	sst s8  }
0x11: {  	[smem:$0x3FB1] =	sst s9;
	s0 =	simm.s32 @!p0 $0x0  }
0x12: {  	s1 =	sld [smem:$0x3F97];
	s0 =	simm.s32 @p0 $0x1  }
0x13: {  	[smem:$0x3FB2] =	sst s0;
	s0 =	simm.s32 @!p1 $0x0  }
0x14: {  	s2 =	sld [smem:$0x3F96];
	s0 =	simm.s32 @p1 $0x1  }
0x15: {  	[smem:$0x3FB3] =	sst s0;
	s0 =	simm.s32 @!p2 $0x0  }
0x16: {  	s3 =	sld [smem:$0x3FDB];
	s0 =	simm.s32 @p2 $0x1  }
0x17: {  	s4 =	simm.s32 $0x1BF5;
	[smem:$0x3FB5] =	sst s0  }
0x18: {  	s0 =	sld [smem:$0x3F98];
	_ =	swait.ge [sflag:s4], $0x0  }
0x19: {  	s7 =	sld [smem:$0x3F99]  }
0x1a: {  	s8 =	sadd.s32 $0xFFFFE003, lr  }
0x1b: {  	s9 =	sadd.s32 $0xFFFFFEF7, lr;
	s5 =	simm.s32 $0xFFFFFFFF;
	p2 =	slt.u32 s8, $0xFFFFF086  }
0x1c: {  	p1 =	slt.u32 s9, $0xF7A;
	s5 =	simm.s32 @!p2 $0x0  }
0x1d: {  	s5 =	simm.s32 @p1 $0x1;
	p0 =	seq.s32 s7, s2  }
0x1e: {  	s7 =	smul.u32 @!p0 $0xF7A, s2;
	p2 =	seq.s32 @!p0 s5, $0x0  }
0x1f: {  	s9 =	smul.u32 $0xF7A, s1;
	s8 =	simm.s32 @!p0 $0x1BF5;
	p2 =	por !p2, p0  }
0x20: {  	[sflag:s8] =	ssyncset.s32 @!p0 $0xFFFFF086;
	s6 =	sadd.s32 @!p0 s3, s7;
	s7 =	simm.s32 @!p0 $0x108  }
0x21: {  	s3 =	sadd.s32 s3, s9;
	s6 =	sadd.s32 @!p0 $0x88, s6;
	s7 =	simm.s32 @p2 $0x1082  }
0x22: {  	[simem:s7], [sflag:s8] =	dma.local @!p0 [hbm:s6], $0xF7A  }
0x23: {  	s9 =	sor.u32 $0xD0000000, s2;
	s6 =	simm.s32 $0x108;
	_ =	swait.ge @!p0 [sflag:s8], $0x0  }
0x24: {  	s3 =	sadd.s32 $0x88, s3;
	s6 =	simm.s32 @!p1 $0x1082;
	[sflag:s4] =	ssyncset.s32 $0xFFFFF086  }
0x25: {  	[simem:s6], [sflag:s4] =	dma.local [hbm:s3], $0xF7A  }
0x26: {  	[smem:$0x3F99] =	sst s1;
	(tag) =	ssettag s2;
	_ =	strace s9  }
0x27: {  	s1 =	sld [smem:$0x3FA9]  }
0x28: {  	s2 =	sld [smem:$0x3FAA]  }
0x29: {  	s4 =	sld [smem:$0x3FAC]  }
0x2a: {  	p0 =	seq.s32 s5, $0x0;
	s5 =	sld [smem:$0x3FAD]  }
0x2b: {  	s6 =	sld [smem:$0x3FAE]  }
0x2c: {  	s7 =	sld [smem:$0x3FAF]  }
0x2d: {  	s3 =	simm.s32 $0x108;
	s8 =	sld [smem:$0x3FB0]  }
0x2e: {  	s3 =	simm.s32 @!p0 $0x1082;
	s9 =	sld [smem:$0x3FB1]  }
0x2f: {  	lr =	sadd.s32 s0, s3;
	s0 =	sld [smem:$0x3FA8]  }
0x30: {  	s3 =	sld [smem:$0x3FAB]  }
0x31: {  	[smem:$0x3FB4] =	sst s10  }
0x32: {  	s10 =	sld [smem:$0x3FB2];
	_ =	sdelay $0x3  }
0x33: {  	p0 =	seq.s32 s10, $0x1;
	s10 =	sld [smem:$0x3FB4];
	_ =	sdelay $0x3  }
0x34: {  	[smem:$0x3FB4] =	sst s10  }
0x35: {  	s10 =	sld [smem:$0x3FB3];
	_ =	sdelay $0x3  }
0x36: {  	p1 =	seq.s32 s10, $0x1;
	s10 =	sld [smem:$0x3FB4];
	_ =	sdelay $0x3  }
0x37: {  	[smem:$0x3FB4] =	sst s10  }
0x38: {  	s10 =	sld [smem:$0x3FB5]  }
0x39: {  	_ = 	snop;
	(pc) =	sbr.ind lr, $3  }
0x3a: {  	_ = 	snop  }
0x3b: {  	_ = 	snop  }
0x3c: {  	p2 =	seq.s32 s10, $0x1;
	s10 =	sld [smem:$0x3FB4]  }
0x3d: {  	_ =	shalt  }
0x3e: {  	_ =	shalt  }
0x3f: {  	_ =	shalt  }
0x40: {  	_ =	shalt  }
0x41: {  	_ =	shalt  }
0x42: {  	_ =	shalt  }
0x43: {  	_ =	shalt  }
0x44: {  	_ =	shalt  }
0x45: {  	_ =	shalt  }
0x46: {  	_ =	shalt  }
0x47: {  	_ =	shalt  }
0x48: {  	_ =	shalt  }
0x49: {  	_ =	shalt  }
0x4a: {  	_ =	shalt  }
0x4b: {  	_ =	shalt  }
0x4c: {  	_ =	shalt  }
0x4d: {  	_ =	shalt  }
0x4e: {  	_ =	shalt  }
0x4f: {  	_ =	shalt  }
0x50: {  	_ =	shalt  }
0x51: {  	_ =	shalt  }
0x52: {  	_ =	shalt  }
0x53: {  	_ =	shalt  }
0x54: {  	_ =	shalt  }
0x55: {  	_ =	shalt  }
0x56: {  	_ =	shalt  }
0x57: {  	_ =	shalt  }
0x58: {  	_ =	shalt  }
0x59: {  	_ =	shalt  }
0x5a: {  	_ =	shalt  }
0x5b: {  	_ =	shalt  }
0x5c: {  	_ =	shalt  }
0x5d: {  	_ =	shalt  }
0x5e: {  	_ =	shalt  }
0x5f: {  	_ =	shalt  }
0x60: {  	_ =	shalt  }
0x61: {  	_ =	shalt  }
0x62: {  	_ =	shalt  }
0x63: {  	_ =	shalt  }
0x64: {  	_ =	shalt  }
0x65: {  	_ =	shalt  }
0x66: {  	_ =	shalt  }
0x67: {  	_ =	shalt  }
0x68: {  	_ =	shalt  }
0x69: {  	_ =	shalt  }
0x6a: {  	_ =	shalt  }
0x6b: {  	_ =	shalt  }
0x6c: {  	_ =	shalt  }
0x6d: {  	_ =	shalt  }
0x6e: {  	_ =	shalt  }
0x6f: {  	_ =	shalt  }
0x70: {  	_ =	shalt  }
0x71: {  	_ =	shalt  }
0x72: {  	_ =	shalt  }
0x73: {  	_ =	shalt  }
0x74: {  	_ =	shalt  }
0x75: {  	_ =	shalt  }
0x76: {  	_ =	shalt  }
0x77: {  	_ =	shalt  }
0x78: {  	_ =	shalt  }
0x79: {  	_ =	shalt  }
0x7a: {  	_ =	shalt  }
0x7b: {  	_ =	shalt  }
0x7c: {  	_ =	shalt  }
0x7d: {  	_ =	shalt  }
0x7e: {  	_ =	shalt  }
0x7f: {  	_ =	shalt  }
0x80: {  	_ =	shalt  }
0x81: {  	_ =	shalt  }
0x82: {  	_ =	shalt  }
0x83: {  	_ =	shalt  }
0x84: {  	_ =	shalt  }
0x85: {  	_ =	shalt  }
0x86: {  	_ =	shalt  }
0x87: {  	_ =	shalt  }
.Lfunc_end0:
.L_simem_size_0:
called_computation.1_lowered:
.L_overlay_start_0:
0x88: {  	s2 =	sld [smem:$0x3FD9]  }
0x89: {  	s3 =	sld [smem:$0x3FFE];
	_ =	sdelay $0x1  }
0x8a: {  	s1 =	srdreg.scid  }
0x8b: {  	s0 =	sand.u32 $0x1, s1  }
0x8c: {  	s17 =	sshll.u32 s0, $0xA;
	s2 =	sadd.s32 s3, s2  }
0x8d: {  	s2 =	sadd.s32 s2, s17  }
0x8e: {  	[smem:$0x3FC0] =	sst s2  }
0x8f: {  	_ = 	snop  }
0x90: {  	s2 =	sld [smem:$0x3FD0];
	(tm) =	ssettm $0x1  }
0x91: {  	s18 =	sld [smem:$0x3FFB];
	_ =	sdelay $0x3  }
0x92: {  	_ =	strace s18  }
0x93: {  	s3 =	sld [smem:$0x3FFC];
	_ =	sdelay $0x3  }
0x94: {  	_ =	strace s3  }
0x95: {  	s3 =	sld [smem:$0x3FFD];
	_ =	sdelay $0x3  }
0x96: {  	_ =	strace s3  }
0x97: {  	_ =	strace $0x8FFFFFFF  }
0x98: {  	s19 =	sld [smem:$0x3FDB];
	_ =	sdelay $0x1  }
0x99: {  	s4 =	simm.s32 $_scs_section_size  }
0x9a: {  	s5 =	simm.s32 $_size__tile_overlayer_lowered;
	s6 =	simm.s32 $_tile_overlayer_lowered  }
0x9b: {  	s22 =	simm.s32 $0x1BFF;
	s21 =	sshll.u32 s6, $0x1;
	s3 =	sadd.s32 s4, s19  }
0x9c: {  	s7 =	simm.s32 $0x0;
	s20 =	sshll.u32 s5, $0x1;
	s5 =	sadd.s32 s21, s3  }
0x9d: {  	[timem:s7], [sflag:s22] =	dma.local [hbm:s5], s20  }
0x9e: {  	_ =	swait.ge [sflag:s22], s20  }
0x9f: {  	s4 =	ssub.s32 $0x0, s20;
	[sflag:s22] =	ssyncset.done $0x0  }
0xa0: {  	[sflag:s22] =	ssyncadd.s32 s4;
	_ =	sdelay $0x1  }
0xa1: {  	s23 =	simm.s32 $0x1B8B  }
0xa2: {  	_ =	swait.ge [sflag:s23], $0x1  }
0xa3: {  	[sflag:s23] =	ssyncset.done $0x0  }
0xa4: {  	s25 =	simm.s32 $0x1B8E;
	s24 =	sld [smem:$0x3FFE];
	[sflag:s23] =	ssyncadd.s32 $0xFFFFFFFF  }
0xa5: {  	s26 =	simm.s32 $execute0_lowered;
	[smem:$0x3FD2] =	sst s25  }
0xa6: {  	s5 =	sshll.u32 s26, $0x1;
	_ =	strace $0x80000049;
	[dreg:$0x1] =	wrdreg $0xFFFFFFFF  }
0xa7: {  	s28 =	simm.s32 $_size_execute0_lowered;
	s3 =	sadd.s32 s3, s5;
	[dreg:$0x0] =	wrdreg $0x0  }
0xa8: {  	s5 =	sshll.u32 s28, $0x1;
	[dreg:$0x2] =	wrdreg s3  }
0xa9: {  	[dreg:$0x3] =	wrdreg s5  }
0xaa: {  	[dreg:$0x4] =	wrdreg $0xC0  }
0xab: {  	_ =	task [dreg:s7], $0x5FFFF  }
0xac: {  	[dreg:$0x1] =	wrdreg $0xFFFFFFFF  }
0xad: {  	[dreg:$0x0] =	wrdreg $0x60  }
0xae: {  	[dreg:$0x2] =	wrdreg s2  }
0xaf: {  	[dreg:$0x3] =	wrdreg s24  }
0xb0: {  	[dreg:$0x4] =	wrdreg $0x0  }
0xb1: {  	[dreg:$0x5] =	wrdreg $0x9  }
0xb2: {  	_ =	task.clear_ibuf [dreg:s7], $0x6FFFF;
	_ =	strace $0x90000049  }
0xb3: {  	s29 =	simm.s32 $0x9;
	_ =	strace $0x8000004B  }
0xb4: {  	_ =	swait.ge [sflag:s29], $0x1  }
0xb5: {  	[sflag:s29] =	ssyncadd.s32 $0xFFFFFFFF  }
0xb6: {  	_ =	strace $0x9000004B  }
0xb7: {  	_ =	sfence  }
0xb8: {  	s30 =	sld [smem:$0x0];
	_ =	sdelay $0x2  }
0xb9: {  	s31 =	sshll.u32 s1, $0xD;
	s1 =	sshrl.u32 s1, $0x2  }
0xba: {  	s3 =	sand.u32 $0x4000, s31;
	s1 =	sadd.s32 s1, s30  }
0xbb: {  	s0 =	sor.u32 s3, s0;
	s1 =	sshll.u32 s1, $0x11  }
0xbc: {  	s0 =	sor.u32 s1, s0  }
0xbd: {  	s0 =	sadd.s32 $0x8F2B, s0  }
0xbe: {  	[sflag:s0] =	ssyncadd.remote.s32 $0x1  }
0xbf: {  	_ =	sfence.sel $0xFFFF  }
0xc0: {  	[dreg:$0x0] =	wrdreg $0xFFFFFFFF;
	(pc) =	sbr.abs _section_cstart, $3  }
0xc1: {  	[dreg:$0x1] =	wrdreg $0xFFFFFFFF  }
0xc2: {  	_ =	task.clear_ibuf [dreg:s7], $0x2FFFF;
	_ =	strace $0x9FFFFFFF  }
0xc3: {  	(tm) =	ssettm $0x7FFFFFFF  }
tec
execute0_lowered:
.L_overlay_start_1:
0x0: {  	(tag) =	ssettag $0x1  }
0x1: {  	s0 =	srdreg.scid;
	s1 =	rddreg [dreg:$0x0]  }
0x2: {  	s15 =	stileid.u32;
	s5 =	rddreg [dreg:$0x1]  }
0x3: {  	s3 =	rddreg [dreg:$0x2];
	s4 =	simm.s32 $0x0;
	s18 =	simm.s32 $0x80  }
0x4: {  	s19 =	simm.s32 $0x16C00;
	s20 =	simm.s32 $0x13C80;
	s21 =	simm.s32 $0x1AC00  }
0x5: {  	s22 =	simm.s32 $0x1;
	s23 =	simm.s32 $0x3;
	s24 =	simm.s32 $0x2  }
0x6: {  	s25 =	simm.s32 $0x4;
	s0 =	sand.u32 $0x1, s0;
	s6 =	smul.u32 $0x13C00, s15  }
0x7: {  	[smem:$0x7FF] =	sst s4;
	s12 =	sadd.s32 $0x4A00, s5;
	s10 =	smul.u32 $0x4F000, s15  }
0x8: {  	s30 =	smul.u32 $0x2800, s15;
	s31 =	sshll.u32 s15, $0x6;
	s2 =	sshll.u32 s0, $0x4  }
0x9: {  	s7 =	smul.u32 $0x13C000, s0;
	_ =	strace $0x8000004A;
	s26 =	ssub.s32 $0x2, s0  }
0xa: {  	s0 =	smul.u32 $0x28000, s0;
	s2 =	sor.u32 s15, s2;
	s9 =	sshrl.u32 s6, $0x3  }
0xb: {  	s28 =	sshrl.u32 s26, $0x1;
	s29 =	sshrl.u32 s10, $0x2;
	s15 =	simm.s32 $0x13C00  }
0xc: {  	s2 =	smul.u32 $0x2800, s2;
	s9 =	sadd.s32 s9, s5;
	s6 =	sadd.s32 s6, s7  }
0xd: {  	s13 =	ssub.s32 s26, s28;
	s14 =	sadd.s32 s29, s3;
	s0 =	sadd.s32 s30, s0  }
0xe: {  	s26 =	simm.s32 $0x0;
	s6 =	sshrl.u32 s6, $0x3;
	s0 =	sadd.s32 $0x800, s0  }
.Ltmp0:
0xf: {  	s2 =	sshrl.u32 s2, $0x3;
	s11 =	sadd.s32 s6, s5;
	(pc) =	sbr.rel .LBB2_1-.Ltmp0, $4  }
0x10: {  	s6 =	sor.u32 $0x1C07, s31;
	s0 =	sshrl.u32 s0, $0x3;
	s8 =	sadd.s32 s2, s5  }
0x11: {  	s5 =	sadd.s32 $0x67A00, s9;
	s7 =	sadd.s32 s12, s2;
	s10 =	sadd.s32 $0x8F200, s11  }
0x12: {  	s11 =	smax.u32 s13, $0x1;
	s12 =	sadd.s32 s0, s12;
	s13 =	sshrl.u32 s14, $0x3  }
0x13: {  	s14 =	simm.s32 $0x7;
	s8 =	sadd.s32 $0xEA00, s8;
	s9 =	sadd.s32 $0x80, s7  }
.LBB2_6:
0x14: {  	_ =	swait.ge [sflag:s24], $0x4000  }
0x15: {  	[sflag:s24] =	ssyncset.done $0x0  }
0x16: {  	s0 =	sadd.s32 $0x16780, s0;
	[sflag:s24] =	ssyncadd.s32 $0xFFFFC000  }
0x17: {  	[spmem:s3] =	stream.indirect.scatter.add.f32 [tilespmem:s21], [sflag:$0x4], $0x80, s0, s18, $0xb8;
	[tilespmem:$0x1EC00] =	vst v63  }
0x18: {  	_ =	swait.ge [sflag:s25], $0x4000  }
0x19: {  	[sflag:s25] =	ssyncset.done $0x0  }
0x1a: {  	[sflag:s25] =	ssyncadd.s32 $0xFFFFC000  }
.LBB2_4:
0x1b: {  	s26 =	sadd.s32 $0x1, s26  }
0x1c: {  	p0 =	sne.s32 s26, s11  }
.Ltmp1:
0x1d: {  	[bflag:$0x0] =	sbarrier.arrive $0xFFFF;
	(pc) =	sbr.rel @!p0 .LBB2_5-.Ltmp1, $4  }
0x1e: {  	[hbm:s10], [sflag:s6] =	dma.local [spmem:s13], $0x2780  }
0x1f: {  	_ =	swait.ge [sflag:s14], $0x2780  }
0x20: {  	[sflag:s14] =	ssyncset.done $0x0  }
0x21: {  	[sflag:s14] =	ssyncadd.s32 $0xFFFFD880  }
.LBB2_1:
0x22: {  	[spmem:s13], [sflag:s6] =	dma.local [hbm:s5], $0x2780  }
0x23: {  	_ =	swait.ge [sflag:s14], $0x2780  }
0x24: {  	[sflag:s14] =	ssyncset.done $0x0  }
0x25: {  	[sflag:s14] =	ssyncadd.s32 $0xFFFFD880  }
0x26: {  	[tilespmem:s15], [sflag:$0x7] =	stream.linear.gather [hbm4b:s8+s4], $0x2800, $0x38;
	[tilespmem:$0x1EC00] =	vst v63  }
0x27: {  	_ =	swait.ge [sflag:s14], $0x2800  }
0x28: {  	[sflag:s14] =	ssyncset.done $0x0  }
0x29: {  	[sflag:s14] =	ssyncadd.s32 $0xFFFFD800  }
0x2a: {  	s0 =	simm.s32 $0x16400;
	[bflag:$0x0] =	sbarrier.arrive $0xFFFF  }
0x2b: {  	[tilespmem:s0], [sflag:$0x5] =	stream.linear.gather [hbm4b:s7+s4], $0x400, $0x38;
	[tilespmem:$0x1EC00] =	vst v63  }
0x2c: {  	s31 =	simm.s32 $0x16800  }
0x2d: {  	[tilespmem:s31], [sflag:$0x6] =	stream.linear.gather [hbm4b:s9+s4], $0x400, $0x38;
	[tilespmem:$0x1EC00] =	vst v63  }
0x2e: {  	_ = 	snop  }
0x2f: {  	[tilespmem:s19], [sflag:$0x1] =	stream.indirect.gather [hbm4b:s1+s18], $0x80, s15, s18, $0xb8;
	[tilespmem:$0x1EC00] =	vst v63  }
0x30: {  	s28 =	simm.s32 $0x0;
	s29 =	smov.u32 s12;
	s30 =	simm.s32 $0x0  }
0x31: {  	[tilespmem:s21], [sflag:$0x2] =	stream.indirect.gather [hbm4b:s1+s18], $0x80, s20, s18, $0xb8;
	[tilespmem:$0x1EC00] =	vst v63  }
.LBB2_2:
0x32: {  	s0 =	sand.u32 $0x1, s30  }
0x33: {  	s31 =	sadd.s32 $0x5, s0  }
0x34: {  	_ =	swait.ge [sflag:s31], $0x400  }
0x35: {  	[sflag:s31] =	ssyncset.done $0x0  }
0x36: {  	[sflag:s31] =	ssyncadd.s32 $0xFFFFFC00  }
0x37: {  	_ =	swait.ge [sflag:s22], $0x4000  }
0x38: {  	s0 =	sshll.u32 s0, $0xA;
	[sflag:s22] =	ssyncset.done $0x0  }
0x39: {  	s2 =	sadd.s32 $0x16400, s0;
	[sflag:s22] =	ssyncadd.s32 $0xFFFFC000  }
0x3a: {  	[spmem:s3] =	stream.indirect.scatter.add.f32 [tilespmem:s19], [sflag:$0x3], $0x80, s2, s18, $0xb8;
	[tilespmem:$0x1EC00] =	vst v63  }
0x3b: {  	_ =	swait.ge [sflag:s23], $0x4000  }
0x3c: {  	s16 =	sshra.s32 s28, $0x2;
	[sflag:s23] =	ssyncset.done $0x0  }
0x3d: {  	s17 =	sadd.s32 $0x13D00, s16;
	[sflag:s23] =	ssyncadd.s32 $0xFFFFC000  }
0x3e: {  	[tilespmem:s19], [sflag:$0x1] =	stream.indirect.gather [hbm4b:s1+s18], $0x80, s17, s18, $0xb8;
	[tilespmem:$0x1EC00] =	vst v63  }
0x3f: {  	_ =	swait.ge [sflag:s24], $0x4000  }
0x40: {  	[sflag:s24] =	ssyncset.done $0x0  }
0x41: {  	s17 =	sadd.s32 $0x16480, s0;
	[sflag:s24] =	ssyncadd.s32 $0xFFFFC000  }
0x42: {  	[spmem:s3] =	stream.indirect.scatter.add.f32 [tilespmem:s21], [sflag:$0x4], $0x80, s17, s18, $0xb8;
	[tilespmem:$0x1EC00] =	vst v63  }
0x43: {  	_ =	swait.ge [sflag:s25], $0x4000  }
0x44: {  	[sflag:s25] =	ssyncset.done $0x0  }
0x45: {  	s17 =	sadd.s32 $0x13D80, s16;
	[sflag:s25] =	ssyncadd.s32 $0xFFFFC000  }
0x46: {  	[tilespmem:s21], [sflag:$0x2] =	stream.indirect.gather [hbm4b:s1+s18], $0x80, s17, s18, $0xb8;
	[tilespmem:$0x1EC00] =	vst v63  }
0x47: {  	_ =	swait.ge [sflag:s22], $0x4000  }
0x48: {  	[sflag:s22] =	ssyncset.done $0x0  }
0x49: {  	s17 =	sadd.s32 $0x16500, s0;
	[sflag:s22] =	ssyncadd.s32 $0xFFFFC000  }
0x4a: {  	[spmem:s3] =	stream.indirect.scatter.add.f32 [tilespmem:s19], [sflag:$0x3], $0x80, s17, s18, $0xb8;
	[tilespmem:$0x1EC00] =	vst v63  }
0x4b: {  	_ =	swait.ge [sflag:s23], $0x4000  }
0x4c: {  	[sflag:s23] =	ssyncset.done $0x0  }
0x4d: {  	s17 =	sadd.s32 $0x13E00, s16;
	[sflag:s23] =	ssyncadd.s32 $0xFFFFC000  }
0x4e: {  	[tilespmem:s19], [sflag:$0x1] =	stream.indirect.gather [hbm4b:s1+s18], $0x80, s17, s18, $0xb8;
	[tilespmem:$0x1EC00] =	vst v63  }
0x4f: {  	_ =	swait.ge [sflag:s24], $0x4000  }
0x50: {  	[sflag:s24] =	ssyncset.done $0x0  }
0x51: {  	s17 =	sadd.s32 $0x16580, s0;
	[sflag:s24] =	ssyncadd.s32 $0xFFFFC000  }
0x52: {  	[spmem:s3] =	stream.indirect.scatter.add.f32 [tilespmem:s21], [sflag:$0x4], $0x80, s17, s18, $0xb8;
	[tilespmem:$0x1EC00] =	vst v63  }
0x53: {  	_ =	swait.ge [sflag:s25], $0x4000  }
0x54: {  	[sflag:s25] =	ssyncset.done $0x0  }
0x55: {  	s17 =	sadd.s32 $0x13E80, s16;
	[sflag:s25] =	ssyncadd.s32 $0xFFFFC000  }
0x56: {  	[tilespmem:s21], [sflag:$0x2] =	stream.indirect.gather [hbm4b:s1+s18], $0x80, s17, s18, $0xb8;
	[tilespmem:$0x1EC00] =	vst v63  }
0x57: {  	_ =	swait.ge [sflag:s22], $0x4000  }
0x58: {  	[sflag:s22] =	ssyncset.done $0x0  }
0x59: {  	s17 =	sadd.s32 $0x16600, s0;
	[sflag:s22] =	ssyncadd.s32 $0xFFFFC000  }
0x5a: {  	[spmem:s3] =	stream.indirect.scatter.add.f32 [tilespmem:s19], [sflag:$0x3], $0x80, s17, s18, $0xb8;
	[tilespmem:$0x1EC00] =	vst v63  }
0x5b: {  	_ =	swait.ge [sflag:s23], $0x4000  }
0x5c: {  	[sflag:s23] =	ssyncset.done $0x0  }
0x5d: {  	s17 =	sadd.s32 $0x13F00, s16;
	[sflag:s23] =	ssyncadd.s32 $0xFFFFC000  }
0x5e: {  	[tilespmem:s19], [sflag:$0x1] =	stream.indirect.gather [hbm4b:s1+s18], $0x80, s17, s18, $0xb8;
	[tilespmem:$0x1EC00] =	vst v63  }
0x5f: {  	_ =	swait.ge [sflag:s24], $0x4000  }
0x60: {  	[sflag:s24] =	ssyncset.done $0x0  }
0x61: {  	s17 =	sadd.s32 $0x16680, s0;
	[sflag:s24] =	ssyncadd.s32 $0xFFFFC000  }
0x62: {  	[spmem:s3] =	stream.indirect.scatter.add.f32 [tilespmem:s21], [sflag:$0x4], $0x80, s17, s18, $0xb8;
	[tilespmem:$0x1EC00] =	vst v63  }
0x63: {  	_ =	swait.ge [sflag:s25], $0x4000  }
0x64: {  	[sflag:s25] =	ssyncset.done $0x0  }
0x65: {  	s17 =	sadd.s32 $0x13F80, s16;
	[sflag:s25] =	ssyncadd.s32 $0xFFFFC000  }
0x66: {  	[tilespmem:s21], [sflag:$0x2] =	stream.indirect.gather [hbm4b:s1+s18], $0x80, s17, s18, $0xb8;
	[tilespmem:$0x1EC00] =	vst v63  }
0x67: {  	_ =	swait.ge [sflag:s22], $0x4000  }
0x68: {  	p0 =	seq.s32 s28, $0x9000;
	[sflag:s22] =	ssyncset.done $0x0  }
.Ltmp2:
0x69: {  	s17 =	sadd.s32 $0x16700, s0;
	[sflag:s22] =	ssyncadd.s32 $0xFFFFC000;
	(pc) =	sbr.rel @p0 .LBB2_6-.Ltmp2, $4  }
0x6a: {  	[spmem:s3] =	stream.indirect.scatter.add.f32 [tilespmem:s19], [sflag:$0x3], $0x80, s17, s18, $0xb8;
	[tilespmem:$0x1EC00] =	vst v63  }
0x6b: {  	_ =	swait.ge [sflag:s23], $0x4000  }
0x6c: {  	[sflag:s23] =	ssyncset.done $0x0  }
0x6d: {  	[sflag:s23] =	ssyncadd.s32 $0xFFFFC000  }
0x6e: {  	s17 =	sadd.s32 $0x14000, s16  }
0x6f: {  	[tilespmem:s19], [sflag:$0x1] =	stream.indirect.gather [hbm4b:s1+s18], $0x80, s17, s18, $0xb8;
	[tilespmem:$0x1EC00] =	vst v63  }
0x70: {  	_ =	swait.ge [sflag:s24], $0x4000  }
0x71: {  	[sflag:s24] =	ssyncset.done $0x0  }
0x72: {  	s0 =	sadd.s32 $0x16780, s0;
	[sflag:s24] =	ssyncadd.s32 $0xFFFFC000  }
0x73: {  	[spmem:s3] =	stream.indirect.scatter.add.f32 [tilespmem:s21], [sflag:$0x4], $0x80, s0, s18, $0xb8;
	[tilespmem:$0x1EC00] =	vst v63  }
0x74: {  	_ =	swait.ge [sflag:s25], $0x4000  }
0x75: {  	[sflag:s25] =	ssyncset.done $0x0  }
0x76: {  	p0 =	sgt.u32 s30, $0x7;
	s17 =	sadd.s32 $0x14080, s16;
	[sflag:s25] =	ssyncadd.s32 $0xFFFFC000  }
0x77: {  	[tilespmem:s21], [sflag:$0x2] =	stream.indirect.gather [hbm4b:s1+s18], $0x80, s17, s18, $0xb8;
	[tilespmem:$0x1EC00] =	vst v63  }
0x78: {  	s28 =	sadd.s32 $0x1000, s28;
	s0 =	simm.s32 @!p0 $0x0  }
0x79: {  	[tilespmem:s2], [sflag:s31] =	stream.linear.gather @!p0 [hbm4b:s29+s0], $0x400, $0x38;
	[tilespmem:$0x1EC00] =	vst v63  }
0x7a: {  	p0 =	sne.s32 s28, $0xA000  }
.Ltmp3:
0x7b: {  	_ = 	snop;
	(pc) =	sbr.rel @p0 .LBB2_2-.Ltmp3, $4  }
.Ltmp4:
0x7c: {  	_ = 	snop;
	(pc) =	sbr.rel @!p0 .LBB2_4-.Ltmp4, $4  }
0x7d: {  	_ = 	snop  }
0x7e: {  	_ = 	snop  }
0x7f: {  	s30 =	sadd.s32 $0x1, s30;
	s29 =	sadd.s32 $0x80, s29  }
0x80: {  	_ = 	snop  }
.LBB2_5:
0x81: {  	_ =	sfence.sel $0x180000  }
0x82: {  	[bflag:$0x0] =	sbarrier.arrive $0xFFFF  }
0x83: {  	_ =	strace $0x9000004A  }
0x84: {  	s0 =	stileid.u32;
	[bflag:$0x2] =	sbarrier.arrive $0xFFFF  }
0x85: {  	p0 =	sne.s32 s0, $0x0;
	s0 =	rddreg [dreg:$0x3]  }
0x86: {  	s0 =	sadd.s32 @!p0 $0x100000, s0  }
0x87: {  	[sflag:s0] =	ssyncadd.tile.s32 @!p0 $0x1;
	_ =	shalt  }
.Lfunc_end2:
_tile_overlayer_lowered:
.L_overlay_start_2:
0x88: {  	(tag) =	ssettag $0x2  }
0x89: {  	s0 =	rddreg [dreg:$0x0];
	s2 =	stileid.u32  }
0x8a: {  	s1 =	rddreg [dreg:$0x1];
	p0 =	sne.s32 s2, $0x0  }
0x8b: {  	s3 =	rddreg [dreg:$0x2];
	[bflag:$0x3] =	sbarrier.arrive $0xFFFF;
	s2 =	simm.s32 @!p0 $0x1C07  }
0x8c: {  	[timem:s3], [sflag:s2] =	dma.local @!p0 [hbm:s0], s1  }
0x8d: {  	s0 =	simm.s32 @!p0 $0x7  }
0x8e: {  	_ =	swait.ge @!p0 [sflag:s0], s1  }
0x8f: {  	s1 =	ssub.s32 @!p0 $0x0, s1;
	[sflag:s0] =	ssyncset.done @!p0 $0x0  }
0x90: {  	[sflag:s0] =	ssyncadd.s32 @!p0 s1  }
0x91: {  	[bflag:$0x3] =	sbarrier.arrive $0xFFFF  }
0x92: {  	_ =	shalt  }

// kernel: kernel.16.cloned.1.call-start
scs
__scs_entry_jumppad:
0x0: {  	(pc) =	sbr.rel $0x88, $3  }
0x1: {  	(tag) =	ssettag $0x0;
	lr =	simm.s32 $0x1  }
0x2: {  	[smem:$0x3F99] =	sst lr;
	_ =	strace $0xD0000000  }
0x3: {  	_ = 	snop  }
0x4: {  	_ = 	snop  }
0x5: {  	_ = 	snop  }
0x6: {  	_ = 	snop  }
0x7: {  	_ = 	snop  }
__scs_overlays_trampoline_lowered:
0x8: {  	[smem:$0x3FA8] =	sst s0  }
0x9: {  	[smem:$0x3FA9] =	sst s1  }
0xa: {  	[smem:$0x3FAA] =	sst s2  }
0xb: {  	[smem:$0x3FAB] =	sst s3  }
0xc: {  	[smem:$0x3FAC] =	sst s4  }
0xd: {  	[smem:$0x3FAD] =	sst s5  }
0xe: {  	[smem:$0x3FAE] =	sst s6  }
0xf: {  	[smem:$0x3FAF] =	sst s7  }
0x10: {  	[smem:$0x3FB0] =	sst s8  }
0x11: {  	[smem:$0x3FB1] =	sst s9;
	s0 =	simm.s32 @!p0 $0x0  }
0x12: {  	s1 =	sld [smem:$0x3F97];
	s0 =	simm.s32 @p0 $0x1  }
0x13: {  	[smem:$0x3FB2] =	sst s0;
	s0 =	simm.s32 @!p1 $0x0  }
0x14: {  	s2 =	sld [smem:$0x3F96];
	s0 =	simm.s32 @p1 $0x1  }
0x15: {  	[smem:$0x3FB3] =	sst s0;
	s0 =	simm.s32 @!p2 $0x0  }
0x16: {  	s3 =	sld [smem:$0x3FDB];
	s0 =	simm.s32 @p2 $0x1  }
0x17: {  	s4 =	simm.s32 $0x1BF5;
	[smem:$0x3FB5] =	sst s0  }
0x18: {  	s0 =	sld [smem:$0x3F98];
	_ =	swait.ge [sflag:s4], $0x0  }
0x19: {  	s7 =	sld [smem:$0x3F99]  }
0x1a: {  	s8 =	sadd.s32 $0xFFFFE003, lr  }
0x1b: {  	s9 =	sadd.s32 $0xFFFFFEF7, lr;
	s5 =	simm.s32 $0xFFFFFFFF;
	p2 =	slt.u32 s8, $0xFFFFF086  }
0x1c: {  	p1 =	slt.u32 s9, $0xF7A;
	s5 =	simm.s32 @!p2 $0x0  }
0x1d: {  	s5 =	simm.s32 @p1 $0x1;
	p0 =	seq.s32 s7, s2  }
0x1e: {  	s7 =	smul.u32 @!p0 $0xF7A, s2;
	p2 =	seq.s32 @!p0 s5, $0x0  }
0x1f: {  	s9 =	smul.u32 $0xF7A, s1;
	s8 =	simm.s32 @!p0 $0x1BF5;
	p2 =	por !p2, p0  }
0x20: {  	[sflag:s8] =	ssyncset.s32 @!p0 $0xFFFFF086;
	s6 =	sadd.s32 @!p0 s3, s7;
	s7 =	simm.s32 @!p0 $0x108  }
0x21: {  	s3 =	sadd.s32 s3, s9;
	s6 =	sadd.s32 @!p0 $0x88, s6;
	s7 =	simm.s32 @p2 $0x1082  }
0x22: {  	[simem:s7], [sflag:s8] =	dma.local @!p0 [hbm:s6], $0xF7A  }
0x23: {  	s9 =	sor.u32 $0xD0000000, s2;
	s6 =	simm.s32 $0x108;
	_ =	swait.ge @!p0 [sflag:s8], $0x0  }
0x24: {  	s3 =	sadd.s32 $0x88, s3;
	s6 =	simm.s32 @!p1 $0x1082;
	[sflag:s4] =	ssyncset.s32 $0xFFFFF086  }
0x25: {  	[simem:s6], [sflag:s4] =	dma.local [hbm:s3], $0xF7A  }
0x26: {  	[smem:$0x3F99] =	sst s1;
	(tag) =	ssettag s2;
	_ =	strace s9  }
0x27: {  	s1 =	sld [smem:$0x3FA9]  }
0x28: {  	s2 =	sld [smem:$0x3FAA]  }
0x29: {  	s4 =	sld [smem:$0x3FAC]  }
0x2a: {  	p0 =	seq.s32 s5, $0x0;
	s5 =	sld [smem:$0x3FAD]  }
0x2b: {  	s6 =	sld [smem:$0x3FAE]  }
0x2c: {  	s7 =	sld [smem:$0x3FAF]  }
0x2d: {  	s3 =	simm.s32 $0x108;
	s8 =	sld [smem:$0x3FB0]  }
0x2e: {  	s3 =	simm.s32 @!p0 $0x1082;
	s9 =	sld [smem:$0x3FB1]  }
0x2f: {  	lr =	sadd.s32 s0, s3;
	s0 =	sld [smem:$0x3FA8]  }
0x30: {  	s3 =	sld [smem:$0x3FAB]  }
0x31: {  	[smem:$0x3FB4] =	sst s10  }
0x32: {  	s10 =	sld [smem:$0x3FB2];
	_ =	sdelay $0x3  }
0x33: {  	p0 =	seq.s32 s10, $0x1;
	s10 =	sld [smem:$0x3FB4];
	_ =	sdelay $0x3  }
0x34: {  	[smem:$0x3FB4] =	sst s10  }
0x35: {  	s10 =	sld [smem:$0x3FB3];
	_ =	sdelay $0x3  }
0x36: {  	p1 =	seq.s32 s10, $0x1;
	s10 =	sld [smem:$0x3FB4];
	_ =	sdelay $0x3  }
0x37: {  	[smem:$0x3FB4] =	sst s10  }
0x38: {  	s10 =	sld [smem:$0x3FB5]  }
0x39: {  	_ = 	snop;
	(pc) =	sbr.ind lr, $3  }
0x3a: {  	_ = 	snop  }
0x3b: {  	_ = 	snop  }
0x3c: {  	p2 =	seq.s32 s10, $0x1;
	s10 =	sld [smem:$0x3FB4]  }
0x3d: {  	_ =	shalt  }
0x3e: {  	_ =	shalt  }
0x3f: {  	_ =	shalt  }
0x40: {  	_ =	shalt  }
0x41: {  	_ =	shalt  }
0x42: {  	_ =	shalt  }
0x43: {  	_ =	shalt  }
0x44: {  	_ =	shalt  }
0x45: {  	_ =	shalt  }
0x46: {  	_ =	shalt  }
0x47: {  	_ =	shalt  }
0x48: {  	_ =	shalt  }
0x49: {  	_ =	shalt  }
0x4a: {  	_ =	shalt  }
0x4b: {  	_ =	shalt  }
0x4c: {  	_ =	shalt  }
0x4d: {  	_ =	shalt  }
0x4e: {  	_ =	shalt  }
0x4f: {  	_ =	shalt  }
0x50: {  	_ =	shalt  }
0x51: {  	_ =	shalt  }
0x52: {  	_ =	shalt  }
0x53: {  	_ =	shalt  }
0x54: {  	_ =	shalt  }
0x55: {  	_ =	shalt  }
0x56: {  	_ =	shalt  }
0x57: {  	_ =	shalt  }
0x58: {  	_ =	shalt  }
0x59: {  	_ =	shalt  }
0x5a: {  	_ =	shalt  }
0x5b: {  	_ =	shalt  }
0x5c: {  	_ =	shalt  }
0x5d: {  	_ =	shalt  }
0x5e: {  	_ =	shalt  }
0x5f: {  	_ =	shalt  }
0x60: {  	_ =	shalt  }
0x61: {  	_ =	shalt  }
0x62: {  	_ =	shalt  }
0x63: {  	_ =	shalt  }
0x64: {  	_ =	shalt  }
0x65: {  	_ =	shalt  }
0x66: {  	_ =	shalt  }
0x67: {  	_ =	shalt  }
0x68: {  	_ =	shalt  }
0x69: {  	_ =	shalt  }
0x6a: {  	_ =	shalt  }
0x6b: {  	_ =	shalt  }
0x6c: {  	_ =	shalt  }
0x6d: {  	_ =	shalt  }
0x6e: {  	_ =	shalt  }
0x6f: {  	_ =	shalt  }
0x70: {  	_ =	shalt  }
0x71: {  	_ =	shalt  }
0x72: {  	_ =	shalt  }
0x73: {  	_ =	shalt  }
0x74: {  	_ =	shalt  }
0x75: {  	_ =	shalt  }
0x76: {  	_ =	shalt  }
0x77: {  	_ =	shalt  }
0x78: {  	_ =	shalt  }
0x79: {  	_ =	shalt  }
0x7a: {  	_ =	shalt  }
0x7b: {  	_ =	shalt  }
0x7c: {  	_ =	shalt  }
0x7d: {  	_ =	shalt  }
0x7e: {  	_ =	shalt  }
0x7f: {  	_ =	shalt  }
0x80: {  	_ =	shalt  }
0x81: {  	_ =	shalt  }
0x82: {  	_ =	shalt  }
0x83: {  	_ =	shalt  }
0x84: {  	_ =	shalt  }
0x85: {  	_ =	shalt  }
0x86: {  	_ =	shalt  }
0x87: {  	_ =	shalt  }
.Lfunc_end0:
.L_simem_size_0:
called_computation.2_lowered:
.L_overlay_start_0:
0x88: {  	s2 =	sld [smem:$0x3FD9]  }
0x89: {  	s3 =	sld [smem:$0x3FFE];
	_ =	sdelay $0x1  }
0x8a: {  	s1 =	srdreg.scid  }
0x8b: {  	s0 =	sand.u32 $0x1, s1  }
0x8c: {  	s17 =	sshll.u32 s0, $0xA;
	s2 =	sadd.s32 s3, s2  }
0x8d: {  	s2 =	sadd.s32 s2, s17  }
0x8e: {  	[smem:$0x3FC0] =	sst s2  }
0x8f: {  	_ = 	snop  }
0x90: {  	s2 =	sld [smem:$0x3FD0];
	(tm) =	ssettm $0x1  }
0x91: {  	s18 =	sld [smem:$0x3FFB];
	_ =	sdelay $0x3  }
0x92: {  	_ =	strace s18  }
0x93: {  	s3 =	sld [smem:$0x3FFC];
	_ =	sdelay $0x3  }
0x94: {  	_ =	strace s3  }
0x95: {  	s3 =	sld [smem:$0x3FFD];
	_ =	sdelay $0x3  }
0x96: {  	_ =	strace s3  }
0x97: {  	_ =	strace $0x8FFFFFFF  }
0x98: {  	s19 =	sld [smem:$0x3FDB];
	_ =	sdelay $0x1  }
0x99: {  	s4 =	simm.s32 $_scs_section_size  }
0x9a: {  	s5 =	simm.s32 $_size__tile_overlayer_lowered;
	s6 =	simm.s32 $_tile_overlayer_lowered  }
0x9b: {  	s22 =	simm.s32 $0x1BFF;
	s21 =	sshll.u32 s6, $0x1;
	s3 =	sadd.s32 s4, s19  }
0x9c: {  	s7 =	simm.s32 $0x0;
	s20 =	sshll.u32 s5, $0x1;
	s5 =	sadd.s32 s21, s3  }
0x9d: {  	[timem:s7], [sflag:s22] =	dma.local [hbm:s5], s20  }
0x9e: {  	_ =	swait.ge [sflag:s22], s20  }
0x9f: {  	s4 =	ssub.s32 $0x0, s20;
	[sflag:s22] =	ssyncset.done $0x0  }
0xa0: {  	[sflag:s22] =	ssyncadd.s32 s4;
	_ =	sdelay $0x1  }
0xa1: {  	s23 =	simm.s32 $0x1B8B  }
0xa2: {  	_ =	swait.ge [sflag:s23], $0x1  }
0xa3: {  	[sflag:s23] =	ssyncset.done $0x0  }
0xa4: {  	s25 =	simm.s32 $0x1B8E;
	s24 =	sld [smem:$0x3FFE];
	[sflag:s23] =	ssyncadd.s32 $0xFFFFFFFF  }
0xa5: {  	s26 =	simm.s32 $execute0_lowered;
	[smem:$0x3FD2] =	sst s25  }
0xa6: {  	s5 =	sshll.u32 s26, $0x1;
	_ =	strace $0x8000004C;
	[dreg:$0x1] =	wrdreg $0xFFFFFFFF  }
0xa7: {  	s28 =	simm.s32 $_size_execute0_lowered;
	s3 =	sadd.s32 s3, s5;
	[dreg:$0x0] =	wrdreg $0x0  }
0xa8: {  	s5 =	sshll.u32 s28, $0x1;
	[dreg:$0x2] =	wrdreg s3  }
0xa9: {  	[dreg:$0x3] =	wrdreg s5  }
0xaa: {  	[dreg:$0x4] =	wrdreg $0xC0  }
0xab: {  	_ =	task [dreg:s7], $0x5FFFF  }
0xac: {  	[dreg:$0x1] =	wrdreg $0xFFFFFFFF  }
0xad: {  	[dreg:$0x0] =	wrdreg $0x60  }
0xae: {  	[dreg:$0x2] =	wrdreg s2  }
0xaf: {  	[dreg:$0x3] =	wrdreg s24  }
0xb0: {  	[dreg:$0x4] =	wrdreg $0x0  }
0xb1: {  	[dreg:$0x5] =	wrdreg $0x9  }
0xb2: {  	_ =	task.clear_ibuf [dreg:s7], $0x6FFFF;
	_ =	strace $0x9000004C  }
0xb3: {  	s29 =	simm.s32 $0x9;
	_ =	strace $0x8000004E  }
0xb4: {  	_ =	swait.ge [sflag:s29], $0x1  }
0xb5: {  	[sflag:s29] =	ssyncadd.s32 $0xFFFFFFFF  }
0xb6: {  	_ =	strace $0x9000004E  }
0xb7: {  	_ =	sfence  }
0xb8: {  	s30 =	sld [smem:$0x0];
	_ =	sdelay $0x2  }
0xb9: {  	s31 =	sshll.u32 s1, $0xD;
	s1 =	sshrl.u32 s1, $0x2  }
0xba: {  	s3 =	sand.u32 $0x4000, s31;
	s1 =	sadd.s32 s1, s30  }
0xbb: {  	s0 =	sor.u32 s3, s0;
	s1 =	sshll.u32 s1, $0x11  }
0xbc: {  	s0 =	sor.u32 s1, s0  }
0xbd: {  	s0 =	sadd.s32 $0x8F2B, s0  }
0xbe: {  	[sflag:s0] =	ssyncadd.remote.s32 $0x1  }
0xbf: {  	_ =	sfence.sel $0xFFFF  }
0xc0: {  	[dreg:$0x0] =	wrdreg $0xFFFFFFFF;
	(pc) =	sbr.abs _section_cstart, $3  }
0xc1: {  	[dreg:$0x1] =	wrdreg $0xFFFFFFFF  }
0xc2: {  	_ =	task.clear_ibuf [dreg:s7], $0x2FFFF;
	_ =	strace $0x9FFFFFFF  }
0xc3: {  	(tm) =	ssettm $0x7FFFFFFF  }
tec
execute0_lowered:
.L_overlay_start_1:
0x0: {  	(tag) =	ssettag $0x1  }
0x1: {  	s0 =	srdreg.scid;
	s1 =	rddreg [dreg:$0x0]  }
0x2: {  	s15 =	stileid.u32;
	s5 =	rddreg [dreg:$0x1]  }
0x3: {  	s3 =	rddreg [dreg:$0x2];
	s4 =	simm.s32 $0x0;
	s18 =	simm.s32 $0x80  }
0x4: {  	s19 =	simm.s32 $0x16C00;
	s20 =	simm.s32 $0x13C80;
	s21 =	simm.s32 $0x1AC00  }
0x5: {  	s22 =	simm.s32 $0x1;
	s23 =	simm.s32 $0x3;
	s24 =	simm.s32 $0x2  }
0x6: {  	s25 =	simm.s32 $0x4;
	s0 =	sand.u32 $0x1, s0;
	s6 =	smul.u32 $0x13C00, s15  }
0x7: {  	[smem:$0x7FF] =	sst s4;
	s12 =	sadd.s32 $0x4A00, s5;
	s10 =	smul.u32 $0x4F000, s15  }
0x8: {  	s30 =	smul.u32 $0x2800, s15;
	s31 =	sshll.u32 s15, $0x6;
	s2 =	sshll.u32 s0, $0x4  }
0x9: {  	s7 =	smul.u32 $0x13C000, s0;
	_ =	strace $0x8000004D;
	s26 =	ssub.s32 $0x2, s0  }
0xa: {  	s0 =	smul.u32 $0x28000, s0;
	s2 =	sor.u32 s15, s2;
	s9 =	sshrl.u32 s6, $0x3  }
0xb: {  	s28 =	sshrl.u32 s26, $0x1;
	s29 =	sshrl.u32 s10, $0x2;
	s15 =	simm.s32 $0x13C00  }
0xc: {  	s2 =	smul.u32 $0x2800, s2;
	s9 =	sadd.s32 s9, s5;
	s6 =	sadd.s32 s6, s7  }
0xd: {  	s13 =	ssub.s32 s26, s28;
	s14 =	sadd.s32 s29, s3;
	s0 =	sadd.s32 s30, s0  }
0xe: {  	s26 =	simm.s32 $0x0;
	s6 =	sshrl.u32 s6, $0x3;
	s0 =	sadd.s32 $0x800, s0  }
.Ltmp0:
0xf: {  	s2 =	sshrl.u32 s2, $0x3;
	s11 =	sadd.s32 s6, s5;
	(pc) =	sbr.rel .LBB2_1-.Ltmp0, $4  }
0x10: {  	s6 =	sor.u32 $0x1C07, s31;
	s0 =	sshrl.u32 s0, $0x3;
	s8 =	sadd.s32 s2, s5  }
0x11: {  	s5 =	sadd.s32 $0x67A00, s9;
	s7 =	sadd.s32 s12, s2;
	s10 =	sadd.s32 $0x8F200, s11  }
0x12: {  	s11 =	smax.u32 s13, $0x1;
	s12 =	sadd.s32 s0, s12;
	s13 =	sshrl.u32 s14, $0x3  }
0x13: {  	s14 =	simm.s32 $0x7;
	s8 =	sadd.s32 $0xEA00, s8;
	s9 =	sadd.s32 $0x80, s7  }
.LBB2_6:
0x14: {  	_ =	swait.ge [sflag:s24], $0x4000  }
0x15: {  	[sflag:s24] =	ssyncset.done $0x0  }
0x16: {  	s0 =	sadd.s32 $0x16780, s0;
	[sflag:s24] =	ssyncadd.s32 $0xFFFFC000  }
0x17: {  	[spmem:s3] =	stream.indirect.scatter.add.f32 [tilespmem:s21], [sflag:$0x4], $0x80, s0, s18, $0xb8;
	[tilespmem:$0x1EC00] =	vst v63  }
0x18: {  	_ =	swait.ge [sflag:s25], $0x4000  }
0x19: {  	[sflag:s25] =	ssyncset.done $0x0  }
0x1a: {  	[sflag:s25] =	ssyncadd.s32 $0xFFFFC000  }
.LBB2_4:
0x1b: {  	s26 =	sadd.s32 $0x1, s26  }
0x1c: {  	p0 =	sne.s32 s26, s11  }
.Ltmp1:
0x1d: {  	[bflag:$0x0] =	sbarrier.arrive $0xFFFF;
	(pc) =	sbr.rel @!p0 .LBB2_5-.Ltmp1, $4  }
0x1e: {  	[hbm:s10], [sflag:s6] =	dma.local [spmem:s13], $0x2780  }
0x1f: {  	_ =	swait.ge [sflag:s14], $0x2780  }
0x20: {  	[sflag:s14] =	ssyncset.done $0x0  }
0x21: {  	[sflag:s14] =	ssyncadd.s32 $0xFFFFD880  }
.LBB2_1:
0x22: {  	[spmem:s13], [sflag:s6] =	dma.local [hbm:s5], $0x2780  }
0x23: {  	_ =	swait.ge [sflag:s14], $0x2780  }
0x24: {  	[sflag:s14] =	ssyncset.done $0x0  }
0x25: {  	[sflag:s14] =	ssyncadd.s32 $0xFFFFD880  }
0x26: {  	[tilespmem:s15], [sflag:$0x7] =	stream.linear.gather [hbm4b:s8+s4], $0x2800, $0x38;
	[tilespmem:$0x1EC00] =	vst v63  }
0x27: {  	_ =	swait.ge [sflag:s14], $0x2800  }
0x28: {  	[sflag:s14] =	ssyncset.done $0x0  }
0x29: {  	[sflag:s14] =	ssyncadd.s32 $0xFFFFD800  }
0x2a: {  	s0 =	simm.s32 $0x16400;
	[bflag:$0x0] =	sbarrier.arrive $0xFFFF  }
0x2b: {  	[tilespmem:s0], [sflag:$0x5] =	stream.linear.gather [hbm4b:s7+s4], $0x400, $0x38;
	[tilespmem:$0x1EC00] =	vst v63  }
0x2c: {  	s31 =	simm.s32 $0x16800  }
0x2d: {  	[tilespmem:s31], [sflag:$0x6] =	stream.linear.gather [hbm4b:s9+s4], $0x400, $0x38;
	[tilespmem:$0x1EC00] =	vst v63  }
0x2e: {  	_ = 	snop  }
0x2f: {  	[tilespmem:s19], [sflag:$0x1] =	stream.indirect.gather [hbm4b:s1+s18], $0x80, s15, s18, $0xb8;
	[tilespmem:$0x1EC00] =	vst v63  }
0x30: {  	s28 =	simm.s32 $0x0;
	s29 =	smov.u32 s12;
	s30 =	simm.s32 $0x0  }
0x31: {  	[tilespmem:s21], [sflag:$0x2] =	stream.indirect.gather [hbm4b:s1+s18], $0x80, s20, s18, $0xb8;
	[tilespmem:$0x1EC00] =	vst v63  }
.LBB2_2:
0x32: {  	s0 =	sand.u32 $0x1, s30  }
0x33: {  	s31 =	sadd.s32 $0x5, s0  }
0x34: {  	_ =	swait.ge [sflag:s31], $0x400  }
0x35: {  	[sflag:s31] =	ssyncset.done $0x0  }
0x36: {  	[sflag:s31] =	ssyncadd.s32 $0xFFFFFC00  }
0x37: {  	_ =	swait.ge [sflag:s22], $0x4000  }
0x38: {  	s0 =	sshll.u32 s0, $0xA;
	[sflag:s22] =	ssyncset.done $0x0  }
0x39: {  	s2 =	sadd.s32 $0x16400, s0;
	[sflag:s22] =	ssyncadd.s32 $0xFFFFC000  }
0x3a: {  	[spmem:s3] =	stream.indirect.scatter.add.f32 [tilespmem:s19], [sflag:$0x3], $0x80, s2, s18, $0xb8;
	[tilespmem:$0x1EC00] =	vst v63  }
0x3b: {  	_ =	swait.ge [sflag:s23], $0x4000  }
0x3c: {  	s16 =	sshra.s32 s28, $0x2;
	[sflag:s23] =	ssyncset.done $0x0  }
0x3d: {  	s17 =	sadd.s32 $0x13D00, s16;
	[sflag:s23] =	ssyncadd.s32 $0xFFFFC000  }
0x3e: {  	[tilespmem:s19], [sflag:$0x1] =	stream.indirect.gather [hbm4b:s1+s18], $0x80, s17, s18, $0xb8;
	[tilespmem:$0x1EC00] =	vst v63  }
0x3f: {  	_ =	swait.ge [sflag:s24], $0x4000  }
0x40: {  	[sflag:s24] =	ssyncset.done $0x0  }
0x41: {  	s17 =	sadd.s32 $0x16480, s0;
	[sflag:s24] =	ssyncadd.s32 $0xFFFFC000  }
0x42: {  	[spmem:s3] =	stream.indirect.scatter.add.f32 [tilespmem:s21], [sflag:$0x4], $0x80, s17, s18, $0xb8;
	[tilespmem:$0x1EC00] =	vst v63  }
0x43: {  	_ =	swait.ge [sflag:s25], $0x4000  }
0x44: {  	[sflag:s25] =	ssyncset.done $0x0  }
0x45: {  	s17 =	sadd.s32 $0x13D80, s16;
	[sflag:s25] =	ssyncadd.s32 $0xFFFFC000  }
0x46: {  	[tilespmem:s21], [sflag:$0x2] =	stream.indirect.gather [hbm4b:s1+s18], $0x80, s17, s18, $0xb8;
	[tilespmem:$0x1EC00] =	vst v63  }
0x47: {  	_ =	swait.ge [sflag:s22], $0x4000  }
0x48: {  	[sflag:s22] =	ssyncset.done $0x0  }
0x49: {  	s17 =	sadd.s32 $0x16500, s0;
	[sflag:s22] =	ssyncadd.s32 $0xFFFFC000  }
0x4a: {  	[spmem:s3] =	stream.indirect.scatter.add.f32 [tilespmem:s19], [sflag:$0x3], $0x80, s17, s18, $0xb8;
	[tilespmem:$0x1EC00] =	vst v63  }
0x4b: {  	_ =	swait.ge [sflag:s23], $0x4000  }
0x4c: {  	[sflag:s23] =	ssyncset.done $0x0  }
0x4d: {  	s17 =	sadd.s32 $0x13E00, s16;
	[sflag:s23] =	ssyncadd.s32 $0xFFFFC000  }
0x4e: {  	[tilespmem:s19], [sflag:$0x1] =	stream.indirect.gather [hbm4b:s1+s18], $0x80, s17, s18, $0xb8;
	[tilespmem:$0x1EC00] =	vst v63  }
0x4f: {  	_ =	swait.ge [sflag:s24], $0x4000  }
0x50: {  	[sflag:s24] =	ssyncset.done $0x0  }
0x51: {  	s17 =	sadd.s32 $0x16580, s0;
	[sflag:s24] =	ssyncadd.s32 $0xFFFFC000  }
0x52: {  	[spmem:s3] =	stream.indirect.scatter.add.f32 [tilespmem:s21], [sflag:$0x4], $0x80, s17, s18, $0xb8;
	[tilespmem:$0x1EC00] =	vst v63  }
0x53: {  	_ =	swait.ge [sflag:s25], $0x4000  }
0x54: {  	[sflag:s25] =	ssyncset.done $0x0  }
0x55: {  	s17 =	sadd.s32 $0x13E80, s16;
	[sflag:s25] =	ssyncadd.s32 $0xFFFFC000  }
0x56: {  	[tilespmem:s21], [sflag:$0x2] =	stream.indirect.gather [hbm4b:s1+s18], $0x80, s17, s18, $0xb8;
	[tilespmem:$0x1EC00] =	vst v63  }
0x57: {  	_ =	swait.ge [sflag:s22], $0x4000  }
0x58: {  	[sflag:s22] =	ssyncset.done $0x0  }
0x59: {  	s17 =	sadd.s32 $0x16600, s0;
	[sflag:s22] =	ssyncadd.s32 $0xFFFFC000  }
0x5a: {  	[spmem:s3] =	stream.indirect.scatter.add.f32 [tilespmem:s19], [sflag:$0x3], $0x80, s17, s18, $0xb8;
	[tilespmem:$0x1EC00] =	vst v63  }
0x5b: {  	_ =	swait.ge [sflag:s23], $0x4000  }
0x5c: {  	[sflag:s23] =	ssyncset.done $0x0  }
0x5d: {  	s17 =	sadd.s32 $0x13F00, s16;
	[sflag:s23] =	ssyncadd.s32 $0xFFFFC000  }
0x5e: {  	[tilespmem:s19], [sflag:$0x1] =	stream.indirect.gather [hbm4b:s1+s18], $0x80, s17, s18, $0xb8;
	[tilespmem:$0x1EC00] =	vst v63  }
0x5f: {  	_ =	swait.ge [sflag:s24], $0x4000  }
0x60: {  	[sflag:s24] =	ssyncset.done $0x0  }
0x61: {  	s17 =	sadd.s32 $0x16680, s0;
	[sflag:s24] =	ssyncadd.s32 $0xFFFFC000  }
0x62: {  	[spmem:s3] =	stream.indirect.scatter.add.f32 [tilespmem:s21], [sflag:$0x4], $0x80, s17, s18, $0xb8;
	[tilespmem:$0x1EC00] =	vst v63  }
0x63: {  	_ =	swait.ge [sflag:s25], $0x4000  }
0x64: {  	[sflag:s25] =	ssyncset.done $0x0  }
0x65: {  	s17 =	sadd.s32 $0x13F80, s16;
	[sflag:s25] =	ssyncadd.s32 $0xFFFFC000  }
0x66: {  	[tilespmem:s21], [sflag:$0x2] =	stream.indirect.gather [hbm4b:s1+s18], $0x80, s17, s18, $0xb8;
	[tilespmem:$0x1EC00] =	vst v63  }
0x67: {  	_ =	swait.ge [sflag:s22], $0x4000  }
0x68: {  	p0 =	seq.s32 s28, $0x9000;
	[sflag:s22] =	ssyncset.done $0x0  }
.Ltmp2:
0x69: {  	s17 =	sadd.s32 $0x16700, s0;
	[sflag:s22] =	ssyncadd.s32 $0xFFFFC000;
	(pc) =	sbr.rel @p0 .LBB2_6-.Ltmp2, $4  }
0x6a: {  	[spmem:s3] =	stream.indirect.scatter.add.f32 [tilespmem:s19], [sflag:$0x3], $0x80, s17, s18, $0xb8;
	[tilespmem:$0x1EC00] =	vst v63  }
0x6b: {  	_ =	swait.ge [sflag:s23], $0x4000  }
0x6c: {  	[sflag:s23] =	ssyncset.done $0x0  }
0x6d: {  	[sflag:s23] =	ssyncadd.s32 $0xFFFFC000  }
0x6e: {  	s17 =	sadd.s32 $0x14000, s16  }
0x6f: {  	[tilespmem:s19], [sflag:$0x1] =	stream.indirect.gather [hbm4b:s1+s18], $0x80, s17, s18, $0xb8;
	[tilespmem:$0x1EC00] =	vst v63  }
0x70: {  	_ =	swait.ge [sflag:s24], $0x4000  }
0x71: {  	[sflag:s24] =	ssyncset.done $0x0  }
0x72: {  	s0 =	sadd.s32 $0x16780, s0;
	[sflag:s24] =	ssyncadd.s32 $0xFFFFC000  }
0x73: {  	[spmem:s3] =	stream.indirect.scatter.add.f32 [tilespmem:s21], [sflag:$0x4], $0x80, s0, s18, $0xb8;
	[tilespmem:$0x1EC00] =	vst v63  }
0x74: {  	_ =	swait.ge [sflag:s25], $0x4000  }
0x75: {  	[sflag:s25] =	ssyncset.done $0x0  }
0x76: {  	p0 =	sgt.u32 s30, $0x7;
	s17 =	sadd.s32 $0x14080, s16;
	[sflag:s25] =	ssyncadd.s32 $0xFFFFC000  }
0x77: {  	[tilespmem:s21], [sflag:$0x2] =	stream.indirect.gather [hbm4b:s1+s18], $0x80, s17, s18, $0xb8;
	[tilespmem:$0x1EC00] =	vst v63  }
0x78: {  	s28 =	sadd.s32 $0x1000, s28;
	s0 =	simm.s32 @!p0 $0x0  }
0x79: {  	[tilespmem:s2], [sflag:s31] =	stream.linear.gather @!p0 [hbm4b:s29+s0], $0x400, $0x38;
	[tilespmem:$0x1EC00] =	vst v63  }
0x7a: {  	p0 =	sne.s32 s28, $0xA000  }
.Ltmp3:
0x7b: {  	_ = 	snop;
	(pc) =	sbr.rel @p0 .LBB2_2-.Ltmp3, $4  }
.Ltmp4:
0x7c: {  	_ = 	snop;
	(pc) =	sbr.rel @!p0 .LBB2_4-.Ltmp4, $4  }
0x7d: {  	_ = 	snop  }
0x7e: {  	_ = 	snop  }
0x7f: {  	s30 =	sadd.s32 $0x1, s30;
	s29 =	sadd.s32 $0x80, s29  }
0x80: {  	_ = 	snop  }
.LBB2_5:
0x81: {  	_ =	sfence.sel $0x180000  }
0x82: {  	[bflag:$0x0] =	sbarrier.arrive $0xFFFF  }
0x83: {  	_ =	strace $0x9000004D  }
0x84: {  	s0 =	stileid.u32;
	[bflag:$0x2] =	sbarrier.arrive $0xFFFF  }
0x85: {  	p0 =	sne.s32 s0, $0x0;
	s0 =	rddreg [dreg:$0x3]  }
0x86: {  	s0 =	sadd.s32 @!p0 $0x100000, s0  }
0x87: {  	[sflag:s0] =	ssyncadd.tile.s32 @!p0 $0x1;
	_ =	shalt  }
.Lfunc_end2:
_tile_overlayer_lowered:
.L_overlay_start_2:
0x88: {  	(tag) =	ssettag $0x2  }
0x89: {  	s0 =	rddreg [dreg:$0x0];
	s2 =	stileid.u32  }
0x8a: {  	s1 =	rddreg [dreg:$0x1];
	p0 =	sne.s32 s2, $0x0  }
0x8b: {  	s3 =	rddreg [dreg:$0x2];
	[bflag:$0x3] =	sbarrier.arrive $0xFFFF;
	s2 =	simm.s32 @!p0 $0x1C07  }
0x8c: {  	[timem:s3], [sflag:s2] =	dma.local @!p0 [hbm:s0], s1  }
0x8d: {  	s0 =	simm.s32 @!p0 $0x7  }
0x8e: {  	_ =	swait.ge @!p0 [sflag:s0], s1  }
0x8f: {  	s1 =	ssub.s32 @!p0 $0x0, s1;
	[sflag:s0] =	ssyncset.done @!p0 $0x0  }
0x90: {  	[sflag:s0] =	ssyncadd.s32 @!p0 s1  }
0x91: {  	[bflag:$0x3] =	sbarrier.arrive $0xFFFF  }
0x92: {  	_ =	shalt  }

// kernel: kernel.19.cloned.1.call-start
scs
__scs_entry_jumppad:
0x0: {  	(pc) =	sbr.rel $0x88, $3  }
0x1: {  	(tag) =	ssettag $0x0;
	lr =	simm.s32 $0x1  }
0x2: {  	[smem:$0x3F99] =	sst lr;
	_ =	strace $0xD0000000  }
0x3: {  	_ = 	snop  }
0x4: {  	_ = 	snop  }
0x5: {  	_ = 	snop  }
0x6: {  	_ = 	snop  }
0x7: {  	_ = 	snop  }
__scs_overlays_trampoline_lowered:
0x8: {  	[smem:$0x3FA8] =	sst s0  }
0x9: {  	[smem:$0x3FA9] =	sst s1  }
0xa: {  	[smem:$0x3FAA] =	sst s2  }
0xb: {  	[smem:$0x3FAB] =	sst s3  }
0xc: {  	[smem:$0x3FAC] =	sst s4  }
0xd: {  	[smem:$0x3FAD] =	sst s5  }
0xe: {  	[smem:$0x3FAE] =	sst s6  }
0xf: {  	[smem:$0x3FAF] =	sst s7  }
0x10: {  	[smem:$0x3FB0] =	sst s8  }
0x11: {  	[smem:$0x3FB1] =	sst s9;
	s0 =	simm.s32 @!p0 $0x0  }
0x12: {  	s1 =	sld [smem:$0x3F97];
	s0 =	simm.s32 @p0 $0x1  }
0x13: {  	[smem:$0x3FB2] =	sst s0;
	s0 =	simm.s32 @!p1 $0x0  }
0x14: {  	s2 =	sld [smem:$0x3F96];
	s0 =	simm.s32 @p1 $0x1  }
0x15: {  	[smem:$0x3FB3] =	sst s0;
	s0 =	simm.s32 @!p2 $0x0  }
0x16: {  	s3 =	sld [smem:$0x3FDB];
	s0 =	simm.s32 @p2 $0x1  }
0x17: {  	s4 =	simm.s32 $0x1BF5;
	[smem:$0x3FB5] =	sst s0  }
0x18: {  	s0 =	sld [smem:$0x3F98];
	_ =	swait.ge [sflag:s4], $0x0  }
0x19: {  	s7 =	sld [smem:$0x3F99]  }
0x1a: {  	s8 =	sadd.s32 $0xFFFFE003, lr  }
0x1b: {  	s9 =	sadd.s32 $0xFFFFFEF7, lr;
	s5 =	simm.s32 $0xFFFFFFFF;
	p2 =	slt.u32 s8, $0xFFFFF086  }
0x1c: {  	p1 =	slt.u32 s9, $0xF7A;
	s5 =	simm.s32 @!p2 $0x0  }
0x1d: {  	s5 =	simm.s32 @p1 $0x1;
	p0 =	seq.s32 s7, s2  }
0x1e: {  	s7 =	smul.u32 @!p0 $0xF7A, s2;
	p2 =	seq.s32 @!p0 s5, $0x0  }
0x1f: {  	s9 =	smul.u32 $0xF7A, s1;
	s8 =	simm.s32 @!p0 $0x1BF5;
	p2 =	por !p2, p0  }
0x20: {  	[sflag:s8] =	ssyncset.s32 @!p0 $0xFFFFF086;
	s6 =	sadd.s32 @!p0 s3, s7;
	s7 =	simm.s32 @!p0 $0x108  }
0x21: {  	s3 =	sadd.s32 s3, s9;
	s6 =	sadd.s32 @!p0 $0x88, s6;
	s7 =	simm.s32 @p2 $0x1082  }
0x22: {  	[simem:s7], [sflag:s8] =	dma.local @!p0 [hbm:s6], $0xF7A  }
0x23: {  	s9 =	sor.u32 $0xD0000000, s2;
	s6 =	simm.s32 $0x108;
	_ =	swait.ge @!p0 [sflag:s8], $0x0  }
0x24: {  	s3 =	sadd.s32 $0x88, s3;
	s6 =	simm.s32 @!p1 $0x1082;
	[sflag:s4] =	ssyncset.s32 $0xFFFFF086  }
0x25: {  	[simem:s6], [sflag:s4] =	dma.local [hbm:s3], $0xF7A  }
0x26: {  	[smem:$0x3F99] =	sst s1;
	(tag) =	ssettag s2;
	_ =	strace s9  }
0x27: {  	s1 =	sld [smem:$0x3FA9]  }
0x28: {  	s2 =	sld [smem:$0x3FAA]  }
0x29: {  	s4 =	sld [smem:$0x3FAC]  }
0x2a: {  	p0 =	seq.s32 s5, $0x0;
	s5 =	sld [smem:$0x3FAD]  }
0x2b: {  	s6 =	sld [smem:$0x3FAE]  }
0x2c: {  	s7 =	sld [smem:$0x3FAF]  }
0x2d: {  	s3 =	simm.s32 $0x108;
	s8 =	sld [smem:$0x3FB0]  }
0x2e: {  	s3 =	simm.s32 @!p0 $0x1082;
	s9 =	sld [smem:$0x3FB1]  }
0x2f: {  	lr =	sadd.s32 s0, s3;
	s0 =	sld [smem:$0x3FA8]  }
0x30: {  	s3 =	sld [smem:$0x3FAB]  }
0x31: {  	[smem:$0x3FB4] =	sst s10  }
0x32: {  	s10 =	sld [smem:$0x3FB2];
	_ =	sdelay $0x3  }
0x33: {  	p0 =	seq.s32 s10, $0x1;
	s10 =	sld [smem:$0x3FB4];
	_ =	sdelay $0x3  }
0x34: {  	[smem:$0x3FB4] =	sst s10  }
0x35: {  	s10 =	sld [smem:$0x3FB3];
	_ =	sdelay $0x3  }
0x36: {  	p1 =	seq.s32 s10, $0x1;
	s10 =	sld [smem:$0x3FB4];
	_ =	sdelay $0x3  }
0x37: {  	[smem:$0x3FB4] =	sst s10  }
0x38: {  	s10 =	sld [smem:$0x3FB5]  }
0x39: {  	_ = 	snop;
	(pc) =	sbr.ind lr, $3  }
0x3a: {  	_ = 	snop  }
0x3b: {  	_ = 	snop  }
0x3c: {  	p2 =	seq.s32 s10, $0x1;
	s10 =	sld [smem:$0x3FB4]  }
0x3d: {  	_ =	shalt  }
0x3e: {  	_ =	shalt  }
0x3f: {  	_ =	shalt  }
0x40: {  	_ =	shalt  }
0x41: {  	_ =	shalt  }
0x42: {  	_ =	shalt  }
0x43: {  	_ =	shalt  }
0x44: {  	_ =	shalt  }
0x45: {  	_ =	shalt  }
0x46: {  	_ =	shalt  }
0x47: {  	_ =	shalt  }
0x48: {  	_ =	shalt  }
0x49: {  	_ =	shalt  }
0x4a: {  	_ =	shalt  }
0x4b: {  	_ =	shalt  }
0x4c: {  	_ =	shalt  }
0x4d: {  	_ =	shalt  }
0x4e: {  	_ =	shalt  }
0x4f: {  	_ =	shalt  }
0x50: {  	_ =	shalt  }
0x51: {  	_ =	shalt  }
0x52: {  	_ =	shalt  }
0x53: {  	_ =	shalt  }
0x54: {  	_ =	shalt  }
0x55: {  	_ =	shalt  }
0x56: {  	_ =	shalt  }
0x57: {  	_ =	shalt  }
0x58: {  	_ =	shalt  }
0x59: {  	_ =	shalt  }
0x5a: {  	_ =	shalt  }
0x5b: {  	_ =	shalt  }
0x5c: {  	_ =	shalt  }
0x5d: {  	_ =	shalt  }
0x5e: {  	_ =	shalt  }
0x5f: {  	_ =	shalt  }
0x60: {  	_ =	shalt  }
0x61: {  	_ =	shalt  }
0x62: {  	_ =	shalt  }
0x63: {  	_ =	shalt  }
0x64: {  	_ =	shalt  }
0x65: {  	_ =	shalt  }
0x66: {  	_ =	shalt  }
0x67: {  	_ =	shalt  }
0x68: {  	_ =	shalt  }
0x69: {  	_ =	shalt  }
0x6a: {  	_ =	shalt  }
0x6b: {  	_ =	shalt  }
0x6c: {  	_ =	shalt  }
0x6d: {  	_ =	shalt  }
0x6e: {  	_ =	shalt  }
0x6f: {  	_ =	shalt  }
0x70: {  	_ =	shalt  }
0x71: {  	_ =	shalt  }
0x72: {  	_ =	shalt  }
0x73: {  	_ =	shalt  }
0x74: {  	_ =	shalt  }
0x75: {  	_ =	shalt  }
0x76: {  	_ =	shalt  }
0x77: {  	_ =	shalt  }
0x78: {  	_ =	shalt  }
0x79: {  	_ =	shalt  }
0x7a: {  	_ =	shalt  }
0x7b: {  	_ =	shalt  }
0x7c: {  	_ =	shalt  }
0x7d: {  	_ =	shalt  }
0x7e: {  	_ =	shalt  }
0x7f: {  	_ =	shalt  }
0x80: {  	_ =	shalt  }
0x81: {  	_ =	shalt  }
0x82: {  	_ =	shalt  }
0x83: {  	_ =	shalt  }
0x84: {  	_ =	shalt  }
0x85: {  	_ =	shalt  }
0x86: {  	_ =	shalt  }
0x87: {  	_ =	shalt  }
.Lfunc_end0:
.L_simem_size_0:
called_computation.3_lowered:
.L_overlay_start_0:
0x88: {  	s2 =	sld [smem:$0x3FD9]  }
0x89: {  	s3 =	sld [smem:$0x3FFE];
	_ =	sdelay $0x1  }
0x8a: {  	s1 =	srdreg.scid  }
0x8b: {  	s0 =	sand.u32 $0x1, s1  }
0x8c: {  	s17 =	sshll.u32 s0, $0xA;
	s2 =	sadd.s32 s3, s2  }
0x8d: {  	s2 =	sadd.s32 s2, s17  }
0x8e: {  	[smem:$0x3FC0] =	sst s2  }
0x8f: {  	_ = 	snop  }
0x90: {  	s2 =	sld [smem:$0x3FD0];
	(tm) =	ssettm $0x1  }
0x91: {  	s18 =	sld [smem:$0x3FFB];
	_ =	sdelay $0x3  }
0x92: {  	_ =	strace s18  }
0x93: {  	s3 =	sld [smem:$0x3FFC];
	_ =	sdelay $0x3  }
0x94: {  	_ =	strace s3  }
0x95: {  	s3 =	sld [smem:$0x3FFD];
	_ =	sdelay $0x3  }
0x96: {  	_ =	strace s3  }
0x97: {  	_ =	strace $0x8FFFFFFF  }
0x98: {  	s19 =	sld [smem:$0x3FDB];
	_ =	sdelay $0x1  }
0x99: {  	s4 =	simm.s32 $_scs_section_size  }
0x9a: {  	s5 =	simm.s32 $_size__tile_overlayer_lowered;
	s6 =	simm.s32 $_tile_overlayer_lowered  }
0x9b: {  	s22 =	simm.s32 $0x1BFF;
	s21 =	sshll.u32 s6, $0x1;
	s3 =	sadd.s32 s4, s19  }
0x9c: {  	s7 =	simm.s32 $0x0;
	s20 =	sshll.u32 s5, $0x1;
	s5 =	sadd.s32 s21, s3  }
0x9d: {  	[timem:s7], [sflag:s22] =	dma.local [hbm:s5], s20  }
0x9e: {  	_ =	swait.ge [sflag:s22], s20  }
0x9f: {  	s4 =	ssub.s32 $0x0, s20;
	[sflag:s22] =	ssyncset.done $0x0  }
0xa0: {  	[sflag:s22] =	ssyncadd.s32 s4;
	_ =	sdelay $0x1  }
0xa1: {  	s23 =	simm.s32 $0x1B8B  }
0xa2: {  	_ =	swait.ge [sflag:s23], $0x1  }
0xa3: {  	[sflag:s23] =	ssyncset.done $0x0  }
0xa4: {  	s25 =	simm.s32 $0x1B8E;
	s24 =	sld [smem:$0x3FFE];
	[sflag:s23] =	ssyncadd.s32 $0xFFFFFFFF  }
0xa5: {  	s26 =	simm.s32 $execute0_lowered;
	[smem:$0x3FD2] =	sst s25  }
0xa6: {  	s5 =	sshll.u32 s26, $0x1;
	_ =	strace $0x8000004F;
	[dreg:$0x1] =	wrdreg $0xFFFFFFFF  }
0xa7: {  	s28 =	simm.s32 $_size_execute0_lowered;
	s3 =	sadd.s32 s3, s5;
	[dreg:$0x0] =	wrdreg $0x0  }
0xa8: {  	s5 =	sshll.u32 s28, $0x1;
	[dreg:$0x2] =	wrdreg s3  }
0xa9: {  	[dreg:$0x3] =	wrdreg s5  }
0xaa: {  	[dreg:$0x4] =	wrdreg $0xC0  }
0xab: {  	_ =	task [dreg:s7], $0x5FFFF  }
0xac: {  	[dreg:$0x1] =	wrdreg $0xFFFFFFFF  }
0xad: {  	[dreg:$0x0] =	wrdreg $0x60  }
0xae: {  	[dreg:$0x2] =	wrdreg s2  }
0xaf: {  	[dreg:$0x3] =	wrdreg s24  }
0xb0: {  	[dreg:$0x4] =	wrdreg $0x0  }
0xb1: {  	[dreg:$0x5] =	wrdreg $0x9  }
0xb2: {  	_ =	task.clear_ibuf [dreg:s7], $0x6FFFF;
	_ =	strace $0x9000004F  }
0xb3: {  	s29 =	simm.s32 $0x9;
	_ =	strace $0x80000051  }
0xb4: {  	_ =	swait.ge [sflag:s29], $0x1  }
0xb5: {  	[sflag:s29] =	ssyncadd.s32 $0xFFFFFFFF  }
0xb6: {  	_ =	strace $0x90000051  }
0xb7: {  	_ =	sfence  }
0xb8: {  	s30 =	sld [smem:$0x0];
	_ =	sdelay $0x2  }
0xb9: {  	s31 =	sshll.u32 s1, $0xD;
	s1 =	sshrl.u32 s1, $0x2  }
0xba: {  	s3 =	sand.u32 $0x4000, s31;
	s1 =	sadd.s32 s1, s30  }
0xbb: {  	s0 =	sor.u32 s3, s0;
	s1 =	sshll.u32 s1, $0x11  }
0xbc: {  	s0 =	sor.u32 s1, s0  }
0xbd: {  	s0 =	sadd.s32 $0x8F2B, s0  }
0xbe: {  	[sflag:s0] =	ssyncadd.remote.s32 $0x1  }
0xbf: {  	_ =	sfence.sel $0xFFFF  }
0xc0: {  	[dreg:$0x0] =	wrdreg $0xFFFFFFFF;
	(pc) =	sbr.abs _section_cstart, $3  }
0xc1: {  	[dreg:$0x1] =	wrdreg $0xFFFFFFFF  }
0xc2: {  	_ =	task.clear_ibuf [dreg:s7], $0x2FFFF;
	_ =	strace $0x9FFFFFFF  }
0xc3: {  	(tm) =	ssettm $0x7FFFFFFF  }
tec
execute0_lowered:
.L_overlay_start_1:
0x0: {  	(tag) =	ssettag $0x1  }
0x1: {  	s0 =	srdreg.scid;
	s1 =	rddreg [dreg:$0x0]  }
0x2: {  	s15 =	stileid.u32;
	s5 =	rddreg [dreg:$0x1]  }
0x3: {  	s3 =	rddreg [dreg:$0x2];
	s4 =	simm.s32 $0x0;
	s18 =	simm.s32 $0x80  }
0x4: {  	s19 =	simm.s32 $0x16C00;
	s20 =	simm.s32 $0x13C80;
	s21 =	simm.s32 $0x1AC00  }
0x5: {  	s22 =	simm.s32 $0x1;
	s23 =	simm.s32 $0x3;
	s24 =	simm.s32 $0x2  }
0x6: {  	s25 =	simm.s32 $0x4;
	s0 =	sand.u32 $0x1, s0;
	s6 =	smul.u32 $0x13C00, s15  }
0x7: {  	[smem:$0x7FF] =	sst s4;
	s12 =	sadd.s32 $0x4A00, s5;
	s10 =	smul.u32 $0x4F000, s15  }
0x8: {  	s30 =	smul.u32 $0x2800, s15;
	s31 =	sshll.u32 s15, $0x6;
	s2 =	sshll.u32 s0, $0x4  }
0x9: {  	s7 =	smul.u32 $0x13C000, s0;
	_ =	strace $0x80000050;
	s26 =	ssub.s32 $0x2, s0  }
0xa: {  	s0 =	smul.u32 $0x28000, s0;
	s2 =	sor.u32 s15, s2;
	s9 =	sshrl.u32 s6, $0x3  }
0xb: {  	s28 =	sshrl.u32 s26, $0x1;
	s29 =	sshrl.u32 s10, $0x2;
	s15 =	simm.s32 $0x13C00  }
0xc: {  	s2 =	smul.u32 $0x2800, s2;
	s9 =	sadd.s32 s9, s5;
	s6 =	sadd.s32 s6, s7  }
0xd: {  	s13 =	ssub.s32 s26, s28;
	s14 =	sadd.s32 s29, s3;
	s0 =	sadd.s32 s30, s0  }
0xe: {  	s26 =	simm.s32 $0x0;
	s6 =	sshrl.u32 s6, $0x3;
	s0 =	sadd.s32 $0x800, s0  }
.Ltmp0:
0xf: {  	s2 =	sshrl.u32 s2, $0x3;
	s11 =	sadd.s32 s6, s5;
	(pc) =	sbr.rel .LBB2_1-.Ltmp0, $4  }
0x10: {  	s6 =	sor.u32 $0x1C07, s31;
	s0 =	sshrl.u32 s0, $0x3;
	s8 =	sadd.s32 s2, s5  }
0x11: {  	s5 =	sadd.s32 $0x67A00, s9;
	s7 =	sadd.s32 s12, s2;
	s10 =	sadd.s32 $0x8F200, s11  }
0x12: {  	s11 =	smax.u32 s13, $0x1;
	s12 =	sadd.s32 s0, s12;
	s13 =	sshrl.u32 s14, $0x3  }
0x13: {  	s14 =	simm.s32 $0x7;
	s8 =	sadd.s32 $0xEA00, s8;
	s9 =	sadd.s32 $0x80, s7  }
.LBB2_6:
0x14: {  	_ =	swait.ge [sflag:s24], $0x4000  }
0x15: {  	[sflag:s24] =	ssyncset.done $0x0  }
0x16: {  	s0 =	sadd.s32 $0x16780, s0;
	[sflag:s24] =	ssyncadd.s32 $0xFFFFC000  }
0x17: {  	[spmem:s3] =	stream.indirect.scatter.add.f32 [tilespmem:s21], [sflag:$0x4], $0x80, s0, s18, $0xb8;
	[tilespmem:$0x1EC00] =	vst v63  }
0x18: {  	_ =	swait.ge [sflag:s25], $0x4000  }
0x19: {  	[sflag:s25] =	ssyncset.done $0x0  }
0x1a: {  	[sflag:s25] =	ssyncadd.s32 $0xFFFFC000  }
.LBB2_4:
0x1b: {  	s26 =	sadd.s32 $0x1, s26  }
0x1c: {  	p0 =	sne.s32 s26, s11  }
.Ltmp1:
0x1d: {  	[bflag:$0x0] =	sbarrier.arrive $0xFFFF;
	(pc) =	sbr.rel @!p0 .LBB2_5-.Ltmp1, $4  }
0x1e: {  	[hbm:s10], [sflag:s6] =	dma.local [spmem:s13], $0x2780  }
0x1f: {  	_ =	swait.ge [sflag:s14], $0x2780  }
0x20: {  	[sflag:s14] =	ssyncset.done $0x0  }
0x21: {  	[sflag:s14] =	ssyncadd.s32 $0xFFFFD880  }
.LBB2_1:
0x22: {  	[spmem:s13], [sflag:s6] =	dma.local [hbm:s5], $0x2780  }
0x23: {  	_ =	swait.ge [sflag:s14], $0x2780  }
0x24: {  	[sflag:s14] =	ssyncset.done $0x0  }
0x25: {  	[sflag:s14] =	ssyncadd.s32 $0xFFFFD880  }
0x26: {  	[tilespmem:s15], [sflag:$0x7] =	stream.linear.gather [hbm4b:s8+s4], $0x2800, $0x38;
	[tilespmem:$0x1EC00] =	vst v63  }
0x27: {  	_ =	swait.ge [sflag:s14], $0x2800  }
0x28: {  	[sflag:s14] =	ssyncset.done $0x0  }
0x29: {  	[sflag:s14] =	ssyncadd.s32 $0xFFFFD800  }
0x2a: {  	s0 =	simm.s32 $0x16400;
	[bflag:$0x0] =	sbarrier.arrive $0xFFFF  }
0x2b: {  	[tilespmem:s0], [sflag:$0x5] =	stream.linear.gather [hbm4b:s7+s4], $0x400, $0x38;
	[tilespmem:$0x1EC00] =	vst v63  }
0x2c: {  	s31 =	simm.s32 $0x16800  }
0x2d: {  	[tilespmem:s31], [sflag:$0x6] =	stream.linear.gather [hbm4b:s9+s4], $0x400, $0x38;
	[tilespmem:$0x1EC00] =	vst v63  }
0x2e: {  	_ = 	snop  }
0x2f: {  	[tilespmem:s19], [sflag:$0x1] =	stream.indirect.gather [hbm4b:s1+s18], $0x80, s15, s18, $0xb8;
	[tilespmem:$0x1EC00] =	vst v63  }
0x30: {  	s28 =	simm.s32 $0x0;
	s29 =	smov.u32 s12;
	s30 =	simm.s32 $0x0  }
0x31: {  	[tilespmem:s21], [sflag:$0x2] =	stream.indirect.gather [hbm4b:s1+s18], $0x80, s20, s18, $0xb8;
	[tilespmem:$0x1EC00] =	vst v63  }
.LBB2_2:
0x32: {  	s0 =	sand.u32 $0x1, s30  }
0x33: {  	s31 =	sadd.s32 $0x5, s0  }
0x34: {  	_ =	swait.ge [sflag:s31], $0x400  }
0x35: {  	[sflag:s31] =	ssyncset.done $0x0  }
0x36: {  	[sflag:s31] =	ssyncadd.s32 $0xFFFFFC00  }
0x37: {  	_ =	swait.ge [sflag:s22], $0x4000  }
0x38: {  	s0 =	sshll.u32 s0, $0xA;
	[sflag:s22] =	ssyncset.done $0x0  }
0x39: {  	s2 =	sadd.s32 $0x16400, s0;
	[sflag:s22] =	ssyncadd.s32 $0xFFFFC000  }
0x3a: {  	[spmem:s3] =	stream.indirect.scatter.add.f32 [tilespmem:s19], [sflag:$0x3], $0x80, s2, s18, $0xb8;
	[tilespmem:$0x1EC00] =	vst v63  }
0x3b: {  	_ =	swait.ge [sflag:s23], $0x4000  }
0x3c: {  	s16 =	sshra.s32 s28, $0x2;
	[sflag:s23] =	ssyncset.done $0x0  }
0x3d: {  	s17 =	sadd.s32 $0x13D00, s16;
	[sflag:s23] =	ssyncadd.s32 $0xFFFFC000  }
0x3e: {  	[tilespmem:s19], [sflag:$0x1] =	stream.indirect.gather [hbm4b:s1+s18], $0x80, s17, s18, $0xb8;
	[tilespmem:$0x1EC00] =	vst v63  }
0x3f: {  	_ =	swait.ge [sflag:s24], $0x4000  }
0x40: {  	[sflag:s24] =	ssyncset.done $0x0  }
0x41: {  	s17 =	sadd.s32 $0x16480, s0;
	[sflag:s24] =	ssyncadd.s32 $0xFFFFC000  }
0x42: {  	[spmem:s3] =	stream.indirect.scatter.add.f32 [tilespmem:s21], [sflag:$0x4], $0x80, s17, s18, $0xb8;
	[tilespmem:$0x1EC00] =	vst v63  }
0x43: {  	_ =	swait.ge [sflag:s25], $0x4000  }
0x44: {  	[sflag:s25] =	ssyncset.done $0x0  }
0x45: {  	s17 =	sadd.s32 $0x13D80, s16;
	[sflag:s25] =	ssyncadd.s32 $0xFFFFC000  }
0x46: {  	[tilespmem:s21], [sflag:$0x2] =	stream.indirect.gather [hbm4b:s1+s18], $0x80, s17, s18, $0xb8;
	[tilespmem:$0x1EC00] =	vst v63  }
0x47: {  	_ =	swait.ge [sflag:s22], $0x4000  }
0x48: {  	[sflag:s22] =	ssyncset.done $0x0  }
0x49: {  	s17 =	sadd.s32 $0x16500, s0;
	[sflag:s22] =	ssyncadd.s32 $0xFFFFC000  }
0x4a: {  	[spmem:s3] =	stream.indirect.scatter.add.f32 [tilespmem:s19], [sflag:$0x3], $0x80, s17, s18, $0xb8;
	[tilespmem:$0x1EC00] =	vst v63  }
0x4b: {  	_ =	swait.ge [sflag:s23], $0x4000  }
0x4c: {  	[sflag:s23] =	ssyncset.done $0x0  }
0x4d: {  	s17 =	sadd.s32 $0x13E00, s16;
	[sflag:s23] =	ssyncadd.s32 $0xFFFFC000  }
0x4e: {  	[tilespmem:s19], [sflag:$0x1] =	stream.indirect.gather [hbm4b:s1+s18], $0x80, s17, s18, $0xb8;
	[tilespmem:$0x1EC00] =	vst v63  }
0x4f: {  	_ =	swait.ge [sflag:s24], $0x4000  }
0x50: {  	[sflag:s24] =	ssyncset.done $0x0  }
0x51: {  	s17 =	sadd.s32 $0x16580, s0;
	[sflag:s24] =	ssyncadd.s32 $0xFFFFC000  }
0x52: {  	[spmem:s3] =	stream.indirect.scatter.add.f32 [tilespmem:s21], [sflag:$0x4], $0x80, s17, s18, $0xb8;
	[tilespmem:$0x1EC00] =	vst v63  }
0x53: {  	_ =	swait.ge [sflag:s25], $0x4000  }
0x54: {  	[sflag:s25] =	ssyncset.done $0x0  }
0x55: {  	s17 =	sadd.s32 $0x13E80, s16;
	[sflag:s25] =	ssyncadd.s32 $0xFFFFC000  }
0x56: {  	[tilespmem:s21], [sflag:$0x2] =	stream.indirect.gather [hbm4b:s1+s18], $0x80, s17, s18, $0xb8;
	[tilespmem:$0x1EC00] =	vst v63  }
0x57: {  	_ =	swait.ge [sflag:s22], $0x4000  }
0x58: {  	[sflag:s22] =	ssyncset.done $0x0  }
0x59: {  	s17 =	sadd.s32 $0x16600, s0;
	[sflag:s22] =	ssyncadd.s32 $0xFFFFC000  }
0x5a: {  	[spmem:s3] =	stream.indirect.scatter.add.f32 [tilespmem:s19], [sflag:$0x3], $0x80, s17, s18, $0xb8;
	[tilespmem:$0x1EC00] =	vst v63  }
0x5b: {  	_ =	swait.ge [sflag:s23], $0x4000  }
0x5c: {  	[sflag:s23] =	ssyncset.done $0x0  }
0x5d: {  	s17 =	sadd.s32 $0x13F00, s16;
	[sflag:s23] =	ssyncadd.s32 $0xFFFFC000  }
0x5e: {  	[tilespmem:s19], [sflag:$0x1] =	stream.indirect.gather [hbm4b:s1+s18], $0x80, s17, s18, $0xb8;
	[tilespmem:$0x1EC00] =	vst v63  }
0x5f: {  	_ =	swait.ge [sflag:s24], $0x4000  }
0x60: {  	[sflag:s24] =	ssyncset.done $0x0  }
0x61: {  	s17 =	sadd.s32 $0x16680, s0;
	[sflag:s24] =	ssyncadd.s32 $0xFFFFC000  }
0x62: {  	[spmem:s3] =	stream.indirect.scatter.add.f32 [tilespmem:s21], [sflag:$0x4], $0x80, s17, s18, $0xb8;
	[tilespmem:$0x1EC00] =	vst v63  }
0x63: {  	_ =	swait.ge [sflag:s25], $0x4000  }
0x64: {  	[sflag:s25] =	ssyncset.done $0x0  }
0x65: {  	s17 =	sadd.s32 $0x13F80, s16;
	[sflag:s25] =	ssyncadd.s32 $0xFFFFC000  }
0x66: {  	[tilespmem:s21], [sflag:$0x2] =	stream.indirect.gather [hbm4b:s1+s18], $0x80, s17, s18, $0xb8;
	[tilespmem:$0x1EC00] =	vst v63  }
0x67: {  	_ =	swait.ge [sflag:s22], $0x4000  }
0x68: {  	p0 =	seq.s32 s28, $0x9000;
	[sflag:s22] =	ssyncset.done $0x0  }
.Ltmp2:
0x69: {  	s17 =	sadd.s32 $0x16700, s0;
	[sflag:s22] =	ssyncadd.s32 $0xFFFFC000;
	(pc) =	sbr.rel @p0 .LBB2_6-.Ltmp2, $4  }
0x6a: {  	[spmem:s3] =	stream.indirect.scatter.add.f32 [tilespmem:s19], [sflag:$0x3], $0x80, s17, s18, $0xb8;
	[tilespmem:$0x1EC00] =	vst v63  }
0x6b: {  	_ =	swait.ge [sflag:s23], $0x4000  }
0x6c: {  	[sflag:s23] =	ssyncset.done $0x0  }
0x6d: {  	[sflag:s23] =	ssyncadd.s32 $0xFFFFC000  }
0x6e: {  	s17 =	sadd.s32 $0x14000, s16  }
0x6f: {  	[tilespmem:s19], [sflag:$0x1] =	stream.indirect.gather [hbm4b:s1+s18], $0x80, s17, s18, $0xb8;
	[tilespmem:$0x1EC00] =	vst v63  }
0x70: {  	_ =	swait.ge [sflag:s24], $0x4000  }
0x71: {  	[sflag:s24] =	ssyncset.done $0x0  }
0x72: {  	s0 =	sadd.s32 $0x16780, s0;
	[sflag:s24] =	ssyncadd.s32 $0xFFFFC000  }
0x73: {  	[spmem:s3] =	stream.indirect.scatter.add.f32 [tilespmem:s21], [sflag:$0x4], $0x80, s0, s18, $0xb8;
	[tilespmem:$0x1EC00] =	vst v63  }
0x74: {  	_ =	swait.ge [sflag:s25], $0x4000  }
0x75: {  	[sflag:s25] =	ssyncset.done $0x0  }
0x76: {  	p0 =	sgt.u32 s30, $0x7;
	s17 =	sadd.s32 $0x14080, s16;
	[sflag:s25] =	ssyncadd.s32 $0xFFFFC000  }
0x77: {  	[tilespmem:s21], [sflag:$0x2] =	stream.indirect.gather [hbm4b:s1+s18], $0x80, s17, s18, $0xb8;
	[tilespmem:$0x1EC00] =	vst v63  }
0x78: {  	s28 =	sadd.s32 $0x1000, s28;
	s0 =	simm.s32 @!p0 $0x0  }
0x79: {  	[tilespmem:s2], [sflag:s31] =	stream.linear.gather @!p0 [hbm4b:s29+s0], $0x400, $0x38;
	[tilespmem:$0x1EC00] =	vst v63  }
0x7a: {  	p0 =	sne.s32 s28, $0xA000  }
.Ltmp3:
0x7b: {  	_ = 	snop;
	(pc) =	sbr.rel @p0 .LBB2_2-.Ltmp3, $4  }
.Ltmp4:
0x7c: {  	_ = 	snop;
	(pc) =	sbr.rel @!p0 .LBB2_4-.Ltmp4, $4  }
0x7d: {  	_ = 	snop  }
0x7e: {  	_ = 	snop  }
0x7f: {  	s30 =	sadd.s32 $0x1, s30;
	s29 =	sadd.s32 $0x80, s29  }
0x80: {  	_ = 	snop  }
.LBB2_5:
0x81: {  	_ =	sfence.sel $0x180000  }
0x82: {  	[bflag:$0x0] =	sbarrier.arrive $0xFFFF  }
0x83: {  	_ =	strace $0x90000050  }
0x84: {  	s0 =	stileid.u32;
	[bflag:$0x2] =	sbarrier.arrive $0xFFFF  }
0x85: {  	p0 =	sne.s32 s0, $0x0;
	s0 =	rddreg [dreg:$0x3]  }
0x86: {  	s0 =	sadd.s32 @!p0 $0x100000, s0  }
0x87: {  	[sflag:s0] =	ssyncadd.tile.s32 @!p0 $0x1;
	_ =	shalt  }
.Lfunc_end2:
_tile_overlayer_lowered:
.L_overlay_start_2:
0x88: {  	(tag) =	ssettag $0x2  }
0x89: {  	s0 =	rddreg [dreg:$0x0];
	s2 =	stileid.u32  }
0x8a: {  	s1 =	rddreg [dreg:$0x1];
	p0 =	sne.s32 s2, $0x0  }
0x8b: {  	s3 =	rddreg [dreg:$0x2];
	[bflag:$0x3] =	sbarrier.arrive $0xFFFF;
	s2 =	simm.s32 @!p0 $0x1C07  }
0x8c: {  	[timem:s3], [sflag:s2] =	dma.local @!p0 [hbm:s0], s1  }
0x8d: {  	s0 =	simm.s32 @!p0 $0x7  }
0x8e: {  	_ =	swait.ge @!p0 [sflag:s0], s1  }
0x8f: {  	s1 =	ssub.s32 @!p0 $0x0, s1;
	[sflag:s0] =	ssyncset.done @!p0 $0x0  }
0x90: {  	[sflag:s0] =	ssyncadd.s32 @!p0 s1  }
0x91: {  	[bflag:$0x3] =	sbarrier.arrive $0xFFFF  }
0x92: {  	_ =	shalt  }

</sc_bundles>
